<compile_context>
chip_gen: v7x
topology: tpu7x:2x2x1
jax: 0.10.2.dev20260603
libtpu: 0.0.44.dev20260713+nightly
codegen_flags: <defaults>
</compile_context>

<pallas_src>
import functools

import jax
import jax.numpy as jnp
from jax import lax
from jax.experimental import pallas as pl
from jax.experimental.pallas import tpu as pltpu
from jax.experimental.pallas import tpu_sc as plsc

N = 10000
D = 128
E = 320000
NC = 2
NS = 16
NW = NC * NS
EPW = E // NW
K = 128
CH = 81
EPAD = CH * K
NPAD = 10240
RPS = NPAD // NS
TRASH = N
DW = 16
GRP = 1000
NG = N // GRP
EPS = 1e-5
F32 = jnp.float32
HI = lax.Precision.HIGHEST

@functools.cache
def _mesh():
    return plsc.VectorSubcoreMesh(core_axis_name="c", subcore_axis_name="s",
                                  num_cores=NC, num_subcores=NS)


def _prep_edges(ei):
    pad = EPAD - EPW
    r = jnp.pad(ei[0].reshape(NW, EPW), ((0, 0), (0, pad)), constant_values=0)
    c = jnp.pad(ei[1].reshape(NW, EPW), ((0, 0), (0, pad)),
                constant_values=TRASH)
    return r.reshape(NW, CH, K), c.reshape(NW, CH, K)



DEGB = 9


def _sc_deg_body(colp2, out, col_v, gbuf, acc, sem):
    cid = lax.axis_index("c")
    sid = lax.axis_index("s")
    wid = cid * NS + sid

    pltpu.sync_copy(colp2.at[wid], col_v)

    zero16 = jnp.zeros((16,), F32)
    one16 = jnp.ones((16,), F32)

    def zrow(r, _):
        for cc in range(D // 16):
            gbuf[r, pl.ds(cc * 16, 16)] = zero16
        return 0
    lax.fori_loop(0, K, zrow, 0)
    for i in range(RPS // K):
        pltpu.sync_copy(gbuf, acc.at[pl.ds(sid * RPS + i * K, K)])

    def orow(r, _):
        for cc in range(D // 16):
            gbuf[r, pl.ds(cc * 16, 16)] = one16
        return 0
    lax.fori_loop(0, K, orow, 0)
    plsc.subcore_barrier()

    def chunkb(t, _):
        for u in range(DEGB):
            pltpu.async_copy(gbuf, acc.at[col_v.at[t * DEGB + u]], sem,
                             add=True)
        for u in range(DEGB):
            pltpu.make_async_copy(gbuf, acc.at[col_v.at[t * DEGB + u]],
                                  sem).wait()
        return 0
    lax.fori_loop(0, (2 * CH) // DEGB, chunkb, 0)

    plsc.subcore_barrier()
    rows = pl.ds(sid * RPS, RPS)
    pltpu.sync_copy(acc.at[rows], out.at[cid, rows])


def _deg_call(colp_i, colp_a):
    colp2 = jnp.concatenate([colp_i.reshape(NS, 2 * CH, K),
                             colp_a.reshape(NS, 2 * CH, K)], axis=0)
    k = pl.kernel(
        _sc_deg_body,
        out_type=jax.ShapeDtypeStruct((NC, NPAD, D), F32),
        mesh=_mesh(),
        scratch_types=[
            pltpu.VMEM((2 * CH, K), jnp.int32),
            pltpu.VMEM((K, D), F32),
            pltpu.VMEM_SHARED((NPAD, D), F32),
            pltpu.SemaphoreType.DMA,
        ],
    )
    return k(colp2)



def _sc_scatter_body(hp, rowp, colp, out, row_v, col_v, gbuf_a, acc,
                     sem_g, sem_s):
    cid = lax.axis_index("c")
    sid = lax.axis_index("s")
    wid = cid * NS + sid

    pltpu.sync_copy(rowp.at[wid], row_v)
    pltpu.sync_copy(colp.at[wid], col_v)

    zero16 = jnp.zeros((16,), F32)

    def zrow(r, _):
        for cc in range(D // 16):
            gbuf_a[r, pl.ds(cc * 16, 16)] = zero16
        return 0
    lax.fori_loop(0, K, zrow, 0)
    for i in range(RPS // K):
        pltpu.sync_copy(gbuf_a, acc.at[pl.ds(sid * RPS + i * K, K)])
    plsc.subcore_barrier()

    def chunk(j, _):
        pltpu.async_copy(hp.at[row_v.at[j]], gbuf_a, sem_g).wait()
        pltpu.async_copy(gbuf_a, acc.at[col_v.at[j]], sem_s, add=True).wait()
        return 0
    lax.fori_loop(0, CH, chunk, 0)

    plsc.subcore_barrier()
    rows = pl.ds(sid * RPS, RPS)
    pltpu.sync_copy(acc.at[rows], out.at[cid, rows])


def _scatter_call(hp, rowp, colp):
    k = pl.kernel(
        _sc_scatter_body,
        out_type=jax.ShapeDtypeStruct((NC, NPAD, D), F32),
        mesh=_mesh(),
        scratch_types=[
            pltpu.VMEM((CH, K), jnp.int32),
            pltpu.VMEM((CH, K), jnp.int32),
            pltpu.VMEM((K, D), F32),
            pltpu.VMEM_SHARED((NPAD, D), F32),
            pltpu.SemaphoreType.DMA,
            pltpu.SemaphoreType.DMA,
        ],
    )
    return k(hp, rowp, colp)



def _tc_dis_body(deg_ref, disi_ref, disa_ref):
    d = deg_ref[...]
    disi_ref[...] = lax.rsqrt(d[0, :, 0:1] + 1.0)
    disa_ref[...] = lax.rsqrt(d[1, :, 0:1] + 1.0)


def _dis_call(deg):
    nb = 8
    blk = NPAD // nb
    return pl.pallas_call(
        _tc_dis_body,
        grid=(nb,),
        in_specs=[pl.BlockSpec((NC, blk, D), lambda i: (0, i, 0))],
        out_specs=[pl.BlockSpec((blk, 1), lambda i: (i, 0)),
                   pl.BlockSpec((blk, 1), lambda i: (i, 0))],
        out_shape=[jax.ShapeDtypeStruct((NPAD, 1), F32),
                   jax.ShapeDtypeStruct((NPAD, 1), F32)],
    )(deg)


def _tc_in_body(x_ref, w0t_ref, b0_ref, w1t_ref, b1_ref, dis_ref,
                h_ref, hp_ref):
    xi = jnp.dot(x_ref[...], w0t_ref[...], precision=HI) + b0_ref[...]
    h = jnp.dot(xi, w1t_ref[...], precision=HI) + b1_ref[...]
    h_ref[...] = h
    hp_ref[...] = dis_ref[...] * h


def _in_call(x, w0t, b0, w1t, b1, dis):
    full = pl.BlockSpec((1, D), lambda i: (0, 0))
    wspec = pl.BlockSpec((D, D), lambda i: (0, 0))
    rows = pl.BlockSpec((GRP, D), lambda i: (i, 0))
    return pl.pallas_call(
        _tc_in_body,
        grid=(NG,),
        in_specs=[rows, wspec, full, wspec, full,
                  pl.BlockSpec((GRP, 1), lambda i: (i, 0))],
        out_specs=[rows, rows],
        out_shape=[jax.ShapeDtypeStruct((N, D), F32),
                   jax.ShapeDtypeStruct((N, D), F32)],
    )(x, w0t, b0, w1t, b1, dis)


def _leaky(x):
    return jnp.where(x >= 0, x, 0.1 * x)


def _relu(x):
    return jnp.where(x >= 0, x, 0.0)


def _make_mid_body(act):
    def body(s_ref, h_ref, dis_ref, g_ref, bt_ref, wt_ref, b_ref, disn_ref,
             hn_ref, hpn_ref, gv, ssum, s2sum):
        p = pl.program_id(0)
        i = pl.program_id(1)

        @pl.when(p == 0)
        def _phase0():
            dis = dis_ref[...]
            g = dis * (s_ref[0] + s_ref[1]) + (dis * dis) * h_ref[...]
            gv[pl.ds(i * GRP, GRP), :] = g

            @pl.when(i == 0)
            def _init():
                ssum[...] = jnp.zeros((1, D), F32)
                s2sum[...] = jnp.zeros((1, D), F32)
            ssum[...] += jnp.sum(g, axis=0, keepdims=True)
            s2sum[...] += jnp.sum(g * g, axis=0, keepdims=True)

        @pl.when(p == 1)
        def _phase1():
            mu = ssum[...] * (1.0 / N)
            var = s2sum[...] * (1.0 / N) - mu * mu
            inv = lax.rsqrt(var + EPS) * g_ref[...]
            g = gv[pl.ds(i * GRP, GRP), :]
            a = act((g - mu) * inv + bt_ref[...])
            hn = jnp.dot(a, wt_ref[...], precision=HI) + b_ref[...]
            hn_ref[...] = hn
            hpn_ref[...] = disn_ref[...] * hn
    return body


def _mid_specs():
    srows = pl.BlockSpec((NC, GRP, D), lambda p, i: (0, i * (1 - p), 0))
    rows = pl.BlockSpec((GRP, D), lambda p, i: (i * (1 - p), 0))
    rows1 = pl.BlockSpec((GRP, 1), lambda p, i: (i, 0))
    full = pl.BlockSpec((1, D), lambda p, i: (0, 0))
    wspec = pl.BlockSpec((D, D), lambda p, i: (0, 0))
    orows = pl.BlockSpec((GRP, D), lambda p, i: (i, 0))
    scratch = [pltpu.VMEM((N, D), F32), pltpu.VMEM((1, D), F32),
               pltpu.VMEM((1, D), F32)]
    return srows, rows, rows1, full, wspec, orows, scratch


_MID_RELU = _make_mid_body(_relu)
_MID_LEAKY = _make_mid_body(_leaky)


def _mid_call(body, s, h, dis, g, bt, wt, b, disn):
    srows, rows, rows1, full, wspec, orows, scratch = _mid_specs()
    return pl.pallas_call(
        body,
        grid=(2, NG),
        in_specs=[srows, rows, rows1, full, full, wspec, full, rows1],
        out_specs=[orows, orows],
        out_shape=[jax.ShapeDtypeStruct((N, D), F32),
                   jax.ShapeDtypeStruct((N, D), F32)],
        scratch_shapes=scratch,
    )(s, h, dis, g, bt, wt, b, disn)


def _concat_body(s_ref, h_ref, dis_ref, g_ref, bt_ref, x_ref, wxt_ref,
                 wht_ref, bm_ref, w1t_ref, b1_ref, disn_ref,
                 hn_ref, hpn_ref, gv, ssum, s2sum):
    p = pl.program_id(0)
    i = pl.program_id(1)

    @pl.when(p == 0)
    def _phase0():
        dis = dis_ref[...]
        g = dis * (s_ref[0] + s_ref[1]) + (dis * dis) * h_ref[...]
        gv[pl.ds(i * GRP, GRP), :] = g

        @pl.when(i == 0)
        def _init():
            ssum[...] = jnp.zeros((1, D), F32)
            s2sum[...] = jnp.zeros((1, D), F32)
        ssum[...] += jnp.sum(g, axis=0, keepdims=True)
        s2sum[...] += jnp.sum(g * g, axis=0, keepdims=True)

    @pl.when(p == 1)
    def _phase1():
        mu = ssum[...] * (1.0 / N)
        var = s2sum[...] * (1.0 / N) - mu * mu
        inv = lax.rsqrt(var + EPS) * g_ref[...]
        g = gv[pl.ds(i * GRP, GRP), :]
        a = _relu((g - mu) * inv + bt_ref[...])
        xc = (jnp.dot(x_ref[...], wxt_ref[...], precision=HI)
              + jnp.dot(a, wht_ref[...], precision=HI) + bm_ref[...])
        hn = jnp.dot(xc, w1t_ref[...], precision=HI) + b1_ref[...]
        hn_ref[...] = hn
        hpn_ref[...] = disn_ref[...] * hn


def _concat_call(s, h, dis, g, bt, x, wxt, wht, bm, w1t, b1, disn):
    srows, rows, rows1, full, wspec, orows, scratch = _mid_specs()
    xrows = pl.BlockSpec((GRP, D), lambda p, i: (i * p, 0))
    return pl.pallas_call(
        _concat_body,
        grid=(2, NG),
        in_specs=[srows, rows, rows1, full, full, xrows, wspec, wspec, full,
                  wspec, full, rows1],
        out_specs=[orows, orows],
        out_shape=[jax.ShapeDtypeStruct((N, D), F32),
                   jax.ShapeDtypeStruct((N, D), F32)],
        scratch_shapes=scratch,
    )(s, h, dis, g, bt, x, wxt, wht, bm, w1t, b1, disn)


def _pow_or_id(x, pw):
    powed = jnp.where(x > 0.0,
                      jnp.exp(pw * jnp.log(jnp.maximum(x, 1e-30))), 0.0)
    return jnp.where(pw == 1.0, x, powed)


def _head_body(s_ref, h_ref, dis_ref, g_ref, bt_ref, pw_ref, wgt_ref, bg_ref,
               out_ref, yp_ref, gv, ssum, s2sum, pooled):
    p = pl.program_id(0)
    i = pl.program_id(1)

    @pl.when(p == 0)
    def _phase0():
        dis = dis_ref[...]
        g = dis * (s_ref[0] + s_ref[1]) + (dis * dis) * h_ref[...]
        gv[pl.ds(i * GRP, GRP), :] = g

        @pl.when(i == 0)
        def _init():
            ssum[...] = jnp.zeros((1, D), F32)
            s2sum[...] = jnp.zeros((1, D), F32)
        ssum[...] += jnp.sum(g, axis=0, keepdims=True)
        s2sum[...] += jnp.sum(g * g, axis=0, keepdims=True)

    @pl.when(p == 1)
    def _phase1():
        pw = pw_ref[0, 0]
        mu = ssum[...] * (1.0 / N)
        var = s2sum[...] * (1.0 / N) - mu * mu
        inv = lax.rsqrt(var + EPS) * g_ref[...]
        g = gv[pl.ds(i * GRP, GRP), :]
        a = _leaky((g - mu) * inv + bt_ref[...])
        xp = _pow_or_id(jnp.clip(a, 0.0, 100.0), pw)
        pooled[pl.ds(i, 1), :] = jnp.sum(xp, axis=0, keepdims=True) * (1.0 / GRP)

        @pl.when(i == NG - 1)
        def _final():
            yq = _pow_or_id(jnp.clip(pooled[...], 0.0, 100.0), 1.0 / pw)
            logits = jnp.dot(yq, wgt_ref[...], precision=HI) + bg_ref[...]
            out_ref[...] = logits
            m = jnp.max(logits, axis=1, keepdims=True)
            io = lax.broadcasted_iota(jnp.int32, (NG, 10), 1)
            yp_ref[...] = jnp.min(
                jnp.where(logits == m, io, jnp.int32(2 ** 30)),
                axis=1, keepdims=True)


def _head_call(s, h, dis, g, bt, pw, wgt, bg):
    srows, rows, rows1, full, wspec, orows, scratch = _mid_specs()
    one = pl.BlockSpec((1, 1), lambda p, i: (0, 0))
    return pl.pallas_call(
        _head_body,
        grid=(2, NG),
        in_specs=[srows, rows, rows1, full, full, one,
                  pl.BlockSpec((D, 10), lambda p, i: (0, 0)),
                  pl.BlockSpec((1, 10), lambda p, i: (0, 0))],
        out_specs=[pl.BlockSpec((NG, 10), lambda p, i: (0, 0)),
                   pl.BlockSpec((NG, 1), lambda p, i: (0, 0))],
        out_shape=[jax.ShapeDtypeStruct((NG, 10), F32),
                   jax.ShapeDtypeStruct((NG, 1), jnp.int32)],
        scratch_shapes=scratch + [pltpu.VMEM((NG, D), F32)],
    )(s, h, dis, g, bt, pw, wgt, bg)



def kernel(x, internal_edge_index, all_edge_index, params):
    p = params
    rowp_i, colp_i = _prep_edges(internal_edge_index)
    rowp_a, colp_a = _prep_edges(all_edge_index)

    deg = _deg_call(colp_i, colp_a)
    dis_i, dis_a = _dis_call(deg)

    def r1(v):
        return v.reshape(1, -1)

    h1, hp1 = _in_call(x, p['W_it'].T, r1(p['b_it']),
                       p['iW1'].T, r1(p['ib1']), dis_i[:N])

    s1 = _scatter_call(hp1, rowp_i, colp_i)
    h2, hp2 = _mid_call(_MID_RELU, s1, h1, dis_i[:N], r1(p['ig1']),
                        r1(p['ibt1']), p['iW2'].T, r1(p['ib2']), dis_i[:N])

    s2 = _scatter_call(hp2, rowp_i, colp_i)
    h3, hp3 = _mid_call(_MID_RELU, s2, h2, dis_i[:N], r1(p['ig2']),
                        r1(p['ibt2']), p['iW3'].T, r1(p['ib3']), dis_i[:N])

    s3 = _scatter_call(hp3, rowp_i, colp_i)
    wmt = p['W_m'].T
    h4, hp4 = _concat_call(s3, h3, dis_i[:N], r1(p['ig3']), r1(p['ibt3']),
                           x, wmt[:D], wmt[D:], r1(p['b_m']),
                           p['gW1'].T, r1(p['gb1']), dis_a[:N])

    s4 = _scatter_call(hp4, rowp_a, colp_a)
    h5, hp5 = _mid_call(_MID_LEAKY, s4, h4, dis_a[:N], r1(p['gg1']),
                        r1(p['gbt1']), p['gW2'].T, r1(p['gb2']), dis_a[:N])

    s5 = _scatter_call(hp5, rowp_a, colp_a)
    h6, hp6 = _mid_call(_MID_LEAKY, s5, h5, dis_a[:N], r1(p['gg2']),
                        r1(p['gbt2']), p['gW3'].T, r1(p['gb3']), dis_a[:N])

    s6 = _scatter_call(hp6, rowp_a, colp_a)
    out, ypi = _head_call(s6, h6, dis_a[:N], r1(p['gg3']), r1(p['gbt3']),
                          p['p_pow'].reshape(1, 1), p['Wg'].T, r1(p['bg']))

    return out, ypi.reshape(NG)

# --- scband reference (transcript-rebuilt; emitter-appended) ---
"""Pipeline reference for scband-gcndecoder-45827301048642 (READ-ONLY COPY).

The authoritative reference and input builder live on the scoring server;
editing this copy changes nothing except your own understanding.
"""

import jax, jax.numpy as jnp
import numpy as np

N_NODES = 10000
NUM_NODE = 1000
D_IN = 128
HID = 128
EMB = 128
N_CLASS = 10
N_EDGES = 320000

def _lin(key, out_d, in_d):
    k1, k2 = jax.random.split(key)
    s = 1.0 / np.sqrt(in_d)
    W = jax.random.uniform(k1, (out_d, in_d), jnp.float32, -s, s)
    b = jax.random.uniform(k2, (out_d,), jnp.float32, -s, s)
    return W, b

def setup_inputs(seed: int = 0):
    key = jax.random.key(seed)
    ks = jax.random.split(key, 16)
    x = jax.random.normal(ks[0], (N_NODES, D_IN), jnp.float32)
    iei = jax.random.randint(ks[1], (2, N_EDGES), 0, N_NODES, jnp.int32)
    aei = jax.random.randint(ks[2], (2, N_EDGES), 0, N_NODES, jnp.int32)
    p = {}
    p['W_it'], p['b_it'] = _lin(ks[3], HID, D_IN)
    p['iW1'], p['ib1'] = _lin(ks[4], HID, HID)
    p['iW2'], p['ib2'] = _lin(ks[5], HID, HID)
    p['iW3'], p['ib3'] = _lin(ks[6], HID, HID)
    p['W_m'], p['b_m'] = _lin(ks[7], HID, D_IN + HID)
    p['gW1'], p['gb1'] = _lin(ks[8], HID, HID)
    p['gW2'], p['gb2'] = _lin(ks[9], HID, HID)
    p['gW3'], p['gb3'] = _lin(ks[10], EMB, HID)
    for nme, d in zip(['ig1','ig2','ig3','gg1','gg2','gg3'], [HID,HID,HID,HID,HID,EMB]):
        p[nme] = jnp.ones((d,), jnp.float32)
    for nme, d in zip(['ibt1','ibt2','ibt3','gbt1','gbt2','gbt3'], [HID,HID,HID,HID,HID,EMB]):
        p[nme] = jnp.zeros((d,), jnp.float32)
    p['p_pow'] = jnp.ones((1,), jnp.float32)
    p['Wg'], p['bg'] = _lin(ks[11], N_CLASS, EMB)
    return {"x": x, "internal_edge_index": iei, "all_edge_index": aei, "params": p}

def _gcn(x, ei, W, b):
    N = x.shape[0]
    loops = jnp.arange(N, dtype=ei.dtype)
    ei = jnp.concatenate([ei, jnp.stack([loops, loops])], axis=1)
    x = x @ W.T + b
    row, col = ei[0], ei[1]
    deg = jnp.zeros((N,), x.dtype).at[col].add(1.0)
    dis = deg ** -0.5
    norm = dis[row] * dis[col]
    msg = norm[:, None] * x[row]
    return jnp.zeros_like(x).at[col].add(msg)

def _bn(x, g, b, eps=1e-5):
    mu = x.mean(0)
    var = x.var(0)
    return (x - mu) / jnp.sqrt(var + eps) * g + b

def _leaky(x):
    return jnp.where(x >= 0, x, 0.1 * x)

def _forward(x, p, iei, aei):
    xi = x @ p['W_it'].T + p['b_it']
    xi = jax.nn.relu(_bn(_gcn(xi, iei, p['iW1'], p['ib1']), p['ig1'], p['ibt1']))
    xi = jax.nn.relu(_bn(_gcn(xi, iei, p['iW2'], p['ib2']), p['ig2'], p['ibt2']))
    xi = jax.nn.relu(_bn(_gcn(xi, iei, p['iW3'], p['ib3']), p['ig3'], p['ibt3']))
    xc = jnp.concatenate([x, xi], axis=-1) @ p['W_m'].T + p['b_m']
    xg = _leaky(_bn(_gcn(xc, aei, p['gW1'], p['gb1']), p['gg1'], p['gbt1']))
    xg = _leaky(_bn(_gcn(xg, aei, p['gW2'], p['gb2']), p['gg2'], p['gbt2']))
    xg = _leaky(_bn(_gcn(xg, aei, p['gW3'], p['gb3']), p['gg3'], p['gbt3']))
    xg = xg.reshape(-1, NUM_NODE, EMB)
    pw = p['p_pow']
    xg = jnp.clip(xg, 0.0, 100.0) ** pw
    xg = xg.mean(axis=-2)
    xg = jnp.clip(xg, 0.0, 100.0) ** (1.0 / pw)
    xg = xg.reshape(-1, EMB)
    out = xg @ p['Wg'].T + p['bg']
    return out

def reference(x, internal_edge_index, all_edge_index, params):
    out = _forward(x, params, internal_edge_index, all_edge_index)
    ypred = jnp.argmax(out, axis=1)
    return (out, ypred)

if __name__ == "__main__":
    import jax
    _d = setup_inputs()
    print(jax.jit(kernel)(*tuple(_d.values())))

</pallas_src>

<mosaic_0001>
#map = affine_map<(d0, d1) -> (0, 0)>
#map1 = affine_map<(d0, d1) -> (0, 0, 0)>
module attributes {stable_mosaic.version = 14 : i64} {
  func.func @_sc_scatter_body(%arg0: i32, %arg1: i32, %arg2: memref<10000x128xf32, #tpu.memory_space<hbm>>, %arg3: memref<32x81x128xi32, #tpu.memory_space<hbm>>, %arg4: memref<32x81x128xi32, #tpu.memory_space<hbm>>, %arg5: memref<2x10240x128xf32, #tpu.memory_space<hbm>>, %arg6: memref<81x128xi32, #tpu.memory_space<vmem>>, %arg7: memref<81x128xi32, #tpu.memory_space<vmem>>, %arg8: memref<128x128xf32, #tpu.memory_space<vmem>>, %arg9: memref<10240x128xf32, #tpu.memory_space<vmem_shared>>, %arg10: memref<!tpu.dma_semaphore, #tpu.memory_space<semaphore_mem>>, %arg11: memref<!tpu.dma_semaphore, #tpu.memory_space<semaphore_mem>>) attributes {dimension_semantics = [#tpu.dimension_semantics<core_parallel>, #tpu.dimension_semantics<subcore_parallel>], iteration_bounds = array<i64: 2, 16>, scalar_prefetch = 0 : i64, scratch_operands = 6 : i64, tpu.core_type = #tpu.core_type<sc_vector_subcore>, window_params = [{transform_indices = #map}, {transform_indices = #map1}, {transform_indices = #map1}, {transform_indices = #map1}]} {
    %mul3A = arith.constant 16 : i32
    %mul3A_0 = arith.muli %arg0, %mul3A : i32
    %add3A = arith.addi %mul3A_0, %arg1 : i32
    "tpu.region"() ({
      %run_scoped3A = tpu.sem_alloc : memref<!tpu.dma_semaphore, #tpu.memory_space<semaphore_mem>>
      %dma_start3A = arith.constant 0 : i32
      %dma_start3A_38 = arith.constant 0 : i32
      %dma_start3A_39 = tpu.memref_slice %arg3[%add3A, %dma_start3A, %dma_start3A_38] : memref<32x81x128xi32, #tpu.memory_space<hbm>> -> memref<1x81x128xi32, #tpu.memory_space<hbm>>
      %dma_start3A_40 = tpu.memref_squeeze %dma_start3A_39 : memref<1x81x128xi32, #tpu.memory_space<hbm>> -> memref<81x128xi32, #tpu.memory_space<hbm>>
      %dma_start3A_41 = arith.constant 0 : i32
      %dma_start3A_42 = arith.constant 0 : i32
      %dma_start3A_43 = tpu.memref_slice %arg3[%add3A, %dma_start3A_41, %dma_start3A_42] : memref<32x81x128xi32, #tpu.memory_space<hbm>> -> memref<1x81x128xi32, #tpu.memory_space<hbm>>
      %dma_start3A_44 = tpu.memref_squeeze %dma_start3A_43 : memref<1x81x128xi32, #tpu.memory_space<hbm>> -> memref<81x128xi32, #tpu.memory_space<hbm>>
      tpu.enqueue_dma source(%dma_start3A_44 : memref<81x128xi32, #tpu.memory_space<hbm>>) target(%arg6 : memref<81x128xi32, #tpu.memory_space<vmem>>) target_semaphore(%run_scoped3A : memref<!tpu.dma_semaphore, #tpu.memory_space<semaphore_mem>>)
      %dma_wait3A = arith.constant 0 : i32
      %dma_wait3A_45 = arith.constant 0 : i32
      %dma_wait3A_46 = tpu.memref_slice %arg3[%add3A, %dma_wait3A, %dma_wait3A_45] : memref<32x81x128xi32, #tpu.memory_space<hbm>> -> memref<1x81x128xi32, #tpu.memory_space<hbm>>
      %dma_wait3A_47 = tpu.memref_squeeze %dma_wait3A_46 : memref<1x81x128xi32, #tpu.memory_space<hbm>> -> memref<81x128xi32, #tpu.memory_space<hbm>>
      %dma_wait3A_48 = arith.constant 0 : i32
      %dma_wait3A_49 = arith.constant 0 : i32
      %dma_wait3A_50 = tpu.memref_slice %arg3[%add3A, %dma_wait3A_48, %dma_wait3A_49] : memref<32x81x128xi32, #tpu.memory_space<hbm>> -> memref<1x81x128xi32, #tpu.memory_space<hbm>>
      %dma_wait3A_51 = tpu.memref_squeeze %dma_wait3A_50 : memref<1x81x128xi32, #tpu.memory_space<hbm>> -> memref<81x128xi32, #tpu.memory_space<hbm>>
      tpu.wait_dma2 semaphore(%run_scoped3A : memref<!tpu.dma_semaphore, #tpu.memory_space<semaphore_mem>>) src(%dma_wait3A_51 : memref<81x128xi32, #tpu.memory_space<hbm>>) dst(%arg6 : memref<81x128xi32, #tpu.memory_space<vmem>>)
      tpu.yield
    }) : () -> ()
    "tpu.region"() ({
      %run_scoped3A = tpu.sem_alloc : memref<!tpu.dma_semaphore, #tpu.memory_space<semaphore_mem>>
      %dma_start3A = arith.constant 0 : i32
      %dma_start3A_38 = arith.constant 0 : i32
      %dma_start3A_39 = tpu.memref_slice %arg4[%add3A, %dma_start3A, %dma_start3A_38] : memref<32x81x128xi32, #tpu.memory_space<hbm>> -> memref<1x81x128xi32, #tpu.memory_space<hbm>>
      %dma_start3A_40 = tpu.memref_squeeze %dma_start3A_39 : memref<1x81x128xi32, #tpu.memory_space<hbm>> -> memref<81x128xi32, #tpu.memory_space<hbm>>
      %dma_start3A_41 = arith.constant 0 : i32
      %dma_start3A_42 = arith.constant 0 : i32
      %dma_start3A_43 = tpu.memref_slice %arg4[%add3A, %dma_start3A_41, %dma_start3A_42] : memref<32x81x128xi32, #tpu.memory_space<hbm>> -> memref<1x81x128xi32, #tpu.memory_space<hbm>>
      %dma_start3A_44 = tpu.memref_squeeze %dma_start3A_43 : memref<1x81x128xi32, #tpu.memory_space<hbm>> -> memref<81x128xi32, #tpu.memory_space<hbm>>
      tpu.enqueue_dma source(%dma_start3A_44 : memref<81x128xi32, #tpu.memory_space<hbm>>) target(%arg7 : memref<81x128xi32, #tpu.memory_space<vmem>>) target_semaphore(%run_scoped3A : memref<!tpu.dma_semaphore, #tpu.memory_space<semaphore_mem>>)
      %dma_wait3A = arith.constant 0 : i32
      %dma_wait3A_45 = arith.constant 0 : i32
      %dma_wait3A_46 = tpu.memref_slice %arg4[%add3A, %dma_wait3A, %dma_wait3A_45] : memref<32x81x128xi32, #tpu.memory_space<hbm>> -> memref<1x81x128xi32, #tpu.memory_space<hbm>>
      %dma_wait3A_47 = tpu.memref_squeeze %dma_wait3A_46 : memref<1x81x128xi32, #tpu.memory_space<hbm>> -> memref<81x128xi32, #tpu.memory_space<hbm>>
      %dma_wait3A_48 = arith.constant 0 : i32
      %dma_wait3A_49 = arith.constant 0 : i32
      %dma_wait3A_50 = tpu.memref_slice %arg4[%add3A, %dma_wait3A_48, %dma_wait3A_49] : memref<32x81x128xi32, #tpu.memory_space<hbm>> -> memref<1x81x128xi32, #tpu.memory_space<hbm>>
      %dma_wait3A_51 = tpu.memref_squeeze %dma_wait3A_50 : memref<1x81x128xi32, #tpu.memory_space<hbm>> -> memref<81x128xi32, #tpu.memory_space<hbm>>
      tpu.wait_dma2 semaphore(%run_scoped3A : memref<!tpu.dma_semaphore, #tpu.memory_space<semaphore_mem>>) src(%dma_wait3A_51 : memref<81x128xi32, #tpu.memory_space<hbm>>) dst(%arg7 : memref<81x128xi32, #tpu.memory_space<vmem>>)
      tpu.yield
    }) : () -> ()
    %broadcast_in_dim3A = arith.constant 0.000000e+00 : f32
    %broadcast_in_dim3A_1 = vector.broadcast %broadcast_in_dim3A : f32 to vector<16xf32>
    %scan3A = arith.constant 0 : i32
    %scan3A_2 = arith.constant 0 : i32
    %scan3A_3 = arith.constant 128 : i32
    %scan3A_4 = arith.addi %scan3A_2, %scan3A_3 : i32
    %scan3A_5 = arith.constant 1 : i32
    %scan3A_6 = scf.for %scan3A_38 = %scan3A_2 to %scan3A_4 step %scan3A_5 iter_args(%scan3A_39 = %scan3A) -> (i32)  : i32 {
      %swap3A = arith.index_cast %scan3A_38 : i32 to index
      %swap3A_40 = arith.constant 0 : index
      %swap3A_41 = tpu.vector_load %arg8[%swap3A, %swap3A_40] {strides = array<i32>} : memref<128x128xf32, #tpu.memory_space<vmem>>, vector<1x16xf32>,
      %swap3A_42 = vector.shape_cast %swap3A_41 : vector<1x16xf32> to vector<16xf32>
      %swap3A_43 = vector.shape_cast %broadcast_in_dim3A_1 : vector<16xf32> to vector<1x16xf32>
      tpu.vector_store %arg8[%swap3A, %swap3A_40], %swap3A_43 {strides = array<i32>} : memref<128x128xf32, #tpu.memory_space<vmem>>, vector<1x16xf32>,
      %swap3A_44 = arith.index_cast %scan3A_38 : i32 to index
      %swap3A_45 = arith.constant 16 : index
      %swap3A_46 = tpu.vector_load %arg8[%swap3A_44, %swap3A_45] {strides = array<i32>} : memref<128x128xf32, #tpu.memory_space<vmem>>, vector<1x16xf32>,
      %swap3A_47 = vector.shape_cast %swap3A_46 : vector<1x16xf32> to vector<16xf32>
      %swap3A_48 = vector.shape_cast %broadcast_in_dim3A_1 : vector<16xf32> to vector<1x16xf32>
      tpu.vector_store %arg8[%swap3A_44, %swap3A_45], %swap3A_48 {strides = array<i32>} : memref<128x128xf32, #tpu.memory_space<vmem>>, vector<1x16xf32>,
      %swap3A_49 = arith.index_cast %scan3A_38 : i32 to index
      %swap3A_50 = arith.constant 32 : index
      %swap3A_51 = tpu.vector_load %arg8[%swap3A_49, %swap3A_50] {strides = array<i32>} : memref<128x128xf32, #tpu.memory_space<vmem>>, vector<1x16xf32>,
      %swap3A_52 = vector.shape_cast %swap3A_51 : vector<1x16xf32> to vector<16xf32>
      %swap3A_53 = vector.shape_cast %broadcast_in_dim3A_1 : vector<16xf32> to vector<1x16xf32>
      tpu.vector_store %arg8[%swap3A_49, %swap3A_50], %swap3A_53 {strides = array<i32>} : memref<128x128xf32, #tpu.memory_space<vmem>>, vector<1x16xf32>,
      %swap3A_54 = arith.index_cast %scan3A_38 : i32 to index
      %swap3A_55 = arith.constant 48 : index
      %swap3A_56 = tpu.vector_load %arg8[%swap3A_54, %swap3A_55] {strides = array<i32>} : memref<128x128xf32, #tpu.memory_space<vmem>>, vector<1x16xf32>,
      %swap3A_57 = vector.shape_cast %swap3A_56 : vector<1x16xf32> to vector<16xf32>
      %swap3A_58 = vector.shape_cast %broadcast_in_dim3A_1 : vector<16xf32> to vector<1x16xf32>
      tpu.vector_store %arg8[%swap3A_54, %swap3A_55], %swap3A_58 {strides = array<i32>} : memref<128x128xf32, #tpu.memory_space<vmem>>, vector<1x16xf32>,
      %swap3A_59 = arith.index_cast %scan3A_38 : i32 to index
      %swap3A_60 = arith.constant 64 : index
      %swap3A_61 = tpu.vector_load %arg8[%swap3A_59, %swap3A_60] {strides = array<i32>} : memref<128x128xf32, #tpu.memory_space<vmem>>, vector<1x16xf32>,
      %swap3A_62 = vector.shape_cast %swap3A_61 : vector<1x16xf32> to vector<16xf32>
      %swap3A_63 = vector.shape_cast %broadcast_in_dim3A_1 : vector<16xf32> to vector<1x16xf32>
      tpu.vector_store %arg8[%swap3A_59, %swap3A_60], %swap3A_63 {strides = array<i32>} : memref<128x128xf32, #tpu.memory_space<vmem>>, vector<1x16xf32>,
      %swap3A_64 = arith.index_cast %scan3A_38 : i32 to index
      %swap3A_65 = arith.constant 80 : index
      %swap3A_66 = tpu.vector_load %arg8[%swap3A_64, %swap3A_65] {strides = array<i32>} : memref<128x128xf32, #tpu.memory_space<vmem>>, vector<1x16xf32>,
      %swap3A_67 = vector.shape_cast %swap3A_66 : vector<1x16xf32> to vector<16xf32>
      %swap3A_68 = vector.shape_cast %broadcast_in_dim3A_1 : vector<16xf32> to vector<1x16xf32>
      tpu.vector_store %arg8[%swap3A_64, %swap3A_65], %swap3A_68 {strides = array<i32>} : memref<128x128xf32, #tpu.memory_space<vmem>>, vector<1x16xf32>,
      %swap3A_69 = arith.index_cast %scan3A_38 : i32 to index
      %swap3A_70 = arith.constant 96 : index
      %swap3A_71 = tpu.vector_load %arg8[%swap3A_69, %swap3A_70] {strides = array<i32>} : memref<128x128xf32, #tpu.memory_space<vmem>>, vector<1x16xf32>,
      %swap3A_72 = vector.shape_cast %swap3A_71 : vector<1x16xf32> to vector<16xf32>
      %swap3A_73 = vector.shape_cast %broadcast_in_dim3A_1 : vector<16xf32> to vector<1x16xf32>
      tpu.vector_store %arg8[%swap3A_69, %swap3A_70], %swap3A_73 {strides = array<i32>} : memref<128x128xf32, #tpu.memory_space<vmem>>, vector<1x16xf32>,
      %swap3A_74 = arith.index_cast %scan3A_38 : i32 to index
      %swap3A_75 = arith.constant 112 : index
      %swap3A_76 = tpu.vector_load %arg8[%swap3A_74, %swap3A_75] {strides = array<i32>} : memref<128x128xf32, #tpu.memory_space<vmem>>, vector<1x16xf32>,
      %swap3A_77 = vector.shape_cast %swap3A_76 : vector<1x16xf32> to vector<16xf32>
      %swap3A_78 = vector.shape_cast %broadcast_in_dim3A_1 : vector<16xf32> to vector<1x16xf32>
      tpu.vector_store %arg8[%swap3A_74, %swap3A_75], %swap3A_78 {strides = array<i32>} : memref<128x128xf32, #tpu.memory_space<vmem>>, vector<1x16xf32>,
      %scan3A_79 = arith.constant 0 : i32
      scf.yield %scan3A_79 : i32
    }
    %scan3A_7 = arith.constant 128 : i32
    %mul3A_8 = arith.constant 640 : i32
    %mul3A_9 = arith.muli %arg1, %mul3A_8 : i32
    %add3A_10 = arith.constant 0 : i32
    %add3A_11 = arith.addi %mul3A_9, %add3A_10 : i32
    "tpu.region"() ({
      %run_scoped3A = tpu.sem_alloc : memref<!tpu.dma_semaphore, #tpu.memory_space<semaphore_mem>>
      %dma_start3A = arith.constant 0 : i32
      %dma_start3A_38 = tpu.memref_slice %arg9[%add3A_11, %dma_start3A] : memref<10240x128xf32, #tpu.memory_space<vmem_shared>> -> memref<128x128xf32, #tpu.memory_space<vmem_shared>>
      %dma_start3A_39 = arith.constant 0 : i32
      %dma_start3A_40 = tpu.memref_slice %arg9[%add3A_11, %dma_start3A_39] : memref<10240x128xf32, #tpu.memory_space<vmem_shared>> -> memref<128x128xf32, #tpu.memory_space<vmem_shared>>
      tpu.enqueue_dma source(%arg8 : memref<128x128xf32, #tpu.memory_space<vmem>>) target(%dma_start3A_40 : memref<128x128xf32, #tpu.memory_space<vmem_shared>>) target_semaphore(%run_scoped3A : memref<!tpu.dma_semaphore, #tpu.memory_space<semaphore_mem>>)
      %dma_wait3A = arith.constant 0 : i32
      %dma_wait3A_41 = tpu.memref_slice %arg9[%add3A_11, %dma_wait3A] : memref<10240x128xf32, #tpu.memory_space<vmem_shared>> -> memref<128x128xf32, #tpu.memory_space<vmem_shared>>
      %dma_wait3A_42 = arith.constant 0 : i32
      %dma_wait3A_43 = tpu.memref_slice %arg9[%add3A_11, %dma_wait3A_42] : memref<10240x128xf32, #tpu.memory_space<vmem_shared>> -> memref<128x128xf32, #tpu.memory_space<vmem_shared>>
      tpu.wait_dma2 semaphore(%run_scoped3A : memref<!tpu.dma_semaphore, #tpu.memory_space<semaphore_mem>>) src(%arg8 : memref<128x128xf32, #tpu.memory_space<vmem>>) dst(%dma_wait3A_43 : memref<128x128xf32, #tpu.memory_space<vmem_shared>>)
      tpu.yield
    }) : () -> ()
    %mul3A_12 = arith.constant 640 : i32
    %mul3A_13 = arith.muli %arg1, %mul3A_12 : i32
    %add3A_14 = arith.constant 128 : i32
    %add3A_15 = arith.addi %mul3A_13, %add3A_14 : i32
    "tpu.region"() ({
      %run_scoped3A = tpu.sem_alloc : memref<!tpu.dma_semaphore, #tpu.memory_space<semaphore_mem>>
      %dma_start3A = arith.constant 0 : i32
      %dma_start3A_38 = tpu.memref_slice %arg9[%add3A_15, %dma_start3A] : memref<10240x128xf32, #tpu.memory_space<vmem_shared>> -> memref<128x128xf32, #tpu.memory_space<vmem_shared>>
      %dma_start3A_39 = arith.constant 0 : i32
      %dma_start3A_40 = tpu.memref_slice %arg9[%add3A_15, %dma_start3A_39] : memref<10240x128xf32, #tpu.memory_space<vmem_shared>> -> memref<128x128xf32, #tpu.memory_space<vmem_shared>>
      tpu.enqueue_dma source(%arg8 : memref<128x128xf32, #tpu.memory_space<vmem>>) target(%dma_start3A_40 : memref<128x128xf32, #tpu.memory_space<vmem_shared>>) target_semaphore(%run_scoped3A : memref<!tpu.dma_semaphore, #tpu.memory_space<semaphore_mem>>)
      %dma_wait3A = arith.constant 0 : i32
      %dma_wait3A_41 = tpu.memref_slice %arg9[%add3A_15, %dma_wait3A] : memref<10240x128xf32, #tpu.memory_space<vmem_shared>> -> memref<128x128xf32, #tpu.memory_space<vmem_shared>>
      %dma_wait3A_42 = arith.constant 0 : i32
      %dma_wait3A_43 = tpu.memref_slice %arg9[%add3A_15, %dma_wait3A_42] : memref<10240x128xf32, #tpu.memory_space<vmem_shared>> -> memref<128x128xf32, #tpu.memory_space<vmem_shared>>
      tpu.wait_dma2 semaphore(%run_scoped3A : memref<!tpu.dma_semaphore, #tpu.memory_space<semaphore_mem>>) src(%arg8 : memref<128x128xf32, #tpu.memory_space<vmem>>) dst(%dma_wait3A_43 : memref<128x128xf32, #tpu.memory_space<vmem_shared>>)
      tpu.yield
    }) : () -> ()
    %mul3A_16 = arith.constant 640 : i32
    %mul3A_17 = arith.muli %arg1, %mul3A_16 : i32
    %add3A_18 = arith.constant 256 : i32
    %add3A_19 = arith.addi %mul3A_17, %add3A_18 : i32
    "tpu.region"() ({
      %run_scoped3A = tpu.sem_alloc : memref<!tpu.dma_semaphore, #tpu.memory_space<semaphore_mem>>
      %dma_start3A = arith.constant 0 : i32
      %dma_start3A_38 = tpu.memref_slice %arg9[%add3A_19, %dma_start3A] : memref<10240x128xf32, #tpu.memory_space<vmem_shared>> -> memref<128x128xf32, #tpu.memory_space<vmem_shared>>
      %dma_start3A_39 = arith.constant 0 : i32
      %dma_start3A_40 = tpu.memref_slice %arg9[%add3A_19, %dma_start3A_39] : memref<10240x128xf32, #tpu.memory_space<vmem_shared>> -> memref<128x128xf32, #tpu.memory_space<vmem_shared>>
      tpu.enqueue_dma source(%arg8 : memref<128x128xf32, #tpu.memory_space<vmem>>) target(%dma_start3A_40 : memref<128x128xf32, #tpu.memory_space<vmem_shared>>) target_semaphore(%run_scoped3A : memref<!tpu.dma_semaphore, #tpu.memory_space<semaphore_mem>>)
      %dma_wait3A = arith.constant 0 : i32
      %dma_wait3A_41 = tpu.memref_slice %arg9[%add3A_19, %dma_wait3A] : memref<10240x128xf32, #tpu.memory_space<vmem_shared>> -> memref<128x128xf32, #tpu.memory_space<vmem_shared>>
      %dma_wait3A_42 = arith.constant 0 : i32
      %dma_wait3A_43 = tpu.memref_slice %arg9[%add3A_19, %dma_wait3A_42] : memref<10240x128xf32, #tpu.memory_space<vmem_shared>> -> memref<128x128xf32, #tpu.memory_space<vmem_shared>>
      tpu.wait_dma2 semaphore(%run_scoped3A : memref<!tpu.dma_semaphore, #tpu.memory_space<semaphore_mem>>) src(%arg8 : memref<128x128xf32, #tpu.memory_space<vmem>>) dst(%dma_wait3A_43 : memref<128x128xf32, #tpu.memory_space<vmem_shared>>)
      tpu.yield
    }) : () -> ()
    %mul3A_20 = arith.constant 640 : i32
    %mul3A_21 = arith.muli %arg1, %mul3A_20 : i32
    %add3A_22 = arith.constant 384 : i32
    %add3A_23 = arith.addi %mul3A_21, %add3A_22 : i32
    "tpu.region"() ({
      %run_scoped3A = tpu.sem_alloc : memref<!tpu.dma_semaphore, #tpu.memory_space<semaphore_mem>>
      %dma_start3A = arith.constant 0 : i32
      %dma_start3A_38 = tpu.memref_slice %arg9[%add3A_23, %dma_start3A] : memref<10240x128xf32, #tpu.memory_space<vmem_shared>> -> memref<128x128xf32, #tpu.memory_space<vmem_shared>>
      %dma_start3A_39 = arith.constant 0 : i32
      %dma_start3A_40 = tpu.memref_slice %arg9[%add3A_23, %dma_start3A_39] : memref<10240x128xf32, #tpu.memory_space<vmem_shared>> -> memref<128x128xf32, #tpu.memory_space<vmem_shared>>
      tpu.enqueue_dma source(%arg8 : memref<128x128xf32, #tpu.memory_space<vmem>>) target(%dma_start3A_40 : memref<128x128xf32, #tpu.memory_space<vmem_shared>>) target_semaphore(%run_scoped3A : memref<!tpu.dma_semaphore, #tpu.memory_space<semaphore_mem>>)
      %dma_wait3A = arith.constant 0 : i32
      %dma_wait3A_41 = tpu.memref_slice %arg9[%add3A_23, %dma_wait3A] : memref<10240x128xf32, #tpu.memory_space<vmem_shared>> -> memref<128x128xf32, #tpu.memory_space<vmem_shared>>
      %dma_wait3A_42 = arith.constant 0 : i32
      %dma_wait3A_43 = tpu.memref_slice %arg9[%add3A_23, %dma_wait3A_42] : memref<10240x128xf32, #tpu.memory_space<vmem_shared>> -> memref<128x128xf32, #tpu.memory_space<vmem_shared>>
      tpu.wait_dma2 semaphore(%run_scoped3A : memref<!tpu.dma_semaphore, #tpu.memory_space<semaphore_mem>>) src(%arg8 : memref<128x128xf32, #tpu.memory_space<vmem>>) dst(%dma_wait3A_43 : memref<128x128xf32, #tpu.memory_space<vmem_shared>>)
      tpu.yield
    }) : () -> ()
    %mul3A_24 = arith.constant 640 : i32
    %mul3A_25 = arith.muli %arg1, %mul3A_24 : i32
    %add3A_26 = arith.constant 512 : i32
    %add3A_27 = arith.addi %mul3A_25, %add3A_26 : i32
    "tpu.region"() ({
      %run_scoped3A = tpu.sem_alloc : memref<!tpu.dma_semaphore, #tpu.memory_space<semaphore_mem>>
      %dma_start3A = arith.constant 0 : i32
      %dma_start3A_38 = tpu.memref_slice %arg9[%add3A_27, %dma_start3A] : memref<10240x128xf32, #tpu.memory_space<vmem_shared>> -> memref<128x128xf32, #tpu.memory_space<vmem_shared>>
      %dma_start3A_39 = arith.constant 0 : i32
      %dma_start3A_40 = tpu.memref_slice %arg9[%add3A_27, %dma_start3A_39] : memref<10240x128xf32, #tpu.memory_space<vmem_shared>> -> memref<128x128xf32, #tpu.memory_space<vmem_shared>>
      tpu.enqueue_dma source(%arg8 : memref<128x128xf32, #tpu.memory_space<vmem>>) target(%dma_start3A_40 : memref<128x128xf32, #tpu.memory_space<vmem_shared>>) target_semaphore(%run_scoped3A : memref<!tpu.dma_semaphore, #tpu.memory_space<semaphore_mem>>)
      %dma_wait3A = arith.constant 0 : i32
      %dma_wait3A_41 = tpu.memref_slice %arg9[%add3A_27, %dma_wait3A] : memref<10240x128xf32, #tpu.memory_space<vmem_shared>> -> memref<128x128xf32, #tpu.memory_space<vmem_shared>>
      %dma_wait3A_42 = arith.constant 0 : i32
      %dma_wait3A_43 = tpu.memref_slice %arg9[%add3A_27, %dma_wait3A_42] : memref<10240x128xf32, #tpu.memory_space<vmem_shared>> -> memref<128x128xf32, #tpu.memory_space<vmem_shared>>
      tpu.wait_dma2 semaphore(%run_scoped3A : memref<!tpu.dma_semaphore, #tpu.memory_space<semaphore_mem>>) src(%arg8 : memref<128x128xf32, #tpu.memory_space<vmem>>) dst(%dma_wait3A_43 : memref<128x128xf32, #tpu.memory_space<vmem_shared>>)
      tpu.yield
    }) : () -> ()
    %barrier3A = arith.constant 0 : index
    tpu.barrier barrier_id(%barrier3A)
    %scan3A_28 = arith.constant 0 : i32
    %scan3A_29 = arith.constant 0 : i32
    %scan3A_30 = arith.constant 81 : i32
    %scan3A_31 = arith.addi %scan3A_29, %scan3A_30 : i32
    %scan3A_32 = arith.constant 1 : i32
    %scan3A_33 = scf.for %scan3A_38 = %scan3A_29 to %scan3A_31 step %scan3A_32 iter_args(%scan3A_39 = %scan3A_28) -> (i32)  : i32 {
      %dma_start3A = arith.constant 0 : i32
      %dma_start3A_40 = tpu.memref_slice %arg6[%scan3A_38, %dma_start3A] : memref<81x128xi32, #tpu.memory_space<vmem>> -> memref<1x128xi32, #tpu.memory_space<vmem>>
      %dma_start3A_41 = tpu.memref_squeeze %dma_start3A_40 : memref<1x128xi32, #tpu.memory_space<vmem>> -> memref<128xi32, #tpu.memory_space<vmem>>
      %dma_start3A_42 = arith.constant 0 : i32
      %dma_start3A_43 = arith.constant 0 : i32
      %dma_start3A_44 = tpu.memref_slice %arg2[%dma_start3A_42, %dma_start3A_43] : memref<10000x128xf32, #tpu.memory_space<hbm>> -> memref<10000x128xf32, #tpu.memory_space<hbm>>
      tpu.enqueue_indirect_dma source(%dma_start3A_44 : memref<10000x128xf32, #tpu.memory_space<hbm>>) target(%arg8 : memref<128x128xf32, #tpu.memory_space<vmem>>) offsets(%dma_start3A_41 : memref<128xi32, #tpu.memory_space<vmem>>) semaphore(%arg10 : memref<!tpu.dma_semaphore, #tpu.memory_space<semaphore_mem>>)
      %dma_wait3A = arith.constant 0 : i32
      %dma_wait3A_45 = tpu.memref_slice %arg6[%scan3A_38, %dma_wait3A] : memref<81x128xi32, #tpu.memory_space<vmem>> -> memref<1x128xi32, #tpu.memory_space<vmem>>
      %dma_wait3A_46 = tpu.memref_squeeze %dma_wait3A_45 : memref<1x128xi32, #tpu.memory_space<vmem>> -> memref<128xi32, #tpu.memory_space<vmem>>
      %dma_wait3A_47 = arith.constant 0 : i32
      %dma_wait3A_48 = arith.constant 0 : i32
      %dma_wait3A_49 = tpu.memref_slice %arg2[%dma_wait3A_47, %dma_wait3A_48] : memref<10000x128xf32, #tpu.memory_space<hbm>> -> memref<10000x128xf32, #tpu.memory_space<hbm>>
      tpu.wait_indirect_dma semaphore(%arg10 : memref<!tpu.dma_semaphore, #tpu.memory_space<semaphore_mem>>) src(%dma_wait3A_49 : memref<10000x128xf32, #tpu.memory_space<hbm>>) dst(%arg8 : memref<128x128xf32, #tpu.memory_space<vmem>>)
      %dma_start3A_50 = arith.constant 0 : i32
      %dma_start3A_51 = tpu.memref_slice %arg7[%scan3A_38, %dma_start3A_50] : memref<81x128xi32, #tpu.memory_space<vmem>> -> memref<1x128xi32, #tpu.memory_space<vmem>>
      %dma_start3A_52 = tpu.memref_squeeze %dma_start3A_51 : memref<1x128xi32, #tpu.memory_space<vmem>> -> memref<128xi32, #tpu.memory_space<vmem>>
      %dma_start3A_53 = arith.constant 0 : i32
      %dma_start3A_54 = arith.constant 0 : i32
      %dma_start3A_55 = tpu.memref_slice %arg9[%dma_start3A_53, %dma_start3A_54] : memref<10240x128xf32, #tpu.memory_space<vmem_shared>> -> memref<10240x128xf32, #tpu.memory_space<vmem_shared>>
      tpu.enqueue_indirect_dma source(%arg8 : memref<128x128xf32, #tpu.memory_space<vmem>>) target(%dma_start3A_55 : memref<10240x128xf32, #tpu.memory_space<vmem_shared>>) offsets(%dma_start3A_52 : memref<128xi32, #tpu.memory_space<vmem>>) semaphore(%arg11 : memref<!tpu.dma_semaphore, #tpu.memory_space<semaphore_mem>>) {add = true}
      %dma_wait3A_56 = arith.constant 0 : i32
      %dma_wait3A_57 = tpu.memref_slice %arg7[%scan3A_38, %dma_wait3A_56] : memref<81x128xi32, #tpu.memory_space<vmem>> -> memref<1x128xi32, #tpu.memory_space<vmem>>
      %dma_wait3A_58 = tpu.memref_squeeze %dma_wait3A_57 : memref<1x128xi32, #tpu.memory_space<vmem>> -> memref<128xi32, #tpu.memory_space<vmem>>
      %dma_wait3A_59 = arith.constant 0 : i32
      %dma_wait3A_60 = arith.constant 0 : i32
      %dma_wait3A_61 = tpu.memref_slice %arg9[%dma_wait3A_59, %dma_wait3A_60] : memref<10240x128xf32, #tpu.memory_space<vmem_shared>> -> memref<10240x128xf32, #tpu.memory_space<vmem_shared>>
      tpu.wait_indirect_dma semaphore(%arg11 : memref<!tpu.dma_semaphore, #tpu.memory_space<semaphore_mem>>) src(%arg8 : memref<128x128xf32, #tpu.memory_space<vmem>>) dst(%dma_wait3A_61 : memref<10240x128xf32, #tpu.memory_space<vmem_shared>>)
      %scan3A_62 = arith.constant 0 : i32
      scf.yield %scan3A_62 : i32
    }
    %scan3A_34 = arith.constant 81 : i32
    %barrier3A_35 = arith.constant 0 : index
    tpu.barrier barrier_id(%barrier3A_35)
    %mul3A_36 = arith.constant 640 : i32
    %mul3A_37 = arith.muli %arg1, %mul3A_36 : i32
    "tpu.region"() ({
      %run_scoped3A = tpu.sem_alloc : memref<!tpu.dma_semaphore, #tpu.memory_space<semaphore_mem>>
      %dma_start3A = arith.constant 0 : i32
      %dma_start3A_38 = tpu.memref_slice %arg5[%arg0, %mul3A_37, %dma_start3A] : memref<2x10240x128xf32, #tpu.memory_space<hbm>> -> memref<1x640x128xf32, #tpu.memory_space<hbm>>
      %dma_start3A_39 = tpu.memref_squeeze %dma_start3A_38 : memref<1x640x128xf32, #tpu.memory_space<hbm>> -> memref<640x128xf32, #tpu.memory_space<hbm>>
      %dma_start3A_40 = arith.constant 0 : i32
      %dma_start3A_41 = tpu.memref_slice %arg9[%mul3A_37, %dma_start3A_40] : memref<10240x128xf32, #tpu.memory_space<vmem_shared>> -> memref<640x128xf32, #tpu.memory_space<vmem_shared>>
      tpu.enqueue_dma source(%dma_start3A_41 : memref<640x128xf32, #tpu.memory_space<vmem_shared>>) target(%dma_start3A_39 : memref<640x128xf32, #tpu.memory_space<hbm>>) target_semaphore(%run_scoped3A : memref<!tpu.dma_semaphore, #tpu.memory_space<semaphore_mem>>)
      %dma_wait3A = arith.constant 0 : i32
      %dma_wait3A_42 = tpu.memref_slice %arg5[%arg0, %mul3A_37, %dma_wait3A] : memref<2x10240x128xf32, #tpu.memory_space<hbm>> -> memref<1x640x128xf32, #tpu.memory_space<hbm>>
      %dma_wait3A_43 = tpu.memref_squeeze %dma_wait3A_42 : memref<1x640x128xf32, #tpu.memory_space<hbm>> -> memref<640x128xf32, #tpu.memory_space<hbm>>
      %dma_wait3A_44 = arith.constant 0 : i32
      %dma_wait3A_45 = tpu.memref_slice %arg9[%mul3A_37, %dma_wait3A_44] : memref<10240x128xf32, #tpu.memory_space<vmem_shared>> -> memref<640x128xf32, #tpu.memory_space<vmem_shared>>
      tpu.wait_dma2 semaphore(%run_scoped3A : memref<!tpu.dma_semaphore, #tpu.memory_space<semaphore_mem>>) src(%dma_wait3A_45 : memref<640x128xf32, #tpu.memory_space<vmem_shared>>) dst(%dma_wait3A_43 : memref<640x128xf32, #tpu.memory_space<hbm>>)
      tpu.yield
    }) : () -> ()
    return
  }
}

#map = affine_map<(d0, d1) -> (0, 0, 0)>
module attributes {stable_mosaic.version = 14 : i64} {
  func.func @_sc_deg_body(%arg0: i32, %arg1: i32, %arg2: memref<32x162x128xi32, #tpu.memory_space<hbm>>, %arg3: memref<2x10240x128xf32, #tpu.memory_space<hbm>>, %arg4: memref<162x128xi32, #tpu.memory_space<vmem>>, %arg5: memref<128x128xf32, #tpu.memory_space<vmem>>, %arg6: memref<10240x128xf32, #tpu.memory_space<vmem_shared>>, %arg7: memref<!tpu.dma_semaphore, #tpu.memory_space<semaphore_mem>>) attributes {dimension_semantics = [#tpu.dimension_semantics<core_parallel>, #tpu.dimension_semantics<subcore_parallel>], iteration_bounds = array<i64: 2, 16>, scalar_prefetch = 0 : i64, scratch_operands = 4 : i64, tpu.core_type = #tpu.core_type<sc_vector_subcore>, window_params = [{transform_indices = #map}, {transform_indices = #map}]} {
    %mul3A = arith.constant 16 : i32
    %mul3A_0 = arith.muli %arg0, %mul3A : i32
    %add3A = arith.addi %mul3A_0, %arg1 : i32
    "tpu.region"() ({
      %run_scoped3A = tpu.sem_alloc : memref<!tpu.dma_semaphore, #tpu.memory_space<semaphore_mem>>
      %dma_start3A = arith.constant 0 : i32
      %dma_start3A_47 = arith.constant 0 : i32
      %dma_start3A_48 = tpu.memref_slice %arg2[%add3A, %dma_start3A, %dma_start3A_47] : memref<32x162x128xi32, #tpu.memory_space<hbm>> -> memref<1x162x128xi32, #tpu.memory_space<hbm>>
      %dma_start3A_49 = tpu.memref_squeeze %dma_start3A_48 : memref<1x162x128xi32, #tpu.memory_space<hbm>> -> memref<162x128xi32, #tpu.memory_space<hbm>>
      %dma_start3A_50 = arith.constant 0 : i32
      %dma_start3A_51 = arith.constant 0 : i32
      %dma_start3A_52 = tpu.memref_slice %arg2[%add3A, %dma_start3A_50, %dma_start3A_51] : memref<32x162x128xi32, #tpu.memory_space<hbm>> -> memref<1x162x128xi32, #tpu.memory_space<hbm>>
      %dma_start3A_53 = tpu.memref_squeeze %dma_start3A_52 : memref<1x162x128xi32, #tpu.memory_space<hbm>> -> memref<162x128xi32, #tpu.memory_space<hbm>>
      tpu.enqueue_dma source(%dma_start3A_53 : memref<162x128xi32, #tpu.memory_space<hbm>>) target(%arg4 : memref<162x128xi32, #tpu.memory_space<vmem>>) target_semaphore(%run_scoped3A : memref<!tpu.dma_semaphore, #tpu.memory_space<semaphore_mem>>)
      %dma_wait3A = arith.constant 0 : i32
      %dma_wait3A_54 = arith.constant 0 : i32
      %dma_wait3A_55 = tpu.memref_slice %arg2[%add3A, %dma_wait3A, %dma_wait3A_54] : memref<32x162x128xi32, #tpu.memory_space<hbm>> -> memref<1x162x128xi32, #tpu.memory_space<hbm>>
      %dma_wait3A_56 = tpu.memref_squeeze %dma_wait3A_55 : memref<1x162x128xi32, #tpu.memory_space<hbm>> -> memref<162x128xi32, #tpu.memory_space<hbm>>
      %dma_wait3A_57 = arith.constant 0 : i32
      %dma_wait3A_58 = arith.constant 0 : i32
      %dma_wait3A_59 = tpu.memref_slice %arg2[%add3A, %dma_wait3A_57, %dma_wait3A_58] : memref<32x162x128xi32, #tpu.memory_space<hbm>> -> memref<1x162x128xi32, #tpu.memory_space<hbm>>
      %dma_wait3A_60 = tpu.memref_squeeze %dma_wait3A_59 : memref<1x162x128xi32, #tpu.memory_space<hbm>> -> memref<162x128xi32, #tpu.memory_space<hbm>>
      tpu.wait_dma2 semaphore(%run_scoped3A : memref<!tpu.dma_semaphore, #tpu.memory_space<semaphore_mem>>) src(%dma_wait3A_60 : memref<162x128xi32, #tpu.memory_space<hbm>>) dst(%arg4 : memref<162x128xi32, #tpu.memory_space<vmem>>)
      tpu.yield
    }) : () -> ()
    %broadcast_in_dim3A = arith.constant 0.000000e+00 : f32
    %broadcast_in_dim3A_1 = vector.broadcast %broadcast_in_dim3A : f32 to vector<16xf32>
    %broadcast_in_dim3A_2 = arith.constant 1.000000e+00 : f32
    %broadcast_in_dim3A_3 = vector.broadcast %broadcast_in_dim3A_2 : f32 to vector<16xf32>
    %scan3A = arith.constant 0 : i32
    %scan3A_4 = arith.constant 0 : i32
    %scan3A_5 = arith.constant 128 : i32
    %scan3A_6 = arith.addi %scan3A_4, %scan3A_5 : i32
    %scan3A_7 = arith.constant 1 : i32
    %scan3A_8 = scf.for %scan3A_47 = %scan3A_4 to %scan3A_6 step %scan3A_7 iter_args(%scan3A_48 = %scan3A) -> (i32)  : i32 {
      %swap3A = arith.index_cast %scan3A_47 : i32 to index
      %swap3A_49 = arith.constant 0 : index
      %swap3A_50 = tpu.vector_load %arg5[%swap3A, %swap3A_49] {strides = array<i32>} : memref<128x128xf32, #tpu.memory_space<vmem>>, vector<1x16xf32>,
      %swap3A_51 = vector.shape_cast %swap3A_50 : vector<1x16xf32> to vector<16xf32>
      %swap3A_52 = vector.shape_cast %broadcast_in_dim3A_1 : vector<16xf32> to vector<1x16xf32>
      tpu.vector_store %arg5[%swap3A, %swap3A_49], %swap3A_52 {strides = array<i32>} : memref<128x128xf32, #tpu.memory_space<vmem>>, vector<1x16xf32>,
      %swap3A_53 = arith.index_cast %scan3A_47 : i32 to index
      %swap3A_54 = arith.constant 16 : index
      %swap3A_55 = tpu.vector_load %arg5[%swap3A_53, %swap3A_54] {strides = array<i32>} : memref<128x128xf32, #tpu.memory_space<vmem>>, vector<1x16xf32>,
      %swap3A_56 = vector.shape_cast %swap3A_55 : vector<1x16xf32> to vector<16xf32>
      %swap3A_57 = vector.shape_cast %broadcast_in_dim3A_1 : vector<16xf32> to vector<1x16xf32>
      tpu.vector_store %arg5[%swap3A_53, %swap3A_54], %swap3A_57 {strides = array<i32>} : memref<128x128xf32, #tpu.memory_space<vmem>>, vector<1x16xf32>,
      %swap3A_58 = arith.index_cast %scan3A_47 : i32 to index
      %swap3A_59 = arith.constant 32 : index
      %swap3A_60 = tpu.vector_load %arg5[%swap3A_58, %swap3A_59] {strides = array<i32>} : memref<128x128xf32, #tpu.memory_space<vmem>>, vector<1x16xf32>,
      %swap3A_61 = vector.shape_cast %swap3A_60 : vector<1x16xf32> to vector<16xf32>
      %swap3A_62 = vector.shape_cast %broadcast_in_dim3A_1 : vector<16xf32> to vector<1x16xf32>
      tpu.vector_store %arg5[%swap3A_58, %swap3A_59], %swap3A_62 {strides = array<i32>} : memref<128x128xf32, #tpu.memory_space<vmem>>, vector<1x16xf32>,
      %swap3A_63 = arith.index_cast %scan3A_47 : i32 to index
      %swap3A_64 = arith.constant 48 : index
      %swap3A_65 = tpu.vector_load %arg5[%swap3A_63, %swap3A_64] {strides = array<i32>} : memref<128x128xf32, #tpu.memory_space<vmem>>, vector<1x16xf32>,
      %swap3A_66 = vector.shape_cast %swap3A_65 : vector<1x16xf32> to vector<16xf32>
      %swap3A_67 = vector.shape_cast %broadcast_in_dim3A_1 : vector<16xf32> to vector<1x16xf32>
      tpu.vector_store %arg5[%swap3A_63, %swap3A_64], %swap3A_67 {strides = array<i32>} : memref<128x128xf32, #tpu.memory_space<vmem>>, vector<1x16xf32>,
      %swap3A_68 = arith.index_cast %scan3A_47 : i32 to index
      %swap3A_69 = arith.constant 64 : index
      %swap3A_70 = tpu.vector_load %arg5[%swap3A_68, %swap3A_69] {strides = array<i32>} : memref<128x128xf32, #tpu.memory_space<vmem>>, vector<1x16xf32>,
      %swap3A_71 = vector.shape_cast %swap3A_70 : vector<1x16xf32> to vector<16xf32>
      %swap3A_72 = vector.shape_cast %broadcast_in_dim3A_1 : vector<16xf32> to vector<1x16xf32>
      tpu.vector_store %arg5[%swap3A_68, %swap3A_69], %swap3A_72 {strides = array<i32>} : memref<128x128xf32, #tpu.memory_space<vmem>>, vector<1x16xf32>,
      %swap3A_73 = arith.index_cast %scan3A_47 : i32 to index
      %swap3A_74 = arith.constant 80 : index
      %swap3A_75 = tpu.vector_load %arg5[%swap3A_73, %swap3A_74] {strides = array<i32>} : memref<128x128xf32, #tpu.memory_space<vmem>>, vector<1x16xf32>,
      %swap3A_76 = vector.shape_cast %swap3A_75 : vector<1x16xf32> to vector<16xf32>
      %swap3A_77 = vector.shape_cast %broadcast_in_dim3A_1 : vector<16xf32> to vector<1x16xf32>
      tpu.vector_store %arg5[%swap3A_73, %swap3A_74], %swap3A_77 {strides = array<i32>} : memref<128x128xf32, #tpu.memory_space<vmem>>, vector<1x16xf32>,
      %swap3A_78 = arith.index_cast %scan3A_47 : i32 to index
      %swap3A_79 = arith.constant 96 : index
      %swap3A_80 = tpu.vector_load %arg5[%swap3A_78, %swap3A_79] {strides = array<i32>} : memref<128x128xf32, #tpu.memory_space<vmem>>, vector<1x16xf32>,
      %swap3A_81 = vector.shape_cast %swap3A_80 : vector<1x16xf32> to vector<16xf32>
      %swap3A_82 = vector.shape_cast %broadcast_in_dim3A_1 : vector<16xf32> to vector<1x16xf32>
      tpu.vector_store %arg5[%swap3A_78, %swap3A_79], %swap3A_82 {strides = array<i32>} : memref<128x128xf32, #tpu.memory_space<vmem>>, vector<1x16xf32>,
      %swap3A_83 = arith.index_cast %scan3A_47 : i32 to index
      %swap3A_84 = arith.constant 112 : index
      %swap3A_85 = tpu.vector_load %arg5[%swap3A_83, %swap3A_84] {strides = array<i32>} : memref<128x128xf32, #tpu.memory_space<vmem>>, vector<1x16xf32>,
      %swap3A_86 = vector.shape_cast %swap3A_85 : vector<1x16xf32> to vector<16xf32>
      %swap3A_87 = vector.shape_cast %broadcast_in_dim3A_1 : vector<16xf32> to vector<1x16xf32>
      tpu.vector_store %arg5[%swap3A_83, %swap3A_84], %swap3A_87 {strides = array<i32>} : memref<128x128xf32, #tpu.memory_space<vmem>>, vector<1x16xf32>,
      %scan3A_88 = arith.constant 0 : i32
      scf.yield %scan3A_88 : i32
    }
    %scan3A_9 = arith.constant 128 : i32
    %mul3A_10 = arith.constant 640 : i32
    %mul3A_11 = arith.muli %arg1, %mul3A_10 : i32
    %add3A_12 = arith.constant 0 : i32
    %add3A_13 = arith.addi %mul3A_11, %add3A_12 : i32
    "tpu.region"() ({
      %run_scoped3A = tpu.sem_alloc : memref<!tpu.dma_semaphore, #tpu.memory_space<semaphore_mem>>
      %dma_start3A = arith.constant 0 : i32
      %dma_start3A_47 = tpu.memref_slice %arg6[%add3A_13, %dma_start3A] : memref<10240x128xf32, #tpu.memory_space<vmem_shared>> -> memref<128x128xf32, #tpu.memory_space<vmem_shared>>
      %dma_start3A_48 = arith.constant 0 : i32
      %dma_start3A_49 = tpu.memref_slice %arg6[%add3A_13, %dma_start3A_48] : memref<10240x128xf32, #tpu.memory_space<vmem_shared>> -> memref<128x128xf32, #tpu.memory_space<vmem_shared>>
      tpu.enqueue_dma source(%arg5 : memref<128x128xf32, #tpu.memory_space<vmem>>) target(%dma_start3A_49 : memref<128x128xf32, #tpu.memory_space<vmem_shared>>) target_semaphore(%run_scoped3A : memref<!tpu.dma_semaphore, #tpu.memory_space<semaphore_mem>>)
      %dma_wait3A = arith.constant 0 : i32
      %dma_wait3A_50 = tpu.memref_slice %arg6[%add3A_13, %dma_wait3A] : memref<10240x128xf32, #tpu.memory_space<vmem_shared>> -> memref<128x128xf32, #tpu.memory_space<vmem_shared>>
      %dma_wait3A_51 = arith.constant 0 : i32
      %dma_wait3A_52 = tpu.memref_slice %arg6[%add3A_13, %dma_wait3A_51] : memref<10240x128xf32, #tpu.memory_space<vmem_shared>> -> memref<128x128xf32, #tpu.memory_space<vmem_shared>>
      tpu.wait_dma2 semaphore(%run_scoped3A : memref<!tpu.dma_semaphore, #tpu.memory_space<semaphore_mem>>) src(%arg5 : memref<128x128xf32, #tpu.memory_space<vmem>>) dst(%dma_wait3A_52 : memref<128x128xf32, #tpu.memory_space<vmem_shared>>)
      tpu.yield
    }) : () -> ()
    %mul3A_14 = arith.constant 640 : i32
    %mul3A_15 = arith.muli %arg1, %mul3A_14 : i32
    %add3A_16 = arith.constant 128 : i32
    %add3A_17 = arith.addi %mul3A_15, %add3A_16 : i32
    "tpu.region"() ({
      %run_scoped3A = tpu.sem_alloc : memref<!tpu.dma_semaphore, #tpu.memory_space<semaphore_mem>>
      %dma_start3A = arith.constant 0 : i32
      %dma_start3A_47 = tpu.memref_slice %arg6[%add3A_17, %dma_start3A] : memref<10240x128xf32, #tpu.memory_space<vmem_shared>> -> memref<128x128xf32, #tpu.memory_space<vmem_shared>>
      %dma_start3A_48 = arith.constant 0 : i32
      %dma_start3A_49 = tpu.memref_slice %arg6[%add3A_17, %dma_start3A_48] : memref<10240x128xf32, #tpu.memory_space<vmem_shared>> -> memref<128x128xf32, #tpu.memory_space<vmem_shared>>
      tpu.enqueue_dma source(%arg5 : memref<128x128xf32, #tpu.memory_space<vmem>>) target(%dma_start3A_49 : memref<128x128xf32, #tpu.memory_space<vmem_shared>>) target_semaphore(%run_scoped3A : memref<!tpu.dma_semaphore, #tpu.memory_space<semaphore_mem>>)
      %dma_wait3A = arith.constant 0 : i32
      %dma_wait3A_50 = tpu.memref_slice %arg6[%add3A_17, %dma_wait3A] : memref<10240x128xf32, #tpu.memory_space<vmem_shared>> -> memref<128x128xf32, #tpu.memory_space<vmem_shared>>
      %dma_wait3A_51 = arith.constant 0 : i32
      %dma_wait3A_52 = tpu.memref_slice %arg6[%add3A_17, %dma_wait3A_51] : memref<10240x128xf32, #tpu.memory_space<vmem_shared>> -> memref<128x128xf32, #tpu.memory_space<vmem_shared>>
      tpu.wait_dma2 semaphore(%run_scoped3A : memref<!tpu.dma_semaphore, #tpu.memory_space<semaphore_mem>>) src(%arg5 : memref<128x128xf32, #tpu.memory_space<vmem>>) dst(%dma_wait3A_52 : memref<128x128xf32, #tpu.memory_space<vmem_shared>>)
      tpu.yield
    }) : () -> ()
    %mul3A_18 = arith.constant 640 : i32
    %mul3A_19 = arith.muli %arg1, %mul3A_18 : i32
    %add3A_20 = arith.constant 256 : i32
    %add3A_21 = arith.addi %mul3A_19, %add3A_20 : i32
    "tpu.region"() ({
      %run_scoped3A = tpu.sem_alloc : memref<!tpu.dma_semaphore, #tpu.memory_space<semaphore_mem>>
      %dma_start3A = arith.constant 0 : i32
      %dma_start3A_47 = tpu.memref_slice %arg6[%add3A_21, %dma_start3A] : memref<10240x128xf32, #tpu.memory_space<vmem_shared>> -> memref<128x128xf32, #tpu.memory_space<vmem_shared>>
      %dma_start3A_48 = arith.constant 0 : i32
      %dma_start3A_49 = tpu.memref_slice %arg6[%add3A_21, %dma_start3A_48] : memref<10240x128xf32, #tpu.memory_space<vmem_shared>> -> memref<128x128xf32, #tpu.memory_space<vmem_shared>>
      tpu.enqueue_dma source(%arg5 : memref<128x128xf32, #tpu.memory_space<vmem>>) target(%dma_start3A_49 : memref<128x128xf32, #tpu.memory_space<vmem_shared>>) target_semaphore(%run_scoped3A : memref<!tpu.dma_semaphore, #tpu.memory_space<semaphore_mem>>)
      %dma_wait3A = arith.constant 0 : i32
      %dma_wait3A_50 = tpu.memref_slice %arg6[%add3A_21, %dma_wait3A] : memref<10240x128xf32, #tpu.memory_space<vmem_shared>> -> memref<128x128xf32, #tpu.memory_space<vmem_shared>>
      %dma_wait3A_51 = arith.constant 0 : i32
      %dma_wait3A_52 = tpu.memref_slice %arg6[%add3A_21, %dma_wait3A_51] : memref<10240x128xf32, #tpu.memory_space<vmem_shared>> -> memref<128x128xf32, #tpu.memory_space<vmem_shared>>
      tpu.wait_dma2 semaphore(%run_scoped3A : memref<!tpu.dma_semaphore, #tpu.memory_space<semaphore_mem>>) src(%arg5 : memref<128x128xf32, #tpu.memory_space<vmem>>) dst(%dma_wait3A_52 : memref<128x128xf32, #tpu.memory_space<vmem_shared>>)
      tpu.yield
    }) : () -> ()
    %mul3A_22 = arith.constant 640 : i32
    %mul3A_23 = arith.muli %arg1, %mul3A_22 : i32
    %add3A_24 = arith.constant 384 : i32
    %add3A_25 = arith.addi %mul3A_23, %add3A_24 : i32
    "tpu.region"() ({
      %run_scoped3A = tpu.sem_alloc : memref<!tpu.dma_semaphore, #tpu.memory_space<semaphore_mem>>
      %dma_start3A = arith.constant 0 : i32
      %dma_start3A_47 = tpu.memref_slice %arg6[%add3A_25, %dma_start3A] : memref<10240x128xf32, #tpu.memory_space<vmem_shared>> -> memref<128x128xf32, #tpu.memory_space<vmem_shared>>
      %dma_start3A_48 = arith.constant 0 : i32
      %dma_start3A_49 = tpu.memref_slice %arg6[%add3A_25, %dma_start3A_48] : memref<10240x128xf32, #tpu.memory_space<vmem_shared>> -> memref<128x128xf32, #tpu.memory_space<vmem_shared>>
      tpu.enqueue_dma source(%arg5 : memref<128x128xf32, #tpu.memory_space<vmem>>) target(%dma_start3A_49 : memref<128x128xf32, #tpu.memory_space<vmem_shared>>) target_semaphore(%run_scoped3A : memref<!tpu.dma_semaphore, #tpu.memory_space<semaphore_mem>>)
      %dma_wait3A = arith.constant 0 : i32
      %dma_wait3A_50 = tpu.memref_slice %arg6[%add3A_25, %dma_wait3A] : memref<10240x128xf32, #tpu.memory_space<vmem_shared>> -> memref<128x128xf32, #tpu.memory_space<vmem_shared>>
      %dma_wait3A_51 = arith.constant 0 : i32
      %dma_wait3A_52 = tpu.memref_slice %arg6[%add3A_25, %dma_wait3A_51] : memref<10240x128xf32, #tpu.memory_space<vmem_shared>> -> memref<128x128xf32, #tpu.memory_space<vmem_shared>>
      tpu.wait_dma2 semaphore(%run_scoped3A : memref<!tpu.dma_semaphore, #tpu.memory_space<semaphore_mem>>) src(%arg5 : memref<128x128xf32, #tpu.memory_space<vmem>>) dst(%dma_wait3A_52 : memref<128x128xf32, #tpu.memory_space<vmem_shared>>)
      tpu.yield
    }) : () -> ()
    %mul3A_26 = arith.constant 640 : i32
    %mul3A_27 = arith.muli %arg1, %mul3A_26 : i32
    %add3A_28 = arith.constant 512 : i32
    %add3A_29 = arith.addi %mul3A_27, %add3A_28 : i32
    "tpu.region"() ({
      %run_scoped3A = tpu.sem_alloc : memref<!tpu.dma_semaphore, #tpu.memory_space<semaphore_mem>>
      %dma_start3A = arith.constant 0 : i32
      %dma_start3A_47 = tpu.memref_slice %arg6[%add3A_29, %dma_start3A] : memref<10240x128xf32, #tpu.memory_space<vmem_shared>> -> memref<128x128xf32, #tpu.memory_space<vmem_shared>>
      %dma_start3A_48 = arith.constant 0 : i32
      %dma_start3A_49 = tpu.memref_slice %arg6[%add3A_29, %dma_start3A_48] : memref<10240x128xf32, #tpu.memory_space<vmem_shared>> -> memref<128x128xf32, #tpu.memory_space<vmem_shared>>
      tpu.enqueue_dma source(%arg5 : memref<128x128xf32, #tpu.memory_space<vmem>>) target(%dma_start3A_49 : memref<128x128xf32, #tpu.memory_space<vmem_shared>>) target_semaphore(%run_scoped3A : memref<!tpu.dma_semaphore, #tpu.memory_space<semaphore_mem>>)
      %dma_wait3A = arith.constant 0 : i32
      %dma_wait3A_50 = tpu.memref_slice %arg6[%add3A_29, %dma_wait3A] : memref<10240x128xf32, #tpu.memory_space<vmem_shared>> -> memref<128x128xf32, #tpu.memory_space<vmem_shared>>
      %dma_wait3A_51 = arith.constant 0 : i32
      %dma_wait3A_52 = tpu.memref_slice %arg6[%add3A_29, %dma_wait3A_51] : memref<10240x128xf32, #tpu.memory_space<vmem_shared>> -> memref<128x128xf32, #tpu.memory_space<vmem_shared>>
      tpu.wait_dma2 semaphore(%run_scoped3A : memref<!tpu.dma_semaphore, #tpu.memory_space<semaphore_mem>>) src(%arg5 : memref<128x128xf32, #tpu.memory_space<vmem>>) dst(%dma_wait3A_52 : memref<128x128xf32, #tpu.memory_space<vmem_shared>>)
      tpu.yield
    }) : () -> ()
    %scan3A_30 = arith.constant 0 : i32
    %scan3A_31 = arith.constant 0 : i32
    %scan3A_32 = arith.constant 128 : i32
    %scan3A_33 = arith.addi %scan3A_31, %scan3A_32 : i32
    %scan3A_34 = arith.constant 1 : i32
    %scan3A_35 = scf.for %scan3A_47 = %scan3A_31 to %scan3A_33 step %scan3A_34 iter_args(%scan3A_48 = %scan3A_30) -> (i32)  : i32 {
      %swap3A = arith.index_cast %scan3A_47 : i32 to index
      %swap3A_49 = arith.constant 0 : index
      %swap3A_50 = tpu.vector_load %arg5[%swap3A, %swap3A_49] {strides = array<i32>} : memref<128x128xf32, #tpu.memory_space<vmem>>, vector<1x16xf32>,
      %swap3A_51 = vector.shape_cast %swap3A_50 : vector<1x16xf32> to vector<16xf32>
      %swap3A_52 = vector.shape_cast %broadcast_in_dim3A_3 : vector<16xf32> to vector<1x16xf32>
      tpu.vector_store %arg5[%swap3A, %swap3A_49], %swap3A_52 {strides = array<i32>} : memref<128x128xf32, #tpu.memory_space<vmem>>, vector<1x16xf32>,
      %swap3A_53 = arith.index_cast %scan3A_47 : i32 to index
      %swap3A_54 = arith.constant 16 : index
      %swap3A_55 = tpu.vector_load %arg5[%swap3A_53, %swap3A_54] {strides = array<i32>} : memref<128x128xf32, #tpu.memory_space<vmem>>, vector<1x16xf32>,
      %swap3A_56 = vector.shape_cast %swap3A_55 : vector<1x16xf32> to vector<16xf32>
      %swap3A_57 = vector.shape_cast %broadcast_in_dim3A_3 : vector<16xf32> to vector<1x16xf32>
      tpu.vector_store %arg5[%swap3A_53, %swap3A_54], %swap3A_57 {strides = array<i32>} : memref<128x128xf32, #tpu.memory_space<vmem>>, vector<1x16xf32>,
      %swap3A_58 = arith.index_cast %scan3A_47 : i32 to index
      %swap3A_59 = arith.constant 32 : index
      %swap3A_60 = tpu.vector_load %arg5[%swap3A_58, %swap3A_59] {strides = array<i32>} : memref<128x128xf32, #tpu.memory_space<vmem>>, vector<1x16xf32>,
      %swap3A_61 = vector.shape_cast %swap3A_60 : vector<1x16xf32> to vector<16xf32>
      %swap3A_62 = vector.shape_cast %broadcast_in_dim3A_3 : vector<16xf32> to vector<1x16xf32>
      tpu.vector_store %arg5[%swap3A_58, %swap3A_59], %swap3A_62 {strides = array<i32>} : memref<128x128xf32, #tpu.memory_space<vmem>>, vector<1x16xf32>,
      %swap3A_63 = arith.index_cast %scan3A_47 : i32 to index
      %swap3A_64 = arith.constant 48 : index
      %swap3A_65 = tpu.vector_load %arg5[%swap3A_63, %swap3A_64] {strides = array<i32>} : memref<128x128xf32, #tpu.memory_space<vmem>>, vector<1x16xf32>,
      %swap3A_66 = vector.shape_cast %swap3A_65 : vector<1x16xf32> to vector<16xf32>
      %swap3A_67 = vector.shape_cast %broadcast_in_dim3A_3 : vector<16xf32> to vector<1x16xf32>
      tpu.vector_store %arg5[%swap3A_63, %swap3A_64], %swap3A_67 {strides = array<i32>} : memref<128x128xf32, #tpu.memory_space<vmem>>, vector<1x16xf32>,
      %swap3A_68 = arith.index_cast %scan3A_47 : i32 to index
      %swap3A_69 = arith.constant 64 : index
      %swap3A_70 = tpu.vector_load %arg5[%swap3A_68, %swap3A_69] {strides = array<i32>} : memref<128x128xf32, #tpu.memory_space<vmem>>, vector<1x16xf32>,
      %swap3A_71 = vector.shape_cast %swap3A_70 : vector<1x16xf32> to vector<16xf32>
      %swap3A_72 = vector.shape_cast %broadcast_in_dim3A_3 : vector<16xf32> to vector<1x16xf32>
      tpu.vector_store %arg5[%swap3A_68, %swap3A_69], %swap3A_72 {strides = array<i32>} : memref<128x128xf32, #tpu.memory_space<vmem>>, vector<1x16xf32>,
      %swap3A_73 = arith.index_cast %scan3A_47 : i32 to index
      %swap3A_74 = arith.constant 80 : index
      %swap3A_75 = tpu.vector_load %arg5[%swap3A_73, %swap3A_74] {strides = array<i32>} : memref<128x128xf32, #tpu.memory_space<vmem>>, vector<1x16xf32>,
      %swap3A_76 = vector.shape_cast %swap3A_75 : vector<1x16xf32> to vector<16xf32>
      %swap3A_77 = vector.shape_cast %broadcast_in_dim3A_3 : vector<16xf32> to vector<1x16xf32>
      tpu.vector_store %arg5[%swap3A_73, %swap3A_74], %swap3A_77 {strides = array<i32>} : memref<128x128xf32, #tpu.memory_space<vmem>>, vector<1x16xf32>,
      %swap3A_78 = arith.index_cast %scan3A_47 : i32 to index
      %swap3A_79 = arith.constant 96 : index
      %swap3A_80 = tpu.vector_load %arg5[%swap3A_78, %swap3A_79] {strides = array<i32>} : memref<128x128xf32, #tpu.memory_space<vmem>>, vector<1x16xf32>,
      %swap3A_81 = vector.shape_cast %swap3A_80 : vector<1x16xf32> to vector<16xf32>
      %swap3A_82 = vector.shape_cast %broadcast_in_dim3A_3 : vector<16xf32> to vector<1x16xf32>
      tpu.vector_store %arg5[%swap3A_78, %swap3A_79], %swap3A_82 {strides = array<i32>} : memref<128x128xf32, #tpu.memory_space<vmem>>, vector<1x16xf32>,
      %swap3A_83 = arith.index_cast %scan3A_47 : i32 to index
      %swap3A_84 = arith.constant 112 : index
      %swap3A_85 = tpu.vector_load %arg5[%swap3A_83, %swap3A_84] {strides = array<i32>} : memref<128x128xf32, #tpu.memory_space<vmem>>, vector<1x16xf32>,
      %swap3A_86 = vector.shape_cast %swap3A_85 : vector<1x16xf32> to vector<16xf32>
      %swap3A_87 = vector.shape_cast %broadcast_in_dim3A_3 : vector<16xf32> to vector<1x16xf32>
      tpu.vector_store %arg5[%swap3A_83, %swap3A_84], %swap3A_87 {strides = array<i32>} : memref<128x128xf32, #tpu.memory_space<vmem>>, vector<1x16xf32>,
      %scan3A_88 = arith.constant 0 : i32
      scf.yield %scan3A_88 : i32
    }
    %scan3A_36 = arith.constant 128 : i32
    %barrier3A = arith.constant 0 : index
    tpu.barrier barrier_id(%barrier3A)
    %scan3A_37 = arith.constant 0 : i32
    %scan3A_38 = arith.constant 0 : i32
    %scan3A_39 = arith.constant 18 : i32
    %scan3A_40 = arith.addi %scan3A_38, %scan3A_39 : i32
    %scan3A_41 = arith.constant 1 : i32
    %scan3A_42 = scf.for %scan3A_47 = %scan3A_38 to %scan3A_40 step %scan3A_41 iter_args(%scan3A_48 = %scan3A_37) -> (i32)  : i32 {
      %mul3A_49 = arith.constant 9 : i32
      %mul3A_50 = arith.muli %scan3A_47, %mul3A_49 : i32
      %add3A_51 = arith.constant 0 : i32
      %add3A_52 = arith.addi %mul3A_50, %add3A_51 : i32
      %dma_start3A = arith.constant 0 : i32
      %dma_start3A_53 = tpu.memref_slice %arg4[%add3A_52, %dma_start3A] : memref<162x128xi32, #tpu.memory_space<vmem>> -> memref<1x128xi32, #tpu.memory_space<vmem>>
      %dma_start3A_54 = tpu.memref_squeeze %dma_start3A_53 : memref<1x128xi32, #tpu.memory_space<vmem>> -> memref<128xi32, #tpu.memory_space<vmem>>
      %dma_start3A_55 = arith.constant 0 : i32
      %dma_start3A_56 = arith.constant 0 : i32
      %dma_start3A_57 = tpu.memref_slice %arg6[%dma_start3A_55, %dma_start3A_56] : memref<10240x128xf32, #tpu.memory_space<vmem_shared>> -> memref<10240x128xf32, #tpu.memory_space<vmem_shared>>
      tpu.enqueue_indirect_dma source(%arg5 : memref<128x128xf32, #tpu.memory_space<vmem>>) target(%dma_start3A_57 : memref<10240x128xf32, #tpu.memory_space<vmem_shared>>) offsets(%dma_start3A_54 : memref<128xi32, #tpu.memory_space<vmem>>) semaphore(%arg7 : memref<!tpu.dma_semaphore, #tpu.memory_space<semaphore_mem>>) {add = true}
      %mul3A_58 = arith.constant 9 : i32
      %mul3A_59 = arith.muli %scan3A_47, %mul3A_58 : i32
      %add3A_60 = arith.constant 1 : i32
      %add3A_61 = arith.addi %mul3A_59, %add3A_60 : i32
      %dma_start3A_62 = arith.constant 0 : i32
      %dma_start3A_63 = tpu.memref_slice %arg4[%add3A_61, %dma_start3A_62] : memref<162x128xi32, #tpu.memory_space<vmem>> -> memref<1x128xi32, #tpu.memory_space<vmem>>
      %dma_start3A_64 = tpu.memref_squeeze %dma_start3A_63 : memref<1x128xi32, #tpu.memory_space<vmem>> -> memref<128xi32, #tpu.memory_space<vmem>>
      %dma_start3A_65 = arith.constant 0 : i32
      %dma_start3A_66 = arith.constant 0 : i32
      %dma_start3A_67 = tpu.memref_slice %arg6[%dma_start3A_65, %dma_start3A_66] : memref<10240x128xf32, #tpu.memory_space<vmem_shared>> -> memref<10240x128xf32, #tpu.memory_space<vmem_shared>>
      tpu.enqueue_indirect_dma source(%arg5 : memref<128x128xf32, #tpu.memory_space<vmem>>) target(%dma_start3A_67 : memref<10240x128xf32, #tpu.memory_space<vmem_shared>>) offsets(%dma_start3A_64 : memref<128xi32, #tpu.memory_space<vmem>>) semaphore(%arg7 : memref<!tpu.dma_semaphore, #tpu.memory_space<semaphore_mem>>) {add = true}
      %mul3A_68 = arith.constant 9 : i32
      %mul3A_69 = arith.muli %scan3A_47, %mul3A_68 : i32
      %add3A_70 = arith.constant 2 : i32
      %add3A_71 = arith.addi %mul3A_69, %add3A_70 : i32
      %dma_start3A_72 = arith.constant 0 : i32
      %dma_start3A_73 = tpu.memref_slice %arg4[%add3A_71, %dma_start3A_72] : memref<162x128xi32, #tpu.memory_space<vmem>> -> memref<1x128xi32, #tpu.memory_space<vmem>>
      %dma_start3A_74 = tpu.memref_squeeze %dma_start3A_73 : memref<1x128xi32, #tpu.memory_space<vmem>> -> memref<128xi32, #tpu.memory_space<vmem>>
      %dma_start3A_75 = arith.constant 0 : i32
      %dma_start3A_76 = arith.constant 0 : i32
      %dma_start3A_77 = tpu.memref_slice %arg6[%dma_start3A_75, %dma_start3A_76] : memref<10240x128xf32, #tpu.memory_space<vmem_shared>> -> memref<10240x128xf32, #tpu.memory_space<vmem_shared>>
      tpu.enqueue_indirect_dma source(%arg5 : memref<128x128xf32, #tpu.memory_space<vmem>>) target(%dma_start3A_77 : memref<10240x128xf32, #tpu.memory_space<vmem_shared>>) offsets(%dma_start3A_74 : memref<128xi32, #tpu.memory_space<vmem>>) semaphore(%arg7 : memref<!tpu.dma_semaphore, #tpu.memory_space<semaphore_mem>>) {add = true}
      %mul3A_78 = arith.constant 9 : i32
      %mul3A_79 = arith.muli %scan3A_47, %mul3A_78 : i32
      %add3A_80 = arith.constant 3 : i32
      %add3A_81 = arith.addi %mul3A_79, %add3A_80 : i32
      %dma_start3A_82 = arith.constant 0 : i32
      %dma_start3A_83 = tpu.memref_slice %arg4[%add3A_81, %dma_start3A_82] : memref<162x128xi32, #tpu.memory_space<vmem>> -> memref<1x128xi32, #tpu.memory_space<vmem>>
      %dma_start3A_84 = tpu.memref_squeeze %dma_start3A_83 : memref<1x128xi32, #tpu.memory_space<vmem>> -> memref<128xi32, #tpu.memory_space<vmem>>
      %dma_start3A_85 = arith.constant 0 : i32
      %dma_start3A_86 = arith.constant 0 : i32
      %dma_start3A_87 = tpu.memref_slice %arg6[%dma_start3A_85, %dma_start3A_86] : memref<10240x128xf32, #tpu.memory_space<vmem_shared>> -> memref<10240x128xf32, #tpu.memory_space<vmem_shared>>
      tpu.enqueue_indirect_dma source(%arg5 : memref<128x128xf32, #tpu.memory_space<vmem>>) target(%dma_start3A_87 : memref<10240x128xf32, #tpu.memory_space<vmem_shared>>) offsets(%dma_start3A_84 : memref<128xi32, #tpu.memory_space<vmem>>) semaphore(%arg7 : memref<!tpu.dma_semaphore, #tpu.memory_space<semaphore_mem>>) {add = true}
      %mul3A_88 = arith.constant 9 : i32
      %mul3A_89 = arith.muli %scan3A_47, %mul3A_88 : i32
      %add3A_90 = arith.constant 4 : i32
      %add3A_91 = arith.addi %mul3A_89, %add3A_90 : i32
      %dma_start3A_92 = arith.constant 0 : i32
      %dma_start3A_93 = tpu.memref_slice %arg4[%add3A_91, %dma_start3A_92] : memref<162x128xi32, #tpu.memory_space<vmem>> -> memref<1x128xi32, #tpu.memory_space<vmem>>
      %dma_start3A_94 = tpu.memref_squeeze %dma_start3A_93 : memref<1x128xi32, #tpu.memory_space<vmem>> -> memref<128xi32, #tpu.memory_space<vmem>>
      %dma_start3A_95 = arith.constant 0 : i32
      %dma_start3A_96 = arith.constant 0 : i32
      %dma_start3A_97 = tpu.memref_slice %arg6[%dma_start3A_95, %dma_start3A_96] : memref<10240x128xf32, #tpu.memory_space<vmem_shared>> -> memref<10240x128xf32, #tpu.memory_space<vmem_shared>>
      tpu.enqueue_indirect_dma source(%arg5 : memref<128x128xf32, #tpu.memory_space<vmem>>) target(%dma_start3A_97 : memref<10240x128xf32, #tpu.memory_space<vmem_shared>>) offsets(%dma_start3A_94 : memref<128xi32, #tpu.memory_space<vmem>>) semaphore(%arg7 : memref<!tpu.dma_semaphore, #tpu.memory_space<semaphore_mem>>) {add = true}
      %mul3A_98 = arith.constant 9 : i32
      %mul3A_99 = arith.muli %scan3A_47, %mul3A_98 : i32
      %add3A_100 = arith.constant 5 : i32
      %add3A_101 = arith.addi %mul3A_99, %add3A_100 : i32
      %dma_start3A_102 = arith.constant 0 : i32
      %dma_start3A_103 = tpu.memref_slice %arg4[%add3A_101, %dma_start3A_102] : memref<162x128xi32, #tpu.memory_space<vmem>> -> memref<1x128xi32, #tpu.memory_space<vmem>>
      %dma_start3A_104 = tpu.memref_squeeze %dma_start3A_103 : memref<1x128xi32, #tpu.memory_space<vmem>> -> memref<128xi32, #tpu.memory_space<vmem>>
      %dma_start3A_105 = arith.constant 0 : i32
      %dma_start3A_106 = arith.constant 0 : i32
      %dma_start3A_107 = tpu.memref_slice %arg6[%dma_start3A_105, %dma_start3A_106] : memref<10240x128xf32, #tpu.memory_space<vmem_shared>> -> memref<10240x128xf32, #tpu.memory_space<vmem_shared>>
      tpu.enqueue_indirect_dma source(%arg5 : memref<128x128xf32, #tpu.memory_space<vmem>>) target(%dma_start3A_107 : memref<10240x128xf32, #tpu.memory_space<vmem_shared>>) offsets(%dma_start3A_104 : memref<128xi32, #tpu.memory_space<vmem>>) semaphore(%arg7 : memref<!tpu.dma_semaphore, #tpu.memory_space<semaphore_mem>>) {add = true}
      %mul3A_108 = arith.constant 9 : i32
      %mul3A_109 = arith.muli %scan3A_47, %mul3A_108 : i32
      %add3A_110 = arith.constant 6 : i32
      %add3A_111 = arith.addi %mul3A_109, %add3A_110 : i32
      %dma_start3A_112 = arith.constant 0 : i32
      %dma_start3A_113 = tpu.memref_slice %arg4[%add3A_111, %dma_start3A_112] : memref<162x128xi32, #tpu.memory_space<vmem>> -> memref<1x128xi32, #tpu.memory_space<vmem>>
      %dma_start3A_114 = tpu.memref_squeeze %dma_start3A_113 : memref<1x128xi32, #tpu.memory_space<vmem>> -> memref<128xi32, #tpu.memory_space<vmem>>
      %dma_start3A_115 = arith.constant 0 : i32
      %dma_start3A_116 = arith.constant 0 : i32
      %dma_start3A_117 = tpu.memref_slice %arg6[%dma_start3A_115, %dma_start3A_116] : memref<10240x128xf32, #tpu.memory_space<vmem_shared>> -> memref<10240x128xf32, #tpu.memory_space<vmem_shared>>
      tpu.enqueue_indirect_dma source(%arg5 : memref<128x128xf32, #tpu.memory_space<vmem>>) target(%dma_start3A_117 : memref<10240x128xf32, #tpu.memory_space<vmem_shared>>) offsets(%dma_start3A_114 : memref<128xi32, #tpu.memory_space<vmem>>) semaphore(%arg7 : memref<!tpu.dma_semaphore, #tpu.memory_space<semaphore_mem>>) {add = true}
      %mul3A_118 = arith.constant 9 : i32
      %mul3A_119 = arith.muli %scan3A_47, %mul3A_118 : i32
      %add3A_120 = arith.constant 7 : i32
      %add3A_121 = arith.addi %mul3A_119, %add3A_120 : i32
      %dma_start3A_122 = arith.constant 0 : i32
      %dma_start3A_123 = tpu.memref_slice %arg4[%add3A_121, %dma_start3A_122] : memref<162x128xi32, #tpu.memory_space<vmem>> -> memref<1x128xi32, #tpu.memory_space<vmem>>
      %dma_start3A_124 = tpu.memref_squeeze %dma_start3A_123 : memref<1x128xi32, #tpu.memory_space<vmem>> -> memref<128xi32, #tpu.memory_space<vmem>>
      %dma_start3A_125 = arith.constant 0 : i32
      %dma_start3A_126 = arith.constant 0 : i32
      %dma_start3A_127 = tpu.memref_slice %arg6[%dma_start3A_125, %dma_start3A_126] : memref<10240x128xf32, #tpu.memory_space<vmem_shared>> -> memref<10240x128xf32, #tpu.memory_space<vmem_shared>>
      tpu.enqueue_indirect_dma source(%arg5 : memref<128x128xf32, #tpu.memory_space<vmem>>) target(%dma_start3A_127 : memref<10240x128xf32, #tpu.memory_space<vmem_shared>>) offsets(%dma_start3A_124 : memref<128xi32, #tpu.memory_space<vmem>>) semaphore(%arg7 : memref<!tpu.dma_semaphore, #tpu.memory_space<semaphore_mem>>) {add = true}
      %mul3A_128 = arith.constant 9 : i32
      %mul3A_129 = arith.muli %scan3A_47, %mul3A_128 : i32
      %add3A_130 = arith.constant 8 : i32
      %add3A_131 = arith.addi %mul3A_129, %add3A_130 : i32
      %dma_start3A_132 = arith.constant 0 : i32
      %dma_start3A_133 = tpu.memref_slice %arg4[%add3A_131, %dma_start3A_132] : memref<162x128xi32, #tpu.memory_space<vmem>> -> memref<1x128xi32, #tpu.memory_space<vmem>>
      %dma_start3A_134 = tpu.memref_squeeze %dma_start3A_133 : memref<1x128xi32, #tpu.memory_space<vmem>> -> memref<128xi32, #tpu.memory_space<vmem>>
      %dma_start3A_135 = arith.constant 0 : i32
      %dma_start3A_136 = arith.constant 0 : i32
      %dma_start3A_137 = tpu.memref_slice %arg6[%dma_start3A_135, %dma_start3A_136] : memref<10240x128xf32, #tpu.memory_space<vmem_shared>> -> memref<10240x128xf32, #tpu.memory_space<vmem_shared>>
      tpu.enqueue_indirect_dma source(%arg5 : memref<128x128xf32, #tpu.memory_space<vmem>>) target(%dma_start3A_137 : memref<10240x128xf32, #tpu.memory_space<vmem_shared>>) offsets(%dma_start3A_134 : memref<128xi32, #tpu.memory_space<vmem>>) semaphore(%arg7 : memref<!tpu.dma_semaphore, #tpu.memory_space<semaphore_mem>>) {add = true}
      %mul3A_138 = arith.constant 9 : i32
      %mul3A_139 = arith.muli %scan3A_47, %mul3A_138 : i32
      %add3A_140 = arith.constant 0 : i32
      %add3A_141 = arith.addi %mul3A_139, %add3A_140 : i32
      %dma_wait3A = arith.constant 0 : i32
      %dma_wait3A_142 = tpu.memref_slice %arg4[%add3A_141, %dma_wait3A] : memref<162x128xi32, #tpu.memory_space<vmem>> -> memref<1x128xi32, #tpu.memory_space<vmem>>
      %dma_wait3A_143 = tpu.memref_squeeze %dma_wait3A_142 : memref<1x128xi32, #tpu.memory_space<vmem>> -> memref<128xi32, #tpu.memory_space<vmem>>
      %dma_wait3A_144 = arith.constant 0 : i32
      %dma_wait3A_145 = arith.constant 0 : i32
      %dma_wait3A_146 = tpu.memref_slice %arg6[%dma_wait3A_144, %dma_wait3A_145] : memref<10240x128xf32, #tpu.memory_space<vmem_shared>> -> memref<10240x128xf32, #tpu.memory_space<vmem_shared>>
      tpu.wait_indirect_dma semaphore(%arg7 : memref<!tpu.dma_semaphore, #tpu.memory_space<semaphore_mem>>) src(%arg5 : memref<128x128xf32, #tpu.memory_space<vmem>>) dst(%dma_wait3A_146 : memref<10240x128xf32, #tpu.memory_space<vmem_shared>>)
      %mul3A_147 = arith.constant 9 : i32
      %mul3A_148 = arith.muli %scan3A_47, %mul3A_147 : i32
      %add3A_149 = arith.constant 1 : i32
      %add3A_150 = arith.addi %mul3A_148, %add3A_149 : i32
      %dma_wait3A_151 = arith.constant 0 : i32
      %dma_wait3A_152 = tpu.memref_slice %arg4[%add3A_150, %dma_wait3A_151] : memref<162x128xi32, #tpu.memory_space<vmem>> -> memref<1x128xi32, #tpu.memory_space<vmem>>
      %dma_wait3A_153 = tpu.memref_squeeze %dma_wait3A_152 : memref<1x128xi32, #tpu.memory_space<vmem>> -> memref<128xi32, #tpu.memory_space<vmem>>
      %dma_wait3A_154 = arith.constant 0 : i32
      %dma_wait3A_155 = arith.constant 0 : i32
      %dma_wait3A_156 = tpu.memref_slice %arg6[%dma_wait3A_154, %dma_wait3A_155] : memref<10240x128xf32, #tpu.memory_space<vmem_shared>> -> memref<10240x128xf32, #tpu.memory_space<vmem_shared>>
      tpu.wait_indirect_dma semaphore(%arg7 : memref<!tpu.dma_semaphore, #tpu.memory_space<semaphore_mem>>) src(%arg5 : memref<128x128xf32, #tpu.memory_space<vmem>>) dst(%dma_wait3A_156 : memref<10240x128xf32, #tpu.memory_space<vmem_shared>>)
      %mul3A_157 = arith.constant 9 : i32
      %mul3A_158 = arith.muli %scan3A_47, %mul3A_157 : i32
      %add3A_159 = arith.constant 2 : i32
      %add3A_160 = arith.addi %mul3A_158, %add3A_159 : i32
      %dma_wait3A_161 = arith.constant 0 : i32
      %dma_wait3A_162 = tpu.memref_slice %arg4[%add3A_160, %dma_wait3A_161] : memref<162x128xi32, #tpu.memory_space<vmem>> -> memref<1x128xi32, #tpu.memory_space<vmem>>
      %dma_wait3A_163 = tpu.memref_squeeze %dma_wait3A_162 : memref<1x128xi32, #tpu.memory_space<vmem>> -> memref<128xi32, #tpu.memory_space<vmem>>
      %dma_wait3A_164 = arith.constant 0 : i32
      %dma_wait3A_165 = arith.constant 0 : i32
      %dma_wait3A_166 = tpu.memref_slice %arg6[%dma_wait3A_164, %dma_wait3A_165] : memref<10240x128xf32, #tpu.memory_space<vmem_shared>> -> memref<10240x128xf32, #tpu.memory_space<vmem_shared>>
      tpu.wait_indirect_dma semaphore(%arg7 : memref<!tpu.dma_semaphore, #tpu.memory_space<semaphore_mem>>) src(%arg5 : memref<128x128xf32, #tpu.memory_space<vmem>>) dst(%dma_wait3A_166 : memref<10240x128xf32, #tpu.memory_space<vmem_shared>>)
      %mul3A_167 = arith.constant 9 : i32
      %mul3A_168 = arith.muli %scan3A_47, %mul3A_167 : i32
      %add3A_169 = arith.constant 3 : i32
      %add3A_170 = arith.addi %mul3A_168, %add3A_169 : i32
      %dma_wait3A_171 = arith.constant 0 : i32
      %dma_wait3A_172 = tpu.memref_slice %arg4[%add3A_170, %dma_wait3A_171] : memref<162x128xi32, #tpu.memory_space<vmem>> -> memref<1x128xi32, #tpu.memory_space<vmem>>
      %dma_wait3A_173 = tpu.memref_squeeze %dma_wait3A_172 : memref<1x128xi32, #tpu.memory_space<vmem>> -> memref<128xi32, #tpu.memory_space<vmem>>
      %dma_wait3A_174 = arith.constant 0 : i32
      %dma_wait3A_175 = arith.constant 0 : i32
      %dma_wait3A_176 = tpu.memref_slice %arg6[%dma_wait3A_174, %dma_wait3A_175] : memref<10240x128xf32, #tpu.memory_space<vmem_shared>> -> memref<10240x128xf32, #tpu.memory_space<vmem_shared>>
      tpu.wait_indirect_dma semaphore(%arg7 : memref<!tpu.dma_semaphore, #tpu.memory_space<semaphore_mem>>) src(%arg5 : memref<128x128xf32, #tpu.memory_space<vmem>>) dst(%dma_wait3A_176 : memref<10240x128xf32, #tpu.memory_space<vmem_shared>>)
      %mul3A_177 = arith.constant 9 : i32
      %mul3A_178 = arith.muli %scan3A_47, %mul3A_177 : i32
      %add3A_179 = arith.constant 4 : i32
      %add3A_180 = arith.addi %mul3A_178, %add3A_179 : i32
      %dma_wait3A_181 = arith.constant 0 : i32
      %dma_wait3A_182 = tpu.memref_slice %arg4[%add3A_180, %dma_wait3A_181] : memref<162x128xi32, #tpu.memory_space<vmem>> -> memref<1x128xi32, #tpu.memory_space<vmem>>
      %dma_wait3A_183 = tpu.memref_squeeze %dma_wait3A_182 : memref<1x128xi32, #tpu.memory_space<vmem>> -> memref<128xi32, #tpu.memory_space<vmem>>
      %dma_wait3A_184 = arith.constant 0 : i32
      %dma_wait3A_185 = arith.constant 0 : i32
      %dma_wait3A_186 = tpu.memref_slice %arg6[%dma_wait3A_184, %dma_wait3A_185] : memref<10240x128xf32, #tpu.memory_space<vmem_shared>> -> memref<10240x128xf32, #tpu.memory_space<vmem_shared>>
      tpu.wait_indirect_dma semaphore(%arg7 : memref<!tpu.dma_semaphore, #tpu.memory_space<semaphore_mem>>) src(%arg5 : memref<128x128xf32, #tpu.memory_space<vmem>>) dst(%dma_wait3A_186 : memref<10240x128xf32, #tpu.memory_space<vmem_shared>>)
      %mul3A_187 = arith.constant 9 : i32
      %mul3A_188 = arith.muli %scan3A_47, %mul3A_187 : i32
      %add3A_189 = arith.constant 5 : i32
      %add3A_190 = arith.addi %mul3A_188, %add3A_189 : i32
      %dma_wait3A_191 = arith.constant 0 : i32
      %dma_wait3A_192 = tpu.memref_slice %arg4[%add3A_190, %dma_wait3A_191] : memref<162x128xi32, #tpu.memory_space<vmem>> -> memref<1x128xi32, #tpu.memory_space<vmem>>
      %dma_wait3A_193 = tpu.memref_squeeze %dma_wait3A_192 : memref<1x128xi32, #tpu.memory_space<vmem>> -> memref<128xi32, #tpu.memory_space<vmem>>
      %dma_wait3A_194 = arith.constant 0 : i32
      %dma_wait3A_195 = arith.constant 0 : i32
      %dma_wait3A_196 = tpu.memref_slice %arg6[%dma_wait3A_194, %dma_wait3A_195] : memref<10240x128xf32, #tpu.memory_space<vmem_shared>> -> memref<10240x128xf32, #tpu.memory_space<vmem_shared>>
      tpu.wait_indirect_dma semaphore(%arg7 : memref<!tpu.dma_semaphore, #tpu.memory_space<semaphore_mem>>) src(%arg5 : memref<128x128xf32, #tpu.memory_space<vmem>>) dst(%dma_wait3A_196 : memref<10240x128xf32, #tpu.memory_space<vmem_shared>>)
      %mul3A_197 = arith.constant 9 : i32
      %mul3A_198 = arith.muli %scan3A_47, %mul3A_197 : i32
      %add3A_199 = arith.constant 6 : i32
      %add3A_200 = arith.addi %mul3A_198, %add3A_199 : i32
      %dma_wait3A_201 = arith.constant 0 : i32
      %dma_wait3A_202 = tpu.memref_slice %arg4[%add3A_200, %dma_wait3A_201] : memref<162x128xi32, #tpu.memory_space<vmem>> -> memref<1x128xi32, #tpu.memory_space<vmem>>
      %dma_wait3A_203 = tpu.memref_squeeze %dma_wait3A_202 : memref<1x128xi32, #tpu.memory_space<vmem>> -> memref<128xi32, #tpu.memory_space<vmem>>
      %dma_wait3A_204 = arith.constant 0 : i32
      %dma_wait3A_205 = arith.constant 0 : i32
      %dma_wait3A_206 = tpu.memref_slice %arg6[%dma_wait3A_204, %dma_wait3A_205] : memref<10240x128xf32, #tpu.memory_space<vmem_shared>> -> memref<10240x128xf32, #tpu.memory_space<vmem_shared>>
      tpu.wait_indirect_dma semaphore(%arg7 : memref<!tpu.dma_semaphore, #tpu.memory_space<semaphore_mem>>) src(%arg5 : memref<128x128xf32, #tpu.memory_space<vmem>>) dst(%dma_wait3A_206 : memref<10240x128xf32, #tpu.memory_space<vmem_shared>>)
      %mul3A_207 = arith.constant 9 : i32
      %mul3A_208 = arith.muli %scan3A_47, %mul3A_207 : i32
      %add3A_209 = arith.constant 7 : i32
      %add3A_210 = arith.addi %mul3A_208, %add3A_209 : i32
      %dma_wait3A_211 = arith.constant 0 : i32
      %dma_wait3A_212 = tpu.memref_slice %arg4[%add3A_210, %dma_wait3A_211] : memref<162x128xi32, #tpu.memory_space<vmem>> -> memref<1x128xi32, #tpu.memory_space<vmem>>
      %dma_wait3A_213 = tpu.memref_squeeze %dma_wait3A_212 : memref<1x128xi32, #tpu.memory_space<vmem>> -> memref<128xi32, #tpu.memory_space<vmem>>
      %dma_wait3A_214 = arith.constant 0 : i32
      %dma_wait3A_215 = arith.constant 0 : i32
      %dma_wait3A_216 = tpu.memref_slice %arg6[%dma_wait3A_214, %dma_wait3A_215] : memref<10240x128xf32, #tpu.memory_space<vmem_shared>> -> memref<10240x128xf32, #tpu.memory_space<vmem_shared>>
      tpu.wait_indirect_dma semaphore(%arg7 : memref<!tpu.dma_semaphore, #tpu.memory_space<semaphore_mem>>) src(%arg5 : memref<128x128xf32, #tpu.memory_space<vmem>>) dst(%dma_wait3A_216 : memref<10240x128xf32, #tpu.memory_space<vmem_shared>>)
      %mul3A_217 = arith.constant 9 : i32
      %mul3A_218 = arith.muli %scan3A_47, %mul3A_217 : i32
      %add3A_219 = arith.constant 8 : i32
      %add3A_220 = arith.addi %mul3A_218, %add3A_219 : i32
      %dma_wait3A_221 = arith.constant 0 : i32
      %dma_wait3A_222 = tpu.memref_slice %arg4[%add3A_220, %dma_wait3A_221] : memref<162x128xi32, #tpu.memory_space<vmem>> -> memref<1x128xi32, #tpu.memory_space<vmem>>
      %dma_wait3A_223 = tpu.memref_squeeze %dma_wait3A_222 : memref<1x128xi32, #tpu.memory_space<vmem>> -> memref<128xi32, #tpu.memory_space<vmem>>
      %dma_wait3A_224 = arith.constant 0 : i32
      %dma_wait3A_225 = arith.constant 0 : i32
      %dma_wait3A_226 = tpu.memref_slice %arg6[%dma_wait3A_224, %dma_wait3A_225] : memref<10240x128xf32, #tpu.memory_space<vmem_shared>> -> memref<10240x128xf32, #tpu.memory_space<vmem_shared>>
      tpu.wait_indirect_dma semaphore(%arg7 : memref<!tpu.dma_semaphore, #tpu.memory_space<semaphore_mem>>) src(%arg5 : memref<128x128xf32, #tpu.memory_space<vmem>>) dst(%dma_wait3A_226 : memref<10240x128xf32, #tpu.memory_space<vmem_shared>>)
      %scan3A_227 = arith.constant 0 : i32
      scf.yield %scan3A_227 : i32
    }
    %scan3A_43 = arith.constant 18 : i32
    %barrier3A_44 = arith.constant 0 : index
    tpu.barrier barrier_id(%barrier3A_44)
    %mul3A_45 = arith.constant 640 : i32
    %mul3A_46 = arith.muli %arg1, %mul3A_45 : i32
    "tpu.region"() ({
      %run_scoped3A = tpu.sem_alloc : memref<!tpu.dma_semaphore, #tpu.memory_space<semaphore_mem>>
      %dma_start3A = arith.constant 0 : i32
      %dma_start3A_47 = tpu.memref_slice %arg3[%arg0, %mul3A_46, %dma_start3A] : memref<2x10240x128xf32, #tpu.memory_space<hbm>> -> memref<1x640x128xf32, #tpu.memory_space<hbm>>
      %dma_start3A_48 = tpu.memref_squeeze %dma_start3A_47 : memref<1x640x128xf32, #tpu.memory_space<hbm>> -> memref<640x128xf32, #tpu.memory_space<hbm>>
      %dma_start3A_49 = arith.constant 0 : i32
      %dma_start3A_50 = tpu.memref_slice %arg6[%mul3A_46, %dma_start3A_49] : memref<10240x128xf32, #tpu.memory_space<vmem_shared>> -> memref<640x128xf32, #tpu.memory_space<vmem_shared>>
      tpu.enqueue_dma source(%dma_start3A_50 : memref<640x128xf32, #tpu.memory_space<vmem_shared>>) target(%dma_start3A_48 : memref<640x128xf32, #tpu.memory_space<hbm>>) target_semaphore(%run_scoped3A : memref<!tpu.dma_semaphore, #tpu.memory_space<semaphore_mem>>)
      %dma_wait3A = arith.constant 0 : i32
      %dma_wait3A_51 = tpu.memref_slice %arg3[%arg0, %mul3A_46, %dma_wait3A] : memref<2x10240x128xf32, #tpu.memory_space<hbm>> -> memref<1x640x128xf32, #tpu.memory_space<hbm>>
      %dma_wait3A_52 = tpu.memref_squeeze %dma_wait3A_51 : memref<1x640x128xf32, #tpu.memory_space<hbm>> -> memref<640x128xf32, #tpu.memory_space<hbm>>
      %dma_wait3A_53 = arith.constant 0 : i32
      %dma_wait3A_54 = tpu.memref_slice %arg6[%mul3A_46, %dma_wait3A_53] : memref<10240x128xf32, #tpu.memory_space<vmem_shared>> -> memref<640x128xf32, #tpu.memory_space<vmem_shared>>
      tpu.wait_dma2 semaphore(%run_scoped3A : memref<!tpu.dma_semaphore, #tpu.memory_space<semaphore_mem>>) src(%dma_wait3A_54 : memref<640x128xf32, #tpu.memory_space<vmem_shared>>) dst(%dma_wait3A_52 : memref<640x128xf32, #tpu.memory_space<hbm>>)
      tpu.yield
    }) : () -> ()
    return
  }
}

#map = affine_map<(d0, d1) -> (0, 0)>
#map1 = affine_map<(d0, d1) -> (0, 0, 0)>
module attributes {stable_mosaic.version = 14 : i64} {
  func.func @_sc_scatter_body(%arg0: i32, %arg1: i32, %arg2: memref<10000x128xf32, #tpu.memory_space<hbm>>, %arg3: memref<32x81x128xi32, #tpu.memory_space<hbm>>, %arg4: memref<32x81x128xi32, #tpu.memory_space<hbm>>, %arg5: memref<2x10240x128xf32, #tpu.memory_space<hbm>>, %arg6: memref<81x128xi32, #tpu.memory_space<vmem>>, %arg7: memref<81x128xi32, #tpu.memory_space<vmem>>, %arg8: memref<128x128xf32, #tpu.memory_space<vmem>>, %arg9: memref<10240x128xf32, #tpu.memory_space<vmem_shared>>, %arg10: memref<!tpu.dma_semaphore, #tpu.memory_space<semaphore_mem>>, %arg11: memref<!tpu.dma_semaphore, #tpu.memory_space<semaphore_mem>>) attributes {dimension_semantics = [#tpu.dimension_semantics<core_parallel>, #tpu.dimension_semantics<subcore_parallel>], iteration_bounds = array<i64: 2, 16>, scalar_prefetch = 0 : i64, scratch_operands = 6 : i64, tpu.core_type = #tpu.core_type<sc_vector_subcore>, window_params = [{transform_indices = #map}, {transform_indices = #map1}, {transform_indices = #map1}, {transform_indices = #map1}]} {
    %mul3A = arith.constant 16 : i32
    %mul3A_0 = arith.muli %arg0, %mul3A : i32
    %add3A = arith.addi %mul3A_0, %arg1 : i32
    "tpu.region"() ({
      %run_scoped3A = tpu.sem_alloc : memref<!tpu.dma_semaphore, #tpu.memory_space<semaphore_mem>>
      %dma_start3A = arith.constant 0 : i32
      %dma_start3A_38 = arith.constant 0 : i32
      %dma_start3A_39 = tpu.memref_slice %arg3[%add3A, %dma_start3A, %dma_start3A_38] : memref<32x81x128xi32, #tpu.memory_space<hbm>> -> memref<1x81x128xi32, #tpu.memory_space<hbm>>
      %dma_start3A_40 = tpu.memref_squeeze %dma_start3A_39 : memref<1x81x128xi32, #tpu.memory_space<hbm>> -> memref<81x128xi32, #tpu.memory_space<hbm>>
      %dma_start3A_41 = arith.constant 0 : i32
      %dma_start3A_42 = arith.constant 0 : i32
      %dma_start3A_43 = tpu.memref_slice %arg3[%add3A, %dma_start3A_41, %dma_start3A_42] : memref<32x81x128xi32, #tpu.memory_space<hbm>> -> memref<1x81x128xi32, #tpu.memory_space<hbm>>
      %dma_start3A_44 = tpu.memref_squeeze %dma_start3A_43 : memref<1x81x128xi32, #tpu.memory_space<hbm>> -> memref<81x128xi32, #tpu.memory_space<hbm>>
      tpu.enqueue_dma source(%dma_start3A_44 : memref<81x128xi32, #tpu.memory_space<hbm>>) target(%arg6 : memref<81x128xi32, #tpu.memory_space<vmem>>) target_semaphore(%run_scoped3A : memref<!tpu.dma_semaphore, #tpu.memory_space<semaphore_mem>>)
      %dma_wait3A = arith.constant 0 : i32
      %dma_wait3A_45 = arith.constant 0 : i32
      %dma_wait3A_46 = tpu.memref_slice %arg3[%add3A, %dma_wait3A, %dma_wait3A_45] : memref<32x81x128xi32, #tpu.memory_space<hbm>> -> memref<1x81x128xi32, #tpu.memory_space<hbm>>
      %dma_wait3A_47 = tpu.memref_squeeze %dma_wait3A_46 : memref<1x81x128xi32, #tpu.memory_space<hbm>> -> memref<81x128xi32, #tpu.memory_space<hbm>>
      %dma_wait3A_48 = arith.constant 0 : i32
      %dma_wait3A_49 = arith.constant 0 : i32
      %dma_wait3A_50 = tpu.memref_slice %arg3[%add3A, %dma_wait3A_48, %dma_wait3A_49] : memref<32x81x128xi32, #tpu.memory_space<hbm>> -> memref<1x81x128xi32, #tpu.memory_space<hbm>>
      %dma_wait3A_51 = tpu.memref_squeeze %dma_wait3A_50 : memref<1x81x128xi32, #tpu.memory_space<hbm>> -> memref<81x128xi32, #tpu.memory_space<hbm>>
      tpu.wait_dma2 semaphore(%run_scoped3A : memref<!tpu.dma_semaphore, #tpu.memory_space<semaphore_mem>>) src(%dma_wait3A_51 : memref<81x128xi32, #tpu.memory_space<hbm>>) dst(%arg6 : memref<81x128xi32, #tpu.memory_space<vmem>>)
      tpu.yield
    }) : () -> ()
    "tpu.region"() ({
      %run_scoped3A = tpu.sem_alloc : memref<!tpu.dma_semaphore, #tpu.memory_space<semaphore_mem>>
      %dma_start3A = arith.constant 0 : i32
      %dma_start3A_38 = arith.constant 0 : i32
      %dma_start3A_39 = tpu.memref_slice %arg4[%add3A, %dma_start3A, %dma_start3A_38] : memref<32x81x128xi32, #tpu.memory_space<hbm>> -> memref<1x81x128xi32, #tpu.memory_space<hbm>>
      %dma_start3A_40 = tpu.memref_squeeze %dma_start3A_39 : memref<1x81x128xi32, #tpu.memory_space<hbm>> -> memref<81x128xi32, #tpu.memory_space<hbm>>
      %dma_start3A_41 = arith.constant 0 : i32
      %dma_start3A_42 = arith.constant 0 : i32
      %dma_start3A_43 = tpu.memref_slice %arg4[%add3A, %dma_start3A_41, %dma_start3A_42] : memref<32x81x128xi32, #tpu.memory_space<hbm>> -> memref<1x81x128xi32, #tpu.memory_space<hbm>>
      %dma_start3A_44 = tpu.memref_squeeze %dma_start3A_43 : memref<1x81x128xi32, #tpu.memory_space<hbm>> -> memref<81x128xi32, #tpu.memory_space<hbm>>
      tpu.enqueue_dma source(%dma_start3A_44 : memref<81x128xi32, #tpu.memory_space<hbm>>) target(%arg7 : memref<81x128xi32, #tpu.memory_space<vmem>>) target_semaphore(%run_scoped3A : memref<!tpu.dma_semaphore, #tpu.memory_space<semaphore_mem>>)
      %dma_wait3A = arith.constant 0 : i32
      %dma_wait3A_45 = arith.constant 0 : i32
      %dma_wait3A_46 = tpu.memref_slice %arg4[%add3A, %dma_wait3A, %dma_wait3A_45] : memref<32x81x128xi32, #tpu.memory_space<hbm>> -> memref<1x81x128xi32, #tpu.memory_space<hbm>>
      %dma_wait3A_47 = tpu.memref_squeeze %dma_wait3A_46 : memref<1x81x128xi32, #tpu.memory_space<hbm>> -> memref<81x128xi32, #tpu.memory_space<hbm>>
      %dma_wait3A_48 = arith.constant 0 : i32
      %dma_wait3A_49 = arith.constant 0 : i32
      %dma_wait3A_50 = tpu.memref_slice %arg4[%add3A, %dma_wait3A_48, %dma_wait3A_49] : memref<32x81x128xi32, #tpu.memory_space<hbm>> -> memref<1x81x128xi32, #tpu.memory_space<hbm>>
      %dma_wait3A_51 = tpu.memref_squeeze %dma_wait3A_50 : memref<1x81x128xi32, #tpu.memory_space<hbm>> -> memref<81x128xi32, #tpu.memory_space<hbm>>
      tpu.wait_dma2 semaphore(%run_scoped3A : memref<!tpu.dma_semaphore, #tpu.memory_space<semaphore_mem>>) src(%dma_wait3A_51 : memref<81x128xi32, #tpu.memory_space<hbm>>) dst(%arg7 : memref<81x128xi32, #tpu.memory_space<vmem>>)
      tpu.yield
    }) : () -> ()
    %broadcast_in_dim3A = arith.constant 0.000000e+00 : f32
    %broadcast_in_dim3A_1 = vector.broadcast %broadcast_in_dim3A : f32 to vector<16xf32>
    %scan3A = arith.constant 0 : i32
    %scan3A_2 = arith.constant 0 : i32
    %scan3A_3 = arith.constant 128 : i32
    %scan3A_4 = arith.addi %scan3A_2, %scan3A_3 : i32
    %scan3A_5 = arith.constant 1 : i32
    %scan3A_6 = scf.for %scan3A_38 = %scan3A_2 to %scan3A_4 step %scan3A_5 iter_args(%scan3A_39 = %scan3A) -> (i32)  : i32 {
      %swap3A = arith.index_cast %scan3A_38 : i32 to index
      %swap3A_40 = arith.constant 0 : index
      %swap3A_41 = tpu.vector_load %arg8[%swap3A, %swap3A_40] {strides = array<i32>} : memref<128x128xf32, #tpu.memory_space<vmem>>, vector<1x16xf32>,
      %swap3A_42 = vector.shape_cast %swap3A_41 : vector<1x16xf32> to vector<16xf32>
      %swap3A_43 = vector.shape_cast %broadcast_in_dim3A_1 : vector<16xf32> to vector<1x16xf32>
      tpu.vector_store %arg8[%swap3A, %swap3A_40], %swap3A_43 {strides = array<i32>} : memref<128x128xf32, #tpu.memory_space<vmem>>, vector<1x16xf32>,
      %swap3A_44 = arith.index_cast %scan3A_38 : i32 to index
      %swap3A_45 = arith.constant 16 : index
      %swap3A_46 = tpu.vector_load %arg8[%swap3A_44, %swap3A_45] {strides = array<i32>} : memref<128x128xf32, #tpu.memory_space<vmem>>, vector<1x16xf32>,
      %swap3A_47 = vector.shape_cast %swap3A_46 : vector<1x16xf32> to vector<16xf32>
      %swap3A_48 = vector.shape_cast %broadcast_in_dim3A_1 : vector<16xf32> to vector<1x16xf32>
      tpu.vector_store %arg8[%swap3A_44, %swap3A_45], %swap3A_48 {strides = array<i32>} : memref<128x128xf32, #tpu.memory_space<vmem>>, vector<1x16xf32>,
      %swap3A_49 = arith.index_cast %scan3A_38 : i32 to index
      %swap3A_50 = arith.constant 32 : index
      %swap3A_51 = tpu.vector_load %arg8[%swap3A_49, %swap3A_50] {strides = array<i32>} : memref<128x128xf32, #tpu.memory_space<vmem>>, vector<1x16xf32>,
      %swap3A_52 = vector.shape_cast %swap3A_51 : vector<1x16xf32> to vector<16xf32>
      %swap3A_53 = vector.shape_cast %broadcast_in_dim3A_1 : vector<16xf32> to vector<1x16xf32>
      tpu.vector_store %arg8[%swap3A_49, %swap3A_50], %swap3A_53 {strides = array<i32>} : memref<128x128xf32, #tpu.memory_space<vmem>>, vector<1x16xf32>,
      %swap3A_54 = arith.index_cast %scan3A_38 : i32 to index
      %swap3A_55 = arith.constant 48 : index
      %swap3A_56 = tpu.vector_load %arg8[%swap3A_54, %swap3A_55] {strides = array<i32>} : memref<128x128xf32, #tpu.memory_space<vmem>>, vector<1x16xf32>,
      %swap3A_57 = vector.shape_cast %swap3A_56 : vector<1x16xf32> to vector<16xf32>
      %swap3A_58 = vector.shape_cast %broadcast_in_dim3A_1 : vector<16xf32> to vector<1x16xf32>
      tpu.vector_store %arg8[%swap3A_54, %swap3A_55], %swap3A_58 {strides = array<i32>} : memref<128x128xf32, #tpu.memory_space<vmem>>, vector<1x16xf32>,
      %swap3A_59 = arith.index_cast %scan3A_38 : i32 to index
      %swap3A_60 = arith.constant 64 : index
      %swap3A_61 = tpu.vector_load %arg8[%swap3A_59, %swap3A_60] {strides = array<i32>} : memref<128x128xf32, #tpu.memory_space<vmem>>, vector<1x16xf32>,
      %swap3A_62 = vector.shape_cast %swap3A_61 : vector<1x16xf32> to vector<16xf32>
      %swap3A_63 = vector.shape_cast %broadcast_in_dim3A_1 : vector<16xf32> to vector<1x16xf32>
      tpu.vector_store %arg8[%swap3A_59, %swap3A_60], %swap3A_63 {strides = array<i32>} : memref<128x128xf32, #tpu.memory_space<vmem>>, vector<1x16xf32>,
      %swap3A_64 = arith.index_cast %scan3A_38 : i32 to index
      %swap3A_65 = arith.constant 80 : index
      %swap3A_66 = tpu.vector_load %arg8[%swap3A_64, %swap3A_65] {strides = array<i32>} : memref<128x128xf32, #tpu.memory_space<vmem>>, vector<1x16xf32>,
      %swap3A_67 = vector.shape_cast %swap3A_66 : vector<1x16xf32> to vector<16xf32>
      %swap3A_68 = vector.shape_cast %broadcast_in_dim3A_1 : vector<16xf32> to vector<1x16xf32>
      tpu.vector_store %arg8[%swap3A_64, %swap3A_65], %swap3A_68 {strides = array<i32>} : memref<128x128xf32, #tpu.memory_space<vmem>>, vector<1x16xf32>,
      %swap3A_69 = arith.index_cast %scan3A_38 : i32 to index
      %swap3A_70 = arith.constant 96 : index
      %swap3A_71 = tpu.vector_load %arg8[%swap3A_69, %swap3A_70] {strides = array<i32>} : memref<128x128xf32, #tpu.memory_space<vmem>>, vector<1x16xf32>,
      %swap3A_72 = vector.shape_cast %swap3A_71 : vector<1x16xf32> to vector<16xf32>
      %swap3A_73 = vector.shape_cast %broadcast_in_dim3A_1 : vector<16xf32> to vector<1x16xf32>
      tpu.vector_store %arg8[%swap3A_69, %swap3A_70], %swap3A_73 {strides = array<i32>} : memref<128x128xf32, #tpu.memory_space<vmem>>, vector<1x16xf32>,
      %swap3A_74 = arith.index_cast %scan3A_38 : i32 to index
      %swap3A_75 = arith.constant 112 : index
      %swap3A_76 = tpu.vector_load %arg8[%swap3A_74, %swap3A_75] {strides = array<i32>} : memref<128x128xf32, #tpu.memory_space<vmem>>, vector<1x16xf32>,
      %swap3A_77 = vector.shape_cast %swap3A_76 : vector<1x16xf32> to vector<16xf32>
      %swap3A_78 = vector.shape_cast %broadcast_in_dim3A_1 : vector<16xf32> to vector<1x16xf32>
      tpu.vector_store %arg8[%swap3A_74, %swap3A_75], %swap3A_78 {strides = array<i32>} : memref<128x128xf32, #tpu.memory_space<vmem>>, vector<1x16xf32>,
      %scan3A_79 = arith.constant 0 : i32
      scf.yield %scan3A_79 : i32
    }
    %scan3A_7 = arith.constant 128 : i32
    %mul3A_8 = arith.constant 640 : i32
    %mul3A_9 = arith.muli %arg1, %mul3A_8 : i32
    %add3A_10 = arith.constant 0 : i32
    %add3A_11 = arith.addi %mul3A_9, %add3A_10 : i32
    "tpu.region"() ({
      %run_scoped3A = tpu.sem_alloc : memref<!tpu.dma_semaphore, #tpu.memory_space<semaphore_mem>>
      %dma_start3A = arith.constant 0 : i32
      %dma_start3A_38 = tpu.memref_slice %arg9[%add3A_11, %dma_start3A] : memref<10240x128xf32, #tpu.memory_space<vmem_shared>> -> memref<128x128xf32, #tpu.memory_space<vmem_shared>>
      %dma_start3A_39 = arith.constant 0 : i32
      %dma_start3A_40 = tpu.memref_slice %arg9[%add3A_11, %dma_start3A_39] : memref<10240x128xf32, #tpu.memory_space<vmem_shared>> -> memref<128x128xf32, #tpu.memory_space<vmem_shared>>
      tpu.enqueue_dma source(%arg8 : memref<128x128xf32, #tpu.memory_space<vmem>>) target(%dma_start3A_40 : memref<128x128xf32, #tpu.memory_space<vmem_shared>>) target_semaphore(%run_scoped3A : memref<!tpu.dma_semaphore, #tpu.memory_space<semaphore_mem>>)
      %dma_wait3A = arith.constant 0 : i32
      %dma_wait3A_41 = tpu.memref_slice %arg9[%add3A_11, %dma_wait3A] : memref<10240x128xf32, #tpu.memory_space<vmem_shared>> -> memref<128x128xf32, #tpu.memory_space<vmem_shared>>
      %dma_wait3A_42 = arith.constant 0 : i32
      %dma_wait3A_43 = tpu.memref_slice %arg9[%add3A_11, %dma_wait3A_42] : memref<10240x128xf32, #tpu.memory_space<vmem_shared>> -> memref<128x128xf32, #tpu.memory_space<vmem_shared>>
      tpu.wait_dma2 semaphore(%run_scoped3A : memref<!tpu.dma_semaphore, #tpu.memory_space<semaphore_mem>>) src(%arg8 : memref<128x128xf32, #tpu.memory_space<vmem>>) dst(%dma_wait3A_43 : memref<128x128xf32, #tpu.memory_space<vmem_shared>>)
      tpu.yield
    }) : () -> ()
    %mul3A_12 = arith.constant 640 : i32
    %mul3A_13 = arith.muli %arg1, %mul3A_12 : i32
    %add3A_14 = arith.constant 128 : i32
    %add3A_15 = arith.addi %mul3A_13, %add3A_14 : i32
    "tpu.region"() ({
      %run_scoped3A = tpu.sem_alloc : memref<!tpu.dma_semaphore, #tpu.memory_space<semaphore_mem>>
      %dma_start3A = arith.constant 0 : i32
      %dma_start3A_38 = tpu.memref_slice %arg9[%add3A_15, %dma_start3A] : memref<10240x128xf32, #tpu.memory_space<vmem_shared>> -> memref<128x128xf32, #tpu.memory_space<vmem_shared>>
      %dma_start3A_39 = arith.constant 0 : i32
      %dma_start3A_40 = tpu.memref_slice %arg9[%add3A_15, %dma_start3A_39] : memref<10240x128xf32, #tpu.memory_space<vmem_shared>> -> memref<128x128xf32, #tpu.memory_space<vmem_shared>>
      tpu.enqueue_dma source(%arg8 : memref<128x128xf32, #tpu.memory_space<vmem>>) target(%dma_start3A_40 : memref<128x128xf32, #tpu.memory_space<vmem_shared>>) target_semaphore(%run_scoped3A : memref<!tpu.dma_semaphore, #tpu.memory_space<semaphore_mem>>)
      %dma_wait3A = arith.constant 0 : i32
      %dma_wait3A_41 = tpu.memref_slice %arg9[%add3A_15, %dma_wait3A] : memref<10240x128xf32, #tpu.memory_space<vmem_shared>> -> memref<128x128xf32, #tpu.memory_space<vmem_shared>>
      %dma_wait3A_42 = arith.constant 0 : i32
      %dma_wait3A_43 = tpu.memref_slice %arg9[%add3A_15, %dma_wait3A_42] : memref<10240x128xf32, #tpu.memory_space<vmem_shared>> -> memref<128x128xf32, #tpu.memory_space<vmem_shared>>
      tpu.wait_dma2 semaphore(%run_scoped3A : memref<!tpu.dma_semaphore, #tpu.memory_space<semaphore_mem>>) src(%arg8 : memref<128x128xf32, #tpu.memory_space<vmem>>) dst(%dma_wait3A_43 : memref<128x128xf32, #tpu.memory_space<vmem_shared>>)
      tpu.yield
    }) : () -> ()
    %mul3A_16 = arith.constant 640 : i32
    %mul3A_17 = arith.muli %arg1, %mul3A_16 : i32
    %add3A_18 = arith.constant 256 : i32
    %add3A_19 = arith.addi %mul3A_17, %add3A_18 : i32
    "tpu.region"() ({
      %run_scoped3A = tpu.sem_alloc : memref<!tpu.dma_semaphore, #tpu.memory_space<semaphore_mem>>
      %dma_start3A = arith.constant 0 : i32
      %dma_start3A_38 = tpu.memref_slice %arg9[%add3A_19, %dma_start3A] : memref<10240x128xf32, #tpu.memory_space<vmem_shared>> -> memref<128x128xf32, #tpu.memory_space<vmem_shared>>
      %dma_start3A_39 = arith.constant 0 : i32
      %dma_start3A_40 = tpu.memref_slice %arg9[%add3A_19, %dma_start3A_39] : memref<10240x128xf32, #tpu.memory_space<vmem_shared>> -> memref<128x128xf32, #tpu.memory_space<vmem_shared>>
      tpu.enqueue_dma source(%arg8 : memref<128x128xf32, #tpu.memory_space<vmem>>) target(%dma_start3A_40 : memref<128x128xf32, #tpu.memory_space<vmem_shared>>) target_semaphore(%run_scoped3A : memref<!tpu.dma_semaphore, #tpu.memory_space<semaphore_mem>>)
      %dma_wait3A = arith.constant 0 : i32
      %dma_wait3A_41 = tpu.memref_slice %arg9[%add3A_19, %dma_wait3A] : memref<10240x128xf32, #tpu.memory_space<vmem_shared>> -> memref<128x128xf32, #tpu.memory_space<vmem_shared>>
      %dma_wait3A_42 = arith.constant 0 : i32
      %dma_wait3A_43 = tpu.memref_slice %arg9[%add3A_19, %dma_wait3A_42] : memref<10240x128xf32, #tpu.memory_space<vmem_shared>> -> memref<128x128xf32, #tpu.memory_space<vmem_shared>>
      tpu.wait_dma2 semaphore(%run_scoped3A : memref<!tpu.dma_semaphore, #tpu.memory_space<semaphore_mem>>) src(%arg8 : memref<128x128xf32, #tpu.memory_space<vmem>>) dst(%dma_wait3A_43 : memref<128x128xf32, #tpu.memory_space<vmem_shared>>)
      tpu.yield
    }) : () -> ()
    %mul3A_20 = arith.constant 640 : i32
    %mul3A_21 = arith.muli %arg1, %mul3A_20 : i32
    %add3A_22 = arith.constant 384 : i32
    %add3A_23 = arith.addi %mul3A_21, %add3A_22 : i32
    "tpu.region"() ({
      %run_scoped3A = tpu.sem_alloc : memref<!tpu.dma_semaphore, #tpu.memory_space<semaphore_mem>>
      %dma_start3A = arith.constant 0 : i32
      %dma_start3A_38 = tpu.memref_slice %arg9[%add3A_23, %dma_start3A] : memref<10240x128xf32, #tpu.memory_space<vmem_shared>> -> memref<128x128xf32, #tpu.memory_space<vmem_shared>>
      %dma_start3A_39 = arith.constant 0 : i32
      %dma_start3A_40 = tpu.memref_slice %arg9[%add3A_23, %dma_start3A_39] : memref<10240x128xf32, #tpu.memory_space<vmem_shared>> -> memref<128x128xf32, #tpu.memory_space<vmem_shared>>
      tpu.enqueue_dma source(%arg8 : memref<128x128xf32, #tpu.memory_space<vmem>>) target(%dma_start3A_40 : memref<128x128xf32, #tpu.memory_space<vmem_shared>>) target_semaphore(%run_scoped3A : memref<!tpu.dma_semaphore, #tpu.memory_space<semaphore_mem>>)
      %dma_wait3A = arith.constant 0 : i32
      %dma_wait3A_41 = tpu.memref_slice %arg9[%add3A_23, %dma_wait3A] : memref<10240x128xf32, #tpu.memory_space<vmem_shared>> -> memref<128x128xf32, #tpu.memory_space<vmem_shared>>
      %dma_wait3A_42 = arith.constant 0 : i32
      %dma_wait3A_43 = tpu.memref_slice %arg9[%add3A_23, %dma_wait3A_42] : memref<10240x128xf32, #tpu.memory_space<vmem_shared>> -> memref<128x128xf32, #tpu.memory_space<vmem_shared>>
      tpu.wait_dma2 semaphore(%run_scoped3A : memref<!tpu.dma_semaphore, #tpu.memory_space<semaphore_mem>>) src(%arg8 : memref<128x128xf32, #tpu.memory_space<vmem>>) dst(%dma_wait3A_43 : memref<128x128xf32, #tpu.memory_space<vmem_shared>>)
      tpu.yield
    }) : () -> ()
    %mul3A_24 = arith.constant 640 : i32
    %mul3A_25 = arith.muli %arg1, %mul3A_24 : i32
    %add3A_26 = arith.constant 512 : i32
    %add3A_27 = arith.addi %mul3A_25, %add3A_26 : i32
    "tpu.region"() ({
      %run_scoped3A = tpu.sem_alloc : memref<!tpu.dma_semaphore, #tpu.memory_space<semaphore_mem>>
      %dma_start3A = arith.constant 0 : i32
      %dma_start3A_38 = tpu.memref_slice %arg9[%add3A_27, %dma_start3A] : memref<10240x128xf32, #tpu.memory_space<vmem_shared>> -> memref<128x128xf32, #tpu.memory_space<vmem_shared>>
      %dma_start3A_39 = arith.constant 0 : i32
      %dma_start3A_40 = tpu.memref_slice %arg9[%add3A_27, %dma_start3A_39] : memref<10240x128xf32, #tpu.memory_space<vmem_shared>> -> memref<128x128xf32, #tpu.memory_space<vmem_shared>>
      tpu.enqueue_dma source(%arg8 : memref<128x128xf32, #tpu.memory_space<vmem>>) target(%dma_start3A_40 : memref<128x128xf32, #tpu.memory_space<vmem_shared>>) target_semaphore(%run_scoped3A : memref<!tpu.dma_semaphore, #tpu.memory_space<semaphore_mem>>)
      %dma_wait3A = arith.constant 0 : i32
      %dma_wait3A_41 = tpu.memref_slice %arg9[%add3A_27, %dma_wait3A] : memref<10240x128xf32, #tpu.memory_space<vmem_shared>> -> memref<128x128xf32, #tpu.memory_space<vmem_shared>>
      %dma_wait3A_42 = arith.constant 0 : i32
      %dma_wait3A_43 = tpu.memref_slice %arg9[%add3A_27, %dma_wait3A_42] : memref<10240x128xf32, #tpu.memory_space<vmem_shared>> -> memref<128x128xf32, #tpu.memory_space<vmem_shared>>
      tpu.wait_dma2 semaphore(%run_scoped3A : memref<!tpu.dma_semaphore, #tpu.memory_space<semaphore_mem>>) src(%arg8 : memref<128x128xf32, #tpu.memory_space<vmem>>) dst(%dma_wait3A_43 : memref<128x128xf32, #tpu.memory_space<vmem_shared>>)
      tpu.yield
    }) : () -> ()
    %barrier3A = arith.constant 0 : index
    tpu.barrier barrier_id(%barrier3A)
    %scan3A_28 = arith.constant 0 : i32
    %scan3A_29 = arith.constant 0 : i32
    %scan3A_30 = arith.constant 81 : i32
    %scan3A_31 = arith.addi %scan3A_29, %scan3A_30 : i32
    %scan3A_32 = arith.constant 1 : i32
    %scan3A_33 = scf.for %scan3A_38 = %scan3A_29 to %scan3A_31 step %scan3A_32 iter_args(%scan3A_39 = %scan3A_28) -> (i32)  : i32 {
      %dma_start3A = arith.constant 0 : i32
      %dma_start3A_40 = tpu.memref_slice %arg6[%scan3A_38, %dma_start3A] : memref<81x128xi32, #tpu.memory_space<vmem>> -> memref<1x128xi32, #tpu.memory_space<vmem>>
      %dma_start3A_41 = tpu.memref_squeeze %dma_start3A_40 : memref<1x128xi32, #tpu.memory_space<vmem>> -> memref<128xi32, #tpu.memory_space<vmem>>
      %dma_start3A_42 = arith.constant 0 : i32
      %dma_start3A_43 = arith.constant 0 : i32
      %dma_start3A_44 = tpu.memref_slice %arg2[%dma_start3A_42, %dma_start3A_43] : memref<10000x128xf32, #tpu.memory_space<hbm>> -> memref<10000x128xf32, #tpu.memory_space<hbm>>
      tpu.enqueue_indirect_dma source(%dma_start3A_44 : memref<10000x128xf32, #tpu.memory_space<hbm>>) target(%arg8 : memref<128x128xf32, #tpu.memory_space<vmem>>) offsets(%dma_start3A_41 : memref<128xi32, #tpu.memory_space<vmem>>) semaphore(%arg10 : memref<!tpu.dma_semaphore, #tpu.memory_space<semaphore_mem>>)
      %dma_wait3A = arith.constant 0 : i32
      %dma_wait3A_45 = tpu.memref_slice %arg6[%scan3A_38, %dma_wait3A] : memref<81x128xi32, #tpu.memory_space<vmem>> -> memref<1x128xi32, #tpu.memory_space<vmem>>
      %dma_wait3A_46 = tpu.memref_squeeze %dma_wait3A_45 : memref<1x128xi32, #tpu.memory_space<vmem>> -> memref<128xi32, #tpu.memory_space<vmem>>
      %dma_wait3A_47 = arith.constant 0 : i32
      %dma_wait3A_48 = arith.constant 0 : i32
      %dma_wait3A_49 = tpu.memref_slice %arg2[%dma_wait3A_47, %dma_wait3A_48] : memref<10000x128xf32, #tpu.memory_space<hbm>> -> memref<10000x128xf32, #tpu.memory_space<hbm>>
      tpu.wait_indirect_dma semaphore(%arg10 : memref<!tpu.dma_semaphore, #tpu.memory_space<semaphore_mem>>) src(%dma_wait3A_49 : memref<10000x128xf32, #tpu.memory_space<hbm>>) dst(%arg8 : memref<128x128xf32, #tpu.memory_space<vmem>>)
      %dma_start3A_50 = arith.constant 0 : i32
      %dma_start3A_51 = tpu.memref_slice %arg7[%scan3A_38, %dma_start3A_50] : memref<81x128xi32, #tpu.memory_space<vmem>> -> memref<1x128xi32, #tpu.memory_space<vmem>>
      %dma_start3A_52 = tpu.memref_squeeze %dma_start3A_51 : memref<1x128xi32, #tpu.memory_space<vmem>> -> memref<128xi32, #tpu.memory_space<vmem>>
      %dma_start3A_53 = arith.constant 0 : i32
      %dma_start3A_54 = arith.constant 0 : i32
      %dma_start3A_55 = tpu.memref_slice %arg9[%dma_start3A_53, %dma_start3A_54] : memref<10240x128xf32, #tpu.memory_space<vmem_shared>> -> memref<10240x128xf32, #tpu.memory_space<vmem_shared>>
      tpu.enqueue_indirect_dma source(%arg8 : memref<128x128xf32, #tpu.memory_space<vmem>>) target(%dma_start3A_55 : memref<10240x128xf32, #tpu.memory_space<vmem_shared>>) offsets(%dma_start3A_52 : memref<128xi32, #tpu.memory_space<vmem>>) semaphore(%arg11 : memref<!tpu.dma_semaphore, #tpu.memory_space<semaphore_mem>>) {add = true}
      %dma_wait3A_56 = arith.constant 0 : i32
      %dma_wait3A_57 = tpu.memref_slice %arg7[%scan3A_38, %dma_wait3A_56] : memref<81x128xi32, #tpu.memory_space<vmem>> -> memref<1x128xi32, #tpu.memory_space<vmem>>
      %dma_wait3A_58 = tpu.memref_squeeze %dma_wait3A_57 : memref<1x128xi32, #tpu.memory_space<vmem>> -> memref<128xi32, #tpu.memory_space<vmem>>
      %dma_wait3A_59 = arith.constant 0 : i32
      %dma_wait3A_60 = arith.constant 0 : i32
      %dma_wait3A_61 = tpu.memref_slice %arg9[%dma_wait3A_59, %dma_wait3A_60] : memref<10240x128xf32, #tpu.memory_space<vmem_shared>> -> memref<10240x128xf32, #tpu.memory_space<vmem_shared>>
      tpu.wait_indirect_dma semaphore(%arg11 : memref<!tpu.dma_semaphore, #tpu.memory_space<semaphore_mem>>) src(%arg8 : memref<128x128xf32, #tpu.memory_space<vmem>>) dst(%dma_wait3A_61 : memref<10240x128xf32, #tpu.memory_space<vmem_shared>>)
      %scan3A_62 = arith.constant 0 : i32
      scf.yield %scan3A_62 : i32
    }
    %scan3A_34 = arith.constant 81 : i32
    %barrier3A_35 = arith.constant 0 : index
    tpu.barrier barrier_id(%barrier3A_35)
    %mul3A_36 = arith.constant 640 : i32
    %mul3A_37 = arith.muli %arg1, %mul3A_36 : i32
    "tpu.region"() ({
      %run_scoped3A = tpu.sem_alloc : memref<!tpu.dma_semaphore, #tpu.memory_space<semaphore_mem>>
      %dma_start3A = arith.constant 0 : i32
      %dma_start3A_38 = tpu.memref_slice %arg5[%arg0, %mul3A_37, %dma_start3A] : memref<2x10240x128xf32, #tpu.memory_space<hbm>> -> memref<1x640x128xf32, #tpu.memory_space<hbm>>
      %dma_start3A_39 = tpu.memref_squeeze %dma_start3A_38 : memref<1x640x128xf32, #tpu.memory_space<hbm>> -> memref<640x128xf32, #tpu.memory_space<hbm>>
      %dma_start3A_40 = arith.constant 0 : i32
      %dma_start3A_41 = tpu.memref_slice %arg9[%mul3A_37, %dma_start3A_40] : memref<10240x128xf32, #tpu.memory_space<vmem_shared>> -> memref<640x128xf32, #tpu.memory_space<vmem_shared>>
      tpu.enqueue_dma source(%dma_start3A_41 : memref<640x128xf32, #tpu.memory_space<vmem_shared>>) target(%dma_start3A_39 : memref<640x128xf32, #tpu.memory_space<hbm>>) target_semaphore(%run_scoped3A : memref<!tpu.dma_semaphore, #tpu.memory_space<semaphore_mem>>)
      %dma_wait3A = arith.constant 0 : i32
      %dma_wait3A_42 = tpu.memref_slice %arg5[%arg0, %mul3A_37, %dma_wait3A] : memref<2x10240x128xf32, #tpu.memory_space<hbm>> -> memref<1x640x128xf32, #tpu.memory_space<hbm>>
      %dma_wait3A_43 = tpu.memref_squeeze %dma_wait3A_42 : memref<1x640x128xf32, #tpu.memory_space<hbm>> -> memref<640x128xf32, #tpu.memory_space<hbm>>
      %dma_wait3A_44 = arith.constant 0 : i32
      %dma_wait3A_45 = tpu.memref_slice %arg9[%mul3A_37, %dma_wait3A_44] : memref<10240x128xf32, #tpu.memory_space<vmem_shared>> -> memref<640x128xf32, #tpu.memory_space<vmem_shared>>
      tpu.wait_dma2 semaphore(%run_scoped3A : memref<!tpu.dma_semaphore, #tpu.memory_space<semaphore_mem>>) src(%dma_wait3A_45 : memref<640x128xf32, #tpu.memory_space<vmem_shared>>) dst(%dma_wait3A_43 : memref<640x128xf32, #tpu.memory_space<hbm>>)
      tpu.yield
    }) : () -> ()
    return
  }
}

#map = affine_map<(d0, d1) -> (0, 0)>
#map1 = affine_map<(d0, d1) -> (0, 0, 0)>
module attributes {stable_mosaic.version = 14 : i64} {
  func.func @_sc_scatter_body(%arg0: i32, %arg1: i32, %arg2: memref<10000x128xf32, #tpu.memory_space<hbm>>, %arg3: memref<32x81x128xi32, #tpu.memory_space<hbm>>, %arg4: memref<32x81x128xi32, #tpu.memory_space<hbm>>, %arg5: memref<2x10240x128xf32, #tpu.memory_space<hbm>>, %arg6: memref<81x128xi32, #tpu.memory_space<vmem>>, %arg7: memref<81x128xi32, #tpu.memory_space<vmem>>, %arg8: memref<128x128xf32, #tpu.memory_space<vmem>>, %arg9: memref<10240x128xf32, #tpu.memory_space<vmem_shared>>, %arg10: memref<!tpu.dma_semaphore, #tpu.memory_space<semaphore_mem>>, %arg11: memref<!tpu.dma_semaphore, #tpu.memory_space<semaphore_mem>>) attributes {dimension_semantics = [#tpu.dimension_semantics<core_parallel>, #tpu.dimension_semantics<subcore_parallel>], iteration_bounds = array<i64: 2, 16>, scalar_prefetch = 0 : i64, scratch_operands = 6 : i64, tpu.core_type = #tpu.core_type<sc_vector_subcore>, window_params = [{transform_indices = #map}, {transform_indices = #map1}, {transform_indices = #map1}, {transform_indices = #map1}]} {
    %mul3A = arith.constant 16 : i32
    %mul3A_0 = arith.muli %arg0, %mul3A : i32
    %add3A = arith.addi %mul3A_0, %arg1 : i32
    "tpu.region"() ({
      %run_scoped3A = tpu.sem_alloc : memref<!tpu.dma_semaphore, #tpu.memory_space<semaphore_mem>>
      %dma_start3A = arith.constant 0 : i32
      %dma_start3A_38 = arith.constant 0 : i32
      %dma_start3A_39 = tpu.memref_slice %arg3[%add3A, %dma_start3A, %dma_start3A_38] : memref<32x81x128xi32, #tpu.memory_space<hbm>> -> memref<1x81x128xi32, #tpu.memory_space<hbm>>
      %dma_start3A_40 = tpu.memref_squeeze %dma_start3A_39 : memref<1x81x128xi32, #tpu.memory_space<hbm>> -> memref<81x128xi32, #tpu.memory_space<hbm>>
      %dma_start3A_41 = arith.constant 0 : i32
      %dma_start3A_42 = arith.constant 0 : i32
      %dma_start3A_43 = tpu.memref_slice %arg3[%add3A, %dma_start3A_41, %dma_start3A_42] : memref<32x81x128xi32, #tpu.memory_space<hbm>> -> memref<1x81x128xi32, #tpu.memory_space<hbm>>
      %dma_start3A_44 = tpu.memref_squeeze %dma_start3A_43 : memref<1x81x128xi32, #tpu.memory_space<hbm>> -> memref<81x128xi32, #tpu.memory_space<hbm>>
      tpu.enqueue_dma source(%dma_start3A_44 : memref<81x128xi32, #tpu.memory_space<hbm>>) target(%arg6 : memref<81x128xi32, #tpu.memory_space<vmem>>) target_semaphore(%run_scoped3A : memref<!tpu.dma_semaphore, #tpu.memory_space<semaphore_mem>>)
      %dma_wait3A = arith.constant 0 : i32
      %dma_wait3A_45 = arith.constant 0 : i32
      %dma_wait3A_46 = tpu.memref_slice %arg3[%add3A, %dma_wait3A, %dma_wait3A_45] : memref<32x81x128xi32, #tpu.memory_space<hbm>> -> memref<1x81x128xi32, #tpu.memory_space<hbm>>
      %dma_wait3A_47 = tpu.memref_squeeze %dma_wait3A_46 : memref<1x81x128xi32, #tpu.memory_space<hbm>> -> memref<81x128xi32, #tpu.memory_space<hbm>>
      %dma_wait3A_48 = arith.constant 0 : i32
      %dma_wait3A_49 = arith.constant 0 : i32
      %dma_wait3A_50 = tpu.memref_slice %arg3[%add3A, %dma_wait3A_48, %dma_wait3A_49] : memref<32x81x128xi32, #tpu.memory_space<hbm>> -> memref<1x81x128xi32, #tpu.memory_space<hbm>>
      %dma_wait3A_51 = tpu.memref_squeeze %dma_wait3A_50 : memref<1x81x128xi32, #tpu.memory_space<hbm>> -> memref<81x128xi32, #tpu.memory_space<hbm>>
      tpu.wait_dma2 semaphore(%run_scoped3A : memref<!tpu.dma_semaphore, #tpu.memory_space<semaphore_mem>>) src(%dma_wait3A_51 : memref<81x128xi32, #tpu.memory_space<hbm>>) dst(%arg6 : memref<81x128xi32, #tpu.memory_space<vmem>>)
      tpu.yield
    }) : () -> ()
    "tpu.region"() ({
      %run_scoped3A = tpu.sem_alloc : memref<!tpu.dma_semaphore, #tpu.memory_space<semaphore_mem>>
      %dma_start3A = arith.constant 0 : i32
      %dma_start3A_38 = arith.constant 0 : i32
      %dma_start3A_39 = tpu.memref_slice %arg4[%add3A, %dma_start3A, %dma_start3A_38] : memref<32x81x128xi32, #tpu.memory_space<hbm>> -> memref<1x81x128xi32, #tpu.memory_space<hbm>>
      %dma_start3A_40 = tpu.memref_squeeze %dma_start3A_39 : memref<1x81x128xi32, #tpu.memory_space<hbm>> -> memref<81x128xi32, #tpu.memory_space<hbm>>
      %dma_start3A_41 = arith.constant 0 : i32
      %dma_start3A_42 = arith.constant 0 : i32
      %dma_start3A_43 = tpu.memref_slice %arg4[%add3A, %dma_start3A_41, %dma_start3A_42] : memref<32x81x128xi32, #tpu.memory_space<hbm>> -> memref<1x81x128xi32, #tpu.memory_space<hbm>>
      %dma_start3A_44 = tpu.memref_squeeze %dma_start3A_43 : memref<1x81x128xi32, #tpu.memory_space<hbm>> -> memref<81x128xi32, #tpu.memory_space<hbm>>
      tpu.enqueue_dma source(%dma_start3A_44 : memref<81x128xi32, #tpu.memory_space<hbm>>) target(%arg7 : memref<81x128xi32, #tpu.memory_space<vmem>>) target_semaphore(%run_scoped3A : memref<!tpu.dma_semaphore, #tpu.memory_space<semaphore_mem>>)
      %dma_wait3A = arith.constant 0 : i32
      %dma_wait3A_45 = arith.constant 0 : i32
      %dma_wait3A_46 = tpu.memref_slice %arg4[%add3A, %dma_wait3A, %dma_wait3A_45] : memref<32x81x128xi32, #tpu.memory_space<hbm>> -> memref<1x81x128xi32, #tpu.memory_space<hbm>>
      %dma_wait3A_47 = tpu.memref_squeeze %dma_wait3A_46 : memref<1x81x128xi32, #tpu.memory_space<hbm>> -> memref<81x128xi32, #tpu.memory_space<hbm>>
      %dma_wait3A_48 = arith.constant 0 : i32
      %dma_wait3A_49 = arith.constant 0 : i32
      %dma_wait3A_50 = tpu.memref_slice %arg4[%add3A, %dma_wait3A_48, %dma_wait3A_49] : memref<32x81x128xi32, #tpu.memory_space<hbm>> -> memref<1x81x128xi32, #tpu.memory_space<hbm>>
      %dma_wait3A_51 = tpu.memref_squeeze %dma_wait3A_50 : memref<1x81x128xi32, #tpu.memory_space<hbm>> -> memref<81x128xi32, #tpu.memory_space<hbm>>
      tpu.wait_dma2 semaphore(%run_scoped3A : memref<!tpu.dma_semaphore, #tpu.memory_space<semaphore_mem>>) src(%dma_wait3A_51 : memref<81x128xi32, #tpu.memory_space<hbm>>) dst(%arg7 : memref<81x128xi32, #tpu.memory_space<vmem>>)
      tpu.yield
    }) : () -> ()
    %broadcast_in_dim3A = arith.constant 0.000000e+00 : f32
    %broadcast_in_dim3A_1 = vector.broadcast %broadcast_in_dim3A : f32 to vector<16xf32>
    %scan3A = arith.constant 0 : i32
    %scan3A_2 = arith.constant 0 : i32
    %scan3A_3 = arith.constant 128 : i32
    %scan3A_4 = arith.addi %scan3A_2, %scan3A_3 : i32
    %scan3A_5 = arith.constant 1 : i32
    %scan3A_6 = scf.for %scan3A_38 = %scan3A_2 to %scan3A_4 step %scan3A_5 iter_args(%scan3A_39 = %scan3A) -> (i32)  : i32 {
      %swap3A = arith.index_cast %scan3A_38 : i32 to index
      %swap3A_40 = arith.constant 0 : index
      %swap3A_41 = tpu.vector_load %arg8[%swap3A, %swap3A_40] {strides = array<i32>} : memref<128x128xf32, #tpu.memory_space<vmem>>, vector<1x16xf32>,
      %swap3A_42 = vector.shape_cast %swap3A_41 : vector<1x16xf32> to vector<16xf32>
      %swap3A_43 = vector.shape_cast %broadcast_in_dim3A_1 : vector<16xf32> to vector<1x16xf32>
      tpu.vector_store %arg8[%swap3A, %swap3A_40], %swap3A_43 {strides = array<i32>} : memref<128x128xf32, #tpu.memory_space<vmem>>, vector<1x16xf32>,
      %swap3A_44 = arith.index_cast %scan3A_38 : i32 to index
      %swap3A_45 = arith.constant 16 : index
      %swap3A_46 = tpu.vector_load %arg8[%swap3A_44, %swap3A_45] {strides = array<i32>} : memref<128x128xf32, #tpu.memory_space<vmem>>, vector<1x16xf32>,
      %swap3A_47 = vector.shape_cast %swap3A_46 : vector<1x16xf32> to vector<16xf32>
      %swap3A_48 = vector.shape_cast %broadcast_in_dim3A_1 : vector<16xf32> to vector<1x16xf32>
      tpu.vector_store %arg8[%swap3A_44, %swap3A_45], %swap3A_48 {strides = array<i32>} : memref<128x128xf32, #tpu.memory_space<vmem>>, vector<1x16xf32>,
      %swap3A_49 = arith.index_cast %scan3A_38 : i32 to index
      %swap3A_50 = arith.constant 32 : index
      %swap3A_51 = tpu.vector_load %arg8[%swap3A_49, %swap3A_50] {strides = array<i32>} : memref<128x128xf32, #tpu.memory_space<vmem>>, vector<1x16xf32>,
      %swap3A_52 = vector.shape_cast %swap3A_51 : vector<1x16xf32> to vector<16xf32>
      %swap3A_53 = vector.shape_cast %broadcast_in_dim3A_1 : vector<16xf32> to vector<1x16xf32>
      tpu.vector_store %arg8[%swap3A_49, %swap3A_50], %swap3A_53 {strides = array<i32>} : memref<128x128xf32, #tpu.memory_space<vmem>>, vector<1x16xf32>,
      %swap3A_54 = arith.index_cast %scan3A_38 : i32 to index
      %swap3A_55 = arith.constant 48 : index
      %swap3A_56 = tpu.vector_load %arg8[%swap3A_54, %swap3A_55] {strides = array<i32>} : memref<128x128xf32, #tpu.memory_space<vmem>>, vector<1x16xf32>,
      %swap3A_57 = vector.shape_cast %swap3A_56 : vector<1x16xf32> to vector<16xf32>
      %swap3A_58 = vector.shape_cast %broadcast_in_dim3A_1 : vector<16xf32> to vector<1x16xf32>
      tpu.vector_store %arg8[%swap3A_54, %swap3A_55], %swap3A_58 {strides = array<i32>} : memref<128x128xf32, #tpu.memory_space<vmem>>, vector<1x16xf32>,
      %swap3A_59 = arith.index_cast %scan3A_38 : i32 to index
      %swap3A_60 = arith.constant 64 : index
      %swap3A_61 = tpu.vector_load %arg8[%swap3A_59, %swap3A_60] {strides = array<i32>} : memref<128x128xf32, #tpu.memory_space<vmem>>, vector<1x16xf32>,
      %swap3A_62 = vector.shape_cast %swap3A_61 : vector<1x16xf32> to vector<16xf32>
      %swap3A_63 = vector.shape_cast %broadcast_in_dim3A_1 : vector<16xf32> to vector<1x16xf32>
      tpu.vector_store %arg8[%swap3A_59, %swap3A_60], %swap3A_63 {strides = array<i32>} : memref<128x128xf32, #tpu.memory_space<vmem>>, vector<1x16xf32>,
      %swap3A_64 = arith.index_cast %scan3A_38 : i32 to index
      %swap3A_65 = arith.constant 80 : index
      %swap3A_66 = tpu.vector_load %arg8[%swap3A_64, %swap3A_65] {strides = array<i32>} : memref<128x128xf32, #tpu.memory_space<vmem>>, vector<1x16xf32>,
      %swap3A_67 = vector.shape_cast %swap3A_66 : vector<1x16xf32> to vector<16xf32>
      %swap3A_68 = vector.shape_cast %broadcast_in_dim3A_1 : vector<16xf32> to vector<1x16xf32>
      tpu.vector_store %arg8[%swap3A_64, %swap3A_65], %swap3A_68 {strides = array<i32>} : memref<128x128xf32, #tpu.memory_space<vmem>>, vector<1x16xf32>,
      %swap3A_69 = arith.index_cast %scan3A_38 : i32 to index
      %swap3A_70 = arith.constant 96 : index
      %swap3A_71 = tpu.vector_load %arg8[%swap3A_69, %swap3A_70] {strides = array<i32>} : memref<128x128xf32, #tpu.memory_space<vmem>>, vector<1x16xf32>,
      %swap3A_72 = vector.shape_cast %swap3A_71 : vector<1x16xf32> to vector<16xf32>
      %swap3A_73 = vector.shape_cast %broadcast_in_dim3A_1 : vector<16xf32> to vector<1x16xf32>
      tpu.vector_store %arg8[%swap3A_69, %swap3A_70], %swap3A_73 {strides = array<i32>} : memref<128x128xf32, #tpu.memory_space<vmem>>, vector<1x16xf32>,
      %swap3A_74 = arith.index_cast %scan3A_38 : i32 to index
      %swap3A_75 = arith.constant 112 : index
      %swap3A_76 = tpu.vector_load %arg8[%swap3A_74, %swap3A_75] {strides = array<i32>} : memref<128x128xf32, #tpu.memory_space<vmem>>, vector<1x16xf32>,
      %swap3A_77 = vector.shape_cast %swap3A_76 : vector<1x16xf32> to vector<16xf32>
      %swap3A_78 = vector.shape_cast %broadcast_in_dim3A_1 : vector<16xf32> to vector<1x16xf32>
      tpu.vector_store %arg8[%swap3A_74, %swap3A_75], %swap3A_78 {strides = array<i32>} : memref<128x128xf32, #tpu.memory_space<vmem>>, vector<1x16xf32>,
      %scan3A_79 = arith.constant 0 : i32
      scf.yield %scan3A_79 : i32
    }
    %scan3A_7 = arith.constant 128 : i32
    %mul3A_8 = arith.constant 640 : i32
    %mul3A_9 = arith.muli %arg1, %mul3A_8 : i32
    %add3A_10 = arith.constant 0 : i32
    %add3A_11 = arith.addi %mul3A_9, %add3A_10 : i32
    "tpu.region"() ({
      %run_scoped3A = tpu.sem_alloc : memref<!tpu.dma_semaphore, #tpu.memory_space<semaphore_mem>>
      %dma_start3A = arith.constant 0 : i32
      %dma_start3A_38 = tpu.memref_slice %arg9[%add3A_11, %dma_start3A] : memref<10240x128xf32, #tpu.memory_space<vmem_shared>> -> memref<128x128xf32, #tpu.memory_space<vmem_shared>>
      %dma_start3A_39 = arith.constant 0 : i32
      %dma_start3A_40 = tpu.memref_slice %arg9[%add3A_11, %dma_start3A_39] : memref<10240x128xf32, #tpu.memory_space<vmem_shared>> -> memref<128x128xf32, #tpu.memory_space<vmem_shared>>
      tpu.enqueue_dma source(%arg8 : memref<128x128xf32, #tpu.memory_space<vmem>>) target(%dma_start3A_40 : memref<128x128xf32, #tpu.memory_space<vmem_shared>>) target_semaphore(%run_scoped3A : memref<!tpu.dma_semaphore, #tpu.memory_space<semaphore_mem>>)
      %dma_wait3A = arith.constant 0 : i32
      %dma_wait3A_41 = tpu.memref_slice %arg9[%add3A_11, %dma_wait3A] : memref<10240x128xf32, #tpu.memory_space<vmem_shared>> -> memref<128x128xf32, #tpu.memory_space<vmem_shared>>
      %dma_wait3A_42 = arith.constant 0 : i32
      %dma_wait3A_43 = tpu.memref_slice %arg9[%add3A_11, %dma_wait3A_42] : memref<10240x128xf32, #tpu.memory_space<vmem_shared>> -> memref<128x128xf32, #tpu.memory_space<vmem_shared>>
      tpu.wait_dma2 semaphore(%run_scoped3A : memref<!tpu.dma_semaphore, #tpu.memory_space<semaphore_mem>>) src(%arg8 : memref<128x128xf32, #tpu.memory_space<vmem>>) dst(%dma_wait3A_43 : memref<128x128xf32, #tpu.memory_space<vmem_shared>>)
      tpu.yield
    }) : () -> ()
    %mul3A_12 = arith.constant 640 : i32
    %mul3A_13 = arith.muli %arg1, %mul3A_12 : i32
    %add3A_14 = arith.constant 128 : i32
    %add3A_15 = arith.addi %mul3A_13, %add3A_14 : i32
    "tpu.region"() ({
      %run_scoped3A = tpu.sem_alloc : memref<!tpu.dma_semaphore, #tpu.memory_space<semaphore_mem>>
      %dma_start3A = arith.constant 0 : i32
      %dma_start3A_38 = tpu.memref_slice %arg9[%add3A_15, %dma_start3A] : memref<10240x128xf32, #tpu.memory_space<vmem_shared>> -> memref<128x128xf32, #tpu.memory_space<vmem_shared>>
      %dma_start3A_39 = arith.constant 0 : i32
      %dma_start3A_40 = tpu.memref_slice %arg9[%add3A_15, %dma_start3A_39] : memref<10240x128xf32, #tpu.memory_space<vmem_shared>> -> memref<128x128xf32, #tpu.memory_space<vmem_shared>>
      tpu.enqueue_dma source(%arg8 : memref<128x128xf32, #tpu.memory_space<vmem>>) target(%dma_start3A_40 : memref<128x128xf32, #tpu.memory_space<vmem_shared>>) target_semaphore(%run_scoped3A : memref<!tpu.dma_semaphore, #tpu.memory_space<semaphore_mem>>)
      %dma_wait3A = arith.constant 0 : i32
      %dma_wait3A_41 = tpu.memref_slice %arg9[%add3A_15, %dma_wait3A] : memref<10240x128xf32, #tpu.memory_space<vmem_shared>> -> memref<128x128xf32, #tpu.memory_space<vmem_shared>>
      %dma_wait3A_42 = arith.constant 0 : i32
      %dma_wait3A_43 = tpu.memref_slice %arg9[%add3A_15, %dma_wait3A_42] : memref<10240x128xf32, #tpu.memory_space<vmem_shared>> -> memref<128x128xf32, #tpu.memory_space<vmem_shared>>
      tpu.wait_dma2 semaphore(%run_scoped3A : memref<!tpu.dma_semaphore, #tpu.memory_space<semaphore_mem>>) src(%arg8 : memref<128x128xf32, #tpu.memory_space<vmem>>) dst(%dma_wait3A_43 : memref<128x128xf32, #tpu.memory_space<vmem_shared>>)
      tpu.yield
    }) : () -> ()
    %mul3A_16 = arith.constant 640 : i32
    %mul3A_17 = arith.muli %arg1, %mul3A_16 : i32
    %add3A_18 = arith.constant 256 : i32
    %add3A_19 = arith.addi %mul3A_17, %add3A_18 : i32
    "tpu.region"() ({
      %run_scoped3A = tpu.sem_alloc : memref<!tpu.dma_semaphore, #tpu.memory_space<semaphore_mem>>
      %dma_start3A = arith.constant 0 : i32
      %dma_start3A_38 = tpu.memref_slice %arg9[%add3A_19, %dma_start3A] : memref<10240x128xf32, #tpu.memory_space<vmem_shared>> -> memref<128x128xf32, #tpu.memory_space<vmem_shared>>
      %dma_start3A_39 = arith.constant 0 : i32
      %dma_start3A_40 = tpu.memref_slice %arg9[%add3A_19, %dma_start3A_39] : memref<10240x128xf32, #tpu.memory_space<vmem_shared>> -> memref<128x128xf32, #tpu.memory_space<vmem_shared>>
      tpu.enqueue_dma source(%arg8 : memref<128x128xf32, #tpu.memory_space<vmem>>) target(%dma_start3A_40 : memref<128x128xf32, #tpu.memory_space<vmem_shared>>) target_semaphore(%run_scoped3A : memref<!tpu.dma_semaphore, #tpu.memory_space<semaphore_mem>>)
      %dma_wait3A = arith.constant 0 : i32
      %dma_wait3A_41 = tpu.memref_slice %arg9[%add3A_19, %dma_wait3A] : memref<10240x128xf32, #tpu.memory_space<vmem_shared>> -> memref<128x128xf32, #tpu.memory_space<vmem_shared>>
      %dma_wait3A_42 = arith.constant 0 : i32
      %dma_wait3A_43 = tpu.memref_slice %arg9[%add3A_19, %dma_wait3A_42] : memref<10240x128xf32, #tpu.memory_space<vmem_shared>> -> memref<128x128xf32, #tpu.memory_space<vmem_shared>>
      tpu.wait_dma2 semaphore(%run_scoped3A : memref<!tpu.dma_semaphore, #tpu.memory_space<semaphore_mem>>) src(%arg8 : memref<128x128xf32, #tpu.memory_space<vmem>>) dst(%dma_wait3A_43 : memref<128x128xf32, #tpu.memory_space<vmem_shared>>)
      tpu.yield
    }) : () -> ()
    %mul3A_20 = arith.constant 640 : i32
    %mul3A_21 = arith.muli %arg1, %mul3A_20 : i32
    %add3A_22 = arith.constant 384 : i32
    %add3A_23 = arith.addi %mul3A_21, %add3A_22 : i32
    "tpu.region"() ({
      %run_scoped3A = tpu.sem_alloc : memref<!tpu.dma_semaphore, #tpu.memory_space<semaphore_mem>>
      %dma_start3A = arith.constant 0 : i32
      %dma_start3A_38 = tpu.memref_slice %arg9[%add3A_23, %dma_start3A] : memref<10240x128xf32, #tpu.memory_space<vmem_shared>> -> memref<128x128xf32, #tpu.memory_space<vmem_shared>>
      %dma_start3A_39 = arith.constant 0 : i32
      %dma_start3A_40 = tpu.memref_slice %arg9[%add3A_23, %dma_start3A_39] : memref<10240x128xf32, #tpu.memory_space<vmem_shared>> -> memref<128x128xf32, #tpu.memory_space<vmem_shared>>
      tpu.enqueue_dma source(%arg8 : memref<128x128xf32, #tpu.memory_space<vmem>>) target(%dma_start3A_40 : memref<128x128xf32, #tpu.memory_space<vmem_shared>>) target_semaphore(%run_scoped3A : memref<!tpu.dma_semaphore, #tpu.memory_space<semaphore_mem>>)
      %dma_wait3A = arith.constant 0 : i32
      %dma_wait3A_41 = tpu.memref_slice %arg9[%add3A_23, %dma_wait3A] : memref<10240x128xf32, #tpu.memory_space<vmem_shared>> -> memref<128x128xf32, #tpu.memory_space<vmem_shared>>
      %dma_wait3A_42 = arith.constant 0 : i32
      %dma_wait3A_43 = tpu.memref_slice %arg9[%add3A_23, %dma_wait3A_42] : memref<10240x128xf32, #tpu.memory_space<vmem_shared>> -> memref<128x128xf32, #tpu.memory_space<vmem_shared>>
      tpu.wait_dma2 semaphore(%run_scoped3A : memref<!tpu.dma_semaphore, #tpu.memory_space<semaphore_mem>>) src(%arg8 : memref<128x128xf32, #tpu.memory_space<vmem>>) dst(%dma_wait3A_43 : memref<128x128xf32, #tpu.memory_space<vmem_shared>>)
      tpu.yield
    }) : () -> ()
    %mul3A_24 = arith.constant 640 : i32
    %mul3A_25 = arith.muli %arg1, %mul3A_24 : i32
    %add3A_26 = arith.constant 512 : i32
    %add3A_27 = arith.addi %mul3A_25, %add3A_26 : i32
    "tpu.region"() ({
      %run_scoped3A = tpu.sem_alloc : memref<!tpu.dma_semaphore, #tpu.memory_space<semaphore_mem>>
      %dma_start3A = arith.constant 0 : i32
      %dma_start3A_38 = tpu.memref_slice %arg9[%add3A_27, %dma_start3A] : memref<10240x128xf32, #tpu.memory_space<vmem_shared>> -> memref<128x128xf32, #tpu.memory_space<vmem_shared>>
      %dma_start3A_39 = arith.constant 0 : i32
      %dma_start3A_40 = tpu.memref_slice %arg9[%add3A_27, %dma_start3A_39] : memref<10240x128xf32, #tpu.memory_space<vmem_shared>> -> memref<128x128xf32, #tpu.memory_space<vmem_shared>>
      tpu.enqueue_dma source(%arg8 : memref<128x128xf32, #tpu.memory_space<vmem>>) target(%dma_start3A_40 : memref<128x128xf32, #tpu.memory_space<vmem_shared>>) target_semaphore(%run_scoped3A : memref<!tpu.dma_semaphore, #tpu.memory_space<semaphore_mem>>)
      %dma_wait3A = arith.constant 0 : i32
      %dma_wait3A_41 = tpu.memref_slice %arg9[%add3A_27, %dma_wait3A] : memref<10240x128xf32, #tpu.memory_space<vmem_shared>> -> memref<128x128xf32, #tpu.memory_space<vmem_shared>>
      %dma_wait3A_42 = arith.constant 0 : i32
      %dma_wait3A_43 = tpu.memref_slice %arg9[%add3A_27, %dma_wait3A_42] : memref<10240x128xf32, #tpu.memory_space<vmem_shared>> -> memref<128x128xf32, #tpu.memory_space<vmem_shared>>
      tpu.wait_dma2 semaphore(%run_scoped3A : memref<!tpu.dma_semaphore, #tpu.memory_space<semaphore_mem>>) src(%arg8 : memref<128x128xf32, #tpu.memory_space<vmem>>) dst(%dma_wait3A_43 : memref<128x128xf32, #tpu.memory_space<vmem_shared>>)
      tpu.yield
    }) : () -> ()
    %barrier3A = arith.constant 0 : index
    tpu.barrier barrier_id(%barrier3A)
    %scan3A_28 = arith.constant 0 : i32
    %scan3A_29 = arith.constant 0 : i32
    %scan3A_30 = arith.constant 81 : i32
    %scan3A_31 = arith.addi %scan3A_29, %scan3A_30 : i32
    %scan3A_32 = arith.constant 1 : i32
    %scan3A_33 = scf.for %scan3A_38 = %scan3A_29 to %scan3A_31 step %scan3A_32 iter_args(%scan3A_39 = %scan3A_28) -> (i32)  : i32 {
      %dma_start3A = arith.constant 0 : i32
      %dma_start3A_40 = tpu.memref_slice %arg6[%scan3A_38, %dma_start3A] : memref<81x128xi32, #tpu.memory_space<vmem>> -> memref<1x128xi32, #tpu.memory_space<vmem>>
      %dma_start3A_41 = tpu.memref_squeeze %dma_start3A_40 : memref<1x128xi32, #tpu.memory_space<vmem>> -> memref<128xi32, #tpu.memory_space<vmem>>
      %dma_start3A_42 = arith.constant 0 : i32
      %dma_start3A_43 = arith.constant 0 : i32
      %dma_start3A_44 = tpu.memref_slice %arg2[%dma_start3A_42, %dma_start3A_43] : memref<10000x128xf32, #tpu.memory_space<hbm>> -> memref<10000x128xf32, #tpu.memory_space<hbm>>
      tpu.enqueue_indirect_dma source(%dma_start3A_44 : memref<10000x128xf32, #tpu.memory_space<hbm>>) target(%arg8 : memref<128x128xf32, #tpu.memory_space<vmem>>) offsets(%dma_start3A_41 : memref<128xi32, #tpu.memory_space<vmem>>) semaphore(%arg10 : memref<!tpu.dma_semaphore, #tpu.memory_space<semaphore_mem>>)
      %dma_wait3A = arith.constant 0 : i32
      %dma_wait3A_45 = tpu.memref_slice %arg6[%scan3A_38, %dma_wait3A] : memref<81x128xi32, #tpu.memory_space<vmem>> -> memref<1x128xi32, #tpu.memory_space<vmem>>
      %dma_wait3A_46 = tpu.memref_squeeze %dma_wait3A_45 : memref<1x128xi32, #tpu.memory_space<vmem>> -> memref<128xi32, #tpu.memory_space<vmem>>
      %dma_wait3A_47 = arith.constant 0 : i32
      %dma_wait3A_48 = arith.constant 0 : i32
      %dma_wait3A_49 = tpu.memref_slice %arg2[%dma_wait3A_47, %dma_wait3A_48] : memref<10000x128xf32, #tpu.memory_space<hbm>> -> memref<10000x128xf32, #tpu.memory_space<hbm>>
      tpu.wait_indirect_dma semaphore(%arg10 : memref<!tpu.dma_semaphore, #tpu.memory_space<semaphore_mem>>) src(%dma_wait3A_49 : memref<10000x128xf32, #tpu.memory_space<hbm>>) dst(%arg8 : memref<128x128xf32, #tpu.memory_space<vmem>>)
      %dma_start3A_50 = arith.constant 0 : i32
      %dma_start3A_51 = tpu.memref_slice %arg7[%scan3A_38, %dma_start3A_50] : memref<81x128xi32, #tpu.memory_space<vmem>> -> memref<1x128xi32, #tpu.memory_space<vmem>>
      %dma_start3A_52 = tpu.memref_squeeze %dma_start3A_51 : memref<1x128xi32, #tpu.memory_space<vmem>> -> memref<128xi32, #tpu.memory_space<vmem>>
      %dma_start3A_53 = arith.constant 0 : i32
      %dma_start3A_54 = arith.constant 0 : i32
      %dma_start3A_55 = tpu.memref_slice %arg9[%dma_start3A_53, %dma_start3A_54] : memref<10240x128xf32, #tpu.memory_space<vmem_shared>> -> memref<10240x128xf32, #tpu.memory_space<vmem_shared>>
      tpu.enqueue_indirect_dma source(%arg8 : memref<128x128xf32, #tpu.memory_space<vmem>>) target(%dma_start3A_55 : memref<10240x128xf32, #tpu.memory_space<vmem_shared>>) offsets(%dma_start3A_52 : memref<128xi32, #tpu.memory_space<vmem>>) semaphore(%arg11 : memref<!tpu.dma_semaphore, #tpu.memory_space<semaphore_mem>>) {add = true}
      %dma_wait3A_56 = arith.constant 0 : i32
      %dma_wait3A_57 = tpu.memref_slice %arg7[%scan3A_38, %dma_wait3A_56] : memref<81x128xi32, #tpu.memory_space<vmem>> -> memref<1x128xi32, #tpu.memory_space<vmem>>
      %dma_wait3A_58 = tpu.memref_squeeze %dma_wait3A_57 : memref<1x128xi32, #tpu.memory_space<vmem>> -> memref<128xi32, #tpu.memory_space<vmem>>
      %dma_wait3A_59 = arith.constant 0 : i32
      %dma_wait3A_60 = arith.constant 0 : i32
      %dma_wait3A_61 = tpu.memref_slice %arg9[%dma_wait3A_59, %dma_wait3A_60] : memref<10240x128xf32, #tpu.memory_space<vmem_shared>> -> memref<10240x128xf32, #tpu.memory_space<vmem_shared>>
      tpu.wait_indirect_dma semaphore(%arg11 : memref<!tpu.dma_semaphore, #tpu.memory_space<semaphore_mem>>) src(%arg8 : memref<128x128xf32, #tpu.memory_space<vmem>>) dst(%dma_wait3A_61 : memref<10240x128xf32, #tpu.memory_space<vmem_shared>>)
      %scan3A_62 = arith.constant 0 : i32
      scf.yield %scan3A_62 : i32
    }
    %scan3A_34 = arith.constant 81 : i32
    %barrier3A_35 = arith.constant 0 : index
    tpu.barrier barrier_id(%barrier3A_35)
    %mul3A_36 = arith.constant 640 : i32
    %mul3A_37 = arith.muli %arg1, %mul3A_36 : i32
    "tpu.region"() ({
      %run_scoped3A = tpu.sem_alloc : memref<!tpu.dma_semaphore, #tpu.memory_space<semaphore_mem>>
      %dma_start3A = arith.constant 0 : i32
      %dma_start3A_38 = tpu.memref_slice %arg5[%arg0, %mul3A_37, %dma_start3A] : memref<2x10240x128xf32, #tpu.memory_space<hbm>> -> memref<1x640x128xf32, #tpu.memory_space<hbm>>
      %dma_start3A_39 = tpu.memref_squeeze %dma_start3A_38 : memref<1x640x128xf32, #tpu.memory_space<hbm>> -> memref<640x128xf32, #tpu.memory_space<hbm>>
      %dma_start3A_40 = arith.constant 0 : i32
      %dma_start3A_41 = tpu.memref_slice %arg9[%mul3A_37, %dma_start3A_40] : memref<10240x128xf32, #tpu.memory_space<vmem_shared>> -> memref<640x128xf32, #tpu.memory_space<vmem_shared>>
      tpu.enqueue_dma source(%dma_start3A_41 : memref<640x128xf32, #tpu.memory_space<vmem_shared>>) target(%dma_start3A_39 : memref<640x128xf32, #tpu.memory_space<hbm>>) target_semaphore(%run_scoped3A : memref<!tpu.dma_semaphore, #tpu.memory_space<semaphore_mem>>)
      %dma_wait3A = arith.constant 0 : i32
      %dma_wait3A_42 = tpu.memref_slice %arg5[%arg0, %mul3A_37, %dma_wait3A] : memref<2x10240x128xf32, #tpu.memory_space<hbm>> -> memref<1x640x128xf32, #tpu.memory_space<hbm>>
      %dma_wait3A_43 = tpu.memref_squeeze %dma_wait3A_42 : memref<1x640x128xf32, #tpu.memory_space<hbm>> -> memref<640x128xf32, #tpu.memory_space<hbm>>
      %dma_wait3A_44 = arith.constant 0 : i32
      %dma_wait3A_45 = tpu.memref_slice %arg9[%mul3A_37, %dma_wait3A_44] : memref<10240x128xf32, #tpu.memory_space<vmem_shared>> -> memref<640x128xf32, #tpu.memory_space<vmem_shared>>
      tpu.wait_dma2 semaphore(%run_scoped3A : memref<!tpu.dma_semaphore, #tpu.memory_space<semaphore_mem>>) src(%dma_wait3A_45 : memref<640x128xf32, #tpu.memory_space<vmem_shared>>) dst(%dma_wait3A_43 : memref<640x128xf32, #tpu.memory_space<hbm>>)
      tpu.yield
    }) : () -> ()
    return
  }
}

#map = affine_map<(d0, d1) -> (0, 0)>
#map1 = affine_map<(d0, d1) -> (0, 0, 0)>
module attributes {stable_mosaic.version = 14 : i64} {
  func.func @_sc_scatter_body(%arg0: i32, %arg1: i32, %arg2: memref<10000x128xf32, #tpu.memory_space<hbm>>, %arg3: memref<32x81x128xi32, #tpu.memory_space<hbm>>, %arg4: memref<32x81x128xi32, #tpu.memory_space<hbm>>, %arg5: memref<2x10240x128xf32, #tpu.memory_space<hbm>>, %arg6: memref<81x128xi32, #tpu.memory_space<vmem>>, %arg7: memref<81x128xi32, #tpu.memory_space<vmem>>, %arg8: memref<128x128xf32, #tpu.memory_space<vmem>>, %arg9: memref<10240x128xf32, #tpu.memory_space<vmem_shared>>, %arg10: memref<!tpu.dma_semaphore, #tpu.memory_space<semaphore_mem>>, %arg11: memref<!tpu.dma_semaphore, #tpu.memory_space<semaphore_mem>>) attributes {dimension_semantics = [#tpu.dimension_semantics<core_parallel>, #tpu.dimension_semantics<subcore_parallel>], iteration_bounds = array<i64: 2, 16>, scalar_prefetch = 0 : i64, scratch_operands = 6 : i64, tpu.core_type = #tpu.core_type<sc_vector_subcore>, window_params = [{transform_indices = #map}, {transform_indices = #map1}, {transform_indices = #map1}, {transform_indices = #map1}]} {
    %mul3A = arith.constant 16 : i32
    %mul3A_0 = arith.muli %arg0, %mul3A : i32
    %add3A = arith.addi %mul3A_0, %arg1 : i32
    "tpu.region"() ({
      %run_scoped3A = tpu.sem_alloc : memref<!tpu.dma_semaphore, #tpu.memory_space<semaphore_mem>>
      %dma_start3A = arith.constant 0 : i32
      %dma_start3A_38 = arith.constant 0 : i32
      %dma_start3A_39 = tpu.memref_slice %arg3[%add3A, %dma_start3A, %dma_start3A_38] : memref<32x81x128xi32, #tpu.memory_space<hbm>> -> memref<1x81x128xi32, #tpu.memory_space<hbm>>
      %dma_start3A_40 = tpu.memref_squeeze %dma_start3A_39 : memref<1x81x128xi32, #tpu.memory_space<hbm>> -> memref<81x128xi32, #tpu.memory_space<hbm>>
      %dma_start3A_41 = arith.constant 0 : i32
      %dma_start3A_42 = arith.constant 0 : i32
      %dma_start3A_43 = tpu.memref_slice %arg3[%add3A, %dma_start3A_41, %dma_start3A_42] : memref<32x81x128xi32, #tpu.memory_space<hbm>> -> memref<1x81x128xi32, #tpu.memory_space<hbm>>
      %dma_start3A_44 = tpu.memref_squeeze %dma_start3A_43 : memref<1x81x128xi32, #tpu.memory_space<hbm>> -> memref<81x128xi32, #tpu.memory_space<hbm>>
      tpu.enqueue_dma source(%dma_start3A_44 : memref<81x128xi32, #tpu.memory_space<hbm>>) target(%arg6 : memref<81x128xi32, #tpu.memory_space<vmem>>) target_semaphore(%run_scoped3A : memref<!tpu.dma_semaphore, #tpu.memory_space<semaphore_mem>>)
      %dma_wait3A = arith.constant 0 : i32
      %dma_wait3A_45 = arith.constant 0 : i32
      %dma_wait3A_46 = tpu.memref_slice %arg3[%add3A, %dma_wait3A, %dma_wait3A_45] : memref<32x81x128xi32, #tpu.memory_space<hbm>> -> memref<1x81x128xi32, #tpu.memory_space<hbm>>
      %dma_wait3A_47 = tpu.memref_squeeze %dma_wait3A_46 : memref<1x81x128xi32, #tpu.memory_space<hbm>> -> memref<81x128xi32, #tpu.memory_space<hbm>>
      %dma_wait3A_48 = arith.constant 0 : i32
      %dma_wait3A_49 = arith.constant 0 : i32
      %dma_wait3A_50 = tpu.memref_slice %arg3[%add3A, %dma_wait3A_48, %dma_wait3A_49] : memref<32x81x128xi32, #tpu.memory_space<hbm>> -> memref<1x81x128xi32, #tpu.memory_space<hbm>>
      %dma_wait3A_51 = tpu.memref_squeeze %dma_wait3A_50 : memref<1x81x128xi32, #tpu.memory_space<hbm>> -> memref<81x128xi32, #tpu.memory_space<hbm>>
      tpu.wait_dma2 semaphore(%run_scoped3A : memref<!tpu.dma_semaphore, #tpu.memory_space<semaphore_mem>>) src(%dma_wait3A_51 : memref<81x128xi32, #tpu.memory_space<hbm>>) dst(%arg6 : memref<81x128xi32, #tpu.memory_space<vmem>>)
      tpu.yield
    }) : () -> ()
    "tpu.region"() ({
      %run_scoped3A = tpu.sem_alloc : memref<!tpu.dma_semaphore, #tpu.memory_space<semaphore_mem>>
      %dma_start3A = arith.constant 0 : i32
      %dma_start3A_38 = arith.constant 0 : i32
      %dma_start3A_39 = tpu.memref_slice %arg4[%add3A, %dma_start3A, %dma_start3A_38] : memref<32x81x128xi32, #tpu.memory_space<hbm>> -> memref<1x81x128xi32, #tpu.memory_space<hbm>>
      %dma_start3A_40 = tpu.memref_squeeze %dma_start3A_39 : memref<1x81x128xi32, #tpu.memory_space<hbm>> -> memref<81x128xi32, #tpu.memory_space<hbm>>
      %dma_start3A_41 = arith.constant 0 : i32
      %dma_start3A_42 = arith.constant 0 : i32
      %dma_start3A_43 = tpu.memref_slice %arg4[%add3A, %dma_start3A_41, %dma_start3A_42] : memref<32x81x128xi32, #tpu.memory_space<hbm>> -> memref<1x81x128xi32, #tpu.memory_space<hbm>>
      %dma_start3A_44 = tpu.memref_squeeze %dma_start3A_43 : memref<1x81x128xi32, #tpu.memory_space<hbm>> -> memref<81x128xi32, #tpu.memory_space<hbm>>
      tpu.enqueue_dma source(%dma_start3A_44 : memref<81x128xi32, #tpu.memory_space<hbm>>) target(%arg7 : memref<81x128xi32, #tpu.memory_space<vmem>>) target_semaphore(%run_scoped3A : memref<!tpu.dma_semaphore, #tpu.memory_space<semaphore_mem>>)
      %dma_wait3A = arith.constant 0 : i32
      %dma_wait3A_45 = arith.constant 0 : i32
      %dma_wait3A_46 = tpu.memref_slice %arg4[%add3A, %dma_wait3A, %dma_wait3A_45] : memref<32x81x128xi32, #tpu.memory_space<hbm>> -> memref<1x81x128xi32, #tpu.memory_space<hbm>>
      %dma_wait3A_47 = tpu.memref_squeeze %dma_wait3A_46 : memref<1x81x128xi32, #tpu.memory_space<hbm>> -> memref<81x128xi32, #tpu.memory_space<hbm>>
      %dma_wait3A_48 = arith.constant 0 : i32
      %dma_wait3A_49 = arith.constant 0 : i32
      %dma_wait3A_50 = tpu.memref_slice %arg4[%add3A, %dma_wait3A_48, %dma_wait3A_49] : memref<32x81x128xi32, #tpu.memory_space<hbm>> -> memref<1x81x128xi32, #tpu.memory_space<hbm>>
      %dma_wait3A_51 = tpu.memref_squeeze %dma_wait3A_50 : memref<1x81x128xi32, #tpu.memory_space<hbm>> -> memref<81x128xi32, #tpu.memory_space<hbm>>
      tpu.wait_dma2 semaphore(%run_scoped3A : memref<!tpu.dma_semaphore, #tpu.memory_space<semaphore_mem>>) src(%dma_wait3A_51 : memref<81x128xi32, #tpu.memory_space<hbm>>) dst(%arg7 : memref<81x128xi32, #tpu.memory_space<vmem>>)
      tpu.yield
    }) : () -> ()
    %broadcast_in_dim3A = arith.constant 0.000000e+00 : f32
    %broadcast_in_dim3A_1 = vector.broadcast %broadcast_in_dim3A : f32 to vector<16xf32>
    %scan3A = arith.constant 0 : i32
    %scan3A_2 = arith.constant 0 : i32
    %scan3A_3 = arith.constant 128 : i32
    %scan3A_4 = arith.addi %scan3A_2, %scan3A_3 : i32
    %scan3A_5 = arith.constant 1 : i32
    %scan3A_6 = scf.for %scan3A_38 = %scan3A_2 to %scan3A_4 step %scan3A_5 iter_args(%scan3A_39 = %scan3A) -> (i32)  : i32 {
      %swap3A = arith.index_cast %scan3A_38 : i32 to index
      %swap3A_40 = arith.constant 0 : index
      %swap3A_41 = tpu.vector_load %arg8[%swap3A, %swap3A_40] {strides = array<i32>} : memref<128x128xf32, #tpu.memory_space<vmem>>, vector<1x16xf32>,
      %swap3A_42 = vector.shape_cast %swap3A_41 : vector<1x16xf32> to vector<16xf32>
      %swap3A_43 = vector.shape_cast %broadcast_in_dim3A_1 : vector<16xf32> to vector<1x16xf32>
      tpu.vector_store %arg8[%swap3A, %swap3A_40], %swap3A_43 {strides = array<i32>} : memref<128x128xf32, #tpu.memory_space<vmem>>, vector<1x16xf32>,
      %swap3A_44 = arith.index_cast %scan3A_38 : i32 to index
      %swap3A_45 = arith.constant 16 : index
      %swap3A_46 = tpu.vector_load %arg8[%swap3A_44, %swap3A_45] {strides = array<i32>} : memref<128x128xf32, #tpu.memory_space<vmem>>, vector<1x16xf32>,
      %swap3A_47 = vector.shape_cast %swap3A_46 : vector<1x16xf32> to vector<16xf32>
      %swap3A_48 = vector.shape_cast %broadcast_in_dim3A_1 : vector<16xf32> to vector<1x16xf32>
      tpu.vector_store %arg8[%swap3A_44, %swap3A_45], %swap3A_48 {strides = array<i32>} : memref<128x128xf32, #tpu.memory_space<vmem>>, vector<1x16xf32>,
      %swap3A_49 = arith.index_cast %scan3A_38 : i32 to index
      %swap3A_50 = arith.constant 32 : index
      %swap3A_51 = tpu.vector_load %arg8[%swap3A_49, %swap3A_50] {strides = array<i32>} : memref<128x128xf32, #tpu.memory_space<vmem>>, vector<1x16xf32>,
      %swap3A_52 = vector.shape_cast %swap3A_51 : vector<1x16xf32> to vector<16xf32>
      %swap3A_53 = vector.shape_cast %broadcast_in_dim3A_1 : vector<16xf32> to vector<1x16xf32>
      tpu.vector_store %arg8[%swap3A_49, %swap3A_50], %swap3A_53 {strides = array<i32>} : memref<128x128xf32, #tpu.memory_space<vmem>>, vector<1x16xf32>,
      %swap3A_54 = arith.index_cast %scan3A_38 : i32 to index
      %swap3A_55 = arith.constant 48 : index
      %swap3A_56 = tpu.vector_load %arg8[%swap3A_54, %swap3A_55] {strides = array<i32>} : memref<128x128xf32, #tpu.memory_space<vmem>>, vector<1x16xf32>,
      %swap3A_57 = vector.shape_cast %swap3A_56 : vector<1x16xf32> to vector<16xf32>
      %swap3A_58 = vector.shape_cast %broadcast_in_dim3A_1 : vector<16xf32> to vector<1x16xf32>
      tpu.vector_store %arg8[%swap3A_54, %swap3A_55], %swap3A_58 {strides = array<i32>} : memref<128x128xf32, #tpu.memory_space<vmem>>, vector<1x16xf32>,
      %swap3A_59 = arith.index_cast %scan3A_38 : i32 to index
      %swap3A_60 = arith.constant 64 : index
      %swap3A_61 = tpu.vector_load %arg8[%swap3A_59, %swap3A_60] {strides = array<i32>} : memref<128x128xf32, #tpu.memory_space<vmem>>, vector<1x16xf32>,
      %swap3A_62 = vector.shape_cast %swap3A_61 : vector<1x16xf32> to vector<16xf32>
      %swap3A_63 = vector.shape_cast %broadcast_in_dim3A_1 : vector<16xf32> to vector<1x16xf32>
      tpu.vector_store %arg8[%swap3A_59, %swap3A_60], %swap3A_63 {strides = array<i32>} : memref<128x128xf32, #tpu.memory_space<vmem>>, vector<1x16xf32>,
      %swap3A_64 = arith.index_cast %scan3A_38 : i32 to index
      %swap3A_65 = arith.constant 80 : index
      %swap3A_66 = tpu.vector_load %arg8[%swap3A_64, %swap3A_65] {strides = array<i32>} : memref<128x128xf32, #tpu.memory_space<vmem>>, vector<1x16xf32>,
      %swap3A_67 = vector.shape_cast %swap3A_66 : vector<1x16xf32> to vector<16xf32>
      %swap3A_68 = vector.shape_cast %broadcast_in_dim3A_1 : vector<16xf32> to vector<1x16xf32>
      tpu.vector_store %arg8[%swap3A_64, %swap3A_65], %swap3A_68 {strides = array<i32>} : memref<128x128xf32, #tpu.memory_space<vmem>>, vector<1x16xf32>,
      %swap3A_69 = arith.index_cast %scan3A_38 : i32 to index
      %swap3A_70 = arith.constant 96 : index
      %swap3A_71 = tpu.vector_load %arg8[%swap3A_69, %swap3A_70] {strides = array<i32>} : memref<128x128xf32, #tpu.memory_space<vmem>>, vector<1x16xf32>,
      %swap3A_72 = vector.shape_cast %swap3A_71 : vector<1x16xf32> to vector<16xf32>
      %swap3A_73 = vector.shape_cast %broadcast_in_dim3A_1 : vector<16xf32> to vector<1x16xf32>
      tpu.vector_store %arg8[%swap3A_69, %swap3A_70], %swap3A_73 {strides = array<i32>} : memref<128x128xf32, #tpu.memory_space<vmem>>, vector<1x16xf32>,
      %swap3A_74 = arith.index_cast %scan3A_38 : i32 to index
      %swap3A_75 = arith.constant 112 : index
      %swap3A_76 = tpu.vector_load %arg8[%swap3A_74, %swap3A_75] {strides = array<i32>} : memref<128x128xf32, #tpu.memory_space<vmem>>, vector<1x16xf32>,
      %swap3A_77 = vector.shape_cast %swap3A_76 : vector<1x16xf32> to vector<16xf32>
      %swap3A_78 = vector.shape_cast %broadcast_in_dim3A_1 : vector<16xf32> to vector<1x16xf32>
      tpu.vector_store %arg8[%swap3A_74, %swap3A_75], %swap3A_78 {strides = array<i32>} : memref<128x128xf32, #tpu.memory_space<vmem>>, vector<1x16xf32>,
      %scan3A_79 = arith.constant 0 : i32
      scf.yield %scan3A_79 : i32
    }
    %scan3A_7 = arith.constant 128 : i32
    %mul3A_8 = arith.constant 640 : i32
    %mul3A_9 = arith.muli %arg1, %mul3A_8 : i32
    %add3A_10 = arith.constant 0 : i32
    %add3A_11 = arith.addi %mul3A_9, %add3A_10 : i32
    "tpu.region"() ({
      %run_scoped3A = tpu.sem_alloc : memref<!tpu.dma_semaphore, #tpu.memory_space<semaphore_mem>>
      %dma_start3A = arith.constant 0 : i32
      %dma_start3A_38 = tpu.memref_slice %arg9[%add3A_11, %dma_start3A] : memref<10240x128xf32, #tpu.memory_space<vmem_shared>> -> memref<128x128xf32, #tpu.memory_space<vmem_shared>>
      %dma_start3A_39 = arith.constant 0 : i32
      %dma_start3A_40 = tpu.memref_slice %arg9[%add3A_11, %dma_start3A_39] : memref<10240x128xf32, #tpu.memory_space<vmem_shared>> -> memref<128x128xf32, #tpu.memory_space<vmem_shared>>
      tpu.enqueue_dma source(%arg8 : memref<128x128xf32, #tpu.memory_space<vmem>>) target(%dma_start3A_40 : memref<128x128xf32, #tpu.memory_space<vmem_shared>>) target_semaphore(%run_scoped3A : memref<!tpu.dma_semaphore, #tpu.memory_space<semaphore_mem>>)
      %dma_wait3A = arith.constant 0 : i32
      %dma_wait3A_41 = tpu.memref_slice %arg9[%add3A_11, %dma_wait3A] : memref<10240x128xf32, #tpu.memory_space<vmem_shared>> -> memref<128x128xf32, #tpu.memory_space<vmem_shared>>
      %dma_wait3A_42 = arith.constant 0 : i32
      %dma_wait3A_43 = tpu.memref_slice %arg9[%add3A_11, %dma_wait3A_42] : memref<10240x128xf32, #tpu.memory_space<vmem_shared>> -> memref<128x128xf32, #tpu.memory_space<vmem_shared>>
      tpu.wait_dma2 semaphore(%run_scoped3A : memref<!tpu.dma_semaphore, #tpu.memory_space<semaphore_mem>>) src(%arg8 : memref<128x128xf32, #tpu.memory_space<vmem>>) dst(%dma_wait3A_43 : memref<128x128xf32, #tpu.memory_space<vmem_shared>>)
      tpu.yield
    }) : () -> ()
    %mul3A_12 = arith.constant 640 : i32
    %mul3A_13 = arith.muli %arg1, %mul3A_12 : i32
    %add3A_14 = arith.constant 128 : i32
    %add3A_15 = arith.addi %mul3A_13, %add3A_14 : i32
    "tpu.region"() ({
      %run_scoped3A = tpu.sem_alloc : memref<!tpu.dma_semaphore, #tpu.memory_space<semaphore_mem>>
      %dma_start3A = arith.constant 0 : i32
      %dma_start3A_38 = tpu.memref_slice %arg9[%add3A_15, %dma_start3A] : memref<10240x128xf32, #tpu.memory_space<vmem_shared>> -> memref<128x128xf32, #tpu.memory_space<vmem_shared>>
      %dma_start3A_39 = arith.constant 0 : i32
      %dma_start3A_40 = tpu.memref_slice %arg9[%add3A_15, %dma_start3A_39] : memref<10240x128xf32, #tpu.memory_space<vmem_shared>> -> memref<128x128xf32, #tpu.memory_space<vmem_shared>>
      tpu.enqueue_dma source(%arg8 : memref<128x128xf32, #tpu.memory_space<vmem>>) target(%dma_start3A_40 : memref<128x128xf32, #tpu.memory_space<vmem_shared>>) target_semaphore(%run_scoped3A : memref<!tpu.dma_semaphore, #tpu.memory_space<semaphore_mem>>)
      %dma_wait3A = arith.constant 0 : i32
      %dma_wait3A_41 = tpu.memref_slice %arg9[%add3A_15, %dma_wait3A] : memref<10240x128xf32, #tpu.memory_space<vmem_shared>> -> memref<128x128xf32, #tpu.memory_space<vmem_shared>>
      %dma_wait3A_42 = arith.constant 0 : i32
      %dma_wait3A_43 = tpu.memref_slice %arg9[%add3A_15, %dma_wait3A_42] : memref<10240x128xf32, #tpu.memory_space<vmem_shared>> -> memref<128x128xf32, #tpu.memory_space<vmem_shared>>
      tpu.wait_dma2 semaphore(%run_scoped3A : memref<!tpu.dma_semaphore, #tpu.memory_space<semaphore_mem>>) src(%arg8 : memref<128x128xf32, #tpu.memory_space<vmem>>) dst(%dma_wait3A_43 : memref<128x128xf32, #tpu.memory_space<vmem_shared>>)
      tpu.yield
    }) : () -> ()
    %mul3A_16 = arith.constant 640 : i32
    %mul3A_17 = arith.muli %arg1, %mul3A_16 : i32
    %add3A_18 = arith.constant 256 : i32
    %add3A_19 = arith.addi %mul3A_17, %add3A_18 : i32
    "tpu.region"() ({
      %run_scoped3A = tpu.sem_alloc : memref<!tpu.dma_semaphore, #tpu.memory_space<semaphore_mem>>
      %dma_start3A = arith.constant 0 : i32
      %dma_start3A_38 = tpu.memref_slice %arg9[%add3A_19, %dma_start3A] : memref<10240x128xf32, #tpu.memory_space<vmem_shared>> -> memref<128x128xf32, #tpu.memory_space<vmem_shared>>
      %dma_start3A_39 = arith.constant 0 : i32
      %dma_start3A_40 = tpu.memref_slice %arg9[%add3A_19, %dma_start3A_39] : memref<10240x128xf32, #tpu.memory_space<vmem_shared>> -> memref<128x128xf32, #tpu.memory_space<vmem_shared>>
      tpu.enqueue_dma source(%arg8 : memref<128x128xf32, #tpu.memory_space<vmem>>) target(%dma_start3A_40 : memref<128x128xf32, #tpu.memory_space<vmem_shared>>) target_semaphore(%run_scoped3A : memref<!tpu.dma_semaphore, #tpu.memory_space<semaphore_mem>>)
      %dma_wait3A = arith.constant 0 : i32
      %dma_wait3A_41 = tpu.memref_slice %arg9[%add3A_19, %dma_wait3A] : memref<10240x128xf32, #tpu.memory_space<vmem_shared>> -> memref<128x128xf32, #tpu.memory_space<vmem_shared>>
      %dma_wait3A_42 = arith.constant 0 : i32
      %dma_wait3A_43 = tpu.memref_slice %arg9[%add3A_19, %dma_wait3A_42] : memref<10240x128xf32, #tpu.memory_space<vmem_shared>> -> memref<128x128xf32, #tpu.memory_space<vmem_shared>>
      tpu.wait_dma2 semaphore(%run_scoped3A : memref<!tpu.dma_semaphore, #tpu.memory_space<semaphore_mem>>) src(%arg8 : memref<128x128xf32, #tpu.memory_space<vmem>>) dst(%dma_wait3A_43 : memref<128x128xf32, #tpu.memory_space<vmem_shared>>)
      tpu.yield
    }) : () -> ()
    %mul3A_20 = arith.constant 640 : i32
    %mul3A_21 = arith.muli %arg1, %mul3A_20 : i32
    %add3A_22 = arith.constant 384 : i32
    %add3A_23 = arith.addi %mul3A_21, %add3A_22 : i32
    "tpu.region"() ({
      %run_scoped3A = tpu.sem_alloc : memref<!tpu.dma_semaphore, #tpu.memory_space<semaphore_mem>>
      %dma_start3A = arith.constant 0 : i32
      %dma_start3A_38 = tpu.memref_slice %arg9[%add3A_23, %dma_start3A] : memref<10240x128xf32, #tpu.memory_space<vmem_shared>> -> memref<128x128xf32, #tpu.memory_space<vmem_shared>>
      %dma_start3A_39 = arith.constant 0 : i32
      %dma_start3A_40 = tpu.memref_slice %arg9[%add3A_23, %dma_start3A_39] : memref<10240x128xf32, #tpu.memory_space<vmem_shared>> -> memref<128x128xf32, #tpu.memory_space<vmem_shared>>
      tpu.enqueue_dma source(%arg8 : memref<128x128xf32, #tpu.memory_space<vmem>>) target(%dma_start3A_40 : memref<128x128xf32, #tpu.memory_space<vmem_shared>>) target_semaphore(%run_scoped3A : memref<!tpu.dma_semaphore, #tpu.memory_space<semaphore_mem>>)
      %dma_wait3A = arith.constant 0 : i32
      %dma_wait3A_41 = tpu.memref_slice %arg9[%add3A_23, %dma_wait3A] : memref<10240x128xf32, #tpu.memory_space<vmem_shared>> -> memref<128x128xf32, #tpu.memory_space<vmem_shared>>
      %dma_wait3A_42 = arith.constant 0 : i32
      %dma_wait3A_43 = tpu.memref_slice %arg9[%add3A_23, %dma_wait3A_42] : memref<10240x128xf32, #tpu.memory_space<vmem_shared>> -> memref<128x128xf32, #tpu.memory_space<vmem_shared>>
      tpu.wait_dma2 semaphore(%run_scoped3A : memref<!tpu.dma_semaphore, #tpu.memory_space<semaphore_mem>>) src(%arg8 : memref<128x128xf32, #tpu.memory_space<vmem>>) dst(%dma_wait3A_43 : memref<128x128xf32, #tpu.memory_space<vmem_shared>>)
      tpu.yield
    }) : () -> ()
    %mul3A_24 = arith.constant 640 : i32
    %mul3A_25 = arith.muli %arg1, %mul3A_24 : i32
    %add3A_26 = arith.constant 512 : i32
    %add3A_27 = arith.addi %mul3A_25, %add3A_26 : i32
    "tpu.region"() ({
      %run_scoped3A = tpu.sem_alloc : memref<!tpu.dma_semaphore, #tpu.memory_space<semaphore_mem>>
      %dma_start3A = arith.constant 0 : i32
      %dma_start3A_38 = tpu.memref_slice %arg9[%add3A_27, %dma_start3A] : memref<10240x128xf32, #tpu.memory_space<vmem_shared>> -> memref<128x128xf32, #tpu.memory_space<vmem_shared>>
      %dma_start3A_39 = arith.constant 0 : i32
      %dma_start3A_40 = tpu.memref_slice %arg9[%add3A_27, %dma_start3A_39] : memref<10240x128xf32, #tpu.memory_space<vmem_shared>> -> memref<128x128xf32, #tpu.memory_space<vmem_shared>>
      tpu.enqueue_dma source(%arg8 : memref<128x128xf32, #tpu.memory_space<vmem>>) target(%dma_start3A_40 : memref<128x128xf32, #tpu.memory_space<vmem_shared>>) target_semaphore(%run_scoped3A : memref<!tpu.dma_semaphore, #tpu.memory_space<semaphore_mem>>)
      %dma_wait3A = arith.constant 0 : i32
      %dma_wait3A_41 = tpu.memref_slice %arg9[%add3A_27, %dma_wait3A] : memref<10240x128xf32, #tpu.memory_space<vmem_shared>> -> memref<128x128xf32, #tpu.memory_space<vmem_shared>>
      %dma_wait3A_42 = arith.constant 0 : i32
      %dma_wait3A_43 = tpu.memref_slice %arg9[%add3A_27, %dma_wait3A_42] : memref<10240x128xf32, #tpu.memory_space<vmem_shared>> -> memref<128x128xf32, #tpu.memory_space<vmem_shared>>
      tpu.wait_dma2 semaphore(%run_scoped3A : memref<!tpu.dma_semaphore, #tpu.memory_space<semaphore_mem>>) src(%arg8 : memref<128x128xf32, #tpu.memory_space<vmem>>) dst(%dma_wait3A_43 : memref<128x128xf32, #tpu.memory_space<vmem_shared>>)
      tpu.yield
    }) : () -> ()
    %barrier3A = arith.constant 0 : index
    tpu.barrier barrier_id(%barrier3A)
    %scan3A_28 = arith.constant 0 : i32
    %scan3A_29 = arith.constant 0 : i32
    %scan3A_30 = arith.constant 81 : i32
    %scan3A_31 = arith.addi %scan3A_29, %scan3A_30 : i32
    %scan3A_32 = arith.constant 1 : i32
    %scan3A_33 = scf.for %scan3A_38 = %scan3A_29 to %scan3A_31 step %scan3A_32 iter_args(%scan3A_39 = %scan3A_28) -> (i32)  : i32 {
      %dma_start3A = arith.constant 0 : i32
      %dma_start3A_40 = tpu.memref_slice %arg6[%scan3A_38, %dma_start3A] : memref<81x128xi32, #tpu.memory_space<vmem>> -> memref<1x128xi32, #tpu.memory_space<vmem>>
      %dma_start3A_41 = tpu.memref_squeeze %dma_start3A_40 : memref<1x128xi32, #tpu.memory_space<vmem>> -> memref<128xi32, #tpu.memory_space<vmem>>
      %dma_start3A_42 = arith.constant 0 : i32
      %dma_start3A_43 = arith.constant 0 : i32
      %dma_start3A_44 = tpu.memref_slice %arg2[%dma_start3A_42, %dma_start3A_43] : memref<10000x128xf32, #tpu.memory_space<hbm>> -> memref<10000x128xf32, #tpu.memory_space<hbm>>
      tpu.enqueue_indirect_dma source(%dma_start3A_44 : memref<10000x128xf32, #tpu.memory_space<hbm>>) target(%arg8 : memref<128x128xf32, #tpu.memory_space<vmem>>) offsets(%dma_start3A_41 : memref<128xi32, #tpu.memory_space<vmem>>) semaphore(%arg10 : memref<!tpu.dma_semaphore, #tpu.memory_space<semaphore_mem>>)
      %dma_wait3A = arith.constant 0 : i32
      %dma_wait3A_45 = tpu.memref_slice %arg6[%scan3A_38, %dma_wait3A] : memref<81x128xi32, #tpu.memory_space<vmem>> -> memref<1x128xi32, #tpu.memory_space<vmem>>
      %dma_wait3A_46 = tpu.memref_squeeze %dma_wait3A_45 : memref<1x128xi32, #tpu.memory_space<vmem>> -> memref<128xi32, #tpu.memory_space<vmem>>
      %dma_wait3A_47 = arith.constant 0 : i32
      %dma_wait3A_48 = arith.constant 0 : i32
      %dma_wait3A_49 = tpu.memref_slice %arg2[%dma_wait3A_47, %dma_wait3A_48] : memref<10000x128xf32, #tpu.memory_space<hbm>> -> memref<10000x128xf32, #tpu.memory_space<hbm>>
      tpu.wait_indirect_dma semaphore(%arg10 : memref<!tpu.dma_semaphore, #tpu.memory_space<semaphore_mem>>) src(%dma_wait3A_49 : memref<10000x128xf32, #tpu.memory_space<hbm>>) dst(%arg8 : memref<128x128xf32, #tpu.memory_space<vmem>>)
      %dma_start3A_50 = arith.constant 0 : i32
      %dma_start3A_51 = tpu.memref_slice %arg7[%scan3A_38, %dma_start3A_50] : memref<81x128xi32, #tpu.memory_space<vmem>> -> memref<1x128xi32, #tpu.memory_space<vmem>>
      %dma_start3A_52 = tpu.memref_squeeze %dma_start3A_51 : memref<1x128xi32, #tpu.memory_space<vmem>> -> memref<128xi32, #tpu.memory_space<vmem>>
      %dma_start3A_53 = arith.constant 0 : i32
      %dma_start3A_54 = arith.constant 0 : i32
      %dma_start3A_55 = tpu.memref_slice %arg9[%dma_start3A_53, %dma_start3A_54] : memref<10240x128xf32, #tpu.memory_space<vmem_shared>> -> memref<10240x128xf32, #tpu.memory_space<vmem_shared>>
      tpu.enqueue_indirect_dma source(%arg8 : memref<128x128xf32, #tpu.memory_space<vmem>>) target(%dma_start3A_55 : memref<10240x128xf32, #tpu.memory_space<vmem_shared>>) offsets(%dma_start3A_52 : memref<128xi32, #tpu.memory_space<vmem>>) semaphore(%arg11 : memref<!tpu.dma_semaphore, #tpu.memory_space<semaphore_mem>>) {add = true}
      %dma_wait3A_56 = arith.constant 0 : i32
      %dma_wait3A_57 = tpu.memref_slice %arg7[%scan3A_38, %dma_wait3A_56] : memref<81x128xi32, #tpu.memory_space<vmem>> -> memref<1x128xi32, #tpu.memory_space<vmem>>
      %dma_wait3A_58 = tpu.memref_squeeze %dma_wait3A_57 : memref<1x128xi32, #tpu.memory_space<vmem>> -> memref<128xi32, #tpu.memory_space<vmem>>
      %dma_wait3A_59 = arith.constant 0 : i32
      %dma_wait3A_60 = arith.constant 0 : i32
      %dma_wait3A_61 = tpu.memref_slice %arg9[%dma_wait3A_59, %dma_wait3A_60] : memref<10240x128xf32, #tpu.memory_space<vmem_shared>> -> memref<10240x128xf32, #tpu.memory_space<vmem_shared>>
      tpu.wait_indirect_dma semaphore(%arg11 : memref<!tpu.dma_semaphore, #tpu.memory_space<semaphore_mem>>) src(%arg8 : memref<128x128xf32, #tpu.memory_space<vmem>>) dst(%dma_wait3A_61 : memref<10240x128xf32, #tpu.memory_space<vmem_shared>>)
      %scan3A_62 = arith.constant 0 : i32
      scf.yield %scan3A_62 : i32
    }
    %scan3A_34 = arith.constant 81 : i32
    %barrier3A_35 = arith.constant 0 : index
    tpu.barrier barrier_id(%barrier3A_35)
    %mul3A_36 = arith.constant 640 : i32
    %mul3A_37 = arith.muli %arg1, %mul3A_36 : i32
    "tpu.region"() ({
      %run_scoped3A = tpu.sem_alloc : memref<!tpu.dma_semaphore, #tpu.memory_space<semaphore_mem>>
      %dma_start3A = arith.constant 0 : i32
      %dma_start3A_38 = tpu.memref_slice %arg5[%arg0, %mul3A_37, %dma_start3A] : memref<2x10240x128xf32, #tpu.memory_space<hbm>> -> memref<1x640x128xf32, #tpu.memory_space<hbm>>
      %dma_start3A_39 = tpu.memref_squeeze %dma_start3A_38 : memref<1x640x128xf32, #tpu.memory_space<hbm>> -> memref<640x128xf32, #tpu.memory_space<hbm>>
      %dma_start3A_40 = arith.constant 0 : i32
      %dma_start3A_41 = tpu.memref_slice %arg9[%mul3A_37, %dma_start3A_40] : memref<10240x128xf32, #tpu.memory_space<vmem_shared>> -> memref<640x128xf32, #tpu.memory_space<vmem_shared>>
      tpu.enqueue_dma source(%dma_start3A_41 : memref<640x128xf32, #tpu.memory_space<vmem_shared>>) target(%dma_start3A_39 : memref<640x128xf32, #tpu.memory_space<hbm>>) target_semaphore(%run_scoped3A : memref<!tpu.dma_semaphore, #tpu.memory_space<semaphore_mem>>)
      %dma_wait3A = arith.constant 0 : i32
      %dma_wait3A_42 = tpu.memref_slice %arg5[%arg0, %mul3A_37, %dma_wait3A] : memref<2x10240x128xf32, #tpu.memory_space<hbm>> -> memref<1x640x128xf32, #tpu.memory_space<hbm>>
      %dma_wait3A_43 = tpu.memref_squeeze %dma_wait3A_42 : memref<1x640x128xf32, #tpu.memory_space<hbm>> -> memref<640x128xf32, #tpu.memory_space<hbm>>
      %dma_wait3A_44 = arith.constant 0 : i32
      %dma_wait3A_45 = tpu.memref_slice %arg9[%mul3A_37, %dma_wait3A_44] : memref<10240x128xf32, #tpu.memory_space<vmem_shared>> -> memref<640x128xf32, #tpu.memory_space<vmem_shared>>
      tpu.wait_dma2 semaphore(%run_scoped3A : memref<!tpu.dma_semaphore, #tpu.memory_space<semaphore_mem>>) src(%dma_wait3A_45 : memref<640x128xf32, #tpu.memory_space<vmem_shared>>) dst(%dma_wait3A_43 : memref<640x128xf32, #tpu.memory_space<hbm>>)
      tpu.yield
    }) : () -> ()
    return
  }
}

#map = affine_map<(d0, d1) -> (0, 0)>
#map1 = affine_map<(d0, d1) -> (0, 0, 0)>
module attributes {stable_mosaic.version = 14 : i64} {
  func.func @_sc_scatter_body(%arg0: i32, %arg1: i32, %arg2: memref<10000x128xf32, #tpu.memory_space<hbm>>, %arg3: memref<32x81x128xi32, #tpu.memory_space<hbm>>, %arg4: memref<32x81x128xi32, #tpu.memory_space<hbm>>, %arg5: memref<2x10240x128xf32, #tpu.memory_space<hbm>>, %arg6: memref<81x128xi32, #tpu.memory_space<vmem>>, %arg7: memref<81x128xi32, #tpu.memory_space<vmem>>, %arg8: memref<128x128xf32, #tpu.memory_space<vmem>>, %arg9: memref<10240x128xf32, #tpu.memory_space<vmem_shared>>, %arg10: memref<!tpu.dma_semaphore, #tpu.memory_space<semaphore_mem>>, %arg11: memref<!tpu.dma_semaphore, #tpu.memory_space<semaphore_mem>>) attributes {dimension_semantics = [#tpu.dimension_semantics<core_parallel>, #tpu.dimension_semantics<subcore_parallel>], iteration_bounds = array<i64: 2, 16>, scalar_prefetch = 0 : i64, scratch_operands = 6 : i64, tpu.core_type = #tpu.core_type<sc_vector_subcore>, window_params = [{transform_indices = #map}, {transform_indices = #map1}, {transform_indices = #map1}, {transform_indices = #map1}]} {
    %mul3A = arith.constant 16 : i32
    %mul3A_0 = arith.muli %arg0, %mul3A : i32
    %add3A = arith.addi %mul3A_0, %arg1 : i32
    "tpu.region"() ({
      %run_scoped3A = tpu.sem_alloc : memref<!tpu.dma_semaphore, #tpu.memory_space<semaphore_mem>>
      %dma_start3A = arith.constant 0 : i32
      %dma_start3A_38 = arith.constant 0 : i32
      %dma_start3A_39 = tpu.memref_slice %arg3[%add3A, %dma_start3A, %dma_start3A_38] : memref<32x81x128xi32, #tpu.memory_space<hbm>> -> memref<1x81x128xi32, #tpu.memory_space<hbm>>
      %dma_start3A_40 = tpu.memref_squeeze %dma_start3A_39 : memref<1x81x128xi32, #tpu.memory_space<hbm>> -> memref<81x128xi32, #tpu.memory_space<hbm>>
      %dma_start3A_41 = arith.constant 0 : i32
      %dma_start3A_42 = arith.constant 0 : i32
      %dma_start3A_43 = tpu.memref_slice %arg3[%add3A, %dma_start3A_41, %dma_start3A_42] : memref<32x81x128xi32, #tpu.memory_space<hbm>> -> memref<1x81x128xi32, #tpu.memory_space<hbm>>
      %dma_start3A_44 = tpu.memref_squeeze %dma_start3A_43 : memref<1x81x128xi32, #tpu.memory_space<hbm>> -> memref<81x128xi32, #tpu.memory_space<hbm>>
      tpu.enqueue_dma source(%dma_start3A_44 : memref<81x128xi32, #tpu.memory_space<hbm>>) target(%arg6 : memref<81x128xi32, #tpu.memory_space<vmem>>) target_semaphore(%run_scoped3A : memref<!tpu.dma_semaphore, #tpu.memory_space<semaphore_mem>>)
      %dma_wait3A = arith.constant 0 : i32
      %dma_wait3A_45 = arith.constant 0 : i32
      %dma_wait3A_46 = tpu.memref_slice %arg3[%add3A, %dma_wait3A, %dma_wait3A_45] : memref<32x81x128xi32, #tpu.memory_space<hbm>> -> memref<1x81x128xi32, #tpu.memory_space<hbm>>
      %dma_wait3A_47 = tpu.memref_squeeze %dma_wait3A_46 : memref<1x81x128xi32, #tpu.memory_space<hbm>> -> memref<81x128xi32, #tpu.memory_space<hbm>>
      %dma_wait3A_48 = arith.constant 0 : i32
      %dma_wait3A_49 = arith.constant 0 : i32
      %dma_wait3A_50 = tpu.memref_slice %arg3[%add3A, %dma_wait3A_48, %dma_wait3A_49] : memref<32x81x128xi32, #tpu.memory_space<hbm>> -> memref<1x81x128xi32, #tpu.memory_space<hbm>>
      %dma_wait3A_51 = tpu.memref_squeeze %dma_wait3A_50 : memref<1x81x128xi32, #tpu.memory_space<hbm>> -> memref<81x128xi32, #tpu.memory_space<hbm>>
      tpu.wait_dma2 semaphore(%run_scoped3A : memref<!tpu.dma_semaphore, #tpu.memory_space<semaphore_mem>>) src(%dma_wait3A_51 : memref<81x128xi32, #tpu.memory_space<hbm>>) dst(%arg6 : memref<81x128xi32, #tpu.memory_space<vmem>>)
      tpu.yield
    }) : () -> ()
    "tpu.region"() ({
      %run_scoped3A = tpu.sem_alloc : memref<!tpu.dma_semaphore, #tpu.memory_space<semaphore_mem>>
      %dma_start3A = arith.constant 0 : i32
      %dma_start3A_38 = arith.constant 0 : i32
      %dma_start3A_39 = tpu.memref_slice %arg4[%add3A, %dma_start3A, %dma_start3A_38] : memref<32x81x128xi32, #tpu.memory_space<hbm>> -> memref<1x81x128xi32, #tpu.memory_space<hbm>>
      %dma_start3A_40 = tpu.memref_squeeze %dma_start3A_39 : memref<1x81x128xi32, #tpu.memory_space<hbm>> -> memref<81x128xi32, #tpu.memory_space<hbm>>
      %dma_start3A_41 = arith.constant 0 : i32
      %dma_start3A_42 = arith.constant 0 : i32
      %dma_start3A_43 = tpu.memref_slice %arg4[%add3A, %dma_start3A_41, %dma_start3A_42] : memref<32x81x128xi32, #tpu.memory_space<hbm>> -> memref<1x81x128xi32, #tpu.memory_space<hbm>>
      %dma_start3A_44 = tpu.memref_squeeze %dma_start3A_43 : memref<1x81x128xi32, #tpu.memory_space<hbm>> -> memref<81x128xi32, #tpu.memory_space<hbm>>
      tpu.enqueue_dma source(%dma_start3A_44 : memref<81x128xi32, #tpu.memory_space<hbm>>) target(%arg7 : memref<81x128xi32, #tpu.memory_space<vmem>>) target_semaphore(%run_scoped3A : memref<!tpu.dma_semaphore, #tpu.memory_space<semaphore_mem>>)
      %dma_wait3A = arith.constant 0 : i32
      %dma_wait3A_45 = arith.constant 0 : i32
      %dma_wait3A_46 = tpu.memref_slice %arg4[%add3A, %dma_wait3A, %dma_wait3A_45] : memref<32x81x128xi32, #tpu.memory_space<hbm>> -> memref<1x81x128xi32, #tpu.memory_space<hbm>>
      %dma_wait3A_47 = tpu.memref_squeeze %dma_wait3A_46 : memref<1x81x128xi32, #tpu.memory_space<hbm>> -> memref<81x128xi32, #tpu.memory_space<hbm>>
      %dma_wait3A_48 = arith.constant 0 : i32
      %dma_wait3A_49 = arith.constant 0 : i32
      %dma_wait3A_50 = tpu.memref_slice %arg4[%add3A, %dma_wait3A_48, %dma_wait3A_49] : memref<32x81x128xi32, #tpu.memory_space<hbm>> -> memref<1x81x128xi32, #tpu.memory_space<hbm>>
      %dma_wait3A_51 = tpu.memref_squeeze %dma_wait3A_50 : memref<1x81x128xi32, #tpu.memory_space<hbm>> -> memref<81x128xi32, #tpu.memory_space<hbm>>
      tpu.wait_dma2 semaphore(%run_scoped3A : memref<!tpu.dma_semaphore, #tpu.memory_space<semaphore_mem>>) src(%dma_wait3A_51 : memref<81x128xi32, #tpu.memory_space<hbm>>) dst(%arg7 : memref<81x128xi32, #tpu.memory_space<vmem>>)
      tpu.yield
    }) : () -> ()
    %broadcast_in_dim3A = arith.constant 0.000000e+00 : f32
    %broadcast_in_dim3A_1 = vector.broadcast %broadcast_in_dim3A : f32 to vector<16xf32>
    %scan3A = arith.constant 0 : i32
    %scan3A_2 = arith.constant 0 : i32
    %scan3A_3 = arith.constant 128 : i32
    %scan3A_4 = arith.addi %scan3A_2, %scan3A_3 : i32
    %scan3A_5 = arith.constant 1 : i32
    %scan3A_6 = scf.for %scan3A_38 = %scan3A_2 to %scan3A_4 step %scan3A_5 iter_args(%scan3A_39 = %scan3A) -> (i32)  : i32 {
      %swap3A = arith.index_cast %scan3A_38 : i32 to index
      %swap3A_40 = arith.constant 0 : index
      %swap3A_41 = tpu.vector_load %arg8[%swap3A, %swap3A_40] {strides = array<i32>} : memref<128x128xf32, #tpu.memory_space<vmem>>, vector<1x16xf32>,
      %swap3A_42 = vector.shape_cast %swap3A_41 : vector<1x16xf32> to vector<16xf32>
      %swap3A_43 = vector.shape_cast %broadcast_in_dim3A_1 : vector<16xf32> to vector<1x16xf32>
      tpu.vector_store %arg8[%swap3A, %swap3A_40], %swap3A_43 {strides = array<i32>} : memref<128x128xf32, #tpu.memory_space<vmem>>, vector<1x16xf32>,
      %swap3A_44 = arith.index_cast %scan3A_38 : i32 to index
      %swap3A_45 = arith.constant 16 : index
      %swap3A_46 = tpu.vector_load %arg8[%swap3A_44, %swap3A_45] {strides = array<i32>} : memref<128x128xf32, #tpu.memory_space<vmem>>, vector<1x16xf32>,
      %swap3A_47 = vector.shape_cast %swap3A_46 : vector<1x16xf32> to vector<16xf32>
      %swap3A_48 = vector.shape_cast %broadcast_in_dim3A_1 : vector<16xf32> to vector<1x16xf32>
      tpu.vector_store %arg8[%swap3A_44, %swap3A_45], %swap3A_48 {strides = array<i32>} : memref<128x128xf32, #tpu.memory_space<vmem>>, vector<1x16xf32>,
      %swap3A_49 = arith.index_cast %scan3A_38 : i32 to index
      %swap3A_50 = arith.constant 32 : index
      %swap3A_51 = tpu.vector_load %arg8[%swap3A_49, %swap3A_50] {strides = array<i32>} : memref<128x128xf32, #tpu.memory_space<vmem>>, vector<1x16xf32>,
      %swap3A_52 = vector.shape_cast %swap3A_51 : vector<1x16xf32> to vector<16xf32>
      %swap3A_53 = vector.shape_cast %broadcast_in_dim3A_1 : vector<16xf32> to vector<1x16xf32>
      tpu.vector_store %arg8[%swap3A_49, %swap3A_50], %swap3A_53 {strides = array<i32>} : memref<128x128xf32, #tpu.memory_space<vmem>>, vector<1x16xf32>,
      %swap3A_54 = arith.index_cast %scan3A_38 : i32 to index
      %swap3A_55 = arith.constant 48 : index
      %swap3A_56 = tpu.vector_load %arg8[%swap3A_54, %swap3A_55] {strides = array<i32>} : memref<128x128xf32, #tpu.memory_space<vmem>>, vector<1x16xf32>,
      %swap3A_57 = vector.shape_cast %swap3A_56 : vector<1x16xf32> to vector<16xf32>
      %swap3A_58 = vector.shape_cast %broadcast_in_dim3A_1 : vector<16xf32> to vector<1x16xf32>
      tpu.vector_store %arg8[%swap3A_54, %swap3A_55], %swap3A_58 {strides = array<i32>} : memref<128x128xf32, #tpu.memory_space<vmem>>, vector<1x16xf32>,
      %swap3A_59 = arith.index_cast %scan3A_38 : i32 to index
      %swap3A_60 = arith.constant 64 : index
      %swap3A_61 = tpu.vector_load %arg8[%swap3A_59, %swap3A_60] {strides = array<i32>} : memref<128x128xf32, #tpu.memory_space<vmem>>, vector<1x16xf32>,
      %swap3A_62 = vector.shape_cast %swap3A_61 : vector<1x16xf32> to vector<16xf32>
      %swap3A_63 = vector.shape_cast %broadcast_in_dim3A_1 : vector<16xf32> to vector<1x16xf32>
      tpu.vector_store %arg8[%swap3A_59, %swap3A_60], %swap3A_63 {strides = array<i32>} : memref<128x128xf32, #tpu.memory_space<vmem>>, vector<1x16xf32>,
      %swap3A_64 = arith.index_cast %scan3A_38 : i32 to index
      %swap3A_65 = arith.constant 80 : index
      %swap3A_66 = tpu.vector_load %arg8[%swap3A_64, %swap3A_65] {strides = array<i32>} : memref<128x128xf32, #tpu.memory_space<vmem>>, vector<1x16xf32>,
      %swap3A_67 = vector.shape_cast %swap3A_66 : vector<1x16xf32> to vector<16xf32>
      %swap3A_68 = vector.shape_cast %broadcast_in_dim3A_1 : vector<16xf32> to vector<1x16xf32>
      tpu.vector_store %arg8[%swap3A_64, %swap3A_65], %swap3A_68 {strides = array<i32>} : memref<128x128xf32, #tpu.memory_space<vmem>>, vector<1x16xf32>,
      %swap3A_69 = arith.index_cast %scan3A_38 : i32 to index
      %swap3A_70 = arith.constant 96 : index
      %swap3A_71 = tpu.vector_load %arg8[%swap3A_69, %swap3A_70] {strides = array<i32>} : memref<128x128xf32, #tpu.memory_space<vmem>>, vector<1x16xf32>,
      %swap3A_72 = vector.shape_cast %swap3A_71 : vector<1x16xf32> to vector<16xf32>
      %swap3A_73 = vector.shape_cast %broadcast_in_dim3A_1 : vector<16xf32> to vector<1x16xf32>
      tpu.vector_store %arg8[%swap3A_69, %swap3A_70], %swap3A_73 {strides = array<i32>} : memref<128x128xf32, #tpu.memory_space<vmem>>, vector<1x16xf32>,
      %swap3A_74 = arith.index_cast %scan3A_38 : i32 to index
      %swap3A_75 = arith.constant 112 : index
      %swap3A_76 = tpu.vector_load %arg8[%swap3A_74, %swap3A_75] {strides = array<i32>} : memref<128x128xf32, #tpu.memory_space<vmem>>, vector<1x16xf32>,
      %swap3A_77 = vector.shape_cast %swap3A_76 : vector<1x16xf32> to vector<16xf32>
      %swap3A_78 = vector.shape_cast %broadcast_in_dim3A_1 : vector<16xf32> to vector<1x16xf32>
      tpu.vector_store %arg8[%swap3A_74, %swap3A_75], %swap3A_78 {strides = array<i32>} : memref<128x128xf32, #tpu.memory_space<vmem>>, vector<1x16xf32>,
      %scan3A_79 = arith.constant 0 : i32
      scf.yield %scan3A_79 : i32
    }
    %scan3A_7 = arith.constant 128 : i32
    %mul3A_8 = arith.constant 640 : i32
    %mul3A_9 = arith.muli %arg1, %mul3A_8 : i32
    %add3A_10 = arith.constant 0 : i32
    %add3A_11 = arith.addi %mul3A_9, %add3A_10 : i32
    "tpu.region"() ({
      %run_scoped3A = tpu.sem_alloc : memref<!tpu.dma_semaphore, #tpu.memory_space<semaphore_mem>>
      %dma_start3A = arith.constant 0 : i32
      %dma_start3A_38 = tpu.memref_slice %arg9[%add3A_11, %dma_start3A] : memref<10240x128xf32, #tpu.memory_space<vmem_shared>> -> memref<128x128xf32, #tpu.memory_space<vmem_shared>>
      %dma_start3A_39 = arith.constant 0 : i32
      %dma_start3A_40 = tpu.memref_slice %arg9[%add3A_11, %dma_start3A_39] : memref<10240x128xf32, #tpu.memory_space<vmem_shared>> -> memref<128x128xf32, #tpu.memory_space<vmem_shared>>
      tpu.enqueue_dma source(%arg8 : memref<128x128xf32, #tpu.memory_space<vmem>>) target(%dma_start3A_40 : memref<128x128xf32, #tpu.memory_space<vmem_shared>>) target_semaphore(%run_scoped3A : memref<!tpu.dma_semaphore, #tpu.memory_space<semaphore_mem>>)
      %dma_wait3A = arith.constant 0 : i32
      %dma_wait3A_41 = tpu.memref_slice %arg9[%add3A_11, %dma_wait3A] : memref<10240x128xf32, #tpu.memory_space<vmem_shared>> -> memref<128x128xf32, #tpu.memory_space<vmem_shared>>
      %dma_wait3A_42 = arith.constant 0 : i32
      %dma_wait3A_43 = tpu.memref_slice %arg9[%add3A_11, %dma_wait3A_42] : memref<10240x128xf32, #tpu.memory_space<vmem_shared>> -> memref<128x128xf32, #tpu.memory_space<vmem_shared>>
      tpu.wait_dma2 semaphore(%run_scoped3A : memref<!tpu.dma_semaphore, #tpu.memory_space<semaphore_mem>>) src(%arg8 : memref<128x128xf32, #tpu.memory_space<vmem>>) dst(%dma_wait3A_43 : memref<128x128xf32, #tpu.memory_space<vmem_shared>>)
      tpu.yield
    }) : () -> ()
    %mul3A_12 = arith.constant 640 : i32
    %mul3A_13 = arith.muli %arg1, %mul3A_12 : i32
    %add3A_14 = arith.constant 128 : i32
    %add3A_15 = arith.addi %mul3A_13, %add3A_14 : i32
    "tpu.region"() ({
      %run_scoped3A = tpu.sem_alloc : memref<!tpu.dma_semaphore, #tpu.memory_space<semaphore_mem>>
      %dma_start3A = arith.constant 0 : i32
      %dma_start3A_38 = tpu.memref_slice %arg9[%add3A_15, %dma_start3A] : memref<10240x128xf32, #tpu.memory_space<vmem_shared>> -> memref<128x128xf32, #tpu.memory_space<vmem_shared>>
      %dma_start3A_39 = arith.constant 0 : i32
      %dma_start3A_40 = tpu.memref_slice %arg9[%add3A_15, %dma_start3A_39] : memref<10240x128xf32, #tpu.memory_space<vmem_shared>> -> memref<128x128xf32, #tpu.memory_space<vmem_shared>>
      tpu.enqueue_dma source(%arg8 : memref<128x128xf32, #tpu.memory_space<vmem>>) target(%dma_start3A_40 : memref<128x128xf32, #tpu.memory_space<vmem_shared>>) target_semaphore(%run_scoped3A : memref<!tpu.dma_semaphore, #tpu.memory_space<semaphore_mem>>)
      %dma_wait3A = arith.constant 0 : i32
      %dma_wait3A_41 = tpu.memref_slice %arg9[%add3A_15, %dma_wait3A] : memref<10240x128xf32, #tpu.memory_space<vmem_shared>> -> memref<128x128xf32, #tpu.memory_space<vmem_shared>>
      %dma_wait3A_42 = arith.constant 0 : i32
      %dma_wait3A_43 = tpu.memref_slice %arg9[%add3A_15, %dma_wait3A_42] : memref<10240x128xf32, #tpu.memory_space<vmem_shared>> -> memref<128x128xf32, #tpu.memory_space<vmem_shared>>
      tpu.wait_dma2 semaphore(%run_scoped3A : memref<!tpu.dma_semaphore, #tpu.memory_space<semaphore_mem>>) src(%arg8 : memref<128x128xf32, #tpu.memory_space<vmem>>) dst(%dma_wait3A_43 : memref<128x128xf32, #tpu.memory_space<vmem_shared>>)
      tpu.yield
    }) : () -> ()
    %mul3A_16 = arith.constant 640 : i32
    %mul3A_17 = arith.muli %arg1, %mul3A_16 : i32
    %add3A_18 = arith.constant 256 : i32
    %add3A_19 = arith.addi %mul3A_17, %add3A_18 : i32
    "tpu.region"() ({
      %run_scoped3A = tpu.sem_alloc : memref<!tpu.dma_semaphore, #tpu.memory_space<semaphore_mem>>
      %dma_start3A = arith.constant 0 : i32
      %dma_start3A_38 = tpu.memref_slice %arg9[%add3A_19, %dma_start3A] : memref<10240x128xf32, #tpu.memory_space<vmem_shared>> -> memref<128x128xf32, #tpu.memory_space<vmem_shared>>
      %dma_start3A_39 = arith.constant 0 : i32
      %dma_start3A_40 = tpu.memref_slice %arg9[%add3A_19, %dma_start3A_39] : memref<10240x128xf32, #tpu.memory_space<vmem_shared>> -> memref<128x128xf32, #tpu.memory_space<vmem_shared>>
      tpu.enqueue_dma source(%arg8 : memref<128x128xf32, #tpu.memory_space<vmem>>) target(%dma_start3A_40 : memref<128x128xf32, #tpu.memory_space<vmem_shared>>) target_semaphore(%run_scoped3A : memref<!tpu.dma_semaphore, #tpu.memory_space<semaphore_mem>>)
      %dma_wait3A = arith.constant 0 : i32
      %dma_wait3A_41 = tpu.memref_slice %arg9[%add3A_19, %dma_wait3A] : memref<10240x128xf32, #tpu.memory_space<vmem_shared>> -> memref<128x128xf32, #tpu.memory_space<vmem_shared>>
      %dma_wait3A_42 = arith.constant 0 : i32
      %dma_wait3A_43 = tpu.memref_slice %arg9[%add3A_19, %dma_wait3A_42] : memref<10240x128xf32, #tpu.memory_space<vmem_shared>> -> memref<128x128xf32, #tpu.memory_space<vmem_shared>>
      tpu.wait_dma2 semaphore(%run_scoped3A : memref<!tpu.dma_semaphore, #tpu.memory_space<semaphore_mem>>) src(%arg8 : memref<128x128xf32, #tpu.memory_space<vmem>>) dst(%dma_wait3A_43 : memref<128x128xf32, #tpu.memory_space<vmem_shared>>)
      tpu.yield
    }) : () -> ()
    %mul3A_20 = arith.constant 640 : i32
    %mul3A_21 = arith.muli %arg1, %mul3A_20 : i32
    %add3A_22 = arith.constant 384 : i32
    %add3A_23 = arith.addi %mul3A_21, %add3A_22 : i32
    "tpu.region"() ({
      %run_scoped3A = tpu.sem_alloc : memref<!tpu.dma_semaphore, #tpu.memory_space<semaphore_mem>>
      %dma_start3A = arith.constant 0 : i32
      %dma_start3A_38 = tpu.memref_slice %arg9[%add3A_23, %dma_start3A] : memref<10240x128xf32, #tpu.memory_space<vmem_shared>> -> memref<128x128xf32, #tpu.memory_space<vmem_shared>>
      %dma_start3A_39 = arith.constant 0 : i32
      %dma_start3A_40 = tpu.memref_slice %arg9[%add3A_23, %dma_start3A_39] : memref<10240x128xf32, #tpu.memory_space<vmem_shared>> -> memref<128x128xf32, #tpu.memory_space<vmem_shared>>
      tpu.enqueue_dma source(%arg8 : memref<128x128xf32, #tpu.memory_space<vmem>>) target(%dma_start3A_40 : memref<128x128xf32, #tpu.memory_space<vmem_shared>>) target_semaphore(%run_scoped3A : memref<!tpu.dma_semaphore, #tpu.memory_space<semaphore_mem>>)
      %dma_wait3A = arith.constant 0 : i32
      %dma_wait3A_41 = tpu.memref_slice %arg9[%add3A_23, %dma_wait3A] : memref<10240x128xf32, #tpu.memory_space<vmem_shared>> -> memref<128x128xf32, #tpu.memory_space<vmem_shared>>
      %dma_wait3A_42 = arith.constant 0 : i32
      %dma_wait3A_43 = tpu.memref_slice %arg9[%add3A_23, %dma_wait3A_42] : memref<10240x128xf32, #tpu.memory_space<vmem_shared>> -> memref<128x128xf32, #tpu.memory_space<vmem_shared>>
      tpu.wait_dma2 semaphore(%run_scoped3A : memref<!tpu.dma_semaphore, #tpu.memory_space<semaphore_mem>>) src(%arg8 : memref<128x128xf32, #tpu.memory_space<vmem>>) dst(%dma_wait3A_43 : memref<128x128xf32, #tpu.memory_space<vmem_shared>>)
      tpu.yield
    }) : () -> ()
    %mul3A_24 = arith.constant 640 : i32
    %mul3A_25 = arith.muli %arg1, %mul3A_24 : i32
    %add3A_26 = arith.constant 512 : i32
    %add3A_27 = arith.addi %mul3A_25, %add3A_26 : i32
    "tpu.region"() ({
      %run_scoped3A = tpu.sem_alloc : memref<!tpu.dma_semaphore, #tpu.memory_space<semaphore_mem>>
      %dma_start3A = arith.constant 0 : i32
      %dma_start3A_38 = tpu.memref_slice %arg9[%add3A_27, %dma_start3A] : memref<10240x128xf32, #tpu.memory_space<vmem_shared>> -> memref<128x128xf32, #tpu.memory_space<vmem_shared>>
      %dma_start3A_39 = arith.constant 0 : i32
      %dma_start3A_40 = tpu.memref_slice %arg9[%add3A_27, %dma_start3A_39] : memref<10240x128xf32, #tpu.memory_space<vmem_shared>> -> memref<128x128xf32, #tpu.memory_space<vmem_shared>>
      tpu.enqueue_dma source(%arg8 : memref<128x128xf32, #tpu.memory_space<vmem>>) target(%dma_start3A_40 : memref<128x128xf32, #tpu.memory_space<vmem_shared>>) target_semaphore(%run_scoped3A : memref<!tpu.dma_semaphore, #tpu.memory_space<semaphore_mem>>)
      %dma_wait3A = arith.constant 0 : i32
      %dma_wait3A_41 = tpu.memref_slice %arg9[%add3A_27, %dma_wait3A] : memref<10240x128xf32, #tpu.memory_space<vmem_shared>> -> memref<128x128xf32, #tpu.memory_space<vmem_shared>>
      %dma_wait3A_42 = arith.constant 0 : i32
      %dma_wait3A_43 = tpu.memref_slice %arg9[%add3A_27, %dma_wait3A_42] : memref<10240x128xf32, #tpu.memory_space<vmem_shared>> -> memref<128x128xf32, #tpu.memory_space<vmem_shared>>
      tpu.wait_dma2 semaphore(%run_scoped3A : memref<!tpu.dma_semaphore, #tpu.memory_space<semaphore_mem>>) src(%arg8 : memref<128x128xf32, #tpu.memory_space<vmem>>) dst(%dma_wait3A_43 : memref<128x128xf32, #tpu.memory_space<vmem_shared>>)
      tpu.yield
    }) : () -> ()
    %barrier3A = arith.constant 0 : index
    tpu.barrier barrier_id(%barrier3A)
    %scan3A_28 = arith.constant 0 : i32
    %scan3A_29 = arith.constant 0 : i32
    %scan3A_30 = arith.constant 81 : i32
    %scan3A_31 = arith.addi %scan3A_29, %scan3A_30 : i32
    %scan3A_32 = arith.constant 1 : i32
    %scan3A_33 = scf.for %scan3A_38 = %scan3A_29 to %scan3A_31 step %scan3A_32 iter_args(%scan3A_39 = %scan3A_28) -> (i32)  : i32 {
      %dma_start3A = arith.constant 0 : i32
      %dma_start3A_40 = tpu.memref_slice %arg6[%scan3A_38, %dma_start3A] : memref<81x128xi32, #tpu.memory_space<vmem>> -> memref<1x128xi32, #tpu.memory_space<vmem>>
      %dma_start3A_41 = tpu.memref_squeeze %dma_start3A_40 : memref<1x128xi32, #tpu.memory_space<vmem>> -> memref<128xi32, #tpu.memory_space<vmem>>
      %dma_start3A_42 = arith.constant 0 : i32
      %dma_start3A_43 = arith.constant 0 : i32
      %dma_start3A_44 = tpu.memref_slice %arg2[%dma_start3A_42, %dma_start3A_43] : memref<10000x128xf32, #tpu.memory_space<hbm>> -> memref<10000x128xf32, #tpu.memory_space<hbm>>
      tpu.enqueue_indirect_dma source(%dma_start3A_44 : memref<10000x128xf32, #tpu.memory_space<hbm>>) target(%arg8 : memref<128x128xf32, #tpu.memory_space<vmem>>) offsets(%dma_start3A_41 : memref<128xi32, #tpu.memory_space<vmem>>) semaphore(%arg10 : memref<!tpu.dma_semaphore, #tpu.memory_space<semaphore_mem>>)
      %dma_wait3A = arith.constant 0 : i32
      %dma_wait3A_45 = tpu.memref_slice %arg6[%scan3A_38, %dma_wait3A] : memref<81x128xi32, #tpu.memory_space<vmem>> -> memref<1x128xi32, #tpu.memory_space<vmem>>
      %dma_wait3A_46 = tpu.memref_squeeze %dma_wait3A_45 : memref<1x128xi32, #tpu.memory_space<vmem>> -> memref<128xi32, #tpu.memory_space<vmem>>
      %dma_wait3A_47 = arith.constant 0 : i32
      %dma_wait3A_48 = arith.constant 0 : i32
      %dma_wait3A_49 = tpu.memref_slice %arg2[%dma_wait3A_47, %dma_wait3A_48] : memref<10000x128xf32, #tpu.memory_space<hbm>> -> memref<10000x128xf32, #tpu.memory_space<hbm>>
      tpu.wait_indirect_dma semaphore(%arg10 : memref<!tpu.dma_semaphore, #tpu.memory_space<semaphore_mem>>) src(%dma_wait3A_49 : memref<10000x128xf32, #tpu.memory_space<hbm>>) dst(%arg8 : memref<128x128xf32, #tpu.memory_space<vmem>>)
      %dma_start3A_50 = arith.constant 0 : i32
      %dma_start3A_51 = tpu.memref_slice %arg7[%scan3A_38, %dma_start3A_50] : memref<81x128xi32, #tpu.memory_space<vmem>> -> memref<1x128xi32, #tpu.memory_space<vmem>>
      %dma_start3A_52 = tpu.memref_squeeze %dma_start3A_51 : memref<1x128xi32, #tpu.memory_space<vmem>> -> memref<128xi32, #tpu.memory_space<vmem>>
      %dma_start3A_53 = arith.constant 0 : i32
      %dma_start3A_54 = arith.constant 0 : i32
      %dma_start3A_55 = tpu.memref_slice %arg9[%dma_start3A_53, %dma_start3A_54] : memref<10240x128xf32, #tpu.memory_space<vmem_shared>> -> memref<10240x128xf32, #tpu.memory_space<vmem_shared>>
      tpu.enqueue_indirect_dma source(%arg8 : memref<128x128xf32, #tpu.memory_space<vmem>>) target(%dma_start3A_55 : memref<10240x128xf32, #tpu.memory_space<vmem_shared>>) offsets(%dma_start3A_52 : memref<128xi32, #tpu.memory_space<vmem>>) semaphore(%arg11 : memref<!tpu.dma_semaphore, #tpu.memory_space<semaphore_mem>>) {add = true}
      %dma_wait3A_56 = arith.constant 0 : i32
      %dma_wait3A_57 = tpu.memref_slice %arg7[%scan3A_38, %dma_wait3A_56] : memref<81x128xi32, #tpu.memory_space<vmem>> -> memref<1x128xi32, #tpu.memory_space<vmem>>
      %dma_wait3A_58 = tpu.memref_squeeze %dma_wait3A_57 : memref<1x128xi32, #tpu.memory_space<vmem>> -> memref<128xi32, #tpu.memory_space<vmem>>
      %dma_wait3A_59 = arith.constant 0 : i32
      %dma_wait3A_60 = arith.constant 0 : i32
      %dma_wait3A_61 = tpu.memref_slice %arg9[%dma_wait3A_59, %dma_wait3A_60] : memref<10240x128xf32, #tpu.memory_space<vmem_shared>> -> memref<10240x128xf32, #tpu.memory_space<vmem_shared>>
      tpu.wait_indirect_dma semaphore(%arg11 : memref<!tpu.dma_semaphore, #tpu.memory_space<semaphore_mem>>) src(%arg8 : memref<128x128xf32, #tpu.memory_space<vmem>>) dst(%dma_wait3A_61 : memref<10240x128xf32, #tpu.memory_space<vmem_shared>>)
      %scan3A_62 = arith.constant 0 : i32
      scf.yield %scan3A_62 : i32
    }
    %scan3A_34 = arith.constant 81 : i32
    %barrier3A_35 = arith.constant 0 : index
    tpu.barrier barrier_id(%barrier3A_35)
    %mul3A_36 = arith.constant 640 : i32
    %mul3A_37 = arith.muli %arg1, %mul3A_36 : i32
    "tpu.region"() ({
      %run_scoped3A = tpu.sem_alloc : memref<!tpu.dma_semaphore, #tpu.memory_space<semaphore_mem>>
      %dma_start3A = arith.constant 0 : i32
      %dma_start3A_38 = tpu.memref_slice %arg5[%arg0, %mul3A_37, %dma_start3A] : memref<2x10240x128xf32, #tpu.memory_space<hbm>> -> memref<1x640x128xf32, #tpu.memory_space<hbm>>
      %dma_start3A_39 = tpu.memref_squeeze %dma_start3A_38 : memref<1x640x128xf32, #tpu.memory_space<hbm>> -> memref<640x128xf32, #tpu.memory_space<hbm>>
      %dma_start3A_40 = arith.constant 0 : i32
      %dma_start3A_41 = tpu.memref_slice %arg9[%mul3A_37, %dma_start3A_40] : memref<10240x128xf32, #tpu.memory_space<vmem_shared>> -> memref<640x128xf32, #tpu.memory_space<vmem_shared>>
      tpu.enqueue_dma source(%dma_start3A_41 : memref<640x128xf32, #tpu.memory_space<vmem_shared>>) target(%dma_start3A_39 : memref<640x128xf32, #tpu.memory_space<hbm>>) target_semaphore(%run_scoped3A : memref<!tpu.dma_semaphore, #tpu.memory_space<semaphore_mem>>)
      %dma_wait3A = arith.constant 0 : i32
      %dma_wait3A_42 = tpu.memref_slice %arg5[%arg0, %mul3A_37, %dma_wait3A] : memref<2x10240x128xf32, #tpu.memory_space<hbm>> -> memref<1x640x128xf32, #tpu.memory_space<hbm>>
      %dma_wait3A_43 = tpu.memref_squeeze %dma_wait3A_42 : memref<1x640x128xf32, #tpu.memory_space<hbm>> -> memref<640x128xf32, #tpu.memory_space<hbm>>
      %dma_wait3A_44 = arith.constant 0 : i32
      %dma_wait3A_45 = tpu.memref_slice %arg9[%mul3A_37, %dma_wait3A_44] : memref<10240x128xf32, #tpu.memory_space<vmem_shared>> -> memref<640x128xf32, #tpu.memory_space<vmem_shared>>
      tpu.wait_dma2 semaphore(%run_scoped3A : memref<!tpu.dma_semaphore, #tpu.memory_space<semaphore_mem>>) src(%dma_wait3A_45 : memref<640x128xf32, #tpu.memory_space<vmem_shared>>) dst(%dma_wait3A_43 : memref<640x128xf32, #tpu.memory_space<hbm>>)
      tpu.yield
    }) : () -> ()
    return
  }
}

#map = affine_map<(d0, d1) -> (0, 0)>
#map1 = affine_map<(d0, d1) -> (0, 0, 0)>
module attributes {stable_mosaic.version = 14 : i64} {
  func.func @_sc_scatter_body(%arg0: i32, %arg1: i32, %arg2: memref<10000x128xf32, #tpu.memory_space<hbm>>, %arg3: memref<32x81x128xi32, #tpu.memory_space<hbm>>, %arg4: memref<32x81x128xi32, #tpu.memory_space<hbm>>, %arg5: memref<2x10240x128xf32, #tpu.memory_space<hbm>>, %arg6: memref<81x128xi32, #tpu.memory_space<vmem>>, %arg7: memref<81x128xi32, #tpu.memory_space<vmem>>, %arg8: memref<128x128xf32, #tpu.memory_space<vmem>>, %arg9: memref<10240x128xf32, #tpu.memory_space<vmem_shared>>, %arg10: memref<!tpu.dma_semaphore, #tpu.memory_space<semaphore_mem>>, %arg11: memref<!tpu.dma_semaphore, #tpu.memory_space<semaphore_mem>>) attributes {dimension_semantics = [#tpu.dimension_semantics<core_parallel>, #tpu.dimension_semantics<subcore_parallel>], iteration_bounds = array<i64: 2, 16>, scalar_prefetch = 0 : i64, scratch_operands = 6 : i64, tpu.core_type = #tpu.core_type<sc_vector_subcore>, window_params = [{transform_indices = #map}, {transform_indices = #map1}, {transform_indices = #map1}, {transform_indices = #map1}]} {
    %mul3A = arith.constant 16 : i32
    %mul3A_0 = arith.muli %arg0, %mul3A : i32
    %add3A = arith.addi %mul3A_0, %arg1 : i32
    "tpu.region"() ({
      %run_scoped3A = tpu.sem_alloc : memref<!tpu.dma_semaphore, #tpu.memory_space<semaphore_mem>>
      %dma_start3A = arith.constant 0 : i32
      %dma_start3A_38 = arith.constant 0 : i32
      %dma_start3A_39 = tpu.memref_slice %arg3[%add3A, %dma_start3A, %dma_start3A_38] : memref<32x81x128xi32, #tpu.memory_space<hbm>> -> memref<1x81x128xi32, #tpu.memory_space<hbm>>
      %dma_start3A_40 = tpu.memref_squeeze %dma_start3A_39 : memref<1x81x128xi32, #tpu.memory_space<hbm>> -> memref<81x128xi32, #tpu.memory_space<hbm>>
      %dma_start3A_41 = arith.constant 0 : i32
      %dma_start3A_42 = arith.constant 0 : i32
      %dma_start3A_43 = tpu.memref_slice %arg3[%add3A, %dma_start3A_41, %dma_start3A_42] : memref<32x81x128xi32, #tpu.memory_space<hbm>> -> memref<1x81x128xi32, #tpu.memory_space<hbm>>
      %dma_start3A_44 = tpu.memref_squeeze %dma_start3A_43 : memref<1x81x128xi32, #tpu.memory_space<hbm>> -> memref<81x128xi32, #tpu.memory_space<hbm>>
      tpu.enqueue_dma source(%dma_start3A_44 : memref<81x128xi32, #tpu.memory_space<hbm>>) target(%arg6 : memref<81x128xi32, #tpu.memory_space<vmem>>) target_semaphore(%run_scoped3A : memref<!tpu.dma_semaphore, #tpu.memory_space<semaphore_mem>>)
      %dma_wait3A = arith.constant 0 : i32
      %dma_wait3A_45 = arith.constant 0 : i32
      %dma_wait3A_46 = tpu.memref_slice %arg3[%add3A, %dma_wait3A, %dma_wait3A_45] : memref<32x81x128xi32, #tpu.memory_space<hbm>> -> memref<1x81x128xi32, #tpu.memory_space<hbm>>
      %dma_wait3A_47 = tpu.memref_squeeze %dma_wait3A_46 : memref<1x81x128xi32, #tpu.memory_space<hbm>> -> memref<81x128xi32, #tpu.memory_space<hbm>>
      %dma_wait3A_48 = arith.constant 0 : i32
      %dma_wait3A_49 = arith.constant 0 : i32
      %dma_wait3A_50 = tpu.memref_slice %arg3[%add3A, %dma_wait3A_48, %dma_wait3A_49] : memref<32x81x128xi32, #tpu.memory_space<hbm>> -> memref<1x81x128xi32, #tpu.memory_space<hbm>>
      %dma_wait3A_51 = tpu.memref_squeeze %dma_wait3A_50 : memref<1x81x128xi32, #tpu.memory_space<hbm>> -> memref<81x128xi32, #tpu.memory_space<hbm>>
      tpu.wait_dma2 semaphore(%run_scoped3A : memref<!tpu.dma_semaphore, #tpu.memory_space<semaphore_mem>>) src(%dma_wait3A_51 : memref<81x128xi32, #tpu.memory_space<hbm>>) dst(%arg6 : memref<81x128xi32, #tpu.memory_space<vmem>>)
      tpu.yield
    }) : () -> ()
    "tpu.region"() ({
      %run_scoped3A = tpu.sem_alloc : memref<!tpu.dma_semaphore, #tpu.memory_space<semaphore_mem>>
      %dma_start3A = arith.constant 0 : i32
      %dma_start3A_38 = arith.constant 0 : i32
      %dma_start3A_39 = tpu.memref_slice %arg4[%add3A, %dma_start3A, %dma_start3A_38] : memref<32x81x128xi32, #tpu.memory_space<hbm>> -> memref<1x81x128xi32, #tpu.memory_space<hbm>>
      %dma_start3A_40 = tpu.memref_squeeze %dma_start3A_39 : memref<1x81x128xi32, #tpu.memory_space<hbm>> -> memref<81x128xi32, #tpu.memory_space<hbm>>
      %dma_start3A_41 = arith.constant 0 : i32
      %dma_start3A_42 = arith.constant 0 : i32
      %dma_start3A_43 = tpu.memref_slice %arg4[%add3A, %dma_start3A_41, %dma_start3A_42] : memref<32x81x128xi32, #tpu.memory_space<hbm>> -> memref<1x81x128xi32, #tpu.memory_space<hbm>>
      %dma_start3A_44 = tpu.memref_squeeze %dma_start3A_43 : memref<1x81x128xi32, #tpu.memory_space<hbm>> -> memref<81x128xi32, #tpu.memory_space<hbm>>
      tpu.enqueue_dma source(%dma_start3A_44 : memref<81x128xi32, #tpu.memory_space<hbm>>) target(%arg7 : memref<81x128xi32, #tpu.memory_space<vmem>>) target_semaphore(%run_scoped3A : memref<!tpu.dma_semaphore, #tpu.memory_space<semaphore_mem>>)
      %dma_wait3A = arith.constant 0 : i32
      %dma_wait3A_45 = arith.constant 0 : i32
      %dma_wait3A_46 = tpu.memref_slice %arg4[%add3A, %dma_wait3A, %dma_wait3A_45] : memref<32x81x128xi32, #tpu.memory_space<hbm>> -> memref<1x81x128xi32, #tpu.memory_space<hbm>>
      %dma_wait3A_47 = tpu.memref_squeeze %dma_wait3A_46 : memref<1x81x128xi32, #tpu.memory_space<hbm>> -> memref<81x128xi32, #tpu.memory_space<hbm>>
      %dma_wait3A_48 = arith.constant 0 : i32
      %dma_wait3A_49 = arith.constant 0 : i32
      %dma_wait3A_50 = tpu.memref_slice %arg4[%add3A, %dma_wait3A_48, %dma_wait3A_49] : memref<32x81x128xi32, #tpu.memory_space<hbm>> -> memref<1x81x128xi32, #tpu.memory_space<hbm>>
      %dma_wait3A_51 = tpu.memref_squeeze %dma_wait3A_50 : memref<1x81x128xi32, #tpu.memory_space<hbm>> -> memref<81x128xi32, #tpu.memory_space<hbm>>
      tpu.wait_dma2 semaphore(%run_scoped3A : memref<!tpu.dma_semaphore, #tpu.memory_space<semaphore_mem>>) src(%dma_wait3A_51 : memref<81x128xi32, #tpu.memory_space<hbm>>) dst(%arg7 : memref<81x128xi32, #tpu.memory_space<vmem>>)
      tpu.yield
    }) : () -> ()
    %broadcast_in_dim3A = arith.constant 0.000000e+00 : f32
    %broadcast_in_dim3A_1 = vector.broadcast %broadcast_in_dim3A : f32 to vector<16xf32>
    %scan3A = arith.constant 0 : i32
    %scan3A_2 = arith.constant 0 : i32
    %scan3A_3 = arith.constant 128 : i32
    %scan3A_4 = arith.addi %scan3A_2, %scan3A_3 : i32
    %scan3A_5 = arith.constant 1 : i32
    %scan3A_6 = scf.for %scan3A_38 = %scan3A_2 to %scan3A_4 step %scan3A_5 iter_args(%scan3A_39 = %scan3A) -> (i32)  : i32 {
      %swap3A = arith.index_cast %scan3A_38 : i32 to index
      %swap3A_40 = arith.constant 0 : index
      %swap3A_41 = tpu.vector_load %arg8[%swap3A, %swap3A_40] {strides = array<i32>} : memref<128x128xf32, #tpu.memory_space<vmem>>, vector<1x16xf32>,
      %swap3A_42 = vector.shape_cast %swap3A_41 : vector<1x16xf32> to vector<16xf32>
      %swap3A_43 = vector.shape_cast %broadcast_in_dim3A_1 : vector<16xf32> to vector<1x16xf32>
      tpu.vector_store %arg8[%swap3A, %swap3A_40], %swap3A_43 {strides = array<i32>} : memref<128x128xf32, #tpu.memory_space<vmem>>, vector<1x16xf32>,
      %swap3A_44 = arith.index_cast %scan3A_38 : i32 to index
      %swap3A_45 = arith.constant 16 : index
      %swap3A_46 = tpu.vector_load %arg8[%swap3A_44, %swap3A_45] {strides = array<i32>} : memref<128x128xf32, #tpu.memory_space<vmem>>, vector<1x16xf32>,
      %swap3A_47 = vector.shape_cast %swap3A_46 : vector<1x16xf32> to vector<16xf32>
      %swap3A_48 = vector.shape_cast %broadcast_in_dim3A_1 : vector<16xf32> to vector<1x16xf32>
      tpu.vector_store %arg8[%swap3A_44, %swap3A_45], %swap3A_48 {strides = array<i32>} : memref<128x128xf32, #tpu.memory_space<vmem>>, vector<1x16xf32>,
      %swap3A_49 = arith.index_cast %scan3A_38 : i32 to index
      %swap3A_50 = arith.constant 32 : index
      %swap3A_51 = tpu.vector_load %arg8[%swap3A_49, %swap3A_50] {strides = array<i32>} : memref<128x128xf32, #tpu.memory_space<vmem>>, vector<1x16xf32>,
      %swap3A_52 = vector.shape_cast %swap3A_51 : vector<1x16xf32> to vector<16xf32>
      %swap3A_53 = vector.shape_cast %broadcast_in_dim3A_1 : vector<16xf32> to vector<1x16xf32>
      tpu.vector_store %arg8[%swap3A_49, %swap3A_50], %swap3A_53 {strides = array<i32>} : memref<128x128xf32, #tpu.memory_space<vmem>>, vector<1x16xf32>,
      %swap3A_54 = arith.index_cast %scan3A_38 : i32 to index
      %swap3A_55 = arith.constant 48 : index
      %swap3A_56 = tpu.vector_load %arg8[%swap3A_54, %swap3A_55] {strides = array<i32>} : memref<128x128xf32, #tpu.memory_space<vmem>>, vector<1x16xf32>,
      %swap3A_57 = vector.shape_cast %swap3A_56 : vector<1x16xf32> to vector<16xf32>
      %swap3A_58 = vector.shape_cast %broadcast_in_dim3A_1 : vector<16xf32> to vector<1x16xf32>
      tpu.vector_store %arg8[%swap3A_54, %swap3A_55], %swap3A_58 {strides = array<i32>} : memref<128x128xf32, #tpu.memory_space<vmem>>, vector<1x16xf32>,
      %swap3A_59 = arith.index_cast %scan3A_38 : i32 to index
      %swap3A_60 = arith.constant 64 : index
      %swap3A_61 = tpu.vector_load %arg8[%swap3A_59, %swap3A_60] {strides = array<i32>} : memref<128x128xf32, #tpu.memory_space<vmem>>, vector<1x16xf32>,
      %swap3A_62 = vector.shape_cast %swap3A_61 : vector<1x16xf32> to vector<16xf32>
      %swap3A_63 = vector.shape_cast %broadcast_in_dim3A_1 : vector<16xf32> to vector<1x16xf32>
      tpu.vector_store %arg8[%swap3A_59, %swap3A_60], %swap3A_63 {strides = array<i32>} : memref<128x128xf32, #tpu.memory_space<vmem>>, vector<1x16xf32>,
      %swap3A_64 = arith.index_cast %scan3A_38 : i32 to index
      %swap3A_65 = arith.constant 80 : index
      %swap3A_66 = tpu.vector_load %arg8[%swap3A_64, %swap3A_65] {strides = array<i32>} : memref<128x128xf32, #tpu.memory_space<vmem>>, vector<1x16xf32>,
      %swap3A_67 = vector.shape_cast %swap3A_66 : vector<1x16xf32> to vector<16xf32>
      %swap3A_68 = vector.shape_cast %broadcast_in_dim3A_1 : vector<16xf32> to vector<1x16xf32>
      tpu.vector_store %arg8[%swap3A_64, %swap3A_65], %swap3A_68 {strides = array<i32>} : memref<128x128xf32, #tpu.memory_space<vmem>>, vector<1x16xf32>,
      %swap3A_69 = arith.index_cast %scan3A_38 : i32 to index
      %swap3A_70 = arith.constant 96 : index
      %swap3A_71 = tpu.vector_load %arg8[%swap3A_69, %swap3A_70] {strides = array<i32>} : memref<128x128xf32, #tpu.memory_space<vmem>>, vector<1x16xf32>,
      %swap3A_72 = vector.shape_cast %swap3A_71 : vector<1x16xf32> to vector<16xf32>
      %swap3A_73 = vector.shape_cast %broadcast_in_dim3A_1 : vector<16xf32> to vector<1x16xf32>
      tpu.vector_store %arg8[%swap3A_69, %swap3A_70], %swap3A_73 {strides = array<i32>} : memref<128x128xf32, #tpu.memory_space<vmem>>, vector<1x16xf32>,
      %swap3A_74 = arith.index_cast %scan3A_38 : i32 to index
      %swap3A_75 = arith.constant 112 : index
      %swap3A_76 = tpu.vector_load %arg8[%swap3A_74, %swap3A_75] {strides = array<i32>} : memref<128x128xf32, #tpu.memory_space<vmem>>, vector<1x16xf32>,
      %swap3A_77 = vector.shape_cast %swap3A_76 : vector<1x16xf32> to vector<16xf32>
      %swap3A_78 = vector.shape_cast %broadcast_in_dim3A_1 : vector<16xf32> to vector<1x16xf32>
      tpu.vector_store %arg8[%swap3A_74, %swap3A_75], %swap3A_78 {strides = array<i32>} : memref<128x128xf32, #tpu.memory_space<vmem>>, vector<1x16xf32>,
      %scan3A_79 = arith.constant 0 : i32
      scf.yield %scan3A_79 : i32
    }
    %scan3A_7 = arith.constant 128 : i32
    %mul3A_8 = arith.constant 640 : i32
    %mul3A_9 = arith.muli %arg1, %mul3A_8 : i32
    %add3A_10 = arith.constant 0 : i32
    %add3A_11 = arith.addi %mul3A_9, %add3A_10 : i32
    "tpu.region"() ({
      %run_scoped3A = tpu.sem_alloc : memref<!tpu.dma_semaphore, #tpu.memory_space<semaphore_mem>>
      %dma_start3A = arith.constant 0 : i32
      %dma_start3A_38 = tpu.memref_slice %arg9[%add3A_11, %dma_start3A] : memref<10240x128xf32, #tpu.memory_space<vmem_shared>> -> memref<128x128xf32, #tpu.memory_space<vmem_shared>>
      %dma_start3A_39 = arith.constant 0 : i32
      %dma_start3A_40 = tpu.memref_slice %arg9[%add3A_11, %dma_start3A_39] : memref<10240x128xf32, #tpu.memory_space<vmem_shared>> -> memref<128x128xf32, #tpu.memory_space<vmem_shared>>
      tpu.enqueue_dma source(%arg8 : memref<128x128xf32, #tpu.memory_space<vmem>>) target(%dma_start3A_40 : memref<128x128xf32, #tpu.memory_space<vmem_shared>>) target_semaphore(%run_scoped3A : memref<!tpu.dma_semaphore, #tpu.memory_space<semaphore_mem>>)
      %dma_wait3A = arith.constant 0 : i32
      %dma_wait3A_41 = tpu.memref_slice %arg9[%add3A_11, %dma_wait3A] : memref<10240x128xf32, #tpu.memory_space<vmem_shared>> -> memref<128x128xf32, #tpu.memory_space<vmem_shared>>
      %dma_wait3A_42 = arith.constant 0 : i32
      %dma_wait3A_43 = tpu.memref_slice %arg9[%add3A_11, %dma_wait3A_42] : memref<10240x128xf32, #tpu.memory_space<vmem_shared>> -> memref<128x128xf32, #tpu.memory_space<vmem_shared>>
      tpu.wait_dma2 semaphore(%run_scoped3A : memref<!tpu.dma_semaphore, #tpu.memory_space<semaphore_mem>>) src(%arg8 : memref<128x128xf32, #tpu.memory_space<vmem>>) dst(%dma_wait3A_43 : memref<128x128xf32, #tpu.memory_space<vmem_shared>>)
      tpu.yield
    }) : () -> ()
    %mul3A_12 = arith.constant 640 : i32
    %mul3A_13 = arith.muli %arg1, %mul3A_12 : i32
    %add3A_14 = arith.constant 128 : i32
    %add3A_15 = arith.addi %mul3A_13, %add3A_14 : i32
    "tpu.region"() ({
      %run_scoped3A = tpu.sem_alloc : memref<!tpu.dma_semaphore, #tpu.memory_space<semaphore_mem>>
      %dma_start3A = arith.constant 0 : i32
      %dma_start3A_38 = tpu.memref_slice %arg9[%add3A_15, %dma_start3A] : memref<10240x128xf32, #tpu.memory_space<vmem_shared>> -> memref<128x128xf32, #tpu.memory_space<vmem_shared>>
      %dma_start3A_39 = arith.constant 0 : i32
      %dma_start3A_40 = tpu.memref_slice %arg9[%add3A_15, %dma_start3A_39] : memref<10240x128xf32, #tpu.memory_space<vmem_shared>> -> memref<128x128xf32, #tpu.memory_space<vmem_shared>>
      tpu.enqueue_dma source(%arg8 : memref<128x128xf32, #tpu.memory_space<vmem>>) target(%dma_start3A_40 : memref<128x128xf32, #tpu.memory_space<vmem_shared>>) target_semaphore(%run_scoped3A : memref<!tpu.dma_semaphore, #tpu.memory_space<semaphore_mem>>)
      %dma_wait3A = arith.constant 0 : i32
      %dma_wait3A_41 = tpu.memref_slice %arg9[%add3A_15, %dma_wait3A] : memref<10240x128xf32, #tpu.memory_space<vmem_shared>> -> memref<128x128xf32, #tpu.memory_space<vmem_shared>>
      %dma_wait3A_42 = arith.constant 0 : i32
      %dma_wait3A_43 = tpu.memref_slice %arg9[%add3A_15, %dma_wait3A_42] : memref<10240x128xf32, #tpu.memory_space<vmem_shared>> -> memref<128x128xf32, #tpu.memory_space<vmem_shared>>
      tpu.wait_dma2 semaphore(%run_scoped3A : memref<!tpu.dma_semaphore, #tpu.memory_space<semaphore_mem>>) src(%arg8 : memref<128x128xf32, #tpu.memory_space<vmem>>) dst(%dma_wait3A_43 : memref<128x128xf32, #tpu.memory_space<vmem_shared>>)
      tpu.yield
    }) : () -> ()
    %mul3A_16 = arith.constant 640 : i32
    %mul3A_17 = arith.muli %arg1, %mul3A_16 : i32
    %add3A_18 = arith.constant 256 : i32
    %add3A_19 = arith.addi %mul3A_17, %add3A_18 : i32
    "tpu.region"() ({
      %run_scoped3A = tpu.sem_alloc : memref<!tpu.dma_semaphore, #tpu.memory_space<semaphore_mem>>
      %dma_start3A = arith.constant 0 : i32
      %dma_start3A_38 = tpu.memref_slice %arg9[%add3A_19, %dma_start3A] : memref<10240x128xf32, #tpu.memory_space<vmem_shared>> -> memref<128x128xf32, #tpu.memory_space<vmem_shared>>
      %dma_start3A_39 = arith.constant 0 : i32
      %dma_start3A_40 = tpu.memref_slice %arg9[%add3A_19, %dma_start3A_39] : memref<10240x128xf32, #tpu.memory_space<vmem_shared>> -> memref<128x128xf32, #tpu.memory_space<vmem_shared>>
      tpu.enqueue_dma source(%arg8 : memref<128x128xf32, #tpu.memory_space<vmem>>) target(%dma_start3A_40 : memref<128x128xf32, #tpu.memory_space<vmem_shared>>) target_semaphore(%run_scoped3A : memref<!tpu.dma_semaphore, #tpu.memory_space<semaphore_mem>>)
      %dma_wait3A = arith.constant 0 : i32
      %dma_wait3A_41 = tpu.memref_slice %arg9[%add3A_19, %dma_wait3A] : memref<10240x128xf32, #tpu.memory_space<vmem_shared>> -> memref<128x128xf32, #tpu.memory_space<vmem_shared>>
      %dma_wait3A_42 = arith.constant 0 : i32
      %dma_wait3A_43 = tpu.memref_slice %arg9[%add3A_19, %dma_wait3A_42] : memref<10240x128xf32, #tpu.memory_space<vmem_shared>> -> memref<128x128xf32, #tpu.memory_space<vmem_shared>>
      tpu.wait_dma2 semaphore(%run_scoped3A : memref<!tpu.dma_semaphore, #tpu.memory_space<semaphore_mem>>) src(%arg8 : memref<128x128xf32, #tpu.memory_space<vmem>>) dst(%dma_wait3A_43 : memref<128x128xf32, #tpu.memory_space<vmem_shared>>)
      tpu.yield
    }) : () -> ()
    %mul3A_20 = arith.constant 640 : i32
    %mul3A_21 = arith.muli %arg1, %mul3A_20 : i32
    %add3A_22 = arith.constant 384 : i32
    %add3A_23 = arith.addi %mul3A_21, %add3A_22 : i32
    "tpu.region"() ({
      %run_scoped3A = tpu.sem_alloc : memref<!tpu.dma_semaphore, #tpu.memory_space<semaphore_mem>>
      %dma_start3A = arith.constant 0 : i32
      %dma_start3A_38 = tpu.memref_slice %arg9[%add3A_23, %dma_start3A] : memref<10240x128xf32, #tpu.memory_space<vmem_shared>> -> memref<128x128xf32, #tpu.memory_space<vmem_shared>>
      %dma_start3A_39 = arith.constant 0 : i32
      %dma_start3A_40 = tpu.memref_slice %arg9[%add3A_23, %dma_start3A_39] : memref<10240x128xf32, #tpu.memory_space<vmem_shared>> -> memref<128x128xf32, #tpu.memory_space<vmem_shared>>
      tpu.enqueue_dma source(%arg8 : memref<128x128xf32, #tpu.memory_space<vmem>>) target(%dma_start3A_40 : memref<128x128xf32, #tpu.memory_space<vmem_shared>>) target_semaphore(%run_scoped3A : memref<!tpu.dma_semaphore, #tpu.memory_space<semaphore_mem>>)
      %dma_wait3A = arith.constant 0 : i32
      %dma_wait3A_41 = tpu.memref_slice %arg9[%add3A_23, %dma_wait3A] : memref<10240x128xf32, #tpu.memory_space<vmem_shared>> -> memref<128x128xf32, #tpu.memory_space<vmem_shared>>
      %dma_wait3A_42 = arith.constant 0 : i32
      %dma_wait3A_43 = tpu.memref_slice %arg9[%add3A_23, %dma_wait3A_42] : memref<10240x128xf32, #tpu.memory_space<vmem_shared>> -> memref<128x128xf32, #tpu.memory_space<vmem_shared>>
      tpu.wait_dma2 semaphore(%run_scoped3A : memref<!tpu.dma_semaphore, #tpu.memory_space<semaphore_mem>>) src(%arg8 : memref<128x128xf32, #tpu.memory_space<vmem>>) dst(%dma_wait3A_43 : memref<128x128xf32, #tpu.memory_space<vmem_shared>>)
      tpu.yield
    }) : () -> ()
    %mul3A_24 = arith.constant 640 : i32
    %mul3A_25 = arith.muli %arg1, %mul3A_24 : i32
    %add3A_26 = arith.constant 512 : i32
    %add3A_27 = arith.addi %mul3A_25, %add3A_26 : i32
    "tpu.region"() ({
      %run_scoped3A = tpu.sem_alloc : memref<!tpu.dma_semaphore, #tpu.memory_space<semaphore_mem>>
      %dma_start3A = arith.constant 0 : i32
      %dma_start3A_38 = tpu.memref_slice %arg9[%add3A_27, %dma_start3A] : memref<10240x128xf32, #tpu.memory_space<vmem_shared>> -> memref<128x128xf32, #tpu.memory_space<vmem_shared>>
      %dma_start3A_39 = arith.constant 0 : i32
      %dma_start3A_40 = tpu.memref_slice %arg9[%add3A_27, %dma_start3A_39] : memref<10240x128xf32, #tpu.memory_space<vmem_shared>> -> memref<128x128xf32, #tpu.memory_space<vmem_shared>>
      tpu.enqueue_dma source(%arg8 : memref<128x128xf32, #tpu.memory_space<vmem>>) target(%dma_start3A_40 : memref<128x128xf32, #tpu.memory_space<vmem_shared>>) target_semaphore(%run_scoped3A : memref<!tpu.dma_semaphore, #tpu.memory_space<semaphore_mem>>)
      %dma_wait3A = arith.constant 0 : i32
      %dma_wait3A_41 = tpu.memref_slice %arg9[%add3A_27, %dma_wait3A] : memref<10240x128xf32, #tpu.memory_space<vmem_shared>> -> memref<128x128xf32, #tpu.memory_space<vmem_shared>>
      %dma_wait3A_42 = arith.constant 0 : i32
      %dma_wait3A_43 = tpu.memref_slice %arg9[%add3A_27, %dma_wait3A_42] : memref<10240x128xf32, #tpu.memory_space<vmem_shared>> -> memref<128x128xf32, #tpu.memory_space<vmem_shared>>
      tpu.wait_dma2 semaphore(%run_scoped3A : memref<!tpu.dma_semaphore, #tpu.memory_space<semaphore_mem>>) src(%arg8 : memref<128x128xf32, #tpu.memory_space<vmem>>) dst(%dma_wait3A_43 : memref<128x128xf32, #tpu.memory_space<vmem_shared>>)
      tpu.yield
    }) : () -> ()
    %barrier3A = arith.constant 0 : index
    tpu.barrier barrier_id(%barrier3A)
    %scan3A_28 = arith.constant 0 : i32
    %scan3A_29 = arith.constant 0 : i32
    %scan3A_30 = arith.constant 81 : i32
    %scan3A_31 = arith.addi %scan3A_29, %scan3A_30 : i32
    %scan3A_32 = arith.constant 1 : i32
    %scan3A_33 = scf.for %scan3A_38 = %scan3A_29 to %scan3A_31 step %scan3A_32 iter_args(%scan3A_39 = %scan3A_28) -> (i32)  : i32 {
      %dma_start3A = arith.constant 0 : i32
      %dma_start3A_40 = tpu.memref_slice %arg6[%scan3A_38, %dma_start3A] : memref<81x128xi32, #tpu.memory_space<vmem>> -> memref<1x128xi32, #tpu.memory_space<vmem>>
      %dma_start3A_41 = tpu.memref_squeeze %dma_start3A_40 : memref<1x128xi32, #tpu.memory_space<vmem>> -> memref<128xi32, #tpu.memory_space<vmem>>
      %dma_start3A_42 = arith.constant 0 : i32
      %dma_start3A_43 = arith.constant 0 : i32
      %dma_start3A_44 = tpu.memref_slice %arg2[%dma_start3A_42, %dma_start3A_43] : memref<10000x128xf32, #tpu.memory_space<hbm>> -> memref<10000x128xf32, #tpu.memory_space<hbm>>
      tpu.enqueue_indirect_dma source(%dma_start3A_44 : memref<10000x128xf32, #tpu.memory_space<hbm>>) target(%arg8 : memref<128x128xf32, #tpu.memory_space<vmem>>) offsets(%dma_start3A_41 : memref<128xi32, #tpu.memory_space<vmem>>) semaphore(%arg10 : memref<!tpu.dma_semaphore, #tpu.memory_space<semaphore_mem>>)
      %dma_wait3A = arith.constant 0 : i32
      %dma_wait3A_45 = tpu.memref_slice %arg6[%scan3A_38, %dma_wait3A] : memref<81x128xi32, #tpu.memory_space<vmem>> -> memref<1x128xi32, #tpu.memory_space<vmem>>
      %dma_wait3A_46 = tpu.memref_squeeze %dma_wait3A_45 : memref<1x128xi32, #tpu.memory_space<vmem>> -> memref<128xi32, #tpu.memory_space<vmem>>
      %dma_wait3A_47 = arith.constant 0 : i32
      %dma_wait3A_48 = arith.constant 0 : i32
      %dma_wait3A_49 = tpu.memref_slice %arg2[%dma_wait3A_47, %dma_wait3A_48] : memref<10000x128xf32, #tpu.memory_space<hbm>> -> memref<10000x128xf32, #tpu.memory_space<hbm>>
      tpu.wait_indirect_dma semaphore(%arg10 : memref<!tpu.dma_semaphore, #tpu.memory_space<semaphore_mem>>) src(%dma_wait3A_49 : memref<10000x128xf32, #tpu.memory_space<hbm>>) dst(%arg8 : memref<128x128xf32, #tpu.memory_space<vmem>>)
      %dma_start3A_50 = arith.constant 0 : i32
      %dma_start3A_51 = tpu.memref_slice %arg7[%scan3A_38, %dma_start3A_50] : memref<81x128xi32, #tpu.memory_space<vmem>> -> memref<1x128xi32, #tpu.memory_space<vmem>>
      %dma_start3A_52 = tpu.memref_squeeze %dma_start3A_51 : memref<1x128xi32, #tpu.memory_space<vmem>> -> memref<128xi32, #tpu.memory_space<vmem>>
      %dma_start3A_53 = arith.constant 0 : i32
      %dma_start3A_54 = arith.constant 0 : i32
      %dma_start3A_55 = tpu.memref_slice %arg9[%dma_start3A_53, %dma_start3A_54] : memref<10240x128xf32, #tpu.memory_space<vmem_shared>> -> memref<10240x128xf32, #tpu.memory_space<vmem_shared>>
      tpu.enqueue_indirect_dma source(%arg8 : memref<128x128xf32, #tpu.memory_space<vmem>>) target(%dma_start3A_55 : memref<10240x128xf32, #tpu.memory_space<vmem_shared>>) offsets(%dma_start3A_52 : memref<128xi32, #tpu.memory_space<vmem>>) semaphore(%arg11 : memref<!tpu.dma_semaphore, #tpu.memory_space<semaphore_mem>>) {add = true}
      %dma_wait3A_56 = arith.constant 0 : i32
      %dma_wait3A_57 = tpu.memref_slice %arg7[%scan3A_38, %dma_wait3A_56] : memref<81x128xi32, #tpu.memory_space<vmem>> -> memref<1x128xi32, #tpu.memory_space<vmem>>
      %dma_wait3A_58 = tpu.memref_squeeze %dma_wait3A_57 : memref<1x128xi32, #tpu.memory_space<vmem>> -> memref<128xi32, #tpu.memory_space<vmem>>
      %dma_wait3A_59 = arith.constant 0 : i32
      %dma_wait3A_60 = arith.constant 0 : i32
      %dma_wait3A_61 = tpu.memref_slice %arg9[%dma_wait3A_59, %dma_wait3A_60] : memref<10240x128xf32, #tpu.memory_space<vmem_shared>> -> memref<10240x128xf32, #tpu.memory_space<vmem_shared>>
      tpu.wait_indirect_dma semaphore(%arg11 : memref<!tpu.dma_semaphore, #tpu.memory_space<semaphore_mem>>) src(%arg8 : memref<128x128xf32, #tpu.memory_space<vmem>>) dst(%dma_wait3A_61 : memref<10240x128xf32, #tpu.memory_space<vmem_shared>>)
      %scan3A_62 = arith.constant 0 : i32
      scf.yield %scan3A_62 : i32
    }
    %scan3A_34 = arith.constant 81 : i32
    %barrier3A_35 = arith.constant 0 : index
    tpu.barrier barrier_id(%barrier3A_35)
    %mul3A_36 = arith.constant 640 : i32
    %mul3A_37 = arith.muli %arg1, %mul3A_36 : i32
    "tpu.region"() ({
      %run_scoped3A = tpu.sem_alloc : memref<!tpu.dma_semaphore, #tpu.memory_space<semaphore_mem>>
      %dma_start3A = arith.constant 0 : i32
      %dma_start3A_38 = tpu.memref_slice %arg5[%arg0, %mul3A_37, %dma_start3A] : memref<2x10240x128xf32, #tpu.memory_space<hbm>> -> memref<1x640x128xf32, #tpu.memory_space<hbm>>
      %dma_start3A_39 = tpu.memref_squeeze %dma_start3A_38 : memref<1x640x128xf32, #tpu.memory_space<hbm>> -> memref<640x128xf32, #tpu.memory_space<hbm>>
      %dma_start3A_40 = arith.constant 0 : i32
      %dma_start3A_41 = tpu.memref_slice %arg9[%mul3A_37, %dma_start3A_40] : memref<10240x128xf32, #tpu.memory_space<vmem_shared>> -> memref<640x128xf32, #tpu.memory_space<vmem_shared>>
      tpu.enqueue_dma source(%dma_start3A_41 : memref<640x128xf32, #tpu.memory_space<vmem_shared>>) target(%dma_start3A_39 : memref<640x128xf32, #tpu.memory_space<hbm>>) target_semaphore(%run_scoped3A : memref<!tpu.dma_semaphore, #tpu.memory_space<semaphore_mem>>)
      %dma_wait3A = arith.constant 0 : i32
      %dma_wait3A_42 = tpu.memref_slice %arg5[%arg0, %mul3A_37, %dma_wait3A] : memref<2x10240x128xf32, #tpu.memory_space<hbm>> -> memref<1x640x128xf32, #tpu.memory_space<hbm>>
      %dma_wait3A_43 = tpu.memref_squeeze %dma_wait3A_42 : memref<1x640x128xf32, #tpu.memory_space<hbm>> -> memref<640x128xf32, #tpu.memory_space<hbm>>
      %dma_wait3A_44 = arith.constant 0 : i32
      %dma_wait3A_45 = tpu.memref_slice %arg9[%mul3A_37, %dma_wait3A_44] : memref<10240x128xf32, #tpu.memory_space<vmem_shared>> -> memref<640x128xf32, #tpu.memory_space<vmem_shared>>
      tpu.wait_dma2 semaphore(%run_scoped3A : memref<!tpu.dma_semaphore, #tpu.memory_space<semaphore_mem>>) src(%dma_wait3A_45 : memref<640x128xf32, #tpu.memory_space<vmem_shared>>) dst(%dma_wait3A_43 : memref<640x128xf32, #tpu.memory_space<hbm>>)
      tpu.yield
    }) : () -> ()
    return
  }
}

module attributes {stable_mosaic.version = 14 : i64} {
  func.func @_tc_dis_body(%arg0: i32, %arg1: memref<2x1280x128xf32, #tpu.memory_space<vmem>>, %arg2: memref<1280x1xf32, #tpu.memory_space<vmem>>, %arg3: memref<1280x1xf32, #tpu.memory_space<vmem>>) attributes {dimension_semantics = [#tpu.dimension_semantics<arbitrary>], iteration_bounds = array<i64: 8>, scalar_prefetch = 0 : i64, scratch_operands = 0 : i64, tpu.core_type = #tpu.core_type<tc>, window_params = [{transform_indices = @transform_0, window_bounds = array<i64: 2, 1280, 128>}, {transform_indices = @transform_1, window_bounds = array<i64: 1280, 1>}, {transform_indices = @transform_2, window_bounds = array<i64: 1280, 1>}]} {
    %get3A = arith.constant 0 : index
    %get3A_0 = arith.constant 0 : index
    %get3A_1 = arith.constant 0 : index
    %get3A_2 = vector.load %arg1[%get3A, %get3A_0, %get3A_1] : memref<2x1280x128xf32, #tpu.memory_space<vmem>>, vector<2x1280x128xf32>
    %slice3A = vector.extract_strided_slice %get3A_2 {offsets = [0, 0, 0], sizes = [1, 1280, 1], strides = [1, 1, 1]} : vector<2x1280x128xf32> to vector<1x1280x1xf32>
    %squeeze3A = vector.shape_cast %slice3A : vector<1x1280x1xf32> to vector<1280x1xf32>
    %add3A = arith.constant 1.000000e+00 : f32
    %add3A_3 = vector.broadcast %add3A : f32 to vector<1280x1xf32>
    %add3A_4 = arith.addf %squeeze3A, %add3A_3 : vector<1280x1xf32>
    %rsqrt3A = math.rsqrt %add3A_4 : vector<1280x1xf32>
    %swap3A = arith.constant 0 : index
    %swap3A_5 = arith.constant 0 : index
    %swap3A_6 = vector.load %arg2[%swap3A, %swap3A_5] : memref<1280x1xf32, #tpu.memory_space<vmem>>, vector<1280x1xf32>
    tpu.vector_store %arg2[%swap3A, %swap3A_5], %rsqrt3A {strides = array<i32>} : memref<1280x1xf32, #tpu.memory_space<vmem>>, vector<1280x1xf32>,
    %slice3A_7 = vector.extract_strided_slice %get3A_2 {offsets = [1, 0, 0], sizes = [1, 1280, 1], strides = [1, 1, 1]} : vector<2x1280x128xf32> to vector<1x1280x1xf32>
    %squeeze3A_8 = vector.shape_cast %slice3A_7 : vector<1x1280x1xf32> to vector<1280x1xf32>
    %add3A_9 = arith.constant 1.000000e+00 : f32
    %add3A_10 = vector.broadcast %add3A_9 : f32 to vector<1280x1xf32>
    %add3A_11 = arith.addf %squeeze3A_8, %add3A_10 : vector<1280x1xf32>
    %rsqrt3A_12 = math.rsqrt %add3A_11 : vector<1280x1xf32>
    %swap3A_13 = arith.constant 0 : index
    %swap3A_14 = arith.constant 0 : index
    %swap3A_15 = vector.load %arg3[%swap3A_13, %swap3A_14] : memref<1280x1xf32, #tpu.memory_space<vmem>>, vector<1280x1xf32>
    tpu.vector_store %arg3[%swap3A_13, %swap3A_14], %rsqrt3A_12 {strides = array<i32>} : memref<1280x1xf32, #tpu.memory_space<vmem>>, vector<1280x1xf32>,
    return
  }
  func.func @transform_0(%arg0: i32) -> (i32, i32, i32) {
    %c0_i32 = arith.constant 0 : i32
    %c0_i32_0 = arith.constant 0 : i32
    %c0_i32_1 = arith.constant 0 : i32
    return %c0_i32, %arg0, %c0_i32_0 : i32, i32, i32
  }
  func.func @transform_1(%arg0: i32) -> (i32, i32) {
    %c0_i32 = arith.constant 0 : i32
    %c0_i32_0 = arith.constant 0 : i32
    return %arg0, %c0_i32 : i32, i32
  }
  func.func @transform_2(%arg0: i32) -> (i32, i32) {
    %c0_i32 = arith.constant 0 : i32
    %c0_i32_0 = arith.constant 0 : i32
    return %arg0, %c0_i32 : i32, i32
  }
}

module attributes {stable_mosaic.version = 14 : i64} {
  func.func @_tc_in_body(%arg0: i32, %arg1: memref<1000x128xf32, #tpu.memory_space<vmem>>, %arg2: memref<128x128xf32, #tpu.memory_space<vmem>>, %arg3: memref<1x128xf32, #tpu.memory_space<vmem>>, %arg4: memref<128x128xf32, #tpu.memory_space<vmem>>, %arg5: memref<1x128xf32, #tpu.memory_space<vmem>>, %arg6: memref<1000x1xf32, #tpu.memory_space<vmem>>, %arg7: memref<1000x128xf32, #tpu.memory_space<vmem>>, %arg8: memref<1000x128xf32, #tpu.memory_space<vmem>>) attributes {dimension_semantics = [#tpu.dimension_semantics<arbitrary>], iteration_bounds = array<i64: 10>, scalar_prefetch = 0 : i64, scratch_operands = 0 : i64, tpu.core_type = #tpu.core_type<tc>, window_params = [{transform_indices = @transform_0, window_bounds = array<i64: 1000, 128>}, {pipeline_mode = #tpu.pipeline_mode<synchronous>, transform_indices = @transform_1, window_bounds = array<i64: 128, 128>}, {pipeline_mode = #tpu.pipeline_mode<synchronous>, transform_indices = @transform_2, window_bounds = array<i64: 1, 128>}, {pipeline_mode = #tpu.pipeline_mode<synchronous>, transform_indices = @transform_3, window_bounds = array<i64: 128, 128>}, {pipeline_mode = #tpu.pipeline_mode<synchronous>, transform_indices = @transform_4, window_bounds = array<i64: 1, 128>}, {transform_indices = @transform_5, window_bounds = array<i64: 1000, 1>}, {transform_indices = @transform_6, window_bounds = array<i64: 1000, 128>}, {transform_indices = @transform_7, window_bounds = array<i64: 1000, 128>}]} {
    %get3A = arith.constant 0 : index
    %get3A_0 = arith.constant 0 : index
    %get3A_1 = vector.load %arg1[%get3A, %get3A_0] : memref<1000x128xf32, #tpu.memory_space<vmem>>, vector<1000x128xf32>
    %get3A_2 = arith.constant 0 : index
    %get3A_3 = arith.constant 0 : index
    %get3A_4 = vector.load %arg2[%get3A_2, %get3A_3] : memref<128x128xf32, #tpu.memory_space<vmem>>, vector<128x128xf32>
    %dot_general3A = arith.constant dense<0.000000e+00> : vector<1000x128xf32>
    %dot_general3A_5 = tpu.matmul %get3A_1, %get3A_4, %dot_general3A {dimension_numbers = #tpu.dot_dimension_numbers<[1], [0], [0], [1], [0, 0, 1, 1], [], []>, precision = #tpu.contract_precision<fp32>, transpose_lhs_hint = false} : vector<1000x128xf32>, vector<128x128xf32>, vector<1000x128xf32> -> vector<1000x128xf32>
    %get3A_6 = arith.constant 0 : index
    %get3A_7 = arith.constant 0 : index
    %get3A_8 = vector.load %arg3[%get3A_6, %get3A_7] : memref<1x128xf32, #tpu.memory_space<vmem>>, vector<1x128xf32>
    %add3A = vector.broadcast %get3A_8 : vector<1x128xf32> to vector<1000x128xf32>
    %add3A_9 = arith.addf %dot_general3A_5, %add3A : vector<1000x128xf32>
    %get3A_10 = arith.constant 0 : index
    %get3A_11 = arith.constant 0 : index
    %get3A_12 = vector.load %arg4[%get3A_10, %get3A_11] : memref<128x128xf32, #tpu.memory_space<vmem>>, vector<128x128xf32>
    %dot_general3A_13 = arith.constant dense<0.000000e+00> : vector<1000x128xf32>
    %dot_general3A_14 = tpu.matmul %add3A_9, %get3A_12, %dot_general3A_13 {dimension_numbers = #tpu.dot_dimension_numbers<[1], [0], [0], [1], [0, 0, 1, 1], [], []>, precision = #tpu.contract_precision<fp32>, transpose_lhs_hint = false} : vector<1000x128xf32>, vector<128x128xf32>, vector<1000x128xf32> -> vector<1000x128xf32>
    %get3A_15 = arith.constant 0 : index
    %get3A_16 = arith.constant 0 : index
    %get3A_17 = vector.load %arg5[%get3A_15, %get3A_16] : memref<1x128xf32, #tpu.memory_space<vmem>>, vector<1x128xf32>
    %add3A_18 = vector.broadcast %get3A_17 : vector<1x128xf32> to vector<1000x128xf32>
    %add3A_19 = arith.addf %dot_general3A_14, %add3A_18 : vector<1000x128xf32>
    %swap3A = arith.constant 0 : index
    %swap3A_20 = arith.constant 0 : index
    %swap3A_21 = vector.load %arg7[%swap3A, %swap3A_20] : memref<1000x128xf32, #tpu.memory_space<vmem>>, vector<1000x128xf32>
    tpu.vector_store %arg7[%swap3A, %swap3A_20], %add3A_19 {strides = array<i32>} : memref<1000x128xf32, #tpu.memory_space<vmem>>, vector<1000x128xf32>,
    %get3A_22 = arith.constant 0 : index
    %get3A_23 = arith.constant 0 : index
    %get3A_24 = vector.load %arg6[%get3A_22, %get3A_23] : memref<1000x1xf32, #tpu.memory_space<vmem>>, vector<1000x1xf32>
    %mul3A = vector.broadcast %get3A_24 : vector<1000x1xf32> to vector<1000x128xf32>
    %mul3A_25 = arith.mulf %mul3A, %add3A_19 : vector<1000x128xf32>
    %swap3A_26 = arith.constant 0 : index
    %swap3A_27 = arith.constant 0 : index
    %swap3A_28 = vector.load %arg8[%swap3A_26, %swap3A_27] : memref<1000x128xf32, #tpu.memory_space<vmem>>, vector<1000x128xf32>
    tpu.vector_store %arg8[%swap3A_26, %swap3A_27], %mul3A_25 {strides = array<i32>} : memref<1000x128xf32, #tpu.memory_space<vmem>>, vector<1000x128xf32>,
    return
  }
  func.func @transform_0(%arg0: i32) -> (i32, i32) {
    %c0_i32 = arith.constant 0 : i32
    %c0_i32_0 = arith.constant 0 : i32
    return %arg0, %c0_i32 : i32, i32
  }
  func.func @transform_1(%arg0: i32) -> (i32, i32) {
    %c0_i32 = arith.constant 0 : i32
    %c0_i32_0 = arith.constant 0 : i32
    %c0_i32_1 = arith.constant 0 : i32
    return %c0_i32, %c0_i32_0 : i32, i32
  }
  func.func @transform_2(%arg0: i32) -> (i32, i32) {
    %c0_i32 = arith.constant 0 : i32
    %c0_i32_0 = arith.constant 0 : i32
    %c0_i32_1 = arith.constant 0 : i32
    return %c0_i32, %c0_i32_0 : i32, i32
  }
  func.func @transform_3(%arg0: i32) -> (i32, i32) {
    %c0_i32 = arith.constant 0 : i32
    %c0_i32_0 = arith.constant 0 : i32
    %c0_i32_1 = arith.constant 0 : i32
    return %c0_i32, %c0_i32_0 : i32, i32
  }
  func.func @transform_4(%arg0: i32) -> (i32, i32) {
    %c0_i32 = arith.constant 0 : i32
    %c0_i32_0 = arith.constant 0 : i32
    %c0_i32_1 = arith.constant 0 : i32
    return %c0_i32, %c0_i32_0 : i32, i32
  }
  func.func @transform_5(%arg0: i32) -> (i32, i32) {
    %c0_i32 = arith.constant 0 : i32
    %c0_i32_0 = arith.constant 0 : i32
    return %arg0, %c0_i32 : i32, i32
  }
  func.func @transform_6(%arg0: i32) -> (i32, i32) {
    %c0_i32 = arith.constant 0 : i32
    %c0_i32_0 = arith.constant 0 : i32
    return %arg0, %c0_i32 : i32, i32
  }
  func.func @transform_7(%arg0: i32) -> (i32, i32) {
    %c0_i32 = arith.constant 0 : i32
    %c0_i32_0 = arith.constant 0 : i32
    return %arg0, %c0_i32 : i32, i32
  }
}

module attributes {stable_mosaic.version = 14 : i64} {
  func.func @body(%arg0: i32, %arg1: i32, %arg2: memref<2x1000x128xf32, #tpu.memory_space<vmem>>, %arg3: memref<1000x128xf32, #tpu.memory_space<vmem>>, %arg4: memref<1000x1xf32, #tpu.memory_space<vmem>>, %arg5: memref<1x128xf32, #tpu.memory_space<vmem>>, %arg6: memref<1x128xf32, #tpu.memory_space<vmem>>, %arg7: memref<128x128xf32, #tpu.memory_space<vmem>>, %arg8: memref<1x128xf32, #tpu.memory_space<vmem>>, %arg9: memref<1000x1xf32, #tpu.memory_space<vmem>>, %arg10: memref<1000x128xf32, #tpu.memory_space<vmem>>, %arg11: memref<1000x128xf32, #tpu.memory_space<vmem>>, %arg12: memref<10000x128xf32, #tpu.memory_space<vmem>>, %arg13: memref<1x128xf32, #tpu.memory_space<vmem>>, %arg14: memref<1x128xf32, #tpu.memory_space<vmem>>) attributes {dimension_semantics = [#tpu.dimension_semantics<arbitrary>, #tpu.dimension_semantics<arbitrary>], iteration_bounds = array<i64: 2, 10>, scalar_prefetch = 0 : i64, scratch_operands = 3 : i64, tpu.core_type = #tpu.core_type<tc>, window_params = [{transform_indices = @transform_0, window_bounds = array<i64: 2, 1000, 128>}, {transform_indices = @transform_1, window_bounds = array<i64: 1000, 128>}, {transform_indices = @transform_2, window_bounds = array<i64: 1000, 1>}, {pipeline_mode = #tpu.pipeline_mode<synchronous>, transform_indices = @transform_3, window_bounds = array<i64: 1, 128>}, {pipeline_mode = #tpu.pipeline_mode<synchronous>, transform_indices = @transform_4, window_bounds = array<i64: 1, 128>}, {pipeline_mode = #tpu.pipeline_mode<synchronous>, transform_indices = @transform_5, window_bounds = array<i64: 128, 128>}, {pipeline_mode = #tpu.pipeline_mode<synchronous>, transform_indices = @transform_6, window_bounds = array<i64: 1, 128>}, {transform_indices = @transform_7, window_bounds = array<i64: 1000, 1>}, {transform_indices = @transform_8, window_bounds = array<i64: 1000, 128>}, {transform_indices = @transform_9, window_bounds = array<i64: 1000, 128>}]} {
    %eq3A = arith.constant 0 : i32
    %eq3A_0 = arith.cmpi eq, %arg0, %eq3A : i32
    %convert_element_type3A = arith.extui %eq3A_0 : i1 to i32
    %cond3A = arith.constant 0 : i32
    %cond3A_1 = arith.cmpi ne, %convert_element_type3A, %cond3A : i32
    scf.if %cond3A_1 {
      %get3A = arith.constant 0 : index
      %get3A_7 = arith.constant 0 : index
      %get3A_8 = vector.load %arg4[%get3A, %get3A_7] : memref<1000x1xf32, #tpu.memory_space<vmem>>, vector<1000x1xf32>
      %get3A_9 = arith.constant 0 : index
      %get3A_10 = arith.constant 0 : index
      %get3A_11 = arith.constant 0 : index
      %get3A_12 = vector.load %arg2[%get3A_9, %get3A_10, %get3A_11] : memref<2x1000x128xf32, #tpu.memory_space<vmem>>, vector<1x1000x128xf32>
      %get3A_13 = vector.shape_cast %get3A_12 : vector<1x1000x128xf32> to vector<1000x128xf32>
      %get3A_14 = arith.constant 1 : index
      %get3A_15 = arith.constant 0 : index
      %get3A_16 = arith.constant 0 : index
      %get3A_17 = vector.load %arg2[%get3A_14, %get3A_15, %get3A_16] : memref<2x1000x128xf32, #tpu.memory_space<vmem>>, vector<1x1000x128xf32>
      %get3A_18 = vector.shape_cast %get3A_17 : vector<1x1000x128xf32> to vector<1000x128xf32>
      %add3A = arith.addf %get3A_13, %get3A_18 : vector<1000x128xf32>
      %mul3A = vector.broadcast %get3A_8 : vector<1000x1xf32> to vector<1000x128xf32>
      %mul3A_19 = arith.mulf %mul3A, %add3A : vector<1000x128xf32>
      %mul3A_20 = arith.mulf %get3A_8, %get3A_8 : vector<1000x1xf32>
      %get3A_21 = arith.constant 0 : index
      %get3A_22 = arith.constant 0 : index
      %get3A_23 = vector.load %arg3[%get3A_21, %get3A_22] : memref<1000x128xf32, #tpu.memory_space<vmem>>, vector<1000x128xf32>
      %mul3A_24 = vector.broadcast %mul3A_20 : vector<1000x1xf32> to vector<1000x128xf32>
      %mul3A_25 = arith.mulf %mul3A_24, %get3A_23 : vector<1000x128xf32>
      %add3A_26 = arith.addf %mul3A_19, %mul3A_25 : vector<1000x128xf32>
      %mul3A_27 = arith.constant 1000 : i32
      %mul3A_28 = arith.muli %arg1, %mul3A_27 : i32
      %swap3A = arith.index_cast %mul3A_28 : i32 to index
      %swap3A_29 = arith.constant 0 : index
      %swap3A_30 = vector.load %arg12[%swap3A, %swap3A_29] : memref<10000x128xf32, #tpu.memory_space<vmem>>, vector<1000x128xf32>
      tpu.vector_store %arg12[%swap3A, %swap3A_29], %add3A_26 {strides = array<i32>} : memref<10000x128xf32, #tpu.memory_space<vmem>>, vector<1000x128xf32>,
      %eq3A_31 = arith.constant 0 : i32
      %eq3A_32 = arith.cmpi eq, %arg1, %eq3A_31 : i32
      %convert_element_type3A_33 = arith.extui %eq3A_32 : i1 to i32
      %cond3A_34 = arith.constant 0 : i32
      %cond3A_35 = arith.cmpi ne, %convert_element_type3A_33, %cond3A_34 : i32
      scf.if %cond3A_35 {
        %broadcast_in_dim3A_55 = arith.constant 0.000000e+00 : f32
        %broadcast_in_dim3A_56 = vector.broadcast %broadcast_in_dim3A_55 : f32 to vector<1x128xf32>
        %swap3A_57 = arith.constant 0 : index
        %swap3A_58 = arith.constant 0 : index
        %swap3A_59 = vector.load %arg13[%swap3A_57, %swap3A_58] : memref<1x128xf32, #tpu.memory_space<vmem>>, vector<1x128xf32>
        tpu.vector_store %arg13[%swap3A_57, %swap3A_58], %broadcast_in_dim3A_56 {strides = array<i32>} : memref<1x128xf32, #tpu.memory_space<vmem>>, vector<1x128xf32>,
        %broadcast_in_dim3A_60 = arith.constant 0.000000e+00 : f32
        %broadcast_in_dim3A_61 = vector.broadcast %broadcast_in_dim3A_60 : f32 to vector<1x128xf32>
        %swap3A_62 = arith.constant 0 : index
        %swap3A_63 = arith.constant 0 : index
        %swap3A_64 = vector.load %arg14[%swap3A_62, %swap3A_63] : memref<1x128xf32, #tpu.memory_space<vmem>>, vector<1x128xf32>
        tpu.vector_store %arg14[%swap3A_62, %swap3A_63], %broadcast_in_dim3A_61 {strides = array<i32>} : memref<1x128xf32, #tpu.memory_space<vmem>>, vector<1x128xf32>,
      } else {
      }
      %get3A_36 = arith.constant 0 : index
      %get3A_37 = arith.constant 0 : index
      %get3A_38 = vector.load %arg13[%get3A_36, %get3A_37] : memref<1x128xf32, #tpu.memory_space<vmem>>, vector<1x128xf32>
      %reduce_sum3A = arith.constant dense<0.000000e+00> : vector<128xf32>
      %reduce_sum3A_39 = vector.multi_reduction <add>, %add3A_26, %reduce_sum3A [0] : vector<1000x128xf32> to vector<128xf32>
      %broadcast_in_dim3A = vector.shape_cast %reduce_sum3A_39 : vector<128xf32> to vector<1x128xf32>
      %add3A_40 = arith.addf %get3A_38, %broadcast_in_dim3A : vector<1x128xf32>
      %swap3A_41 = arith.constant 0 : index
      %swap3A_42 = arith.constant 0 : index
      %swap3A_43 = vector.load %arg13[%swap3A_41, %swap3A_42] : memref<1x128xf32, #tpu.memory_space<vmem>>, vector<1x128xf32>
      tpu.vector_store %arg13[%swap3A_41, %swap3A_42], %add3A_40 {strides = array<i32>} : memref<1x128xf32, #tpu.memory_space<vmem>>, vector<1x128xf32>,
      %get3A_44 = arith.constant 0 : index
      %get3A_45 = arith.constant 0 : index
      %get3A_46 = vector.load %arg14[%get3A_44, %get3A_45] : memref<1x128xf32, #tpu.memory_space<vmem>>, vector<1x128xf32>
      %mul3A_47 = arith.mulf %add3A_26, %add3A_26 : vector<1000x128xf32>
      %reduce_sum3A_48 = arith.constant dense<0.000000e+00> : vector<128xf32>
      %reduce_sum3A_49 = vector.multi_reduction <add>, %mul3A_47, %reduce_sum3A_48 [0] : vector<1000x128xf32> to vector<128xf32>
      %broadcast_in_dim3A_50 = vector.shape_cast %reduce_sum3A_49 : vector<128xf32> to vector<1x128xf32>
      %add3A_51 = arith.addf %get3A_46, %broadcast_in_dim3A_50 : vector<1x128xf32>
      %swap3A_52 = arith.constant 0 : index
      %swap3A_53 = arith.constant 0 : index
      %swap3A_54 = vector.load %arg14[%swap3A_52, %swap3A_53] : memref<1x128xf32, #tpu.memory_space<vmem>>, vector<1x128xf32>
      tpu.vector_store %arg14[%swap3A_52, %swap3A_53], %add3A_51 {strides = array<i32>} : memref<1x128xf32, #tpu.memory_space<vmem>>, vector<1x128xf32>,
    } else {
    }
    %eq3A_2 = arith.constant 1 : i32
    %eq3A_3 = arith.cmpi eq, %arg0, %eq3A_2 : i32
    %convert_element_type3A_4 = arith.extui %eq3A_3 : i1 to i32
    %cond3A_5 = arith.constant 0 : i32
    %cond3A_6 = arith.cmpi ne, %convert_element_type3A_4, %cond3A_5 : i32
    scf.if %cond3A_6 {
      %get3A = arith.constant 0 : index
      %get3A_7 = arith.constant 0 : index
      %get3A_8 = vector.load %arg13[%get3A, %get3A_7] : memref<1x128xf32, #tpu.memory_space<vmem>>, vector<1x128xf32>
      %mul3A = arith.constant 9.99999974E-5 : f32
      %mul3A_9 = vector.broadcast %mul3A : f32 to vector<1x128xf32>
      %mul3A_10 = arith.mulf %get3A_8, %mul3A_9 : vector<1x128xf32>
      %get3A_11 = arith.constant 0 : index
      %get3A_12 = arith.constant 0 : index
      %get3A_13 = vector.load %arg14[%get3A_11, %get3A_12] : memref<1x128xf32, #tpu.memory_space<vmem>>, vector<1x128xf32>
      %mul3A_14 = arith.constant 9.99999974E-5 : f32
      %mul3A_15 = vector.broadcast %mul3A_14 : f32 to vector<1x128xf32>
      %mul3A_16 = arith.mulf %get3A_13, %mul3A_15 : vector<1x128xf32>
      %mul3A_17 = arith.mulf %mul3A_10, %mul3A_10 : vector<1x128xf32>
      %sub3A = arith.subf %mul3A_16, %mul3A_17 : vector<1x128xf32>
      %add3A = arith.constant 9.99999974E-6 : f32
      %add3A_18 = vector.broadcast %add3A : f32 to vector<1x128xf32>
      %add3A_19 = arith.addf %sub3A, %add3A_18 : vector<1x128xf32>
      %rsqrt3A = math.rsqrt %add3A_19 : vector<1x128xf32>
      %get3A_20 = arith.constant 0 : index
      %get3A_21 = arith.constant 0 : index
      %get3A_22 = vector.load %arg5[%get3A_20, %get3A_21] : memref<1x128xf32, #tpu.memory_space<vmem>>, vector<1x128xf32>
      %mul3A_23 = arith.mulf %rsqrt3A, %get3A_22 : vector<1x128xf32>
      %mul3A_24 = arith.constant 1000 : i32
      %mul3A_25 = arith.muli %arg1, %mul3A_24 : i32
      %get3A_26 = arith.index_cast %mul3A_25 : i32 to index
      %get3A_27 = arith.constant 0 : index
      %get3A_28 = vector.load %arg12[%get3A_26, %get3A_27] : memref<10000x128xf32, #tpu.memory_space<vmem>>, vector<1000x128xf32>
      %sub3A_29 = vector.broadcast %mul3A_10 : vector<1x128xf32> to vector<1000x128xf32>
      %sub3A_30 = arith.subf %get3A_28, %sub3A_29 : vector<1000x128xf32>
      %mul3A_31 = vector.broadcast %mul3A_23 : vector<1x128xf32> to vector<1000x128xf32>
      %mul3A_32 = arith.mulf %sub3A_30, %mul3A_31 : vector<1000x128xf32>
      %get3A_33 = arith.constant 0 : index
      %get3A_34 = arith.constant 0 : index
      %get3A_35 = vector.load %arg6[%get3A_33, %get3A_34] : memref<1x128xf32, #tpu.memory_space<vmem>>, vector<1x128xf32>
      %add3A_36 = vector.broadcast %get3A_35 : vector<1x128xf32> to vector<1000x128xf32>
      %add3A_37 = arith.addf %mul3A_32, %add3A_36 : vector<1000x128xf32>
      %ge3A = arith.constant 0.000000e+00 : f32
      %ge3A_38 = vector.broadcast %ge3A : f32 to vector<1000x128xf32>
      %ge3A_39 = arith.cmpf oge, %add3A_37, %ge3A_38 : vector<1000x128xf32>
      %jit3A = arith.constant 0.000000e+00 : f32
      %broadcast_in_dim3A = vector.broadcast %jit3A : f32 to vector<1000x128xf32>
      %select_n3A = arith.select %ge3A_39, %add3A_37, %broadcast_in_dim3A : vector<1000x128xi1>, vector<1000x128xf32>
      %get3A_40 = arith.constant 0 : index
      %get3A_41 = arith.constant 0 : index
      %get3A_42 = vector.load %arg7[%get3A_40, %get3A_41] : memref<128x128xf32, #tpu.memory_space<vmem>>, vector<128x128xf32>
      %dot_general3A = arith.constant dense<0.000000e+00> : vector<1000x128xf32>
      %dot_general3A_43 = tpu.matmul %select_n3A, %get3A_42, %dot_general3A {dimension_numbers = #tpu.dot_dimension_numbers<[1], [0], [0], [1], [0, 0, 1, 1], [], []>, precision = #tpu.contract_precision<fp32>, transpose_lhs_hint = false} : vector<1000x128xf32>, vector<128x128xf32>, vector<1000x128xf32> -> vector<1000x128xf32>
      %get3A_44 = arith.constant 0 : index
      %get3A_45 = arith.constant 0 : index
      %get3A_46 = vector.load %arg8[%get3A_44, %get3A_45] : memref<1x128xf32, #tpu.memory_space<vmem>>, vector<1x128xf32>
      %add3A_47 = vector.broadcast %get3A_46 : vector<1x128xf32> to vector<1000x128xf32>
      %add3A_48 = arith.addf %dot_general3A_43, %add3A_47 : vector<1000x128xf32>
      %swap3A = arith.constant 0 : index
      %swap3A_49 = arith.constant 0 : index
      %swap3A_50 = vector.load %arg10[%swap3A, %swap3A_49] : memref<1000x128xf32, #tpu.memory_space<vmem>>, vector<1000x128xf32>
      tpu.vector_store %arg10[%swap3A, %swap3A_49], %add3A_48 {strides = array<i32>} : memref<1000x128xf32, #tpu.memory_space<vmem>>, vector<1000x128xf32>,
      %get3A_51 = arith.constant 0 : index
      %get3A_52 = arith.constant 0 : index
      %get3A_53 = vector.load %arg9[%get3A_51, %get3A_52] : memref<1000x1xf32, #tpu.memory_space<vmem>>, vector<1000x1xf32>
      %mul3A_54 = vector.broadcast %get3A_53 : vector<1000x1xf32> to vector<1000x128xf32>
      %mul3A_55 = arith.mulf %mul3A_54, %add3A_48 : vector<1000x128xf32>
      %swap3A_56 = arith.constant 0 : index
      %swap3A_57 = arith.constant 0 : index
      %swap3A_58 = vector.load %arg11[%swap3A_56, %swap3A_57] : memref<1000x128xf32, #tpu.memory_space<vmem>>, vector<1000x128xf32>
      tpu.vector_store %arg11[%swap3A_56, %swap3A_57], %mul3A_55 {strides = array<i32>} : memref<1000x128xf32, #tpu.memory_space<vmem>>, vector<1000x128xf32>,
    } else {
    }
    return
  }
  func.func @transform_0(%arg0: i32, %arg1: i32) -> (i32, i32, i32) {
    %sub3A = arith.constant 1 : i32
    %sub3A_0 = arith.subi %sub3A, %arg0 : i32
    %mul3A = arith.muli %arg1, %sub3A_0 : i32
    %c0_i32 = arith.constant 0 : i32
    %c0_i32_1 = arith.constant 0 : i32
    %c0_i32_2 = arith.constant 0 : i32
    return %c0_i32, %mul3A, %c0_i32_1 : i32, i32, i32
  }
  func.func @transform_1(%arg0: i32, %arg1: i32) -> (i32, i32) {
    %sub3A = arith.constant 1 : i32
    %sub3A_0 = arith.subi %sub3A, %arg0 : i32
    %mul3A = arith.muli %arg1, %sub3A_0 : i32
    %c0_i32 = arith.constant 0 : i32
    %c0_i32_1 = arith.constant 0 : i32
    return %mul3A, %c0_i32 : i32, i32
  }
  func.func @transform_2(%arg0: i32, %arg1: i32) -> (i32, i32) {
    %c0_i32 = arith.constant 0 : i32
    %c0_i32_0 = arith.constant 0 : i32
    return %arg1, %c0_i32 : i32, i32
  }
  func.func @transform_3(%arg0: i32, %arg1: i32) -> (i32, i32) {
    %c0_i32 = arith.constant 0 : i32
    %c0_i32_0 = arith.constant 0 : i32
    %c0_i32_1 = arith.constant 0 : i32
    return %c0_i32, %c0_i32_0 : i32, i32
  }
  func.func @transform_4(%arg0: i32, %arg1: i32) -> (i32, i32) {
    %c0_i32 = arith.constant 0 : i32
    %c0_i32_0 = arith.constant 0 : i32
    %c0_i32_1 = arith.constant 0 : i32
    return %c0_i32, %c0_i32_0 : i32, i32
  }
  func.func @transform_5(%arg0: i32, %arg1: i32) -> (i32, i32) {
    %c0_i32 = arith.constant 0 : i32
    %c0_i32_0 = arith.constant 0 : i32
    %c0_i32_1 = arith.constant 0 : i32
    return %c0_i32, %c0_i32_0 : i32, i32
  }
  func.func @transform_6(%arg0: i32, %arg1: i32) -> (i32, i32) {
    %c0_i32 = arith.constant 0 : i32
    %c0_i32_0 = arith.constant 0 : i32
    %c0_i32_1 = arith.constant 0 : i32
    return %c0_i32, %c0_i32_0 : i32, i32
  }
  func.func @transform_7(%arg0: i32, %arg1: i32) -> (i32, i32) {
    %c0_i32 = arith.constant 0 : i32
    %c0_i32_0 = arith.constant 0 : i32
    return %arg1, %c0_i32 : i32, i32
  }
  func.func @transform_8(%arg0: i32, %arg1: i32) -> (i32, i32) {
    %c0_i32 = arith.constant 0 : i32
    %c0_i32_0 = arith.constant 0 : i32
    return %arg1, %c0_i32 : i32, i32
  }
  func.func @transform_9(%arg0: i32, %arg1: i32) -> (i32, i32) {
    %c0_i32 = arith.constant 0 : i32
    %c0_i32_0 = arith.constant 0 : i32
    return %arg1, %c0_i32 : i32, i32
  }
}

module attributes {stable_mosaic.version = 14 : i64} {
  func.func @_concat_body(%arg0: i32, %arg1: i32, %arg2: memref<2x1000x128xf32, #tpu.memory_space<vmem>>, %arg3: memref<1000x128xf32, #tpu.memory_space<vmem>>, %arg4: memref<1000x1xf32, #tpu.memory_space<vmem>>, %arg5: memref<1x128xf32, #tpu.memory_space<vmem>>, %arg6: memref<1x128xf32, #tpu.memory_space<vmem>>, %arg7: memref<1000x128xf32, #tpu.memory_space<vmem>>, %arg8: memref<128x128xf32, #tpu.memory_space<vmem>>, %arg9: memref<128x128xf32, #tpu.memory_space<vmem>>, %arg10: memref<1x128xf32, #tpu.memory_space<vmem>>, %arg11: memref<128x128xf32, #tpu.memory_space<vmem>>, %arg12: memref<1x128xf32, #tpu.memory_space<vmem>>, %arg13: memref<1000x1xf32, #tpu.memory_space<vmem>>, %arg14: memref<1000x128xf32, #tpu.memory_space<vmem>>, %arg15: memref<1000x128xf32, #tpu.memory_space<vmem>>, %arg16: memref<10000x128xf32, #tpu.memory_space<vmem>>, %arg17: memref<1x128xf32, #tpu.memory_space<vmem>>, %arg18: memref<1x128xf32, #tpu.memory_space<vmem>>) attributes {dimension_semantics = [#tpu.dimension_semantics<arbitrary>, #tpu.dimension_semantics<arbitrary>], iteration_bounds = array<i64: 2, 10>, scalar_prefetch = 0 : i64, scratch_operands = 3 : i64, tpu.core_type = #tpu.core_type<tc>, window_params = [{transform_indices = @transform_0, window_bounds = array<i64: 2, 1000, 128>}, {transform_indices = @transform_1, window_bounds = array<i64: 1000, 128>}, {transform_indices = @transform_2, window_bounds = array<i64: 1000, 1>}, {pipeline_mode = #tpu.pipeline_mode<synchronous>, transform_indices = @transform_3, window_bounds = array<i64: 1, 128>}, {pipeline_mode = #tpu.pipeline_mode<synchronous>, transform_indices = @transform_4, window_bounds = array<i64: 1, 128>}, {transform_indices = @transform_5, window_bounds = array<i64: 1000, 128>}, {pipeline_mode = #tpu.pipeline_mode<synchronous>, transform_indices = @transform_6, window_bounds = array<i64: 128, 128>}, {pipeline_mode = #tpu.pipeline_mode<synchronous>, transform_indices = @transform_7, window_bounds = array<i64: 128, 128>}, {pipeline_mode = #tpu.pipeline_mode<synchronous>, transform_indices = @transform_8, window_bounds = array<i64: 1, 128>}, {pipeline_mode = #tpu.pipeline_mode<synchronous>, transform_indices = @transform_9, window_bounds = array<i64: 128, 128>}, {pipeline_mode = #tpu.pipeline_mode<synchronous>, transform_indices = @transform_10, window_bounds = array<i64: 1, 128>}, {transform_indices = @transform_11, window_bounds = array<i64: 1000, 1>}, {transform_indices = @transform_12, window_bounds = array<i64: 1000, 128>}, {transform_indices = @transform_13, window_bounds = array<i64: 1000, 128>}]} {
    %eq3A = arith.constant 0 : i32
    %eq3A_0 = arith.cmpi eq, %arg0, %eq3A : i32
    %convert_element_type3A = arith.extui %eq3A_0 : i1 to i32
    %cond3A = arith.constant 0 : i32
    %cond3A_1 = arith.cmpi ne, %convert_element_type3A, %cond3A : i32
    scf.if %cond3A_1 {
      %get3A = arith.constant 0 : index
      %get3A_7 = arith.constant 0 : index
      %get3A_8 = vector.load %arg4[%get3A, %get3A_7] : memref<1000x1xf32, #tpu.memory_space<vmem>>, vector<1000x1xf32>
      %get3A_9 = arith.constant 0 : index
      %get3A_10 = arith.constant 0 : index
      %get3A_11 = arith.constant 0 : index
      %get3A_12 = vector.load %arg2[%get3A_9, %get3A_10, %get3A_11] : memref<2x1000x128xf32, #tpu.memory_space<vmem>>, vector<1x1000x128xf32>
      %get3A_13 = vector.shape_cast %get3A_12 : vector<1x1000x128xf32> to vector<1000x128xf32>
      %get3A_14 = arith.constant 1 : index
      %get3A_15 = arith.constant 0 : index
      %get3A_16 = arith.constant 0 : index
      %get3A_17 = vector.load %arg2[%get3A_14, %get3A_15, %get3A_16] : memref<2x1000x128xf32, #tpu.memory_space<vmem>>, vector<1x1000x128xf32>
      %get3A_18 = vector.shape_cast %get3A_17 : vector<1x1000x128xf32> to vector<1000x128xf32>
      %add3A = arith.addf %get3A_13, %get3A_18 : vector<1000x128xf32>
      %mul3A = vector.broadcast %get3A_8 : vector<1000x1xf32> to vector<1000x128xf32>
      %mul3A_19 = arith.mulf %mul3A, %add3A : vector<1000x128xf32>
      %mul3A_20 = arith.mulf %get3A_8, %get3A_8 : vector<1000x1xf32>
      %get3A_21 = arith.constant 0 : index
      %get3A_22 = arith.constant 0 : index
      %get3A_23 = vector.load %arg3[%get3A_21, %get3A_22] : memref<1000x128xf32, #tpu.memory_space<vmem>>, vector<1000x128xf32>
      %mul3A_24 = vector.broadcast %mul3A_20 : vector<1000x1xf32> to vector<1000x128xf32>
      %mul3A_25 = arith.mulf %mul3A_24, %get3A_23 : vector<1000x128xf32>
      %add3A_26 = arith.addf %mul3A_19, %mul3A_25 : vector<1000x128xf32>
      %mul3A_27 = arith.constant 1000 : i32
      %mul3A_28 = arith.muli %arg1, %mul3A_27 : i32
      %swap3A = arith.index_cast %mul3A_28 : i32 to index
      %swap3A_29 = arith.constant 0 : index
      %swap3A_30 = vector.load %arg16[%swap3A, %swap3A_29] : memref<10000x128xf32, #tpu.memory_space<vmem>>, vector<1000x128xf32>
      tpu.vector_store %arg16[%swap3A, %swap3A_29], %add3A_26 {strides = array<i32>} : memref<10000x128xf32, #tpu.memory_space<vmem>>, vector<1000x128xf32>,
      %eq3A_31 = arith.constant 0 : i32
      %eq3A_32 = arith.cmpi eq, %arg1, %eq3A_31 : i32
      %convert_element_type3A_33 = arith.extui %eq3A_32 : i1 to i32
      %cond3A_34 = arith.constant 0 : i32
      %cond3A_35 = arith.cmpi ne, %convert_element_type3A_33, %cond3A_34 : i32
      scf.if %cond3A_35 {
        %broadcast_in_dim3A_55 = arith.constant 0.000000e+00 : f32
        %broadcast_in_dim3A_56 = vector.broadcast %broadcast_in_dim3A_55 : f32 to vector<1x128xf32>
        %swap3A_57 = arith.constant 0 : index
        %swap3A_58 = arith.constant 0 : index
        %swap3A_59 = vector.load %arg17[%swap3A_57, %swap3A_58] : memref<1x128xf32, #tpu.memory_space<vmem>>, vector<1x128xf32>
        tpu.vector_store %arg17[%swap3A_57, %swap3A_58], %broadcast_in_dim3A_56 {strides = array<i32>} : memref<1x128xf32, #tpu.memory_space<vmem>>, vector<1x128xf32>,
        %broadcast_in_dim3A_60 = arith.constant 0.000000e+00 : f32
        %broadcast_in_dim3A_61 = vector.broadcast %broadcast_in_dim3A_60 : f32 to vector<1x128xf32>
        %swap3A_62 = arith.constant 0 : index
        %swap3A_63 = arith.constant 0 : index
        %swap3A_64 = vector.load %arg18[%swap3A_62, %swap3A_63] : memref<1x128xf32, #tpu.memory_space<vmem>>, vector<1x128xf32>
        tpu.vector_store %arg18[%swap3A_62, %swap3A_63], %broadcast_in_dim3A_61 {strides = array<i32>} : memref<1x128xf32, #tpu.memory_space<vmem>>, vector<1x128xf32>,
      } else {
      }
      %get3A_36 = arith.constant 0 : index
      %get3A_37 = arith.constant 0 : index
      %get3A_38 = vector.load %arg17[%get3A_36, %get3A_37] : memref<1x128xf32, #tpu.memory_space<vmem>>, vector<1x128xf32>
      %reduce_sum3A = arith.constant dense<0.000000e+00> : vector<128xf32>
      %reduce_sum3A_39 = vector.multi_reduction <add>, %add3A_26, %reduce_sum3A [0] : vector<1000x128xf32> to vector<128xf32>
      %broadcast_in_dim3A = vector.shape_cast %reduce_sum3A_39 : vector<128xf32> to vector<1x128xf32>
      %add3A_40 = arith.addf %get3A_38, %broadcast_in_dim3A : vector<1x128xf32>
      %swap3A_41 = arith.constant 0 : index
      %swap3A_42 = arith.constant 0 : index
      %swap3A_43 = vector.load %arg17[%swap3A_41, %swap3A_42] : memref<1x128xf32, #tpu.memory_space<vmem>>, vector<1x128xf32>
      tpu.vector_store %arg17[%swap3A_41, %swap3A_42], %add3A_40 {strides = array<i32>} : memref<1x128xf32, #tpu.memory_space<vmem>>, vector<1x128xf32>,
      %get3A_44 = arith.constant 0 : index
      %get3A_45 = arith.constant 0 : index
      %get3A_46 = vector.load %arg18[%get3A_44, %get3A_45] : memref<1x128xf32, #tpu.memory_space<vmem>>, vector<1x128xf32>
      %mul3A_47 = arith.mulf %add3A_26, %add3A_26 : vector<1000x128xf32>
      %reduce_sum3A_48 = arith.constant dense<0.000000e+00> : vector<128xf32>
      %reduce_sum3A_49 = vector.multi_reduction <add>, %mul3A_47, %reduce_sum3A_48 [0] : vector<1000x128xf32> to vector<128xf32>
      %broadcast_in_dim3A_50 = vector.shape_cast %reduce_sum3A_49 : vector<128xf32> to vector<1x128xf32>
      %add3A_51 = arith.addf %get3A_46, %broadcast_in_dim3A_50 : vector<1x128xf32>
      %swap3A_52 = arith.constant 0 : index
      %swap3A_53 = arith.constant 0 : index
      %swap3A_54 = vector.load %arg18[%swap3A_52, %swap3A_53] : memref<1x128xf32, #tpu.memory_space<vmem>>, vector<1x128xf32>
      tpu.vector_store %arg18[%swap3A_52, %swap3A_53], %add3A_51 {strides = array<i32>} : memref<1x128xf32, #tpu.memory_space<vmem>>, vector<1x128xf32>,
    } else {
    }
    %eq3A_2 = arith.constant 1 : i32
    %eq3A_3 = arith.cmpi eq, %arg0, %eq3A_2 : i32
    %convert_element_type3A_4 = arith.extui %eq3A_3 : i1 to i32
    %cond3A_5 = arith.constant 0 : i32
    %cond3A_6 = arith.cmpi ne, %convert_element_type3A_4, %cond3A_5 : i32
    scf.if %cond3A_6 {
      %get3A = arith.constant 0 : index
      %get3A_7 = arith.constant 0 : index
      %get3A_8 = vector.load %arg17[%get3A, %get3A_7] : memref<1x128xf32, #tpu.memory_space<vmem>>, vector<1x128xf32>
      %mul3A = arith.constant 9.99999974E-5 : f32
      %mul3A_9 = vector.broadcast %mul3A : f32 to vector<1x128xf32>
      %mul3A_10 = arith.mulf %get3A_8, %mul3A_9 : vector<1x128xf32>
      %get3A_11 = arith.constant 0 : index
      %get3A_12 = arith.constant 0 : index
      %get3A_13 = vector.load %arg18[%get3A_11, %get3A_12] : memref<1x128xf32, #tpu.memory_space<vmem>>, vector<1x128xf32>
      %mul3A_14 = arith.constant 9.99999974E-5 : f32
      %mul3A_15 = vector.broadcast %mul3A_14 : f32 to vector<1x128xf32>
      %mul3A_16 = arith.mulf %get3A_13, %mul3A_15 : vector<1x128xf32>
      %mul3A_17 = arith.mulf %mul3A_10, %mul3A_10 : vector<1x128xf32>
      %sub3A = arith.subf %mul3A_16, %mul3A_17 : vector<1x128xf32>
      %add3A = arith.constant 9.99999974E-6 : f32
      %add3A_18 = vector.broadcast %add3A : f32 to vector<1x128xf32>
      %add3A_19 = arith.addf %sub3A, %add3A_18 : vector<1x128xf32>
      %rsqrt3A = math.rsqrt %add3A_19 : vector<1x128xf32>
      %get3A_20 = arith.constant 0 : index
      %get3A_21 = arith.constant 0 : index
      %get3A_22 = vector.load %arg5[%get3A_20, %get3A_21] : memref<1x128xf32, #tpu.memory_space<vmem>>, vector<1x128xf32>
      %mul3A_23 = arith.mulf %rsqrt3A, %get3A_22 : vector<1x128xf32>
      %mul3A_24 = arith.constant 1000 : i32
      %mul3A_25 = arith.muli %arg1, %mul3A_24 : i32
      %get3A_26 = arith.index_cast %mul3A_25 : i32 to index
      %get3A_27 = arith.constant 0 : index
      %get3A_28 = vector.load %arg16[%get3A_26, %get3A_27] : memref<10000x128xf32, #tpu.memory_space<vmem>>, vector<1000x128xf32>
      %sub3A_29 = vector.broadcast %mul3A_10 : vector<1x128xf32> to vector<1000x128xf32>
      %sub3A_30 = arith.subf %get3A_28, %sub3A_29 : vector<1000x128xf32>
      %mul3A_31 = vector.broadcast %mul3A_23 : vector<1x128xf32> to vector<1000x128xf32>
      %mul3A_32 = arith.mulf %sub3A_30, %mul3A_31 : vector<1000x128xf32>
      %get3A_33 = arith.constant 0 : index
      %get3A_34 = arith.constant 0 : index
      %get3A_35 = vector.load %arg6[%get3A_33, %get3A_34] : memref<1x128xf32, #tpu.memory_space<vmem>>, vector<1x128xf32>
      %add3A_36 = vector.broadcast %get3A_35 : vector<1x128xf32> to vector<1000x128xf32>
      %add3A_37 = arith.addf %mul3A_32, %add3A_36 : vector<1000x128xf32>
      %ge3A = arith.constant 0.000000e+00 : f32
      %ge3A_38 = vector.broadcast %ge3A : f32 to vector<1000x128xf32>
      %ge3A_39 = arith.cmpf oge, %add3A_37, %ge3A_38 : vector<1000x128xf32>
      %jit3A = arith.constant 0.000000e+00 : f32
      %broadcast_in_dim3A = vector.broadcast %jit3A : f32 to vector<1000x128xf32>
      %select_n3A = arith.select %ge3A_39, %add3A_37, %broadcast_in_dim3A : vector<1000x128xi1>, vector<1000x128xf32>
      %get3A_40 = arith.constant 0 : index
      %get3A_41 = arith.constant 0 : index
      %get3A_42 = vector.load %arg7[%get3A_40, %get3A_41] : memref<1000x128xf32, #tpu.memory_space<vmem>>, vector<1000x128xf32>
      %get3A_43 = arith.constant 0 : index
      %get3A_44 = arith.constant 0 : index
      %get3A_45 = vector.load %arg8[%get3A_43, %get3A_44] : memref<128x128xf32, #tpu.memory_space<vmem>>, vector<128x128xf32>
      %dot_general3A = arith.constant dense<0.000000e+00> : vector<1000x128xf32>
      %dot_general3A_46 = tpu.matmul %get3A_42, %get3A_45, %dot_general3A {dimension_numbers = #tpu.dot_dimension_numbers<[1], [0], [0], [1], [0, 0, 1, 1], [], []>, precision = #tpu.contract_precision<fp32>, transpose_lhs_hint = false} : vector<1000x128xf32>, vector<128x128xf32>, vector<1000x128xf32> -> vector<1000x128xf32>
      %get3A_47 = arith.constant 0 : index
      %get3A_48 = arith.constant 0 : index
      %get3A_49 = vector.load %arg9[%get3A_47, %get3A_48] : memref<128x128xf32, #tpu.memory_space<vmem>>, vector<128x128xf32>
      %dot_general3A_50 = arith.constant dense<0.000000e+00> : vector<1000x128xf32>
      %dot_general3A_51 = tpu.matmul %select_n3A, %get3A_49, %dot_general3A_50 {dimension_numbers = #tpu.dot_dimension_numbers<[1], [0], [0], [1], [0, 0, 1, 1], [], []>, precision = #tpu.contract_precision<fp32>, transpose_lhs_hint = false} : vector<1000x128xf32>, vector<128x128xf32>, vector<1000x128xf32> -> vector<1000x128xf32>
      %add3A_52 = arith.addf %dot_general3A_46, %dot_general3A_51 : vector<1000x128xf32>
      %get3A_53 = arith.constant 0 : index
      %get3A_54 = arith.constant 0 : index
      %get3A_55 = vector.load %arg10[%get3A_53, %get3A_54] : memref<1x128xf32, #tpu.memory_space<vmem>>, vector<1x128xf32>
      %add3A_56 = vector.broadcast %get3A_55 : vector<1x128xf32> to vector<1000x128xf32>
      %add3A_57 = arith.addf %add3A_52, %add3A_56 : vector<1000x128xf32>
      %get3A_58 = arith.constant 0 : index
      %get3A_59 = arith.constant 0 : index
      %get3A_60 = vector.load %arg11[%get3A_58, %get3A_59] : memref<128x128xf32, #tpu.memory_space<vmem>>, vector<128x128xf32>
      %dot_general3A_61 = arith.constant dense<0.000000e+00> : vector<1000x128xf32>
      %dot_general3A_62 = tpu.matmul %add3A_57, %get3A_60, %dot_general3A_61 {dimension_numbers = #tpu.dot_dimension_numbers<[1], [0], [0], [1], [0, 0, 1, 1], [], []>, precision = #tpu.contract_precision<fp32>, transpose_lhs_hint = false} : vector<1000x128xf32>, vector<128x128xf32>, vector<1000x128xf32> -> vector<1000x128xf32>
      %get3A_63 = arith.constant 0 : index
      %get3A_64 = arith.constant 0 : index
      %get3A_65 = vector.load %arg12[%get3A_63, %get3A_64] : memref<1x128xf32, #tpu.memory_space<vmem>>, vector<1x128xf32>
      %add3A_66 = vector.broadcast %get3A_65 : vector<1x128xf32> to vector<1000x128xf32>
      %add3A_67 = arith.addf %dot_general3A_62, %add3A_66 : vector<1000x128xf32>
      %swap3A = arith.constant 0 : index
      %swap3A_68 = arith.constant 0 : index
      %swap3A_69 = vector.load %arg14[%swap3A, %swap3A_68] : memref<1000x128xf32, #tpu.memory_space<vmem>>, vector<1000x128xf32>
      tpu.vector_store %arg14[%swap3A, %swap3A_68], %add3A_67 {strides = array<i32>} : memref<1000x128xf32, #tpu.memory_space<vmem>>, vector<1000x128xf32>,
      %get3A_70 = arith.constant 0 : index
      %get3A_71 = arith.constant 0 : index
      %get3A_72 = vector.load %arg13[%get3A_70, %get3A_71] : memref<1000x1xf32, #tpu.memory_space<vmem>>, vector<1000x1xf32>
      %mul3A_73 = vector.broadcast %get3A_72 : vector<1000x1xf32> to vector<1000x128xf32>
      %mul3A_74 = arith.mulf %mul3A_73, %add3A_67 : vector<1000x128xf32>
      %swap3A_75 = arith.constant 0 : index
      %swap3A_76 = arith.constant 0 : index
      %swap3A_77 = vector.load %arg15[%swap3A_75, %swap3A_76] : memref<1000x128xf32, #tpu.memory_space<vmem>>, vector<1000x128xf32>
      tpu.vector_store %arg15[%swap3A_75, %swap3A_76], %mul3A_74 {strides = array<i32>} : memref<1000x128xf32, #tpu.memory_space<vmem>>, vector<1000x128xf32>,
    } else {
    }
    return
  }
  func.func @transform_0(%arg0: i32, %arg1: i32) -> (i32, i32, i32) {
    %sub3A = arith.constant 1 : i32
    %sub3A_0 = arith.subi %sub3A, %arg0 : i32
    %mul3A = arith.muli %arg1, %sub3A_0 : i32
    %c0_i32 = arith.constant 0 : i32
    %c0_i32_1 = arith.constant 0 : i32
    %c0_i32_2 = arith.constant 0 : i32
    return %c0_i32, %mul3A, %c0_i32_1 : i32, i32, i32
  }
  func.func @transform_1(%arg0: i32, %arg1: i32) -> (i32, i32) {
    %sub3A = arith.constant 1 : i32
    %sub3A_0 = arith.subi %sub3A, %arg0 : i32
    %mul3A = arith.muli %arg1, %sub3A_0 : i32
    %c0_i32 = arith.constant 0 : i32
    %c0_i32_1 = arith.constant 0 : i32
    return %mul3A, %c0_i32 : i32, i32
  }
  func.func @transform_2(%arg0: i32, %arg1: i32) -> (i32, i32) {
    %c0_i32 = arith.constant 0 : i32
    %c0_i32_0 = arith.constant 0 : i32
    return %arg1, %c0_i32 : i32, i32
  }
  func.func @transform_3(%arg0: i32, %arg1: i32) -> (i32, i32) {
    %c0_i32 = arith.constant 0 : i32
    %c0_i32_0 = arith.constant 0 : i32
    %c0_i32_1 = arith.constant 0 : i32
    return %c0_i32, %c0_i32_0 : i32, i32
  }
  func.func @transform_4(%arg0: i32, %arg1: i32) -> (i32, i32) {
    %c0_i32 = arith.constant 0 : i32
    %c0_i32_0 = arith.constant 0 : i32
    %c0_i32_1 = arith.constant 0 : i32
    return %c0_i32, %c0_i32_0 : i32, i32
  }
  func.func @transform_5(%arg0: i32, %arg1: i32) -> (i32, i32) {
    %mul3A = arith.muli %arg1, %arg0 : i32
    %c0_i32 = arith.constant 0 : i32
    %c0_i32_0 = arith.constant 0 : i32
    return %mul3A, %c0_i32 : i32, i32
  }
  func.func @transform_6(%arg0: i32, %arg1: i32) -> (i32, i32) {
    %c0_i32 = arith.constant 0 : i32
    %c0_i32_0 = arith.constant 0 : i32
    %c0_i32_1 = arith.constant 0 : i32
    return %c0_i32, %c0_i32_0 : i32, i32
  }
  func.func @transform_7(%arg0: i32, %arg1: i32) -> (i32, i32) {
    %c0_i32 = arith.constant 0 : i32
    %c0_i32_0 = arith.constant 0 : i32
    %c0_i32_1 = arith.constant 0 : i32
    return %c0_i32, %c0_i32_0 : i32, i32
  }
  func.func @transform_8(%arg0: i32, %arg1: i32) -> (i32, i32) {
    %c0_i32 = arith.constant 0 : i32
    %c0_i32_0 = arith.constant 0 : i32
    %c0_i32_1 = arith.constant 0 : i32
    return %c0_i32, %c0_i32_0 : i32, i32
  }
  func.func @transform_9(%arg0: i32, %arg1: i32) -> (i32, i32) {
    %c0_i32 = arith.constant 0 : i32
    %c0_i32_0 = arith.constant 0 : i32
    %c0_i32_1 = arith.constant 0 : i32
    return %c0_i32, %c0_i32_0 : i32, i32
  }
  func.func @transform_10(%arg0: i32, %arg1: i32) -> (i32, i32) {
    %c0_i32 = arith.constant 0 : i32
    %c0_i32_0 = arith.constant 0 : i32
    %c0_i32_1 = arith.constant 0 : i32
    return %c0_i32, %c0_i32_0 : i32, i32
  }
  func.func @transform_11(%arg0: i32, %arg1: i32) -> (i32, i32) {
    %c0_i32 = arith.constant 0 : i32
    %c0_i32_0 = arith.constant 0 : i32
    return %arg1, %c0_i32 : i32, i32
  }
  func.func @transform_12(%arg0: i32, %arg1: i32) -> (i32, i32) {
    %c0_i32 = arith.constant 0 : i32
    %c0_i32_0 = arith.constant 0 : i32
    return %arg1, %c0_i32 : i32, i32
  }
  func.func @transform_13(%arg0: i32, %arg1: i32) -> (i32, i32) {
    %c0_i32 = arith.constant 0 : i32
    %c0_i32_0 = arith.constant 0 : i32
    return %arg1, %c0_i32 : i32, i32
  }
}

module attributes {stable_mosaic.version = 14 : i64} {
  func.func @body(%arg0: i32, %arg1: i32, %arg2: memref<2x1000x128xf32, #tpu.memory_space<vmem>>, %arg3: memref<1000x128xf32, #tpu.memory_space<vmem>>, %arg4: memref<1000x1xf32, #tpu.memory_space<vmem>>, %arg5: memref<1x128xf32, #tpu.memory_space<vmem>>, %arg6: memref<1x128xf32, #tpu.memory_space<vmem>>, %arg7: memref<128x128xf32, #tpu.memory_space<vmem>>, %arg8: memref<1x128xf32, #tpu.memory_space<vmem>>, %arg9: memref<1000x1xf32, #tpu.memory_space<vmem>>, %arg10: memref<1000x128xf32, #tpu.memory_space<vmem>>, %arg11: memref<1000x128xf32, #tpu.memory_space<vmem>>, %arg12: memref<10000x128xf32, #tpu.memory_space<vmem>>, %arg13: memref<1x128xf32, #tpu.memory_space<vmem>>, %arg14: memref<1x128xf32, #tpu.memory_space<vmem>>) attributes {dimension_semantics = [#tpu.dimension_semantics<arbitrary>, #tpu.dimension_semantics<arbitrary>], iteration_bounds = array<i64: 2, 10>, scalar_prefetch = 0 : i64, scratch_operands = 3 : i64, tpu.core_type = #tpu.core_type<tc>, window_params = [{transform_indices = @transform_0, window_bounds = array<i64: 2, 1000, 128>}, {transform_indices = @transform_1, window_bounds = array<i64: 1000, 128>}, {transform_indices = @transform_2, window_bounds = array<i64: 1000, 1>}, {pipeline_mode = #tpu.pipeline_mode<synchronous>, transform_indices = @transform_3, window_bounds = array<i64: 1, 128>}, {pipeline_mode = #tpu.pipeline_mode<synchronous>, transform_indices = @transform_4, window_bounds = array<i64: 1, 128>}, {pipeline_mode = #tpu.pipeline_mode<synchronous>, transform_indices = @transform_5, window_bounds = array<i64: 128, 128>}, {pipeline_mode = #tpu.pipeline_mode<synchronous>, transform_indices = @transform_6, window_bounds = array<i64: 1, 128>}, {transform_indices = @transform_7, window_bounds = array<i64: 1000, 1>}, {transform_indices = @transform_8, window_bounds = array<i64: 1000, 128>}, {transform_indices = @transform_9, window_bounds = array<i64: 1000, 128>}]} {
    %eq3A = arith.constant 0 : i32
    %eq3A_0 = arith.cmpi eq, %arg0, %eq3A : i32
    %convert_element_type3A = arith.extui %eq3A_0 : i1 to i32
    %cond3A = arith.constant 0 : i32
    %cond3A_1 = arith.cmpi ne, %convert_element_type3A, %cond3A : i32
    scf.if %cond3A_1 {
      %get3A = arith.constant 0 : index
      %get3A_7 = arith.constant 0 : index
      %get3A_8 = vector.load %arg4[%get3A, %get3A_7] : memref<1000x1xf32, #tpu.memory_space<vmem>>, vector<1000x1xf32>
      %get3A_9 = arith.constant 0 : index
      %get3A_10 = arith.constant 0 : index
      %get3A_11 = arith.constant 0 : index
      %get3A_12 = vector.load %arg2[%get3A_9, %get3A_10, %get3A_11] : memref<2x1000x128xf32, #tpu.memory_space<vmem>>, vector<1x1000x128xf32>
      %get3A_13 = vector.shape_cast %get3A_12 : vector<1x1000x128xf32> to vector<1000x128xf32>
      %get3A_14 = arith.constant 1 : index
      %get3A_15 = arith.constant 0 : index
      %get3A_16 = arith.constant 0 : index
      %get3A_17 = vector.load %arg2[%get3A_14, %get3A_15, %get3A_16] : memref<2x1000x128xf32, #tpu.memory_space<vmem>>, vector<1x1000x128xf32>
      %get3A_18 = vector.shape_cast %get3A_17 : vector<1x1000x128xf32> to vector<1000x128xf32>
      %add3A = arith.addf %get3A_13, %get3A_18 : vector<1000x128xf32>
      %mul3A = vector.broadcast %get3A_8 : vector<1000x1xf32> to vector<1000x128xf32>
      %mul3A_19 = arith.mulf %mul3A, %add3A : vector<1000x128xf32>
      %mul3A_20 = arith.mulf %get3A_8, %get3A_8 : vector<1000x1xf32>
      %get3A_21 = arith.constant 0 : index
      %get3A_22 = arith.constant 0 : index
      %get3A_23 = vector.load %arg3[%get3A_21, %get3A_22] : memref<1000x128xf32, #tpu.memory_space<vmem>>, vector<1000x128xf32>
      %mul3A_24 = vector.broadcast %mul3A_20 : vector<1000x1xf32> to vector<1000x128xf32>
      %mul3A_25 = arith.mulf %mul3A_24, %get3A_23 : vector<1000x128xf32>
      %add3A_26 = arith.addf %mul3A_19, %mul3A_25 : vector<1000x128xf32>
      %mul3A_27 = arith.constant 1000 : i32
      %mul3A_28 = arith.muli %arg1, %mul3A_27 : i32
      %swap3A = arith.index_cast %mul3A_28 : i32 to index
      %swap3A_29 = arith.constant 0 : index
      %swap3A_30 = vector.load %arg12[%swap3A, %swap3A_29] : memref<10000x128xf32, #tpu.memory_space<vmem>>, vector<1000x128xf32>
      tpu.vector_store %arg12[%swap3A, %swap3A_29], %add3A_26 {strides = array<i32>} : memref<10000x128xf32, #tpu.memory_space<vmem>>, vector<1000x128xf32>,
      %eq3A_31 = arith.constant 0 : i32
      %eq3A_32 = arith.cmpi eq, %arg1, %eq3A_31 : i32
      %convert_element_type3A_33 = arith.extui %eq3A_32 : i1 to i32
      %cond3A_34 = arith.constant 0 : i32
      %cond3A_35 = arith.cmpi ne, %convert_element_type3A_33, %cond3A_34 : i32
      scf.if %cond3A_35 {
        %broadcast_in_dim3A_55 = arith.constant 0.000000e+00 : f32
        %broadcast_in_dim3A_56 = vector.broadcast %broadcast_in_dim3A_55 : f32 to vector<1x128xf32>
        %swap3A_57 = arith.constant 0 : index
        %swap3A_58 = arith.constant 0 : index
        %swap3A_59 = vector.load %arg13[%swap3A_57, %swap3A_58] : memref<1x128xf32, #tpu.memory_space<vmem>>, vector<1x128xf32>
        tpu.vector_store %arg13[%swap3A_57, %swap3A_58], %broadcast_in_dim3A_56 {strides = array<i32>} : memref<1x128xf32, #tpu.memory_space<vmem>>, vector<1x128xf32>,
        %broadcast_in_dim3A_60 = arith.constant 0.000000e+00 : f32
        %broadcast_in_dim3A_61 = vector.broadcast %broadcast_in_dim3A_60 : f32 to vector<1x128xf32>
        %swap3A_62 = arith.constant 0 : index
        %swap3A_63 = arith.constant 0 : index
        %swap3A_64 = vector.load %arg14[%swap3A_62, %swap3A_63] : memref<1x128xf32, #tpu.memory_space<vmem>>, vector<1x128xf32>
        tpu.vector_store %arg14[%swap3A_62, %swap3A_63], %broadcast_in_dim3A_61 {strides = array<i32>} : memref<1x128xf32, #tpu.memory_space<vmem>>, vector<1x128xf32>,
      } else {
      }
      %get3A_36 = arith.constant 0 : index
      %get3A_37 = arith.constant 0 : index
      %get3A_38 = vector.load %arg13[%get3A_36, %get3A_37] : memref<1x128xf32, #tpu.memory_space<vmem>>, vector<1x128xf32>
      %reduce_sum3A = arith.constant dense<0.000000e+00> : vector<128xf32>
      %reduce_sum3A_39 = vector.multi_reduction <add>, %add3A_26, %reduce_sum3A [0] : vector<1000x128xf32> to vector<128xf32>
      %broadcast_in_dim3A = vector.shape_cast %reduce_sum3A_39 : vector<128xf32> to vector<1x128xf32>
      %add3A_40 = arith.addf %get3A_38, %broadcast_in_dim3A : vector<1x128xf32>
      %swap3A_41 = arith.constant 0 : index
      %swap3A_42 = arith.constant 0 : index
      %swap3A_43 = vector.load %arg13[%swap3A_41, %swap3A_42] : memref<1x128xf32, #tpu.memory_space<vmem>>, vector<1x128xf32>
      tpu.vector_store %arg13[%swap3A_41, %swap3A_42], %add3A_40 {strides = array<i32>} : memref<1x128xf32, #tpu.memory_space<vmem>>, vector<1x128xf32>,
      %get3A_44 = arith.constant 0 : index
      %get3A_45 = arith.constant 0 : index
      %get3A_46 = vector.load %arg14[%get3A_44, %get3A_45] : memref<1x128xf32, #tpu.memory_space<vmem>>, vector<1x128xf32>
      %mul3A_47 = arith.mulf %add3A_26, %add3A_26 : vector<1000x128xf32>
      %reduce_sum3A_48 = arith.constant dense<0.000000e+00> : vector<128xf32>
      %reduce_sum3A_49 = vector.multi_reduction <add>, %mul3A_47, %reduce_sum3A_48 [0] : vector<1000x128xf32> to vector<128xf32>
      %broadcast_in_dim3A_50 = vector.shape_cast %reduce_sum3A_49 : vector<128xf32> to vector<1x128xf32>
      %add3A_51 = arith.addf %get3A_46, %broadcast_in_dim3A_50 : vector<1x128xf32>
      %swap3A_52 = arith.constant 0 : index
      %swap3A_53 = arith.constant 0 : index
      %swap3A_54 = vector.load %arg14[%swap3A_52, %swap3A_53] : memref<1x128xf32, #tpu.memory_space<vmem>>, vector<1x128xf32>
      tpu.vector_store %arg14[%swap3A_52, %swap3A_53], %add3A_51 {strides = array<i32>} : memref<1x128xf32, #tpu.memory_space<vmem>>, vector<1x128xf32>,
    } else {
    }
    %eq3A_2 = arith.constant 1 : i32
    %eq3A_3 = arith.cmpi eq, %arg0, %eq3A_2 : i32
    %convert_element_type3A_4 = arith.extui %eq3A_3 : i1 to i32
    %cond3A_5 = arith.constant 0 : i32
    %cond3A_6 = arith.cmpi ne, %convert_element_type3A_4, %cond3A_5 : i32
    scf.if %cond3A_6 {
      %get3A = arith.constant 0 : index
      %get3A_7 = arith.constant 0 : index
      %get3A_8 = vector.load %arg13[%get3A, %get3A_7] : memref<1x128xf32, #tpu.memory_space<vmem>>, vector<1x128xf32>
      %mul3A = arith.constant 9.99999974E-5 : f32
      %mul3A_9 = vector.broadcast %mul3A : f32 to vector<1x128xf32>
      %mul3A_10 = arith.mulf %get3A_8, %mul3A_9 : vector<1x128xf32>
      %get3A_11 = arith.constant 0 : index
      %get3A_12 = arith.constant 0 : index
      %get3A_13 = vector.load %arg14[%get3A_11, %get3A_12] : memref<1x128xf32, #tpu.memory_space<vmem>>, vector<1x128xf32>
      %mul3A_14 = arith.constant 9.99999974E-5 : f32
      %mul3A_15 = vector.broadcast %mul3A_14 : f32 to vector<1x128xf32>
      %mul3A_16 = arith.mulf %get3A_13, %mul3A_15 : vector<1x128xf32>
      %mul3A_17 = arith.mulf %mul3A_10, %mul3A_10 : vector<1x128xf32>
      %sub3A = arith.subf %mul3A_16, %mul3A_17 : vector<1x128xf32>
      %add3A = arith.constant 9.99999974E-6 : f32
      %add3A_18 = vector.broadcast %add3A : f32 to vector<1x128xf32>
      %add3A_19 = arith.addf %sub3A, %add3A_18 : vector<1x128xf32>
      %rsqrt3A = math.rsqrt %add3A_19 : vector<1x128xf32>
      %get3A_20 = arith.constant 0 : index
      %get3A_21 = arith.constant 0 : index
      %get3A_22 = vector.load %arg5[%get3A_20, %get3A_21] : memref<1x128xf32, #tpu.memory_space<vmem>>, vector<1x128xf32>
      %mul3A_23 = arith.mulf %rsqrt3A, %get3A_22 : vector<1x128xf32>
      %mul3A_24 = arith.constant 1000 : i32
      %mul3A_25 = arith.muli %arg1, %mul3A_24 : i32
      %get3A_26 = arith.index_cast %mul3A_25 : i32 to index
      %get3A_27 = arith.constant 0 : index
      %get3A_28 = vector.load %arg12[%get3A_26, %get3A_27] : memref<10000x128xf32, #tpu.memory_space<vmem>>, vector<1000x128xf32>
      %sub3A_29 = vector.broadcast %mul3A_10 : vector<1x128xf32> to vector<1000x128xf32>
      %sub3A_30 = arith.subf %get3A_28, %sub3A_29 : vector<1000x128xf32>
      %mul3A_31 = vector.broadcast %mul3A_23 : vector<1x128xf32> to vector<1000x128xf32>
      %mul3A_32 = arith.mulf %sub3A_30, %mul3A_31 : vector<1000x128xf32>
      %get3A_33 = arith.constant 0 : index
      %get3A_34 = arith.constant 0 : index
      %get3A_35 = vector.load %arg6[%get3A_33, %get3A_34] : memref<1x128xf32, #tpu.memory_space<vmem>>, vector<1x128xf32>
      %add3A_36 = vector.broadcast %get3A_35 : vector<1x128xf32> to vector<1000x128xf32>
      %add3A_37 = arith.addf %mul3A_32, %add3A_36 : vector<1000x128xf32>
      %ge3A = arith.constant 0.000000e+00 : f32
      %ge3A_38 = vector.broadcast %ge3A : f32 to vector<1000x128xf32>
      %ge3A_39 = arith.cmpf oge, %add3A_37, %ge3A_38 : vector<1000x128xf32>
      %mul3A_40 = arith.constant 1.000000e-01 : f32
      %mul3A_41 = vector.broadcast %mul3A_40 : f32 to vector<1000x128xf32>
      %mul3A_42 = arith.mulf %mul3A_41, %add3A_37 : vector<1000x128xf32>
      %select_n3A = arith.select %ge3A_39, %add3A_37, %mul3A_42 : vector<1000x128xi1>, vector<1000x128xf32>
      %get3A_43 = arith.constant 0 : index
      %get3A_44 = arith.constant 0 : index
      %get3A_45 = vector.load %arg7[%get3A_43, %get3A_44] : memref<128x128xf32, #tpu.memory_space<vmem>>, vector<128x128xf32>
      %dot_general3A = arith.constant dense<0.000000e+00> : vector<1000x128xf32>
      %dot_general3A_46 = tpu.matmul %select_n3A, %get3A_45, %dot_general3A {dimension_numbers = #tpu.dot_dimension_numbers<[1], [0], [0], [1], [0, 0, 1, 1], [], []>, precision = #tpu.contract_precision<fp32>, transpose_lhs_hint = false} : vector<1000x128xf32>, vector<128x128xf32>, vector<1000x128xf32> -> vector<1000x128xf32>
      %get3A_47 = arith.constant 0 : index
      %get3A_48 = arith.constant 0 : index
      %get3A_49 = vector.load %arg8[%get3A_47, %get3A_48] : memref<1x128xf32, #tpu.memory_space<vmem>>, vector<1x128xf32>
      %add3A_50 = vector.broadcast %get3A_49 : vector<1x128xf32> to vector<1000x128xf32>
      %add3A_51 = arith.addf %dot_general3A_46, %add3A_50 : vector<1000x128xf32>
      %swap3A = arith.constant 0 : index
      %swap3A_52 = arith.constant 0 : index
      %swap3A_53 = vector.load %arg10[%swap3A, %swap3A_52] : memref<1000x128xf32, #tpu.memory_space<vmem>>, vector<1000x128xf32>
      tpu.vector_store %arg10[%swap3A, %swap3A_52], %add3A_51 {strides = array<i32>} : memref<1000x128xf32, #tpu.memory_space<vmem>>, vector<1000x128xf32>,
      %get3A_54 = arith.constant 0 : index
      %get3A_55 = arith.constant 0 : index
      %get3A_56 = vector.load %arg9[%get3A_54, %get3A_55] : memref<1000x1xf32, #tpu.memory_space<vmem>>, vector<1000x1xf32>
      %mul3A_57 = vector.broadcast %get3A_56 : vector<1000x1xf32> to vector<1000x128xf32>
      %mul3A_58 = arith.mulf %mul3A_57, %add3A_51 : vector<1000x128xf32>
      %swap3A_59 = arith.constant 0 : index
      %swap3A_60 = arith.constant 0 : index
      %swap3A_61 = vector.load %arg11[%swap3A_59, %swap3A_60] : memref<1000x128xf32, #tpu.memory_space<vmem>>, vector<1000x128xf32>
      tpu.vector_store %arg11[%swap3A_59, %swap3A_60], %mul3A_58 {strides = array<i32>} : memref<1000x128xf32, #tpu.memory_space<vmem>>, vector<1000x128xf32>,
    } else {
    }
    return
  }
  func.func @transform_0(%arg0: i32, %arg1: i32) -> (i32, i32, i32) {
    %sub3A = arith.constant 1 : i32
    %sub3A_0 = arith.subi %sub3A, %arg0 : i32
    %mul3A = arith.muli %arg1, %sub3A_0 : i32
    %c0_i32 = arith.constant 0 : i32
    %c0_i32_1 = arith.constant 0 : i32
    %c0_i32_2 = arith.constant 0 : i32
    return %c0_i32, %mul3A, %c0_i32_1 : i32, i32, i32
  }
  func.func @transform_1(%arg0: i32, %arg1: i32) -> (i32, i32) {
    %sub3A = arith.constant 1 : i32
    %sub3A_0 = arith.subi %sub3A, %arg0 : i32
    %mul3A = arith.muli %arg1, %sub3A_0 : i32
    %c0_i32 = arith.constant 0 : i32
    %c0_i32_1 = arith.constant 0 : i32
    return %mul3A, %c0_i32 : i32, i32
  }
  func.func @transform_2(%arg0: i32, %arg1: i32) -> (i32, i32) {
    %c0_i32 = arith.constant 0 : i32
    %c0_i32_0 = arith.constant 0 : i32
    return %arg1, %c0_i32 : i32, i32
  }
  func.func @transform_3(%arg0: i32, %arg1: i32) -> (i32, i32) {
    %c0_i32 = arith.constant 0 : i32
    %c0_i32_0 = arith.constant 0 : i32
    %c0_i32_1 = arith.constant 0 : i32
    return %c0_i32, %c0_i32_0 : i32, i32
  }
  func.func @transform_4(%arg0: i32, %arg1: i32) -> (i32, i32) {
    %c0_i32 = arith.constant 0 : i32
    %c0_i32_0 = arith.constant 0 : i32
    %c0_i32_1 = arith.constant 0 : i32
    return %c0_i32, %c0_i32_0 : i32, i32
  }
  func.func @transform_5(%arg0: i32, %arg1: i32) -> (i32, i32) {
    %c0_i32 = arith.constant 0 : i32
    %c0_i32_0 = arith.constant 0 : i32
    %c0_i32_1 = arith.constant 0 : i32
    return %c0_i32, %c0_i32_0 : i32, i32
  }
  func.func @transform_6(%arg0: i32, %arg1: i32) -> (i32, i32) {
    %c0_i32 = arith.constant 0 : i32
    %c0_i32_0 = arith.constant 0 : i32
    %c0_i32_1 = arith.constant 0 : i32
    return %c0_i32, %c0_i32_0 : i32, i32
  }
  func.func @transform_7(%arg0: i32, %arg1: i32) -> (i32, i32) {
    %c0_i32 = arith.constant 0 : i32
    %c0_i32_0 = arith.constant 0 : i32
    return %arg1, %c0_i32 : i32, i32
  }
  func.func @transform_8(%arg0: i32, %arg1: i32) -> (i32, i32) {
    %c0_i32 = arith.constant 0 : i32
    %c0_i32_0 = arith.constant 0 : i32
    return %arg1, %c0_i32 : i32, i32
  }
  func.func @transform_9(%arg0: i32, %arg1: i32) -> (i32, i32) {
    %c0_i32 = arith.constant 0 : i32
    %c0_i32_0 = arith.constant 0 : i32
    return %arg1, %c0_i32 : i32, i32
  }
}

module attributes {stable_mosaic.version = 14 : i64} {
  func.func @_head_body(%arg0: i32, %arg1: i32, %arg2: memref<2x1000x128xf32, #tpu.memory_space<vmem>>, %arg3: memref<1000x128xf32, #tpu.memory_space<vmem>>, %arg4: memref<1000x1xf32, #tpu.memory_space<vmem>>, %arg5: memref<1x128xf32, #tpu.memory_space<vmem>>, %arg6: memref<1x128xf32, #tpu.memory_space<vmem>>, %arg7: memref<1x1xf32, #tpu.memory_space<vmem>>, %arg8: memref<128x10xf32, #tpu.memory_space<vmem>>, %arg9: memref<1x10xf32, #tpu.memory_space<vmem>>, %arg10: memref<10x10xf32, #tpu.memory_space<vmem>>, %arg11: memref<10x1xi32, #tpu.memory_space<vmem>>, %arg12: memref<10000x128xf32, #tpu.memory_space<vmem>>, %arg13: memref<1x128xf32, #tpu.memory_space<vmem>>, %arg14: memref<1x128xf32, #tpu.memory_space<vmem>>, %arg15: memref<10x128xf32, #tpu.memory_space<vmem>>) attributes {dimension_semantics = [#tpu.dimension_semantics<arbitrary>, #tpu.dimension_semantics<arbitrary>], iteration_bounds = array<i64: 2, 10>, scalar_prefetch = 0 : i64, scratch_operands = 4 : i64, tpu.core_type = #tpu.core_type<tc>, window_params = [{transform_indices = @transform_0, window_bounds = array<i64: 2, 1000, 128>}, {transform_indices = @transform_1, window_bounds = array<i64: 1000, 128>}, {transform_indices = @transform_2, window_bounds = array<i64: 1000, 1>}, {pipeline_mode = #tpu.pipeline_mode<synchronous>, transform_indices = @transform_3, window_bounds = array<i64: 1, 128>}, {pipeline_mode = #tpu.pipeline_mode<synchronous>, transform_indices = @transform_4, window_bounds = array<i64: 1, 128>}, {pipeline_mode = #tpu.pipeline_mode<synchronous>, transform_indices = @transform_5, window_bounds = array<i64: 1, 1>}, {pipeline_mode = #tpu.pipeline_mode<synchronous>, transform_indices = @transform_6, window_bounds = array<i64: 128, 10>}, {pipeline_mode = #tpu.pipeline_mode<synchronous>, transform_indices = @transform_7, window_bounds = array<i64: 1, 10>}, {pipeline_mode = #tpu.pipeline_mode<synchronous>, transform_indices = @transform_8, window_bounds = array<i64: 10, 10>}, {pipeline_mode = #tpu.pipeline_mode<synchronous>, transform_indices = @transform_9, window_bounds = array<i64: 10, 1>}]} {
    %eq3A = arith.constant 0 : i32
    %eq3A_0 = arith.cmpi eq, %arg0, %eq3A : i32
    %convert_element_type3A = arith.extui %eq3A_0 : i1 to i32
    %cond3A = arith.constant 0 : i32
    %cond3A_1 = arith.cmpi ne, %convert_element_type3A, %cond3A : i32
    scf.if %cond3A_1 {
      %get3A = arith.constant 0 : index
      %get3A_7 = arith.constant 0 : index
      %get3A_8 = vector.load %arg4[%get3A, %get3A_7] : memref<1000x1xf32, #tpu.memory_space<vmem>>, vector<1000x1xf32>
      %get3A_9 = arith.constant 0 : index
      %get3A_10 = arith.constant 0 : index
      %get3A_11 = arith.constant 0 : index
      %get3A_12 = vector.load %arg2[%get3A_9, %get3A_10, %get3A_11] : memref<2x1000x128xf32, #tpu.memory_space<vmem>>, vector<1x1000x128xf32>
      %get3A_13 = vector.shape_cast %get3A_12 : vector<1x1000x128xf32> to vector<1000x128xf32>
      %get3A_14 = arith.constant 1 : index
      %get3A_15 = arith.constant 0 : index
      %get3A_16 = arith.constant 0 : index
      %get3A_17 = vector.load %arg2[%get3A_14, %get3A_15, %get3A_16] : memref<2x1000x128xf32, #tpu.memory_space<vmem>>, vector<1x1000x128xf32>
      %get3A_18 = vector.shape_cast %get3A_17 : vector<1x1000x128xf32> to vector<1000x128xf32>
      %add3A = arith.addf %get3A_13, %get3A_18 : vector<1000x128xf32>
      %mul3A = vector.broadcast %get3A_8 : vector<1000x1xf32> to vector<1000x128xf32>
      %mul3A_19 = arith.mulf %mul3A, %add3A : vector<1000x128xf32>
      %mul3A_20 = arith.mulf %get3A_8, %get3A_8 : vector<1000x1xf32>
      %get3A_21 = arith.constant 0 : index
      %get3A_22 = arith.constant 0 : index
      %get3A_23 = vector.load %arg3[%get3A_21, %get3A_22] : memref<1000x128xf32, #tpu.memory_space<vmem>>, vector<1000x128xf32>
      %mul3A_24 = vector.broadcast %mul3A_20 : vector<1000x1xf32> to vector<1000x128xf32>
      %mul3A_25 = arith.mulf %mul3A_24, %get3A_23 : vector<1000x128xf32>
      %add3A_26 = arith.addf %mul3A_19, %mul3A_25 : vector<1000x128xf32>
      %mul3A_27 = arith.constant 1000 : i32
      %mul3A_28 = arith.muli %arg1, %mul3A_27 : i32
      %swap3A = arith.index_cast %mul3A_28 : i32 to index
      %swap3A_29 = arith.constant 0 : index
      %swap3A_30 = vector.load %arg12[%swap3A, %swap3A_29] : memref<10000x128xf32, #tpu.memory_space<vmem>>, vector<1000x128xf32>
      tpu.vector_store %arg12[%swap3A, %swap3A_29], %add3A_26 {strides = array<i32>} : memref<10000x128xf32, #tpu.memory_space<vmem>>, vector<1000x128xf32>,
      %eq3A_31 = arith.constant 0 : i32
      %eq3A_32 = arith.cmpi eq, %arg1, %eq3A_31 : i32
      %convert_element_type3A_33 = arith.extui %eq3A_32 : i1 to i32
      %cond3A_34 = arith.constant 0 : i32
      %cond3A_35 = arith.cmpi ne, %convert_element_type3A_33, %cond3A_34 : i32
      scf.if %cond3A_35 {
        %broadcast_in_dim3A_55 = arith.constant 0.000000e+00 : f32
        %broadcast_in_dim3A_56 = vector.broadcast %broadcast_in_dim3A_55 : f32 to vector<1x128xf32>
        %swap3A_57 = arith.constant 0 : index
        %swap3A_58 = arith.constant 0 : index
        %swap3A_59 = vector.load %arg13[%swap3A_57, %swap3A_58] : memref<1x128xf32, #tpu.memory_space<vmem>>, vector<1x128xf32>
        tpu.vector_store %arg13[%swap3A_57, %swap3A_58], %broadcast_in_dim3A_56 {strides = array<i32>} : memref<1x128xf32, #tpu.memory_space<vmem>>, vector<1x128xf32>,
        %broadcast_in_dim3A_60 = arith.constant 0.000000e+00 : f32
        %broadcast_in_dim3A_61 = vector.broadcast %broadcast_in_dim3A_60 : f32 to vector<1x128xf32>
        %swap3A_62 = arith.constant 0 : index
        %swap3A_63 = arith.constant 0 : index
        %swap3A_64 = vector.load %arg14[%swap3A_62, %swap3A_63] : memref<1x128xf32, #tpu.memory_space<vmem>>, vector<1x128xf32>
        tpu.vector_store %arg14[%swap3A_62, %swap3A_63], %broadcast_in_dim3A_61 {strides = array<i32>} : memref<1x128xf32, #tpu.memory_space<vmem>>, vector<1x128xf32>,
      } else {
      }
      %get3A_36 = arith.constant 0 : index
      %get3A_37 = arith.constant 0 : index
      %get3A_38 = vector.load %arg13[%get3A_36, %get3A_37] : memref<1x128xf32, #tpu.memory_space<vmem>>, vector<1x128xf32>
      %reduce_sum3A = arith.constant dense<0.000000e+00> : vector<128xf32>
      %reduce_sum3A_39 = vector.multi_reduction <add>, %add3A_26, %reduce_sum3A [0] : vector<1000x128xf32> to vector<128xf32>
      %broadcast_in_dim3A = vector.shape_cast %reduce_sum3A_39 : vector<128xf32> to vector<1x128xf32>
      %add3A_40 = arith.addf %get3A_38, %broadcast_in_dim3A : vector<1x128xf32>
      %swap3A_41 = arith.constant 0 : index
      %swap3A_42 = arith.constant 0 : index
      %swap3A_43 = vector.load %arg13[%swap3A_41, %swap3A_42] : memref<1x128xf32, #tpu.memory_space<vmem>>, vector<1x128xf32>
      tpu.vector_store %arg13[%swap3A_41, %swap3A_42], %add3A_40 {strides = array<i32>} : memref<1x128xf32, #tpu.memory_space<vmem>>, vector<1x128xf32>,
      %get3A_44 = arith.constant 0 : index
      %get3A_45 = arith.constant 0 : index
      %get3A_46 = vector.load %arg14[%get3A_44, %get3A_45] : memref<1x128xf32, #tpu.memory_space<vmem>>, vector<1x128xf32>
      %mul3A_47 = arith.mulf %add3A_26, %add3A_26 : vector<1000x128xf32>
      %reduce_sum3A_48 = arith.constant dense<0.000000e+00> : vector<128xf32>
      %reduce_sum3A_49 = vector.multi_reduction <add>, %mul3A_47, %reduce_sum3A_48 [0] : vector<1000x128xf32> to vector<128xf32>
      %broadcast_in_dim3A_50 = vector.shape_cast %reduce_sum3A_49 : vector<128xf32> to vector<1x128xf32>
      %add3A_51 = arith.addf %get3A_46, %broadcast_in_dim3A_50 : vector<1x128xf32>
      %swap3A_52 = arith.constant 0 : index
      %swap3A_53 = arith.constant 0 : index
      %swap3A_54 = vector.load %arg14[%swap3A_52, %swap3A_53] : memref<1x128xf32, #tpu.memory_space<vmem>>, vector<1x128xf32>
      tpu.vector_store %arg14[%swap3A_52, %swap3A_53], %add3A_51 {strides = array<i32>} : memref<1x128xf32, #tpu.memory_space<vmem>>, vector<1x128xf32>,
    } else {
    }
    %eq3A_2 = arith.constant 1 : i32
    %eq3A_3 = arith.cmpi eq, %arg0, %eq3A_2 : i32
    %convert_element_type3A_4 = arith.extui %eq3A_3 : i1 to i32
    %cond3A_5 = arith.constant 0 : i32
    %cond3A_6 = arith.cmpi ne, %convert_element_type3A_4, %cond3A_5 : i32
    scf.if %cond3A_6 {
      %get3A = arith.constant 0 : index
      %get3A_7 = arith.constant 0 : index
      %get3A_8 = vector.load %arg7[%get3A, %get3A_7] : memref<1x1xf32, #tpu.memory_space<vmem>>, vector<1x1xf32>
      %get3A_9 = vector.extract %get3A_8[0, 0] : f32 from vector<1x1xf32>
      %get3A_10 = arith.constant 0 : index
      %get3A_11 = arith.constant 0 : index
      %get3A_12 = vector.load %arg13[%get3A_10, %get3A_11] : memref<1x128xf32, #tpu.memory_space<vmem>>, vector<1x128xf32>
      %mul3A = arith.constant 9.99999974E-5 : f32
      %mul3A_13 = vector.broadcast %mul3A : f32 to vector<1x128xf32>
      %mul3A_14 = arith.mulf %get3A_12, %mul3A_13 : vector<1x128xf32>
      %get3A_15 = arith.constant 0 : index
      %get3A_16 = arith.constant 0 : index
      %get3A_17 = vector.load %arg14[%get3A_15, %get3A_16] : memref<1x128xf32, #tpu.memory_space<vmem>>, vector<1x128xf32>
      %mul3A_18 = arith.constant 9.99999974E-5 : f32
      %mul3A_19 = vector.broadcast %mul3A_18 : f32 to vector<1x128xf32>
      %mul3A_20 = arith.mulf %get3A_17, %mul3A_19 : vector<1x128xf32>
      %mul3A_21 = arith.mulf %mul3A_14, %mul3A_14 : vector<1x128xf32>
      %sub3A = arith.subf %mul3A_20, %mul3A_21 : vector<1x128xf32>
      %add3A = arith.constant 9.99999974E-6 : f32
      %add3A_22 = vector.broadcast %add3A : f32 to vector<1x128xf32>
      %add3A_23 = arith.addf %sub3A, %add3A_22 : vector<1x128xf32>
      %rsqrt3A = math.rsqrt %add3A_23 : vector<1x128xf32>
      %get3A_24 = arith.constant 0 : index
      %get3A_25 = arith.constant 0 : index
      %get3A_26 = vector.load %arg5[%get3A_24, %get3A_25] : memref<1x128xf32, #tpu.memory_space<vmem>>, vector<1x128xf32>
      %mul3A_27 = arith.mulf %rsqrt3A, %get3A_26 : vector<1x128xf32>
      %mul3A_28 = arith.constant 1000 : i32
      %mul3A_29 = arith.muli %arg1, %mul3A_28 : i32
      %get3A_30 = arith.index_cast %mul3A_29 : i32 to index
      %get3A_31 = arith.constant 0 : index
      %get3A_32 = vector.load %arg12[%get3A_30, %get3A_31] : memref<10000x128xf32, #tpu.memory_space<vmem>>, vector<1000x128xf32>
      %sub3A_33 = vector.broadcast %mul3A_14 : vector<1x128xf32> to vector<1000x128xf32>
      %sub3A_34 = arith.subf %get3A_32, %sub3A_33 : vector<1000x128xf32>
      %mul3A_35 = vector.broadcast %mul3A_27 : vector<1x128xf32> to vector<1000x128xf32>
      %mul3A_36 = arith.mulf %sub3A_34, %mul3A_35 : vector<1000x128xf32>
      %get3A_37 = arith.constant 0 : index
      %get3A_38 = arith.constant 0 : index
      %get3A_39 = vector.load %arg6[%get3A_37, %get3A_38] : memref<1x128xf32, #tpu.memory_space<vmem>>, vector<1x128xf32>
      %add3A_40 = vector.broadcast %get3A_39 : vector<1x128xf32> to vector<1000x128xf32>
      %add3A_41 = arith.addf %mul3A_36, %add3A_40 : vector<1000x128xf32>
      %ge3A = arith.constant 0.000000e+00 : f32
      %ge3A_42 = vector.broadcast %ge3A : f32 to vector<1000x128xf32>
      %ge3A_43 = arith.cmpf oge, %add3A_41, %ge3A_42 : vector<1000x128xf32>
      %mul3A_44 = arith.constant 1.000000e-01 : f32
      %mul3A_45 = vector.broadcast %mul3A_44 : f32 to vector<1000x128xf32>
      %mul3A_46 = arith.mulf %mul3A_45, %add3A_41 : vector<1000x128xf32>
      %select_n3A = arith.select %ge3A_43, %add3A_41, %mul3A_46 : vector<1000x128xi1>, vector<1000x128xf32>
      %jit3A = arith.constant 0.000000e+00 : f32
      %jit3A_47 = arith.constant 1.000000e+02 : f32
      %max3A = vector.broadcast %jit3A : f32 to vector<1000x128xf32>
      %max3A_48 = arith.maximumf %max3A, %select_n3A : vector<1000x128xf32>
      %min3A = vector.broadcast %jit3A_47 : f32 to vector<1000x128xf32>
      %min3A_49 = arith.minimumf %min3A, %max3A_48 : vector<1000x128xf32>
      %gt3A = arith.constant 0.000000e+00 : f32
      %gt3A_50 = vector.broadcast %gt3A : f32 to vector<1000x128xf32>
      %gt3A_51 = arith.cmpf ogt, %min3A_49, %gt3A_50 : vector<1000x128xf32>
      %max3A_52 = arith.constant 1.000000e-30 : f32
      %max3A_53 = vector.broadcast %max3A_52 : f32 to vector<1000x128xf32>
      %max3A_54 = arith.maximumf %min3A_49, %max3A_53 : vector<1000x128xf32>
      %log3A = math.log %max3A_54 : vector<1000x128xf32>
      %mul3A_55 = vector.broadcast %get3A_9 : f32 to vector<1000x128xf32>
      %mul3A_56 = arith.mulf %mul3A_55, %log3A : vector<1000x128xf32>
      %exp3A = math.exp %mul3A_56 : vector<1000x128xf32>
      %jit3A_57 = arith.constant 0.000000e+00 : f32
      %broadcast_in_dim3A = vector.broadcast %jit3A_57 : f32 to vector<1000x128xf32>
      %select_n3A_58 = arith.select %gt3A_51, %exp3A, %broadcast_in_dim3A : vector<1000x128xi1>, vector<1000x128xf32>
      %eq3A_59 = arith.constant 1.000000e+00 : f32
      %eq3A_60 = arith.cmpf oeq, %get3A_9, %eq3A_59 : f32
      %select_n3A_61 = arith.select %eq3A_60, %min3A_49, %select_n3A_58 : vector<1000x128xf32>
      %reduce_sum3A = arith.constant dense<0.000000e+00> : vector<128xf32>
      %reduce_sum3A_62 = vector.multi_reduction <add>, %select_n3A_61, %reduce_sum3A [0] : vector<1000x128xf32> to vector<128xf32>
      %broadcast_in_dim3A_63 = vector.shape_cast %reduce_sum3A_62 : vector<128xf32> to vector<1x128xf32>
      %mul3A_64 = arith.constant 1.000000e-03 : f32
      %mul3A_65 = vector.broadcast %mul3A_64 : f32 to vector<1x128xf32>
      %mul3A_66 = arith.mulf %broadcast_in_dim3A_63, %mul3A_65 : vector<1x128xf32>
      %swap3A = arith.index_cast %arg1 : i32 to index
      %swap3A_67 = arith.constant 0 : index
      %swap3A_68 = vector.load %arg15[%swap3A, %swap3A_67] : memref<10x128xf32, #tpu.memory_space<vmem>>, vector<1x128xf32>
      tpu.vector_store %arg15[%swap3A, %swap3A_67], %mul3A_66 {strides = array<i32>} : memref<10x128xf32, #tpu.memory_space<vmem>>, vector<1x128xf32>,
      %eq3A_69 = arith.constant 9 : i32
      %eq3A_70 = arith.cmpi eq, %arg1, %eq3A_69 : i32
      %convert_element_type3A_71 = arith.extui %eq3A_70 : i1 to i32
      %cond3A_72 = arith.constant 0 : i32
      %cond3A_73 = arith.cmpi ne, %convert_element_type3A_71, %cond3A_72 : i32
      scf.if %cond3A_73 {
        %get3A_74 = arith.constant 0 : index
        %get3A_75 = arith.constant 0 : index
        %get3A_76 = vector.load %arg15[%get3A_74, %get3A_75] : memref<10x128xf32, #tpu.memory_space<vmem>>, vector<10x128xf32>
        %jit3A_77 = arith.constant 0.000000e+00 : f32
        %jit3A_78 = arith.constant 1.000000e+02 : f32
        %max3A_79 = vector.broadcast %jit3A_77 : f32 to vector<10x128xf32>
        %max3A_80 = arith.maximumf %max3A_79, %get3A_76 : vector<10x128xf32>
        %min3A_81 = vector.broadcast %jit3A_78 : f32 to vector<10x128xf32>
        %min3A_82 = arith.minimumf %min3A_81, %max3A_80 : vector<10x128xf32>
        %div3A = arith.constant 1.000000e+00 : f32
        %div3A_83 = arith.divf %div3A, %get3A_9 : f32
        %gt3A_84 = arith.constant 0.000000e+00 : f32
        %gt3A_85 = vector.broadcast %gt3A_84 : f32 to vector<10x128xf32>
        %gt3A_86 = arith.cmpf ogt, %min3A_82, %gt3A_85 : vector<10x128xf32>
        %max3A_87 = arith.constant 1.000000e-30 : f32
        %max3A_88 = vector.broadcast %max3A_87 : f32 to vector<10x128xf32>
        %max3A_89 = arith.maximumf %min3A_82, %max3A_88 : vector<10x128xf32>
        %log3A_90 = math.log %max3A_89 : vector<10x128xf32>
        %mul3A_91 = vector.broadcast %div3A_83 : f32 to vector<10x128xf32>
        %mul3A_92 = arith.mulf %mul3A_91, %log3A_90 : vector<10x128xf32>
        %exp3A_93 = math.exp %mul3A_92 : vector<10x128xf32>
        %jit3A_94 = arith.constant 0.000000e+00 : f32
        %broadcast_in_dim3A_95 = vector.broadcast %jit3A_94 : f32 to vector<10x128xf32>
        %select_n3A_96 = arith.select %gt3A_86, %exp3A_93, %broadcast_in_dim3A_95 : vector<10x128xi1>, vector<10x128xf32>
        %eq3A_97 = arith.constant 1.000000e+00 : f32
        %eq3A_98 = arith.cmpf oeq, %div3A_83, %eq3A_97 : f32
        %select_n3A_99 = arith.select %eq3A_98, %min3A_82, %select_n3A_96 : vector<10x128xf32>
        %get3A_100 = arith.constant 0 : index
        %get3A_101 = arith.constant 0 : index
        %get3A_102 = vector.load %arg8[%get3A_100, %get3A_101] : memref<128x10xf32, #tpu.memory_space<vmem>>, vector<128x10xf32>
        %dot_general3A = arith.constant dense<0.000000e+00> : vector<10x10xf32>
        %dot_general3A_103 = tpu.matmul %select_n3A_99, %get3A_102, %dot_general3A {dimension_numbers = #tpu.dot_dimension_numbers<[1], [0], [0], [1], [0, 0, 1, 1], [], []>, precision = #tpu.contract_precision<fp32>, transpose_lhs_hint = false} : vector<10x128xf32>, vector<128x10xf32>, vector<10x10xf32> -> vector<10x10xf32>
        %get3A_104 = arith.constant 0 : index
        %get3A_105 = arith.constant 0 : index
        %get3A_106 = vector.load %arg9[%get3A_104, %get3A_105] : memref<1x10xf32, #tpu.memory_space<vmem>>, vector<1x10xf32>
        %add3A_107 = vector.broadcast %get3A_106 : vector<1x10xf32> to vector<10x10xf32>
        %add3A_108 = arith.addf %dot_general3A_103, %add3A_107 : vector<10x10xf32>
        %swap3A_109 = arith.constant 0 : index
        %swap3A_110 = arith.constant 0 : index
        %swap3A_111 = vector.load %arg10[%swap3A_109, %swap3A_110] : memref<10x10xf32, #tpu.memory_space<vmem>>, vector<10x10xf32>
        tpu.vector_store %arg10[%swap3A_109, %swap3A_110], %add3A_108 {strides = array<i32>} : memref<10x10xf32, #tpu.memory_space<vmem>>, vector<10x10xf32>,
        %reduce_max3A = arith.constant dense<0xFF800000> : vector<10xf32>
        %reduce_max3A_112 = vector.multi_reduction <maximumf>, %add3A_108, %reduce_max3A [1] : vector<10x10xf32> to vector<10xf32>
        %broadcast_in_dim3A_113 = vector.shape_cast %reduce_max3A_112 : vector<10xf32> to vector<10x1xf32>
        %iota3A = tpu.iota {dimensions = array<i32: 1>} : vector<10x10xi32>
        %eq3A_114 = vector.broadcast %broadcast_in_dim3A_113 : vector<10x1xf32> to vector<10x10xf32>
        %eq3A_115 = arith.cmpf oeq, %add3A_108, %eq3A_114 : vector<10x10xf32>
        %jit3A_116 = arith.constant 1073741824 : i32
        %broadcast_in_dim3A_117 = vector.broadcast %jit3A_116 : i32 to vector<10x10xi32>
        %select_n3A_118 = arith.select %eq3A_115, %iota3A, %broadcast_in_dim3A_117 : vector<10x10xi1>, vector<10x10xi32>
        %reduce_min3A = arith.constant dense<2147483647> : vector<10xi32>
        %reduce_min3A_119 = vector.multi_reduction <minsi>, %select_n3A_118, %reduce_min3A [1] : vector<10x10xi32> to vector<10xi32>
        %broadcast_in_dim3A_120 = vector.shape_cast %reduce_min3A_119 : vector<10xi32> to vector<10x1xi32>
        %swap3A_121 = arith.constant 0 : index
        %swap3A_122 = arith.constant 0 : index
        %swap3A_123 = vector.load %arg11[%swap3A_121, %swap3A_122] : memref<10x1xi32, #tpu.memory_space<vmem>>, vector<10x1xi32>
        tpu.vector_store %arg11[%swap3A_121, %swap3A_122], %broadcast_in_dim3A_120 {strides = array<i32>} : memref<10x1xi32, #tpu.memory_space<vmem>>, vector<10x1xi32>,
      } else {
      }
    } else {
    }
    return
  }
  func.func @transform_0(%arg0: i32, %arg1: i32) -> (i32, i32, i32) {
    %sub3A = arith.constant 1 : i32
    %sub3A_0 = arith.subi %sub3A, %arg0 : i32
    %mul3A = arith.muli %arg1, %sub3A_0 : i32
    %c0_i32 = arith.constant 0 : i32
    %c0_i32_1 = arith.constant 0 : i32
    %c0_i32_2 = arith.constant 0 : i32
    return %c0_i32, %mul3A, %c0_i32_1 : i32, i32, i32
  }
  func.func @transform_1(%arg0: i32, %arg1: i32) -> (i32, i32) {
    %sub3A = arith.constant 1 : i32
    %sub3A_0 = arith.subi %sub3A, %arg0 : i32
    %mul3A = arith.muli %arg1, %sub3A_0 : i32
    %c0_i32 = arith.constant 0 : i32
    %c0_i32_1 = arith.constant 0 : i32
    return %mul3A, %c0_i32 : i32, i32
  }
  func.func @transform_2(%arg0: i32, %arg1: i32) -> (i32, i32) {
    %c0_i32 = arith.constant 0 : i32
    %c0_i32_0 = arith.constant 0 : i32
    return %arg1, %c0_i32 : i32, i32
  }
  func.func @transform_3(%arg0: i32, %arg1: i32) -> (i32, i32) {
    %c0_i32 = arith.constant 0 : i32
    %c0_i32_0 = arith.constant 0 : i32
    %c0_i32_1 = arith.constant 0 : i32
    return %c0_i32, %c0_i32_0 : i32, i32
  }
  func.func @transform_4(%arg0: i32, %arg1: i32) -> (i32, i32) {
    %c0_i32 = arith.constant 0 : i32
    %c0_i32_0 = arith.constant 0 : i32
    %c0_i32_1 = arith.constant 0 : i32
    return %c0_i32, %c0_i32_0 : i32, i32
  }
  func.func @transform_5(%arg0: i32, %arg1: i32) -> (i32, i32) {
    %c0_i32 = arith.constant 0 : i32
    %c0_i32_0 = arith.constant 0 : i32
    %c0_i32_1 = arith.constant 0 : i32
    return %c0_i32, %c0_i32_0 : i32, i32
  }
  func.func @transform_6(%arg0: i32, %arg1: i32) -> (i32, i32) {
    %c0_i32 = arith.constant 0 : i32
    %c0_i32_0 = arith.constant 0 : i32
    %c0_i32_1 = arith.constant 0 : i32
    return %c0_i32, %c0_i32_0 : i32, i32
  }
  func.func @transform_7(%arg0: i32, %arg1: i32) -> (i32, i32) {
    %c0_i32 = arith.constant 0 : i32
    %c0_i32_0 = arith.constant 0 : i32
    %c0_i32_1 = arith.constant 0 : i32
    return %c0_i32, %c0_i32_0 : i32, i32
  }
  func.func @transform_8(%arg0: i32, %arg1: i32) -> (i32, i32) {
    %c0_i32 = arith.constant 0 : i32
    %c0_i32_0 = arith.constant 0 : i32
    %c0_i32_1 = arith.constant 0 : i32
    return %c0_i32, %c0_i32_0 : i32, i32
  }
  func.func @transform_9(%arg0: i32, %arg1: i32) -> (i32, i32) {
    %c0_i32 = arith.constant 0 : i32
    %c0_i32_0 = arith.constant 0 : i32
    %c0_i32_1 = arith.constant 0 : i32
    return %c0_i32, %c0_i32_0 : i32, i32
  }
}

</mosaic_0001>

<sc_bundles>
// kernel: kernel.17.cloned.1.call-start
scs
__scs_entry_jumppad:
0x0: {  	(pc) =	sbr.rel $0x88, $3  }
0x1: {  	(tag) =	ssettag $0x0;
	lr =	simm.s32 $0x1  }
0x2: {  	[smem:$0x3F7F] =	sst lr;
	_ =	strace $0xD0000000  }
0x3: {  	_ = 	snop  }
0x4: {  	_ = 	snop  }
0x5: {  	_ = 	snop  }
0x6: {  	_ = 	snop  }
0x7: {  	_ = 	snop  }
__scs_overlays_trampoline_lowered:
0x8: {  	[smem:$0x3F8E] =	sst s0  }
0x9: {  	[smem:$0x3F8F] =	sst s1  }
0xa: {  	[smem:$0x3F90] =	sst s2  }
0xb: {  	[smem:$0x3F91] =	sst s3  }
0xc: {  	[smem:$0x3F92] =	sst s4  }
0xd: {  	[smem:$0x3F93] =	sst s5  }
0xe: {  	[smem:$0x3F94] =	sst s6  }
0xf: {  	[smem:$0x3F95] =	sst s7  }
0x10: {  	[smem:$0x3F96] =	sst s8  }
0x11: {  	[smem:$0x3F97] =	sst s9;
	s0 =	simm.s32 @!p0 $0x0  }
0x12: {  	s1 =	sld [smem:$0x3F7D];
	s0 =	simm.s32 @p0 $0x1  }
0x13: {  	[smem:$0x3F98] =	sst s0;
	s0 =	simm.s32 @!p1 $0x0  }
0x14: {  	s2 =	sld [smem:$0x3F7C];
	s0 =	simm.s32 @p1 $0x1  }
0x15: {  	[smem:$0x3F99] =	sst s0;
	s0 =	simm.s32 @!p2 $0x0  }
0x16: {  	s3 =	sld [smem:$0x3FDB];
	s0 =	simm.s32 @p2 $0x1  }
0x17: {  	s4 =	simm.s32 $0x1BF5;
	[smem:$0x3F9B] =	sst s0  }
0x18: {  	s0 =	sld [smem:$0x3F7E];
	_ =	swait.ge [sflag:s4], $0x0  }
0x19: {  	s7 =	sld [smem:$0x3F7F]  }
0x1a: {  	s8 =	sadd.s32 $0xFFFFE003, lr  }
0x1b: {  	s9 =	sadd.s32 $0xFFFFFEF7, lr;
	s5 =	simm.s32 $0xFFFFFFFF;
	p2 =	slt.u32 s8, $0xFFFFF086  }
0x1c: {  	p1 =	slt.u32 s9, $0xF7A;
	s5 =	simm.s32 @!p2 $0x0  }
0x1d: {  	s5 =	simm.s32 @p1 $0x1;
	p0 =	seq.s32 s7, s2  }
0x1e: {  	s7 =	smul.u32 @!p0 $0xF7A, s2;
	p2 =	seq.s32 @!p0 s5, $0x0  }
0x1f: {  	s9 =	smul.u32 $0xF7A, s1;
	s8 =	simm.s32 @!p0 $0x1BF5;
	p2 =	por !p2, p0  }
0x20: {  	[sflag:s8] =	ssyncset.s32 @!p0 $0xFFFFF086;
	s6 =	sadd.s32 @!p0 s3, s7;
	s7 =	simm.s32 @!p0 $0x108  }
0x21: {  	s3 =	sadd.s32 s3, s9;
	s6 =	sadd.s32 @!p0 $0x88, s6;
	s7 =	simm.s32 @p2 $0x1082  }
0x22: {  	[simem:s7], [sflag:s8] =	dma.local @!p0 [hbm:s6], $0xF7A  }
0x23: {  	s9 =	sor.u32 $0xD0000000, s2;
	s6 =	simm.s32 $0x108;
	_ =	swait.ge @!p0 [sflag:s8], $0x0  }
0x24: {  	s3 =	sadd.s32 $0x88, s3;
	s6 =	simm.s32 @!p1 $0x1082;
	[sflag:s4] =	ssyncset.s32 $0xFFFFF086  }
0x25: {  	[simem:s6], [sflag:s4] =	dma.local [hbm:s3], $0xF7A  }
0x26: {  	[smem:$0x3F7F] =	sst s1;
	(tag) =	ssettag s2;
	_ =	strace s9  }
0x27: {  	s1 =	sld [smem:$0x3F8F]  }
0x28: {  	s2 =	sld [smem:$0x3F90]  }
0x29: {  	s4 =	sld [smem:$0x3F92]  }
0x2a: {  	p0 =	seq.s32 s5, $0x0;
	s5 =	sld [smem:$0x3F93]  }
0x2b: {  	s6 =	sld [smem:$0x3F94]  }
0x2c: {  	s7 =	sld [smem:$0x3F95]  }
0x2d: {  	s3 =	simm.s32 $0x108;
	s8 =	sld [smem:$0x3F96]  }
0x2e: {  	s3 =	simm.s32 @!p0 $0x1082;
	s9 =	sld [smem:$0x3F97]  }
0x2f: {  	lr =	sadd.s32 s0, s3;
	s0 =	sld [smem:$0x3F8E]  }
0x30: {  	s3 =	sld [smem:$0x3F91]  }
0x31: {  	[smem:$0x3F9A] =	sst s10  }
0x32: {  	s10 =	sld [smem:$0x3F98];
	_ =	sdelay $0x3  }
0x33: {  	p0 =	seq.s32 s10, $0x1;
	s10 =	sld [smem:$0x3F9A];
	_ =	sdelay $0x3  }
0x34: {  	[smem:$0x3F9A] =	sst s10  }
0x35: {  	s10 =	sld [smem:$0x3F99];
	_ =	sdelay $0x3  }
0x36: {  	p1 =	seq.s32 s10, $0x1;
	s10 =	sld [smem:$0x3F9A];
	_ =	sdelay $0x3  }
0x37: {  	[smem:$0x3F9A] =	sst s10  }
0x38: {  	s10 =	sld [smem:$0x3F9B]  }
0x39: {  	_ = 	snop;
	(pc) =	sbr.ind lr, $3  }
0x3a: {  	_ = 	snop  }
0x3b: {  	_ = 	snop  }
0x3c: {  	p2 =	seq.s32 s10, $0x1;
	s10 =	sld [smem:$0x3F9A]  }
0x3d: {  	_ =	shalt  }
0x3e: {  	_ =	shalt  }
0x3f: {  	_ =	shalt  }
0x40: {  	_ =	shalt  }
0x41: {  	_ =	shalt  }
0x42: {  	_ =	shalt  }
0x43: {  	_ =	shalt  }
0x44: {  	_ =	shalt  }
0x45: {  	_ =	shalt  }
0x46: {  	_ =	shalt  }
0x47: {  	_ =	shalt  }
0x48: {  	_ =	shalt  }
0x49: {  	_ =	shalt  }
0x4a: {  	_ =	shalt  }
0x4b: {  	_ =	shalt  }
0x4c: {  	_ =	shalt  }
0x4d: {  	_ =	shalt  }
0x4e: {  	_ =	shalt  }
0x4f: {  	_ =	shalt  }
0x50: {  	_ =	shalt  }
0x51: {  	_ =	shalt  }
0x52: {  	_ =	shalt  }
0x53: {  	_ =	shalt  }
0x54: {  	_ =	shalt  }
0x55: {  	_ =	shalt  }
0x56: {  	_ =	shalt  }
0x57: {  	_ =	shalt  }
0x58: {  	_ =	shalt  }
0x59: {  	_ =	shalt  }
0x5a: {  	_ =	shalt  }
0x5b: {  	_ =	shalt  }
0x5c: {  	_ =	shalt  }
0x5d: {  	_ =	shalt  }
0x5e: {  	_ =	shalt  }
0x5f: {  	_ =	shalt  }
0x60: {  	_ =	shalt  }
0x61: {  	_ =	shalt  }
0x62: {  	_ =	shalt  }
0x63: {  	_ =	shalt  }
0x64: {  	_ =	shalt  }
0x65: {  	_ =	shalt  }
0x66: {  	_ =	shalt  }
0x67: {  	_ =	shalt  }
0x68: {  	_ =	shalt  }
0x69: {  	_ =	shalt  }
0x6a: {  	_ =	shalt  }
0x6b: {  	_ =	shalt  }
0x6c: {  	_ =	shalt  }
0x6d: {  	_ =	shalt  }
0x6e: {  	_ =	shalt  }
0x6f: {  	_ =	shalt  }
0x70: {  	_ =	shalt  }
0x71: {  	_ =	shalt  }
0x72: {  	_ =	shalt  }
0x73: {  	_ =	shalt  }
0x74: {  	_ =	shalt  }
0x75: {  	_ =	shalt  }
0x76: {  	_ =	shalt  }
0x77: {  	_ =	shalt  }
0x78: {  	_ =	shalt  }
0x79: {  	_ =	shalt  }
0x7a: {  	_ =	shalt  }
0x7b: {  	_ =	shalt  }
0x7c: {  	_ =	shalt  }
0x7d: {  	_ =	shalt  }
0x7e: {  	_ =	shalt  }
0x7f: {  	_ =	shalt  }
0x80: {  	_ =	shalt  }
0x81: {  	_ =	shalt  }
0x82: {  	_ =	shalt  }
0x83: {  	_ =	shalt  }
0x84: {  	_ =	shalt  }
0x85: {  	_ =	shalt  }
0x86: {  	_ =	shalt  }
0x87: {  	_ =	shalt  }
.Lfunc_end0:
.L_simem_size_0:
called_computation_lowered:
.L_overlay_start_0:
0x88: {  	s2 =	sld [smem:$0x3FD9]  }
0x89: {  	s3 =	sld [smem:$0x3FFE];
	_ =	sdelay $0x1  }
0x8a: {  	s1 =	srdreg.scid  }
0x8b: {  	s0 =	sand.u32 $0x1, s1  }
0x8c: {  	s16 =	sshll.u32 s0, $0xA;
	s2 =	sadd.s32 s3, s2  }
0x8d: {  	s2 =	sadd.s32 s2, s16  }
0x8e: {  	[smem:$0x3FA6] =	sst s2  }
0x8f: {  	_ = 	snop  }
0x90: {  	(tm) =	ssettm $0x1  }
0x91: {  	s17 =	sld [smem:$0x3FFB];
	_ =	sdelay $0x3  }
0x92: {  	_ =	strace s17  }
0x93: {  	s2 =	sld [smem:$0x3FFC];
	_ =	sdelay $0x3  }
0x94: {  	_ =	strace s2  }
0x95: {  	s2 =	sld [smem:$0x3FFD];
	_ =	sdelay $0x3  }
0x96: {  	_ =	strace s2  }
0x97: {  	_ =	strace $0x8FFFFFFF  }
0x98: {  	s18 =	sld [smem:$0x3FDB];
	_ =	sdelay $0x1  }
0x99: {  	s19 =	simm.s32 $_scs_section_size  }
0x9a: {  	s4 =	simm.s32 $_size__tile_overlayer_lowered;
	s5 =	simm.s32 $_tile_overlayer_lowered  }
0x9b: {  	s22 =	simm.s32 $0x1BFF;
	s21 =	sshll.u32 s5, $0x1;
	s2 =	sadd.s32 s19, s18  }
0x9c: {  	s6 =	simm.s32 $0x0;
	s20 =	sshll.u32 s4, $0x1;
	s4 =	sadd.s32 s21, s2  }
0x9d: {  	[timem:s6], [sflag:s22] =	dma.local [hbm:s4], s20  }
0x9e: {  	_ =	swait.ge [sflag:s22], s20  }
0x9f: {  	s3 =	ssub.s32 $0x0, s20;
	[sflag:s22] =	ssyncset.done $0x0  }
0xa0: {  	[sflag:s22] =	ssyncadd.s32 s3;
	_ =	sdelay $0x1  }
0xa1: {  	s23 =	simm.s32 $0x1B8B  }
0xa2: {  	_ =	swait.ge [sflag:s23], $0x1  }
0xa3: {  	[sflag:s23] =	ssyncset.done $0x0  }
0xa4: {  	s25 =	simm.s32 $0x1B8E;
	s24 =	sld [smem:$0x3FFE];
	[sflag:s23] =	ssyncadd.s32 $0xFFFFFFFF  }
0xa5: {  	s26 =	simm.s32 $execute0_lowered;
	[smem:$0x3FD2] =	sst s25  }
0xa6: {  	s4 =	sshll.u32 s26, $0x1;
	_ =	strace $0x80000046;
	[dreg:$0x1] =	wrdreg $0xFFFFFFFF  }
0xa7: {  	s28 =	simm.s32 $_size_execute0_lowered;
	s2 =	sadd.s32 s2, s4;
	[dreg:$0x0] =	wrdreg $0x0  }
0xa8: {  	s4 =	sshll.u32 s28, $0x1;
	[dreg:$0x2] =	wrdreg s2  }
0xa9: {  	[dreg:$0x3] =	wrdreg s4  }
0xaa: {  	[dreg:$0x4] =	wrdreg $0xC0  }
0xab: {  	_ =	task [dreg:s6], $0x5FFFF  }
0xac: {  	[dreg:$0x1] =	wrdreg $0xFFFFFFFF  }
0xad: {  	[dreg:$0x0] =	wrdreg $0x60  }
0xae: {  	[dreg:$0x2] =	wrdreg s24  }
0xaf: {  	[dreg:$0x3] =	wrdreg $0x94000  }
0xb0: {  	[dreg:$0x4] =	wrdreg $0x9  }
0xb1: {  	_ =	task.clear_ibuf [dreg:s6], $0x5FFFF;
	_ =	strace $0x90000046  }
0xb2: {  	s29 =	simm.s32 $0x9;
	_ =	strace $0x80000048  }
0xb3: {  	_ =	swait.ge [sflag:s29], $0x1  }
0xb4: {  	[sflag:s29] =	ssyncadd.s32 $0xFFFFFFFF  }
0xb5: {  	_ =	strace $0x90000048  }
0xb6: {  	_ =	sfence  }
0xb7: {  	s30 =	sld [smem:$0x0];
	_ =	sdelay $0x2  }
0xb8: {  	s31 =	sshll.u32 s1, $0xD;
	s1 =	sshrl.u32 s1, $0x2  }
0xb9: {  	s3 =	sand.u32 $0x4000, s31;
	s1 =	sadd.s32 s1, s30  }
0xba: {  	s0 =	sor.u32 s3, s0;
	s1 =	sshll.u32 s1, $0x11  }
0xbb: {  	s0 =	sor.u32 s1, s0  }
0xbc: {  	s0 =	sadd.s32 $0x8F2B, s0  }
0xbd: {  	[sflag:s0] =	ssyncadd.remote.s32 $0x1  }
0xbe: {  	_ =	sfence.sel $0xFFFF  }
0xbf: {  	[dreg:$0x0] =	wrdreg $0xFFFFFFFF;
	(pc) =	sbr.abs _section_cstart, $3  }
0xc0: {  	[dreg:$0x1] =	wrdreg $0xFFFFFFFF  }
0xc1: {  	_ =	task.clear_ibuf [dreg:s6], $0x2FFFF;
	_ =	strace $0x9FFFFFFF  }
0xc2: {  	(tm) =	ssettm $0x7FFFFFFF  }
0xc3: {  	_ =	shalt  }
tec
execute0_lowered:
.L_overlay_start_1:
0x0: {  	(tag) =	ssettag $0x1  }
0x1: {  	s5 =	rddreg [dreg:$0x0]  }
0x2: {  	s0 =	srdreg.scid;
	s2 =	rddreg [dreg:$0x1]  }
0x3: {  	s3 =	simm.s32 $0x0;
	s12 =	simm.s32 $0x2;
	s13 =	simm.s32 $0x5400  }
0x4: {  	s14 =	simm.s32 $0x80;
	s15 =	simm.s32 $0x1;
	s4 =	sand.u32 $0x1, s0  }
0x5: {  	s18 =	simm.s32 $0x0;
	s0 =	stileid.u32;
	s7 =	smul.u32 $0x140000, s4  }
0x6: {  	[smem:$0x7FF] =	sst s3;
	s1 =	sshll.u32 s4, $0x4;
	s8 =	smul.u32 $0x14000, s0  }
0x7: {  	s9 =	smul.u32 $0x50000, s0;
	s4 =	ssub.s32 $0x2, s4;
	s16 =	sshll.u32 s0, $0x6  }
0x8: {  	s1 =	sor.u32 s0, s1;
	s31 =	sshrl.u32 s4, $0x1;
	s16 =	sor.u32 $0x1C02, s16  }
0x9: {  	s6 =	smul.u32 $0xA80, s1;
	s1 =	rddreg [dreg:$0x2];
	_ =	strace $0x80000047  }
0xa: {  	s7 =	sadd.s32 s8, s7;
	s9 =	sshrl.u32 s9, $0x2;
	s11 =	ssub.s32 s4, s31  }
0xb: {  	s7 =	sshrl.u32 s7, $0x3;
	s4 =	sadd.s32 s9, s2;
	s11 =	smax.u32 s11, $0x1  }
0xc: {  	s6 =	sadd.s32 s6, s5;
	s10 =	sadd.s32 s7, s5;
	s7 =	sadd.s32 $0x8000, s4  }
0xd: {  	s8 =	sadd.s32 $0xC000, s4;
	s9 =	sadd.s32 $0x10000, s4;
	s17 =	sshrl.u32 s4, $0x3  }
0xe: {  	v0 =	vimm.f32 $0.0e+00;
	v1 =	vimm.f32 $1.000000000e+00;
	s5 =	sadd.s32 $0x11E00, s6;
	s6 =	sadd.s32 $0x4000, s4;
	s10 =	sadd.s32 $0x26E00, s10  }
.LBB2_1:
0xf: {  	[tilespmem:s3], [sflag:$0x2] =	stream.linear.gather [hbm4b:s5+s3], $0x5100, $0x38;
	[tilespmem:$0x1D400] =	vst v63  }
0x10: {  	_ =	swait.ge [sflag:s12], $0x5100  }
0x11: {  	[sflag:s12] =	ssyncset.done $0x0  }
0x12: {  	s19 =	simm.s32 $0x0;
	s20 =	simm.s32 $0x200;
	[sflag:s12] =	ssyncadd.s32 $0xFFFFAF00  }
.LBB2_2:
0x13: {  	p0 =	sne.s32 s20, $0xFE00;
	[tilespmem:s19+$0x5470] =	vst v0  }
0x14: {  	[tilespmem:s19+$0x5400] =	vst v0  }
0x15: {  	[tilespmem:s19+$0x5410] =	vst v0  }
.Ltmp0:
0x16: {  	[tilespmem:s19+$0x5420] =	vst v0;
	(pc) =	sbr.rel @p0 .LBB2_2-.Ltmp0, $4  }
0x17: {  	[tilespmem:s19+$0x5430] =	vst v0  }
0x18: {  	[tilespmem:s19+$0x5440] =	vst v0  }
0x19: {  	[tilespmem:s19+$0x5450] =	vst v0  }
0x1a: {  	[tilespmem:s19+$0x5460] =	vst v0;
	s19 =	sshra.s32 s20, $0x2;
	s20 =	sadd.s32 $0x200, s20  }
0x1b: {  	[tilespmem:s19+$0x5470] =	vst v0  }
0x1c: {  	[tilespmem:s19+$0x5400] =	vst v0  }
0x1d: {  	[tilespmem:s19+$0x5410] =	vst v0  }
0x1e: {  	[tilespmem:s19+$0x5420] =	vst v0  }
0x1f: {  	[tilespmem:s19+$0x5430] =	vst v0  }
0x20: {  	[tilespmem:s19+$0x5440] =	vst v0  }
0x21: {  	[tilespmem:s19+$0x5450] =	vst v0  }
0x22: {  	[tilespmem:s19+$0x5460] =	vst v0  }
0x23: {  	[spmem:s4] =	stream.linear.scatter [tilespmem:s13], [sflag:$0x2], $0x4000, $0x38;
	[tilespmem:$0x1D400] =	vst v63  }
0x24: {  	_ =	swait.ge [sflag:s12], $0x4000  }
0x25: {  	[sflag:s12] =	ssyncset.done $0x0  }
0x26: {  	[sflag:s12] =	ssyncadd.s32 $0xFFFFC000  }
0x27: {  	[spmem:s6] =	stream.linear.scatter [tilespmem:s13], [sflag:$0x2], $0x4000, $0x38;
	[tilespmem:$0x1D400] =	vst v63  }
0x28: {  	_ =	swait.ge [sflag:s12], $0x4000  }
0x29: {  	[sflag:s12] =	ssyncset.done $0x0  }
0x2a: {  	[sflag:s12] =	ssyncadd.s32 $0xFFFFC000  }
0x2b: {  	[spmem:s7] =	stream.linear.scatter [tilespmem:s13], [sflag:$0x2], $0x4000, $0x38;
	[tilespmem:$0x1D400] =	vst v63  }
0x2c: {  	_ =	swait.ge [sflag:s12], $0x4000  }
0x2d: {  	[sflag:s12] =	ssyncset.done $0x0  }
0x2e: {  	[sflag:s12] =	ssyncadd.s32 $0xFFFFC000  }
0x2f: {  	[spmem:s8] =	stream.linear.scatter [tilespmem:s13], [sflag:$0x2], $0x4000, $0x38;
	[tilespmem:$0x1D400] =	vst v63  }
0x30: {  	_ =	swait.ge [sflag:s12], $0x4000  }
0x31: {  	[sflag:s12] =	ssyncset.done $0x0  }
0x32: {  	[sflag:s12] =	ssyncadd.s32 $0xFFFFC000  }
0x33: {  	[spmem:s9] =	stream.linear.scatter [tilespmem:s13], [sflag:$0x2], $0x4000, $0x38;
	[tilespmem:$0x1D400] =	vst v63  }
0x34: {  	_ =	swait.ge [sflag:s12], $0x4000  }
0x35: {  	[sflag:s12] =	ssyncset.done $0x0  }
0x36: {  	s19 =	simm.s32 $0x0;
	s20 =	simm.s32 $0x200;
	[sflag:s12] =	ssyncadd.s32 $0xFFFFC000  }
.LBB2_4:
0x37: {  	p0 =	sne.s32 s20, $0xFE00;
	[tilespmem:s19+$0x5470] =	vst v1  }
0x38: {  	[tilespmem:s19+$0x5400] =	vst v1  }
0x39: {  	[tilespmem:s19+$0x5410] =	vst v1  }
.Ltmp1:
0x3a: {  	[tilespmem:s19+$0x5420] =	vst v1;
	(pc) =	sbr.rel @p0 .LBB2_4-.Ltmp1, $4  }
0x3b: {  	[tilespmem:s19+$0x5430] =	vst v1  }
0x3c: {  	[tilespmem:s19+$0x5440] =	vst v1  }
0x3d: {  	[tilespmem:s19+$0x5450] =	vst v1  }
0x3e: {  	[tilespmem:s19+$0x5460] =	vst v1;
	s19 =	sshra.s32 s20, $0x2;
	s20 =	sadd.s32 $0x200, s20  }
0x3f: {  	[tilespmem:s19+$0x5470] =	vst v1  }
0x40: {  	[tilespmem:s19+$0x5400] =	vst v1  }
0x41: {  	[tilespmem:s19+$0x5410] =	vst v1  }
0x42: {  	[tilespmem:s19+$0x5420] =	vst v1  }
0x43: {  	[tilespmem:s19+$0x5430] =	vst v1  }
0x44: {  	[tilespmem:s19+$0x5440] =	vst v1  }
0x45: {  	[tilespmem:s19+$0x5450] =	vst v1  }
0x46: {  	[tilespmem:s19+$0x5460] =	vst v1  }
0x47: {  	s22 =	simm.s32 $0x0;
	[bflag:$0x0] =	sbarrier.arrive $0xFFFF  }
0x48: {  	[spmem:s2] =	stream.indirect.scatter.add.f32 [tilespmem:s13], [sflag:$0x1], $0x80, s22, s14, $0xb8;
	[tilespmem:$0x1D400] =	vst v63  }
0x49: {  	s23 =	simm.s32 $0x80  }
0x4a: {  	[spmem:s2] =	stream.indirect.scatter.add.f32 [tilespmem:s13], [sflag:$0x1], $0x80, s23, s14, $0xb8;
	[tilespmem:$0x1D400] =	vst v63  }
0x4b: {  	s24 =	simm.s32 $0x100  }
0x4c: {  	[spmem:s2] =	stream.indirect.scatter.add.f32 [tilespmem:s13], [sflag:$0x1], $0x80, s24, s14, $0xb8;
	[tilespmem:$0x1D400] =	vst v63  }
0x4d: {  	s25 =	simm.s32 $0x180  }
0x4e: {  	[spmem:s2] =	stream.indirect.scatter.add.f32 [tilespmem:s13], [sflag:$0x1], $0x80, s25, s14, $0xb8;
	[tilespmem:$0x1D400] =	vst v63  }
0x4f: {  	s26 =	simm.s32 $0x200  }
0x50: {  	[spmem:s2] =	stream.indirect.scatter.add.f32 [tilespmem:s13], [sflag:$0x1], $0x80, s26, s14, $0xb8;
	[tilespmem:$0x1D400] =	vst v63  }
0x51: {  	s28 =	simm.s32 $0x280  }
0x52: {  	[spmem:s2] =	stream.indirect.scatter.add.f32 [tilespmem:s13], [sflag:$0x1], $0x80, s28, s14, $0xb8;
	[tilespmem:$0x1D400] =	vst v63  }
0x53: {  	s29 =	simm.s32 $0x300  }
0x54: {  	[spmem:s2] =	stream.indirect.scatter.add.f32 [tilespmem:s13], [sflag:$0x1], $0x80, s29, s14, $0xb8;
	[tilespmem:$0x1D400] =	vst v63  }
0x55: {  	s30 =	simm.s32 $0x380  }
0x56: {  	[spmem:s2] =	stream.indirect.scatter.add.f32 [tilespmem:s13], [sflag:$0x1], $0x80, s30, s14, $0xb8;
	[tilespmem:$0x1D400] =	vst v63  }
0x57: {  	s31 =	simm.s32 $0x400  }
0x58: {  	[spmem:s2] =	stream.indirect.scatter.add.f32 [tilespmem:s13], [sflag:$0x1], $0x80, s31, s14, $0xb8;
	[tilespmem:$0x1D400] =	vst v63  }
0x59: {  	_ =	swait.ge [sflag:s15], $0x4000  }
0x5a: {  	[sflag:s15] =	ssyncset.done $0x0  }
0x5b: {  	[sflag:s15] =	ssyncadd.s32 $0xFFFFC000  }
0x5c: {  	_ =	swait.ge [sflag:s15], $0x4000  }
0x5d: {  	[sflag:s15] =	ssyncset.done $0x0  }
0x5e: {  	[sflag:s15] =	ssyncadd.s32 $0xFFFFC000  }
0x5f: {  	_ =	swait.ge [sflag:s15], $0x4000  }
0x60: {  	[sflag:s15] =	ssyncset.done $0x0  }
0x61: {  	[sflag:s15] =	ssyncadd.s32 $0xFFFFC000  }
0x62: {  	_ =	swait.ge [sflag:s15], $0x4000  }
0x63: {  	[sflag:s15] =	ssyncset.done $0x0  }
0x64: {  	[sflag:s15] =	ssyncadd.s32 $0xFFFFC000  }
0x65: {  	_ =	swait.ge [sflag:s15], $0x4000  }
0x66: {  	[sflag:s15] =	ssyncset.done $0x0  }
0x67: {  	[sflag:s15] =	ssyncadd.s32 $0xFFFFC000  }
0x68: {  	_ =	swait.ge [sflag:s15], $0x4000  }
0x69: {  	[sflag:s15] =	ssyncset.done $0x0  }
0x6a: {  	[sflag:s15] =	ssyncadd.s32 $0xFFFFC000  }
0x6b: {  	_ =	swait.ge [sflag:s15], $0x4000  }
0x6c: {  	[sflag:s15] =	ssyncset.done $0x0  }
0x6d: {  	[sflag:s15] =	ssyncadd.s32 $0xFFFFC000  }
0x6e: {  	_ =	swait.ge [sflag:s15], $0x4000  }
0x6f: {  	[sflag:s15] =	ssyncset.done $0x0  }
0x70: {  	[sflag:s15] =	ssyncadd.s32 $0xFFFFC000  }
0x71: {  	_ =	swait.ge [sflag:s15], $0x4000  }
0x72: {  	s19 =	simm.s32 $0x1200;
	s21 =	simm.s32 $0x2400;
	[sflag:s15] =	ssyncset.done $0x0  }
.LBB2_6:
0x73: {  	s22 =	sshra.s32 s19, $0x2  }
0x74: {  	[sflag:s15] =	ssyncadd.s32 $0xFFFFC000;
	s19 =	smov.u32 s21;
	s20 =	sadd.s32 $0x1200, s21  }
0x75: {  	[spmem:s2] =	stream.indirect.scatter.add.f32 [tilespmem:s13], [sflag:$0x1], $0x80, s22, s14, $0xb8;
	[tilespmem:$0x1D400] =	vst v63  }
0x76: {  	p0 =	sne.s32 s21, $0x13200;
	s21 =	sadd.s32 $0x80, s22  }
0x77: {  	[spmem:s2] =	stream.indirect.scatter.add.f32 [tilespmem:s13], [sflag:$0x1], $0x80, s21, s14, $0xb8;
	[tilespmem:$0x1D400] =	vst v63  }
0x78: {  	s21 =	sadd.s32 $0x100, s22  }
0x79: {  	[spmem:s2] =	stream.indirect.scatter.add.f32 [tilespmem:s13], [sflag:$0x1], $0x80, s21, s14, $0xb8;
	[tilespmem:$0x1D400] =	vst v63  }
0x7a: {  	s21 =	sadd.s32 $0x180, s22  }
0x7b: {  	[spmem:s2] =	stream.indirect.scatter.add.f32 [tilespmem:s13], [sflag:$0x1], $0x80, s21, s14, $0xb8;
	[tilespmem:$0x1D400] =	vst v63  }
0x7c: {  	s21 =	sadd.s32 $0x200, s22  }
0x7d: {  	[spmem:s2] =	stream.indirect.scatter.add.f32 [tilespmem:s13], [sflag:$0x1], $0x80, s21, s14, $0xb8;
	[tilespmem:$0x1D400] =	vst v63  }
0x7e: {  	s21 =	sadd.s32 $0x280, s22  }
0x7f: {  	[spmem:s2] =	stream.indirect.scatter.add.f32 [tilespmem:s13], [sflag:$0x1], $0x80, s21, s14, $0xb8;
	[tilespmem:$0x1D400] =	vst v63  }
0x80: {  	s21 =	sadd.s32 $0x300, s22  }
0x81: {  	[spmem:s2] =	stream.indirect.scatter.add.f32 [tilespmem:s13], [sflag:$0x1], $0x80, s21, s14, $0xb8;
	[tilespmem:$0x1D400] =	vst v63  }
0x82: {  	s21 =	sadd.s32 $0x380, s22  }
0x83: {  	[spmem:s2] =	stream.indirect.scatter.add.f32 [tilespmem:s13], [sflag:$0x1], $0x80, s21, s14, $0xb8;
	[tilespmem:$0x1D400] =	vst v63  }
0x84: {  	s21 =	sadd.s32 $0x400, s22  }
0x85: {  	[spmem:s2] =	stream.indirect.scatter.add.f32 [tilespmem:s13], [sflag:$0x1], $0x80, s21, s14, $0xb8;
	[tilespmem:$0x1D400] =	vst v63  }
0x86: {  	_ =	swait.ge [sflag:s15], $0x4000  }
0x87: {  	[sflag:s15] =	ssyncset.done $0x0  }
0x88: {  	[sflag:s15] =	ssyncadd.s32 $0xFFFFC000  }
0x89: {  	_ =	swait.ge [sflag:s15], $0x4000  }
0x8a: {  	[sflag:s15] =	ssyncset.done $0x0  }
0x8b: {  	[sflag:s15] =	ssyncadd.s32 $0xFFFFC000  }
0x8c: {  	_ =	swait.ge [sflag:s15], $0x4000  }
0x8d: {  	[sflag:s15] =	ssyncset.done $0x0  }
0x8e: {  	[sflag:s15] =	ssyncadd.s32 $0xFFFFC000  }
0x8f: {  	_ =	swait.ge [sflag:s15], $0x4000  }
0x90: {  	[sflag:s15] =	ssyncset.done $0x0  }
0x91: {  	[sflag:s15] =	ssyncadd.s32 $0xFFFFC000  }
0x92: {  	_ =	swait.ge [sflag:s15], $0x4000  }
0x93: {  	[sflag:s15] =	ssyncset.done $0x0  }
0x94: {  	[sflag:s15] =	ssyncadd.s32 $0xFFFFC000  }
0x95: {  	_ =	swait.ge [sflag:s15], $0x4000  }
0x96: {  	[sflag:s15] =	ssyncset.done $0x0  }
0x97: {  	[sflag:s15] =	ssyncadd.s32 $0xFFFFC000  }
0x98: {  	_ =	swait.ge [sflag:s15], $0x4000  }
0x99: {  	[sflag:s15] =	ssyncset.done $0x0  }
0x9a: {  	[sflag:s15] =	ssyncadd.s32 $0xFFFFC000  }
.Ltmp2:
0x9b: {  	_ =	swait.ge [sflag:s15], $0x4000;
	(pc) =	sbr.rel @p0 .LBB2_6-.Ltmp2, $4  }
0x9c: {  	[sflag:s15] =	ssyncset.done $0x0  }
0x9d: {  	[sflag:s15] =	ssyncadd.s32 $0xFFFFC000  }
0x9e: {  	_ =	swait.ge [sflag:s15], $0x4000  }
0x9f: {  	s21 =	smov.u32 s20;
	[sflag:s15] =	ssyncset.done $0x0  }
0xa0: {  	s19 =	sshra.s32 s19, $0x2;
	[sflag:s15] =	ssyncadd.s32 $0xFFFFC000  }
0xa1: {  	[spmem:s2] =	stream.indirect.scatter.add.f32 [tilespmem:s13], [sflag:$0x1], $0x80, s19, s14, $0xb8;
	[tilespmem:$0x1D400] =	vst v63  }
0xa2: {  	s20 =	sadd.s32 $0x80, s19  }
0xa3: {  	[spmem:s2] =	stream.indirect.scatter.add.f32 [tilespmem:s13], [sflag:$0x1], $0x80, s20, s14, $0xb8;
	[tilespmem:$0x1D400] =	vst v63  }
0xa4: {  	s25 =	sadd.s32 $0x100, s19  }
0xa5: {  	[spmem:s2] =	stream.indirect.scatter.add.f32 [tilespmem:s13], [sflag:$0x1], $0x80, s25, s14, $0xb8;
	[tilespmem:$0x1D400] =	vst v63  }
0xa6: {  	s26 =	sadd.s32 $0x180, s19  }
0xa7: {  	[spmem:s2] =	stream.indirect.scatter.add.f32 [tilespmem:s13], [sflag:$0x1], $0x80, s26, s14, $0xb8;
	[tilespmem:$0x1D400] =	vst v63  }
0xa8: {  	s28 =	sadd.s32 $0x200, s19  }
0xa9: {  	[spmem:s2] =	stream.indirect.scatter.add.f32 [tilespmem:s13], [sflag:$0x1], $0x80, s28, s14, $0xb8;
	[tilespmem:$0x1D400] =	vst v63  }
0xaa: {  	s29 =	sadd.s32 $0x280, s19  }
0xab: {  	[spmem:s2] =	stream.indirect.scatter.add.f32 [tilespmem:s13], [sflag:$0x1], $0x80, s29, s14, $0xb8;
	[tilespmem:$0x1D400] =	vst v63  }
0xac: {  	s30 =	sadd.s32 $0x300, s19  }
0xad: {  	[spmem:s2] =	stream.indirect.scatter.add.f32 [tilespmem:s13], [sflag:$0x1], $0x80, s30, s14, $0xb8;
	[tilespmem:$0x1D400] =	vst v63  }
0xae: {  	s31 =	sadd.s32 $0x380, s19  }
0xaf: {  	[spmem:s2] =	stream.indirect.scatter.add.f32 [tilespmem:s13], [sflag:$0x1], $0x80, s31, s14, $0xb8;
	[tilespmem:$0x1D400] =	vst v63  }
0xb0: {  	s19 =	sadd.s32 $0x400, s19  }
0xb1: {  	[spmem:s2] =	stream.indirect.scatter.add.f32 [tilespmem:s13], [sflag:$0x1], $0x80, s19, s14, $0xb8;
	[tilespmem:$0x1D400] =	vst v63  }
0xb2: {  	_ =	swait.ge [sflag:s15], $0x4000  }
0xb3: {  	[sflag:s15] =	ssyncset.done $0x0  }
0xb4: {  	[sflag:s15] =	ssyncadd.s32 $0xFFFFC000  }
0xb5: {  	_ =	swait.ge [sflag:s15], $0x4000  }
0xb6: {  	[sflag:s15] =	ssyncset.done $0x0  }
0xb7: {  	[sflag:s15] =	ssyncadd.s32 $0xFFFFC000  }
0xb8: {  	_ =	swait.ge [sflag:s15], $0x4000  }
0xb9: {  	[sflag:s15] =	ssyncset.done $0x0  }
0xba: {  	[sflag:s15] =	ssyncadd.s32 $0xFFFFC000  }
0xbb: {  	_ =	swait.ge [sflag:s15], $0x4000  }
0xbc: {  	[sflag:s15] =	ssyncset.done $0x0  }
0xbd: {  	[sflag:s15] =	ssyncadd.s32 $0xFFFFC000  }
0xbe: {  	_ =	swait.ge [sflag:s15], $0x4000  }
0xbf: {  	[sflag:s15] =	ssyncset.done $0x0  }
0xc0: {  	[sflag:s15] =	ssyncadd.s32 $0xFFFFC000  }
0xc1: {  	_ =	swait.ge [sflag:s15], $0x4000  }
0xc2: {  	[sflag:s15] =	ssyncset.done $0x0  }
0xc3: {  	[sflag:s15] =	ssyncadd.s32 $0xFFFFC000  }
0xc4: {  	_ =	swait.ge [sflag:s15], $0x4000  }
0xc5: {  	[sflag:s15] =	ssyncset.done $0x0  }
0xc6: {  	[sflag:s15] =	ssyncadd.s32 $0xFFFFC000  }
0xc7: {  	_ =	swait.ge [sflag:s15], $0x4000  }
0xc8: {  	[sflag:s15] =	ssyncset.done $0x0  }
0xc9: {  	[sflag:s15] =	ssyncadd.s32 $0xFFFFC000  }
0xca: {  	_ =	swait.ge [sflag:s15], $0x4000  }
0xcb: {  	s18 =	sadd.s32 $0x1, s18;
	[sflag:s15] =	ssyncset.done $0x0  }
0xcc: {  	p0 =	sne.s32 s18, s11;
	[sflag:s15] =	ssyncadd.s32 $0xFFFFC000  }
.Ltmp3:
0xcd: {  	[bflag:$0x0] =	sbarrier.arrive $0xFFFF;
	(pc) =	sbr.rel @p0 .LBB2_1-.Ltmp3, $4  }
0xce: {  	[hbm:s10], [sflag:s16] =	dma.local [spmem:s17], $0x2800  }
0xcf: {  	_ =	swait.ge [sflag:s12], $0x2800  }
0xd0: {  	[sflag:s12] =	ssyncset.done $0x0  }
0xd1: {  	[sflag:s12] =	ssyncadd.s32 $0xFFFFD800  }
0xd2: {  	_ =	sfence.sel $0x180000  }
0xd3: {  	[bflag:$0x0] =	sbarrier.arrive $0xFFFF  }
0xd4: {  	p0 =	sne.s32 s0, $0x0;
	_ =	strace $0x90000047  }
0xd5: {  	s0 =	sadd.s32 @!p0 $0x100000, s1;
	[bflag:$0x2] =	sbarrier.arrive $0xFFFF  }
0xd6: {  	[sflag:s0] =	ssyncadd.tile.s32 @!p0 $0x1;
	_ =	shalt  }
.Lfunc_end2:
_tile_overlayer_lowered:
.L_overlay_start_2:
0xd7: {  	(tag) =	ssettag $0x2  }
0xd8: {  	s0 =	rddreg [dreg:$0x0];
	s2 =	stileid.u32  }
0xd9: {  	s1 =	rddreg [dreg:$0x1];
	p0 =	sne.s32 s2, $0x0  }
0xda: {  	s3 =	rddreg [dreg:$0x2];
	[bflag:$0x3] =	sbarrier.arrive $0xFFFF;
	s2 =	simm.s32 @!p0 $0x1C02  }
0xdb: {  	[timem:s3], [sflag:s2] =	dma.local @!p0 [hbm:s0], s1  }
0xdc: {  	s0 =	simm.s32 @!p0 $0x2  }
0xdd: {  	_ =	swait.ge @!p0 [sflag:s0], s1  }
0xde: {  	s1 =	ssub.s32 @!p0 $0x0, s1;
	[sflag:s0] =	ssyncset.done @!p0 $0x0  }
0xdf: {  	[sflag:s0] =	ssyncadd.s32 @!p0 s1  }
0xe0: {  	[bflag:$0x3] =	sbarrier.arrive $0xFFFF  }
0xe1: {  	_ =	shalt  }

// kernel: kernel.20.cloned.1.call-start
scs
__scs_entry_jumppad:
0x0: {  	(pc) =	sbr.rel $0x88, $3  }
0x1: {  	(tag) =	ssettag $0x0;
	lr =	simm.s32 $0x1  }
0x2: {  	[smem:$0x3F7F] =	sst lr;
	_ =	strace $0xD0000000  }
0x3: {  	_ = 	snop  }
0x4: {  	_ = 	snop  }
0x5: {  	_ = 	snop  }
0x6: {  	_ = 	snop  }
0x7: {  	_ = 	snop  }
__scs_overlays_trampoline_lowered:
0x8: {  	[smem:$0x3F8E] =	sst s0  }
0x9: {  	[smem:$0x3F8F] =	sst s1  }
0xa: {  	[smem:$0x3F90] =	sst s2  }
0xb: {  	[smem:$0x3F91] =	sst s3  }
0xc: {  	[smem:$0x3F92] =	sst s4  }
0xd: {  	[smem:$0x3F93] =	sst s5  }
0xe: {  	[smem:$0x3F94] =	sst s6  }
0xf: {  	[smem:$0x3F95] =	sst s7  }
0x10: {  	[smem:$0x3F96] =	sst s8  }
0x11: {  	[smem:$0x3F97] =	sst s9;
	s0 =	simm.s32 @!p0 $0x0  }
0x12: {  	s1 =	sld [smem:$0x3F7D];
	s0 =	simm.s32 @p0 $0x1  }
0x13: {  	[smem:$0x3F98] =	sst s0;
	s0 =	simm.s32 @!p1 $0x0  }
0x14: {  	s2 =	sld [smem:$0x3F7C];
	s0 =	simm.s32 @p1 $0x1  }
0x15: {  	[smem:$0x3F99] =	sst s0;
	s0 =	simm.s32 @!p2 $0x0  }
0x16: {  	s3 =	sld [smem:$0x3FDB];
	s0 =	simm.s32 @p2 $0x1  }
0x17: {  	s4 =	simm.s32 $0x1BF5;
	[smem:$0x3F9B] =	sst s0  }
0x18: {  	s0 =	sld [smem:$0x3F7E];
	_ =	swait.ge [sflag:s4], $0x0  }
0x19: {  	s7 =	sld [smem:$0x3F7F]  }
0x1a: {  	s8 =	sadd.s32 $0xFFFFE003, lr  }
0x1b: {  	s9 =	sadd.s32 $0xFFFFFEF7, lr;
	s5 =	simm.s32 $0xFFFFFFFF;
	p2 =	slt.u32 s8, $0xFFFFF086  }
0x1c: {  	p1 =	slt.u32 s9, $0xF7A;
	s5 =	simm.s32 @!p2 $0x0  }
0x1d: {  	s5 =	simm.s32 @p1 $0x1;
	p0 =	seq.s32 s7, s2  }
0x1e: {  	s7 =	smul.u32 @!p0 $0xF7A, s2;
	p2 =	seq.s32 @!p0 s5, $0x0  }
0x1f: {  	s9 =	smul.u32 $0xF7A, s1;
	s8 =	simm.s32 @!p0 $0x1BF5;
	p2 =	por !p2, p0  }
0x20: {  	[sflag:s8] =	ssyncset.s32 @!p0 $0xFFFFF086;
	s6 =	sadd.s32 @!p0 s3, s7;
	s7 =	simm.s32 @!p0 $0x108  }
0x21: {  	s3 =	sadd.s32 s3, s9;
	s6 =	sadd.s32 @!p0 $0x88, s6;
	s7 =	simm.s32 @p2 $0x1082  }
0x22: {  	[simem:s7], [sflag:s8] =	dma.local @!p0 [hbm:s6], $0xF7A  }
0x23: {  	s9 =	sor.u32 $0xD0000000, s2;
	s6 =	simm.s32 $0x108;
	_ =	swait.ge @!p0 [sflag:s8], $0x0  }
0x24: {  	s3 =	sadd.s32 $0x88, s3;
	s6 =	simm.s32 @!p1 $0x1082;
	[sflag:s4] =	ssyncset.s32 $0xFFFFF086  }
0x25: {  	[simem:s6], [sflag:s4] =	dma.local [hbm:s3], $0xF7A  }
0x26: {  	[smem:$0x3F7F] =	sst s1;
	(tag) =	ssettag s2;
	_ =	strace s9  }
0x27: {  	s1 =	sld [smem:$0x3F8F]  }
0x28: {  	s2 =	sld [smem:$0x3F90]  }
0x29: {  	s4 =	sld [smem:$0x3F92]  }
0x2a: {  	p0 =	seq.s32 s5, $0x0;
	s5 =	sld [smem:$0x3F93]  }
0x2b: {  	s6 =	sld [smem:$0x3F94]  }
0x2c: {  	s7 =	sld [smem:$0x3F95]  }
0x2d: {  	s3 =	simm.s32 $0x108;
	s8 =	sld [smem:$0x3F96]  }
0x2e: {  	s3 =	simm.s32 @!p0 $0x1082;
	s9 =	sld [smem:$0x3F97]  }
0x2f: {  	lr =	sadd.s32 s0, s3;
	s0 =	sld [smem:$0x3F8E]  }
0x30: {  	s3 =	sld [smem:$0x3F91]  }
0x31: {  	[smem:$0x3F9A] =	sst s10  }
0x32: {  	s10 =	sld [smem:$0x3F98];
	_ =	sdelay $0x3  }
0x33: {  	p0 =	seq.s32 s10, $0x1;
	s10 =	sld [smem:$0x3F9A];
	_ =	sdelay $0x3  }
0x34: {  	[smem:$0x3F9A] =	sst s10  }
0x35: {  	s10 =	sld [smem:$0x3F99];
	_ =	sdelay $0x3  }
0x36: {  	p1 =	seq.s32 s10, $0x1;
	s10 =	sld [smem:$0x3F9A];
	_ =	sdelay $0x3  }
0x37: {  	[smem:$0x3F9A] =	sst s10  }
0x38: {  	s10 =	sld [smem:$0x3F9B]  }
0x39: {  	_ = 	snop;
	(pc) =	sbr.ind lr, $3  }
0x3a: {  	_ = 	snop  }
0x3b: {  	_ = 	snop  }
0x3c: {  	p2 =	seq.s32 s10, $0x1;
	s10 =	sld [smem:$0x3F9A]  }
0x3d: {  	_ =	shalt  }
0x3e: {  	_ =	shalt  }
0x3f: {  	_ =	shalt  }
0x40: {  	_ =	shalt  }
0x41: {  	_ =	shalt  }
0x42: {  	_ =	shalt  }
0x43: {  	_ =	shalt  }
0x44: {  	_ =	shalt  }
0x45: {  	_ =	shalt  }
0x46: {  	_ =	shalt  }
0x47: {  	_ =	shalt  }
0x48: {  	_ =	shalt  }
0x49: {  	_ =	shalt  }
0x4a: {  	_ =	shalt  }
0x4b: {  	_ =	shalt  }
0x4c: {  	_ =	shalt  }
0x4d: {  	_ =	shalt  }
0x4e: {  	_ =	shalt  }
0x4f: {  	_ =	shalt  }
0x50: {  	_ =	shalt  }
0x51: {  	_ =	shalt  }
0x52: {  	_ =	shalt  }
0x53: {  	_ =	shalt  }
0x54: {  	_ =	shalt  }
0x55: {  	_ =	shalt  }
0x56: {  	_ =	shalt  }
0x57: {  	_ =	shalt  }
0x58: {  	_ =	shalt  }
0x59: {  	_ =	shalt  }
0x5a: {  	_ =	shalt  }
0x5b: {  	_ =	shalt  }
0x5c: {  	_ =	shalt  }
0x5d: {  	_ =	shalt  }
0x5e: {  	_ =	shalt  }
0x5f: {  	_ =	shalt  }
0x60: {  	_ =	shalt  }
0x61: {  	_ =	shalt  }
0x62: {  	_ =	shalt  }
0x63: {  	_ =	shalt  }
0x64: {  	_ =	shalt  }
0x65: {  	_ =	shalt  }
0x66: {  	_ =	shalt  }
0x67: {  	_ =	shalt  }
0x68: {  	_ =	shalt  }
0x69: {  	_ =	shalt  }
0x6a: {  	_ =	shalt  }
0x6b: {  	_ =	shalt  }
0x6c: {  	_ =	shalt  }
0x6d: {  	_ =	shalt  }
0x6e: {  	_ =	shalt  }
0x6f: {  	_ =	shalt  }
0x70: {  	_ =	shalt  }
0x71: {  	_ =	shalt  }
0x72: {  	_ =	shalt  }
0x73: {  	_ =	shalt  }
0x74: {  	_ =	shalt  }
0x75: {  	_ =	shalt  }
0x76: {  	_ =	shalt  }
0x77: {  	_ =	shalt  }
0x78: {  	_ =	shalt  }
0x79: {  	_ =	shalt  }
0x7a: {  	_ =	shalt  }
0x7b: {  	_ =	shalt  }
0x7c: {  	_ =	shalt  }
0x7d: {  	_ =	shalt  }
0x7e: {  	_ =	shalt  }
0x7f: {  	_ =	shalt  }
0x80: {  	_ =	shalt  }
0x81: {  	_ =	shalt  }
0x82: {  	_ =	shalt  }
0x83: {  	_ =	shalt  }
0x84: {  	_ =	shalt  }
0x85: {  	_ =	shalt  }
0x86: {  	_ =	shalt  }
0x87: {  	_ =	shalt  }
.Lfunc_end0:
.L_simem_size_0:
called_computation.1_lowered:
.L_overlay_start_0:
0x88: {  	s2 =	sld [smem:$0x3FD9]  }
0x89: {  	s3 =	sld [smem:$0x3FFE];
	_ =	sdelay $0x1  }
0x8a: {  	s1 =	srdreg.scid  }
0x8b: {  	s0 =	sand.u32 $0x1, s1  }
0x8c: {  	s16 =	sshll.u32 s0, $0xA;
	s2 =	sadd.s32 s3, s2  }
0x8d: {  	s2 =	sadd.s32 s2, s16  }
0x8e: {  	[smem:$0x3FA6] =	sst s2  }
0x8f: {  	_ = 	snop  }
0x90: {  	(tm) =	ssettm $0x1  }
0x91: {  	s17 =	sld [smem:$0x3FFB];
	_ =	sdelay $0x3  }
0x92: {  	_ =	strace s17  }
0x93: {  	s2 =	sld [smem:$0x3FFC];
	_ =	sdelay $0x3  }
0x94: {  	_ =	strace s2  }
0x95: {  	s2 =	sld [smem:$0x3FFD];
	_ =	sdelay $0x3  }
0x96: {  	_ =	strace s2  }
0x97: {  	_ =	strace $0x8FFFFFFF  }
0x98: {  	s18 =	sld [smem:$0x3FDB];
	_ =	sdelay $0x1  }
0x99: {  	s19 =	simm.s32 $_scs_section_size  }
0x9a: {  	s4 =	simm.s32 $_size__tile_overlayer_lowered;
	s5 =	simm.s32 $_tile_overlayer_lowered  }
0x9b: {  	s22 =	simm.s32 $0x1BFF;
	s21 =	sshll.u32 s5, $0x1;
	s2 =	sadd.s32 s19, s18  }
0x9c: {  	s6 =	simm.s32 $0x0;
	s20 =	sshll.u32 s4, $0x1;
	s4 =	sadd.s32 s21, s2  }
0x9d: {  	[timem:s6], [sflag:s22] =	dma.local [hbm:s4], s20  }
0x9e: {  	_ =	swait.ge [sflag:s22], s20  }
0x9f: {  	s3 =	ssub.s32 $0x0, s20;
	[sflag:s22] =	ssyncset.done $0x0  }
0xa0: {  	[sflag:s22] =	ssyncadd.s32 s3;
	_ =	sdelay $0x1  }
0xa1: {  	s23 =	simm.s32 $0x1B8B  }
0xa2: {  	_ =	swait.ge [sflag:s23], $0x1  }
0xa3: {  	[sflag:s23] =	ssyncset.done $0x0  }
0xa4: {  	s25 =	simm.s32 $0x1B8E;
	s24 =	sld [smem:$0x3FFE];
	[sflag:s23] =	ssyncadd.s32 $0xFFFFFFFF  }
0xa5: {  	s26 =	simm.s32 $execute0_lowered;
	[smem:$0x3FD2] =	sst s25  }
0xa6: {  	s4 =	sshll.u32 s26, $0x1;
	_ =	strace $0x80000049;
	[dreg:$0x1] =	wrdreg $0xFFFFFFFF  }
0xa7: {  	s28 =	simm.s32 $_size_execute0_lowered;
	s2 =	sadd.s32 s2, s4;
	[dreg:$0x0] =	wrdreg $0x0  }
0xa8: {  	s4 =	sshll.u32 s28, $0x1;
	[dreg:$0x2] =	wrdreg s2  }
0xa9: {  	[dreg:$0x3] =	wrdreg s4  }
0xaa: {  	[dreg:$0x4] =	wrdreg $0xC0  }
0xab: {  	_ =	task [dreg:s6], $0x5FFFF  }
0xac: {  	[dreg:$0x1] =	wrdreg $0xFFFFFFFF  }
0xad: {  	[dreg:$0x0] =	wrdreg $0x60  }
0xae: {  	[dreg:$0x2] =	wrdreg s24  }
0xaf: {  	[dreg:$0x3] =	wrdreg $0x98000  }
0xb0: {  	[dreg:$0x4] =	wrdreg $0x9  }
0xb1: {  	_ =	task.clear_ibuf [dreg:s6], $0x5FFFF;
	_ =	strace $0x90000049  }
0xb2: {  	s29 =	simm.s32 $0x9;
	_ =	strace $0x8000004B  }
0xb3: {  	_ =	swait.ge [sflag:s29], $0x1  }
0xb4: {  	[sflag:s29] =	ssyncadd.s32 $0xFFFFFFFF  }
0xb5: {  	_ =	strace $0x9000004B  }
0xb6: {  	_ =	sfence  }
0xb7: {  	s30 =	sld [smem:$0x0];
	_ =	sdelay $0x2  }
0xb8: {  	s31 =	sshll.u32 s1, $0xD;
	s1 =	sshrl.u32 s1, $0x2  }
0xb9: {  	s3 =	sand.u32 $0x4000, s31;
	s1 =	sadd.s32 s1, s30  }
0xba: {  	s0 =	sor.u32 s3, s0;
	s1 =	sshll.u32 s1, $0x11  }
0xbb: {  	s0 =	sor.u32 s1, s0  }
0xbc: {  	s0 =	sadd.s32 $0x8F2B, s0  }
0xbd: {  	[sflag:s0] =	ssyncadd.remote.s32 $0x1  }
0xbe: {  	_ =	sfence.sel $0xFFFF  }
0xbf: {  	[dreg:$0x0] =	wrdreg $0xFFFFFFFF;
	(pc) =	sbr.abs _section_cstart, $3  }
0xc0: {  	[dreg:$0x1] =	wrdreg $0xFFFFFFFF  }
0xc1: {  	_ =	task.clear_ibuf [dreg:s6], $0x2FFFF;
	_ =	strace $0x9FFFFFFF  }
0xc2: {  	(tm) =	ssettm $0x7FFFFFFF  }
0xc3: {  	_ =	shalt  }
tec
execute0_lowered:
.L_overlay_start_1:
0x0: {  	(tag) =	ssettag $0x1  }
0x1: {  	s6 =	rddreg [dreg:$0x0]  }
0x2: {  	s0 =	srdreg.scid;
	s2 =	rddreg [dreg:$0x1];
	s3 =	simm.s32 $0x0  }
0x3: {  	s14 =	simm.s32 $0x3;
	s15 =	simm.s32 $0x2C00;
	s16 =	simm.s32 $0x5800  }
0x4: {  	s17 =	simm.s32 $0x80;
	s18 =	simm.s32 $0x1;
	s5 =	sand.u32 $0x1, s0  }
0x5: {  	s19 =	simm.s32 $0x2;
	s0 =	stileid.u32;
	s8 =	smul.u32 $0x140000, s5  }
0x6: {  	s22 =	simm.s32 $0x0;
	[smem:$0x7FF] =	sst s3;
	s9 =	smul.u32 $0x14000, s0  }
0x7: {  	s4 =	sadd.s32 $0x39E00, s6;
	s1 =	sshll.u32 s5, $0x4;
	s10 =	smul.u32 $0x50000, s0  }
0x8: {  	s5 =	ssub.s32 $0x2, s5;
	s20 =	sshll.u32 s0, $0x6;
	s1 =	sor.u32 s0, s1  }
0x9: {  	s31 =	sshrl.u32 s5, $0x1;
	s20 =	sor.u32 $0x1C03, s20;
	s7 =	smul.u32 $0x580, s1  }
0xa: {  	s1 =	rddreg [dreg:$0x2];
	_ =	strace $0x8000004A;
	s8 =	sadd.s32 s9, s8  }
0xb: {  	s10 =	sshrl.u32 s10, $0x2;
	s13 =	ssub.s32 s5, s31;
	s8 =	sshrl.u32 s8, $0x3  }
0xc: {  	s5 =	sadd.s32 s10, s2;
	s13 =	smax.u32 s13, $0x1;
	s7 =	sadd.s32 s7, s6  }
0xd: {  	s12 =	sadd.s32 s8, s6;
	s8 =	sadd.s32 $0x4000, s5;
	s9 =	sadd.s32 $0x8000, s5  }
0xe: {  	s10 =	sadd.s32 $0xC000, s5;
	s11 =	sadd.s32 $0x10000, s5;
	s21 =	sshrl.u32 s5, $0x3  }
0xf: {  	v0 =	vimm.f32 $0.0e+00;
	s6 =	sadd.s32 $0x81E00, s7;
	s7 =	sadd.s32 $0x76E00, s7;
	s12 =	sadd.s32 $0x8CE00, s12  }
.LBB2_1:
0x10: {  	[tilespmem:s3], [sflag:$0x3] =	stream.linear.gather [hbm4b:s6+s3], $0x2880, $0x38;
	[tilespmem:$0x1D800] =	vst v63  }
0x11: {  	_ =	swait.ge [sflag:s14], $0x2880  }
0x12: {  	[sflag:s14] =	ssyncset.done $0x0  }
0x13: {  	[sflag:s14] =	ssyncadd.s32 $0xFFFFD780  }
0x14: {  	[tilespmem:s15], [sflag:$0x3] =	stream.linear.gather [hbm4b:s7+s3], $0x2880, $0x38;
	[tilespmem:$0x1D800] =	vst v63  }
0x15: {  	_ =	swait.ge [sflag:s14], $0x2880  }
0x16: {  	[sflag:s14] =	ssyncset.done $0x0  }
0x17: {  	s23 =	simm.s32 $0x0;
	s24 =	simm.s32 $0x200;
	[sflag:s14] =	ssyncadd.s32 $0xFFFFD780  }
.LBB2_2:
0x18: {  	p0 =	sne.s32 s24, $0xFE00;
	[tilespmem:s23+$0x5870] =	vst v0  }
0x19: {  	[tilespmem:s23+$0x5800] =	vst v0  }
0x1a: {  	[tilespmem:s23+$0x5810] =	vst v0  }
.Ltmp0:
0x1b: {  	[tilespmem:s23+$0x5820] =	vst v0;
	(pc) =	sbr.rel @p0 .LBB2_2-.Ltmp0, $4  }
0x1c: {  	[tilespmem:s23+$0x5830] =	vst v0  }
0x1d: {  	[tilespmem:s23+$0x5840] =	vst v0  }
0x1e: {  	[tilespmem:s23+$0x5850] =	vst v0  }
0x1f: {  	[tilespmem:s23+$0x5860] =	vst v0;
	s23 =	sshra.s32 s24, $0x2;
	s24 =	sadd.s32 $0x200, s24  }
0x20: {  	[tilespmem:s23+$0x5870] =	vst v0  }
0x21: {  	[tilespmem:s23+$0x5800] =	vst v0  }
0x22: {  	[tilespmem:s23+$0x5810] =	vst v0  }
0x23: {  	[tilespmem:s23+$0x5820] =	vst v0  }
0x24: {  	[tilespmem:s23+$0x5830] =	vst v0  }
0x25: {  	[tilespmem:s23+$0x5840] =	vst v0  }
0x26: {  	[tilespmem:s23+$0x5850] =	vst v0  }
0x27: {  	[tilespmem:s23+$0x5860] =	vst v0  }
0x28: {  	[spmem:s5] =	stream.linear.scatter [tilespmem:s16], [sflag:$0x3], $0x4000, $0x38;
	[tilespmem:$0x1D800] =	vst v63  }
0x29: {  	_ =	swait.ge [sflag:s14], $0x4000  }
0x2a: {  	[sflag:s14] =	ssyncset.done $0x0  }
0x2b: {  	[sflag:s14] =	ssyncadd.s32 $0xFFFFC000  }
0x2c: {  	[spmem:s8] =	stream.linear.scatter [tilespmem:s16], [sflag:$0x3], $0x4000, $0x38;
	[tilespmem:$0x1D800] =	vst v63  }
0x2d: {  	_ =	swait.ge [sflag:s14], $0x4000  }
0x2e: {  	[sflag:s14] =	ssyncset.done $0x0  }
0x2f: {  	[sflag:s14] =	ssyncadd.s32 $0xFFFFC000  }
0x30: {  	[spmem:s9] =	stream.linear.scatter [tilespmem:s16], [sflag:$0x3], $0x4000, $0x38;
	[tilespmem:$0x1D800] =	vst v63  }
0x31: {  	_ =	swait.ge [sflag:s14], $0x4000  }
0x32: {  	[sflag:s14] =	ssyncset.done $0x0  }
0x33: {  	[sflag:s14] =	ssyncadd.s32 $0xFFFFC000  }
0x34: {  	[spmem:s10] =	stream.linear.scatter [tilespmem:s16], [sflag:$0x3], $0x4000, $0x38;
	[tilespmem:$0x1D800] =	vst v63  }
0x35: {  	_ =	swait.ge [sflag:s14], $0x4000  }
0x36: {  	[sflag:s14] =	ssyncset.done $0x0  }
0x37: {  	[sflag:s14] =	ssyncadd.s32 $0xFFFFC000  }
0x38: {  	[spmem:s11] =	stream.linear.scatter [tilespmem:s16], [sflag:$0x3], $0x4000, $0x38;
	[tilespmem:$0x1D800] =	vst v63  }
0x39: {  	_ =	swait.ge [sflag:s14], $0x4000  }
0x3a: {  	[sflag:s14] =	ssyncset.done $0x0  }
0x3b: {  	[sflag:s14] =	ssyncadd.s32 $0xFFFFC000  }
0x3c: {  	s30 =	simm.s32 $0x0;
	[bflag:$0x0] =	sbarrier.arrive $0xFFFF  }
0x3d: {  	[tilespmem:s16], [sflag:$0x1] =	stream.indirect.gather [hbm4b:s4+s17], $0x80, s30, s17, $0xb8;
	[tilespmem:$0x1D800] =	vst v63  }
0x3e: {  	_ =	swait.ge [sflag:s18], $0x4000  }
0x3f: {  	[sflag:s18] =	ssyncset.done $0x0  }
0x40: {  	s31 =	simm.s32 $0x2C00;
	[sflag:s18] =	ssyncadd.s32 $0xFFFFC000  }
0x41: {  	[spmem:s2] =	stream.indirect.scatter.add.f32 [tilespmem:s16], [sflag:$0x2], $0x80, s31, s17, $0xb8;
	[tilespmem:$0x1D800] =	vst v63  }
0x42: {  	_ =	swait.ge [sflag:s19], $0x4000  }
0x43: {  	s23 =	simm.s32 $0x200;
	s24 =	simm.s32 $0x400;
	[sflag:s19] =	ssyncset.done $0x0  }
.LBB2_4:
0x44: {  	s25 =	sshra.s32 s23, $0x2  }
0x45: {  	[sflag:s19] =	ssyncadd.s32 $0xFFFFC000;
	s23 =	smov.u32 s24;
	s26 =	sadd.s32 $0x200, s24  }
0x46: {  	[tilespmem:s16], [sflag:$0x1] =	stream.indirect.gather [hbm4b:s4+s17], $0x80, s25, s17, $0xb8;
	[tilespmem:$0x1D800] =	vst v63  }
0x47: {  	p0 =	sne.s32 s24, $0xA000;
	_ =	swait.ge [sflag:s18], $0x4000  }
.Ltmp1:
0x48: {  	[sflag:s18] =	ssyncset.done $0x0;
	(pc) =	sbr.rel @p0 .LBB2_4-.Ltmp1, $4  }
0x49: {  	s24 =	sadd.s32 $0x2C00, s25;
	[sflag:s18] =	ssyncadd.s32 $0xFFFFC000  }
0x4a: {  	[spmem:s2] =	stream.indirect.scatter.add.f32 [tilespmem:s16], [sflag:$0x2], $0x80, s24, s17, $0xb8;
	[tilespmem:$0x1D800] =	vst v63  }
0x4b: {  	_ =	swait.ge [sflag:s19], $0x4000  }
0x4c: {  	s24 =	smov.u32 s26;
	[sflag:s19] =	ssyncset.done $0x0  }
0x4d: {  	s23 =	sshra.s32 s23, $0x2;
	[sflag:s19] =	ssyncadd.s32 $0xFFFFC000  }
0x4e: {  	[tilespmem:s16], [sflag:$0x1] =	stream.indirect.gather [hbm4b:s4+s17], $0x80, s23, s17, $0xb8;
	[tilespmem:$0x1D800] =	vst v63  }
0x4f: {  	_ =	swait.ge [sflag:s18], $0x4000  }
0x50: {  	[sflag:s18] =	ssyncset.done $0x0  }
0x51: {  	s23 =	sadd.s32 $0x2C00, s23;
	[sflag:s18] =	ssyncadd.s32 $0xFFFFC000  }
0x52: {  	[spmem:s2] =	stream.indirect.scatter.add.f32 [tilespmem:s16], [sflag:$0x2], $0x80, s23, s17, $0xb8;
	[tilespmem:$0x1D800] =	vst v63  }
0x53: {  	_ =	swait.ge [sflag:s19], $0x4000  }
0x54: {  	s22 =	sadd.s32 $0x1, s22;
	[sflag:s19] =	ssyncset.done $0x0  }
0x55: {  	p0 =	sne.s32 s22, s13;
	[sflag:s19] =	ssyncadd.s32 $0xFFFFC000  }
.Ltmp2:
0x56: {  	[bflag:$0x0] =	sbarrier.arrive $0xFFFF;
	(pc) =	sbr.rel @p0 .LBB2_1-.Ltmp2, $4  }
0x57: {  	[hbm:s12], [sflag:s20] =	dma.local [spmem:s21], $0x2800  }
0x58: {  	_ =	swait.ge [sflag:s14], $0x2800  }
0x59: {  	[sflag:s14] =	ssyncset.done $0x0  }
0x5a: {  	[sflag:s14] =	ssyncadd.s32 $0xFFFFD800  }
0x5b: {  	_ =	sfence.sel $0x180000  }
0x5c: {  	[bflag:$0x0] =	sbarrier.arrive $0xFFFF  }
0x5d: {  	p0 =	sne.s32 s0, $0x0;
	_ =	strace $0x9000004A  }
0x5e: {  	s0 =	sadd.s32 @!p0 $0x100000, s1;
	[bflag:$0x2] =	sbarrier.arrive $0xFFFF  }
0x5f: {  	[sflag:s0] =	ssyncadd.tile.s32 @!p0 $0x1;
	_ =	shalt  }
.Lfunc_end2:
_tile_overlayer_lowered:
.L_overlay_start_2:
0x60: {  	(tag) =	ssettag $0x2  }
0x61: {  	s0 =	rddreg [dreg:$0x0];
	s2 =	stileid.u32  }
0x62: {  	s1 =	rddreg [dreg:$0x1];
	p0 =	sne.s32 s2, $0x0  }
0x63: {  	s3 =	rddreg [dreg:$0x2];
	[bflag:$0x3] =	sbarrier.arrive $0xFFFF;
	s2 =	simm.s32 @!p0 $0x1C03  }
0x64: {  	[timem:s3], [sflag:s2] =	dma.local @!p0 [hbm:s0], s1  }
0x65: {  	s0 =	simm.s32 @!p0 $0x3  }
0x66: {  	_ =	swait.ge @!p0 [sflag:s0], s1  }
0x67: {  	s1 =	ssub.s32 @!p0 $0x0, s1;
	[sflag:s0] =	ssyncset.done @!p0 $0x0  }
0x68: {  	[sflag:s0] =	ssyncadd.s32 @!p0 s1  }
0x69: {  	[bflag:$0x3] =	sbarrier.arrive $0xFFFF  }
0x6a: {  	_ =	shalt  }

// kernel: kernel.23.cloned.1.call-start
scs
__scs_entry_jumppad:
0x0: {  	(pc) =	sbr.rel $0x88, $3  }
0x1: {  	(tag) =	ssettag $0x0;
	lr =	simm.s32 $0x1  }
0x2: {  	[smem:$0x3F7F] =	sst lr;
	_ =	strace $0xD0000000  }
0x3: {  	_ = 	snop  }
0x4: {  	_ = 	snop  }
0x5: {  	_ = 	snop  }
0x6: {  	_ = 	snop  }
0x7: {  	_ = 	snop  }
__scs_overlays_trampoline_lowered:
0x8: {  	[smem:$0x3F8E] =	sst s0  }
0x9: {  	[smem:$0x3F8F] =	sst s1  }
0xa: {  	[smem:$0x3F90] =	sst s2  }
0xb: {  	[smem:$0x3F91] =	sst s3  }
0xc: {  	[smem:$0x3F92] =	sst s4  }
0xd: {  	[smem:$0x3F93] =	sst s5  }
0xe: {  	[smem:$0x3F94] =	sst s6  }
0xf: {  	[smem:$0x3F95] =	sst s7  }
0x10: {  	[smem:$0x3F96] =	sst s8  }
0x11: {  	[smem:$0x3F97] =	sst s9;
	s0 =	simm.s32 @!p0 $0x0  }
0x12: {  	s1 =	sld [smem:$0x3F7D];
	s0 =	simm.s32 @p0 $0x1  }
0x13: {  	[smem:$0x3F98] =	sst s0;
	s0 =	simm.s32 @!p1 $0x0  }
0x14: {  	s2 =	sld [smem:$0x3F7C];
	s0 =	simm.s32 @p1 $0x1  }
0x15: {  	[smem:$0x3F99] =	sst s0;
	s0 =	simm.s32 @!p2 $0x0  }
0x16: {  	s3 =	sld [smem:$0x3FDB];
	s0 =	simm.s32 @p2 $0x1  }
0x17: {  	s4 =	simm.s32 $0x1BF5;
	[smem:$0x3F9B] =	sst s0  }
0x18: {  	s0 =	sld [smem:$0x3F7E];
	_ =	swait.ge [sflag:s4], $0x0  }
0x19: {  	s7 =	sld [smem:$0x3F7F]  }
0x1a: {  	s8 =	sadd.s32 $0xFFFFE003, lr  }
0x1b: {  	s9 =	sadd.s32 $0xFFFFFEF7, lr;
	s5 =	simm.s32 $0xFFFFFFFF;
	p2 =	slt.u32 s8, $0xFFFFF086  }
0x1c: {  	p1 =	slt.u32 s9, $0xF7A;
	s5 =	simm.s32 @!p2 $0x0  }
0x1d: {  	s5 =	simm.s32 @p1 $0x1;
	p0 =	seq.s32 s7, s2  }
0x1e: {  	s7 =	smul.u32 @!p0 $0xF7A, s2;
	p2 =	seq.s32 @!p0 s5, $0x0  }
0x1f: {  	s9 =	smul.u32 $0xF7A, s1;
	s8 =	simm.s32 @!p0 $0x1BF5;
	p2 =	por !p2, p0  }
0x20: {  	[sflag:s8] =	ssyncset.s32 @!p0 $0xFFFFF086;
	s6 =	sadd.s32 @!p0 s3, s7;
	s7 =	simm.s32 @!p0 $0x108  }
0x21: {  	s3 =	sadd.s32 s3, s9;
	s6 =	sadd.s32 @!p0 $0x88, s6;
	s7 =	simm.s32 @p2 $0x1082  }
0x22: {  	[simem:s7], [sflag:s8] =	dma.local @!p0 [hbm:s6], $0xF7A  }
0x23: {  	s9 =	sor.u32 $0xD0000000, s2;
	s6 =	simm.s32 $0x108;
	_ =	swait.ge @!p0 [sflag:s8], $0x0  }
0x24: {  	s3 =	sadd.s32 $0x88, s3;
	s6 =	simm.s32 @!p1 $0x1082;
	[sflag:s4] =	ssyncset.s32 $0xFFFFF086  }
0x25: {  	[simem:s6], [sflag:s4] =	dma.local [hbm:s3], $0xF7A  }
0x26: {  	[smem:$0x3F7F] =	sst s1;
	(tag) =	ssettag s2;
	_ =	strace s9  }
0x27: {  	s1 =	sld [smem:$0x3F8F]  }
0x28: {  	s2 =	sld [smem:$0x3F90]  }
0x29: {  	s4 =	sld [smem:$0x3F92]  }
0x2a: {  	p0 =	seq.s32 s5, $0x0;
	s5 =	sld [smem:$0x3F93]  }
0x2b: {  	s6 =	sld [smem:$0x3F94]  }
0x2c: {  	s7 =	sld [smem:$0x3F95]  }
0x2d: {  	s3 =	simm.s32 $0x108;
	s8 =	sld [smem:$0x3F96]  }
0x2e: {  	s3 =	simm.s32 @!p0 $0x1082;
	s9 =	sld [smem:$0x3F97]  }
0x2f: {  	lr =	sadd.s32 s0, s3;
	s0 =	sld [smem:$0x3F8E]  }
0x30: {  	s3 =	sld [smem:$0x3F91]  }
0x31: {  	[smem:$0x3F9A] =	sst s10  }
0x32: {  	s10 =	sld [smem:$0x3F98];
	_ =	sdelay $0x3  }
0x33: {  	p0 =	seq.s32 s10, $0x1;
	s10 =	sld [smem:$0x3F9A];
	_ =	sdelay $0x3  }
0x34: {  	[smem:$0x3F9A] =	sst s10  }
0x35: {  	s10 =	sld [smem:$0x3F99];
	_ =	sdelay $0x3  }
0x36: {  	p1 =	seq.s32 s10, $0x1;
	s10 =	sld [smem:$0x3F9A];
	_ =	sdelay $0x3  }
0x37: {  	[smem:$0x3F9A] =	sst s10  }
0x38: {  	s10 =	sld [smem:$0x3F9B]  }
0x39: {  	_ = 	snop;
	(pc) =	sbr.ind lr, $3  }
0x3a: {  	_ = 	snop  }
0x3b: {  	_ = 	snop  }
0x3c: {  	p2 =	seq.s32 s10, $0x1;
	s10 =	sld [smem:$0x3F9A]  }
0x3d: {  	_ =	shalt  }
0x3e: {  	_ =	shalt  }
0x3f: {  	_ =	shalt  }
0x40: {  	_ =	shalt  }
0x41: {  	_ =	shalt  }
0x42: {  	_ =	shalt  }
0x43: {  	_ =	shalt  }
0x44: {  	_ =	shalt  }
0x45: {  	_ =	shalt  }
0x46: {  	_ =	shalt  }
0x47: {  	_ =	shalt  }
0x48: {  	_ =	shalt  }
0x49: {  	_ =	shalt  }
0x4a: {  	_ =	shalt  }
0x4b: {  	_ =	shalt  }
0x4c: {  	_ =	shalt  }
0x4d: {  	_ =	shalt  }
0x4e: {  	_ =	shalt  }
0x4f: {  	_ =	shalt  }
0x50: {  	_ =	shalt  }
0x51: {  	_ =	shalt  }
0x52: {  	_ =	shalt  }
0x53: {  	_ =	shalt  }
0x54: {  	_ =	shalt  }
0x55: {  	_ =	shalt  }
0x56: {  	_ =	shalt  }
0x57: {  	_ =	shalt  }
0x58: {  	_ =	shalt  }
0x59: {  	_ =	shalt  }
0x5a: {  	_ =	shalt  }
0x5b: {  	_ =	shalt  }
0x5c: {  	_ =	shalt  }
0x5d: {  	_ =	shalt  }
0x5e: {  	_ =	shalt  }
0x5f: {  	_ =	shalt  }
0x60: {  	_ =	shalt  }
0x61: {  	_ =	shalt  }
0x62: {  	_ =	shalt  }
0x63: {  	_ =	shalt  }
0x64: {  	_ =	shalt  }
0x65: {  	_ =	shalt  }
0x66: {  	_ =	shalt  }
0x67: {  	_ =	shalt  }
0x68: {  	_ =	shalt  }
0x69: {  	_ =	shalt  }
0x6a: {  	_ =	shalt  }
0x6b: {  	_ =	shalt  }
0x6c: {  	_ =	shalt  }
0x6d: {  	_ =	shalt  }
0x6e: {  	_ =	shalt  }
0x6f: {  	_ =	shalt  }
0x70: {  	_ =	shalt  }
0x71: {  	_ =	shalt  }
0x72: {  	_ =	shalt  }
0x73: {  	_ =	shalt  }
0x74: {  	_ =	shalt  }
0x75: {  	_ =	shalt  }
0x76: {  	_ =	shalt  }
0x77: {  	_ =	shalt  }
0x78: {  	_ =	shalt  }
0x79: {  	_ =	shalt  }
0x7a: {  	_ =	shalt  }
0x7b: {  	_ =	shalt  }
0x7c: {  	_ =	shalt  }
0x7d: {  	_ =	shalt  }
0x7e: {  	_ =	shalt  }
0x7f: {  	_ =	shalt  }
0x80: {  	_ =	shalt  }
0x81: {  	_ =	shalt  }
0x82: {  	_ =	shalt  }
0x83: {  	_ =	shalt  }
0x84: {  	_ =	shalt  }
0x85: {  	_ =	shalt  }
0x86: {  	_ =	shalt  }
0x87: {  	_ =	shalt  }
.Lfunc_end0:
.L_simem_size_0:
called_computation.2_lowered:
.L_overlay_start_0:
0x88: {  	s2 =	sld [smem:$0x3FD9]  }
0x89: {  	s3 =	sld [smem:$0x3FFE];
	_ =	sdelay $0x1  }
0x8a: {  	s1 =	srdreg.scid  }
0x8b: {  	s0 =	sand.u32 $0x1, s1  }
0x8c: {  	s16 =	sshll.u32 s0, $0xA;
	s2 =	sadd.s32 s3, s2  }
0x8d: {  	s2 =	sadd.s32 s2, s16  }
0x8e: {  	[smem:$0x3FA6] =	sst s2  }
0x8f: {  	_ = 	snop  }
0x90: {  	(tm) =	ssettm $0x1  }
0x91: {  	s17 =	sld [smem:$0x3FFB];
	_ =	sdelay $0x3  }
0x92: {  	_ =	strace s17  }
0x93: {  	s2 =	sld [smem:$0x3FFC];
	_ =	sdelay $0x3  }
0x94: {  	_ =	strace s2  }
0x95: {  	s2 =	sld [smem:$0x3FFD];
	_ =	sdelay $0x3  }
0x96: {  	_ =	strace s2  }
0x97: {  	_ =	strace $0x8FFFFFFF  }
0x98: {  	s18 =	sld [smem:$0x3FDB];
	_ =	sdelay $0x1  }
0x99: {  	s19 =	simm.s32 $_scs_section_size  }
0x9a: {  	s4 =	simm.s32 $_size__tile_overlayer_lowered;
	s5 =	simm.s32 $_tile_overlayer_lowered  }
0x9b: {  	s22 =	simm.s32 $0x1BFF;
	s21 =	sshll.u32 s5, $0x1;
	s2 =	sadd.s32 s19, s18  }
0x9c: {  	s6 =	simm.s32 $0x0;
	s20 =	sshll.u32 s4, $0x1;
	s4 =	sadd.s32 s21, s2  }
0x9d: {  	[timem:s6], [sflag:s22] =	dma.local [hbm:s4], s20  }
0x9e: {  	_ =	swait.ge [sflag:s22], s20  }
0x9f: {  	s3 =	ssub.s32 $0x0, s20;
	[sflag:s22] =	ssyncset.done $0x0  }
0xa0: {  	[sflag:s22] =	ssyncadd.s32 s3;
	_ =	sdelay $0x1  }
0xa1: {  	s23 =	simm.s32 $0x1B8B  }
0xa2: {  	_ =	swait.ge [sflag:s23], $0x1  }
0xa3: {  	[sflag:s23] =	ssyncset.done $0x0  }
0xa4: {  	s25 =	simm.s32 $0x1B8E;
	s24 =	sld [smem:$0x3FFE];
	[sflag:s23] =	ssyncadd.s32 $0xFFFFFFFF  }
0xa5: {  	s26 =	simm.s32 $execute0_lowered;
	[smem:$0x3FD2] =	sst s25  }
0xa6: {  	s4 =	sshll.u32 s26, $0x1;
	_ =	strace $0x8000004C;
	[dreg:$0x1] =	wrdreg $0xFFFFFFFF  }
0xa7: {  	s28 =	simm.s32 $_size_execute0_lowered;
	s2 =	sadd.s32 s2, s4;
	[dreg:$0x0] =	wrdreg $0x0  }
0xa8: {  	s4 =	sshll.u32 s28, $0x1;
	[dreg:$0x2] =	wrdreg s2  }
0xa9: {  	[dreg:$0x3] =	wrdreg s4  }
0xaa: {  	[dreg:$0x4] =	wrdreg $0xC0  }
0xab: {  	_ =	task [dreg:s6], $0x5FFFF  }
0xac: {  	[dreg:$0x1] =	wrdreg $0xFFFFFFFF  }
0xad: {  	[dreg:$0x0] =	wrdreg $0x60  }
0xae: {  	[dreg:$0x2] =	wrdreg s24  }
0xaf: {  	[dreg:$0x3] =	wrdreg $0x98000  }
0xb0: {  	[dreg:$0x4] =	wrdreg $0x9  }
0xb1: {  	_ =	task.clear_ibuf [dreg:s6], $0x5FFFF;
	_ =	strace $0x9000004C  }
0xb2: {  	s29 =	simm.s32 $0x9;
	_ =	strace $0x8000004E  }
0xb3: {  	_ =	swait.ge [sflag:s29], $0x1  }
0xb4: {  	[sflag:s29] =	ssyncadd.s32 $0xFFFFFFFF  }
0xb5: {  	_ =	strace $0x9000004E  }
0xb6: {  	_ =	sfence  }
0xb7: {  	s30 =	sld [smem:$0x0];
	_ =	sdelay $0x2  }
0xb8: {  	s31 =	sshll.u32 s1, $0xD;
	s1 =	sshrl.u32 s1, $0x2  }
0xb9: {  	s3 =	sand.u32 $0x4000, s31;
	s1 =	sadd.s32 s1, s30  }
0xba: {  	s0 =	sor.u32 s3, s0;
	s1 =	sshll.u32 s1, $0x11  }
0xbb: {  	s0 =	sor.u32 s1, s0  }
0xbc: {  	s0 =	sadd.s32 $0x8F2B, s0  }
0xbd: {  	[sflag:s0] =	ssyncadd.remote.s32 $0x1  }
0xbe: {  	_ =	sfence.sel $0xFFFF  }
0xbf: {  	[dreg:$0x0] =	wrdreg $0xFFFFFFFF;
	(pc) =	sbr.abs _section_cstart, $3  }
0xc0: {  	[dreg:$0x1] =	wrdreg $0xFFFFFFFF  }
0xc1: {  	_ =	task.clear_ibuf [dreg:s6], $0x2FFFF;
	_ =	strace $0x9FFFFFFF  }
0xc2: {  	(tm) =	ssettm $0x7FFFFFFF  }
0xc3: {  	_ =	shalt  }
tec
execute0_lowered:
.L_overlay_start_1:
0x0: {  	(tag) =	ssettag $0x1  }
0x1: {  	s6 =	rddreg [dreg:$0x0]  }
0x2: {  	s0 =	srdreg.scid;
	s2 =	rddreg [dreg:$0x1];
	s3 =	simm.s32 $0x0  }
0x3: {  	s14 =	simm.s32 $0x3;
	s15 =	simm.s32 $0x2C00;
	s16 =	simm.s32 $0x5800  }
0x4: {  	s17 =	simm.s32 $0x80;
	s18 =	simm.s32 $0x1;
	s5 =	sand.u32 $0x1, s0  }
0x5: {  	s19 =	simm.s32 $0x2;
	s0 =	stileid.u32;
	s8 =	smul.u32 $0x140000, s5  }
0x6: {  	s22 =	simm.s32 $0x0;
	[smem:$0x7FF] =	sst s3;
	s9 =	smul.u32 $0x14000, s0  }
0x7: {  	s4 =	sadd.s32 $0x39E00, s6;
	s1 =	sshll.u32 s5, $0x4;
	s10 =	smul.u32 $0x50000, s0  }
0x8: {  	s5 =	ssub.s32 $0x2, s5;
	s20 =	sshll.u32 s0, $0x6;
	s1 =	sor.u32 s0, s1  }
0x9: {  	s31 =	sshrl.u32 s5, $0x1;
	s20 =	sor.u32 $0x1C03, s20;
	s7 =	smul.u32 $0x580, s1  }
0xa: {  	s1 =	rddreg [dreg:$0x2];
	_ =	strace $0x8000004D;
	s8 =	sadd.s32 s9, s8  }
0xb: {  	s10 =	sshrl.u32 s10, $0x2;
	s13 =	ssub.s32 s5, s31;
	s8 =	sshrl.u32 s8, $0x3  }
0xc: {  	s5 =	sadd.s32 s10, s2;
	s13 =	smax.u32 s13, $0x1;
	s7 =	sadd.s32 s7, s6  }
0xd: {  	s12 =	sadd.s32 s8, s6;
	s8 =	sadd.s32 $0x4000, s5;
	s9 =	sadd.s32 $0x8000, s5  }
0xe: {  	s10 =	sadd.s32 $0xC000, s5;
	s11 =	sadd.s32 $0x10000, s5;
	s21 =	sshrl.u32 s5, $0x3  }
0xf: {  	v0 =	vimm.f32 $0.0e+00;
	s6 =	sadd.s32 $0x81E00, s7;
	s7 =	sadd.s32 $0x76E00, s7;
	s12 =	sadd.s32 $0x8CE00, s12  }
.LBB2_1:
0x10: {  	[tilespmem:s3], [sflag:$0x3] =	stream.linear.gather [hbm4b:s6+s3], $0x2880, $0x38;
	[tilespmem:$0x1D800] =	vst v63  }
0x11: {  	_ =	swait.ge [sflag:s14], $0x2880  }
0x12: {  	[sflag:s14] =	ssyncset.done $0x0  }
0x13: {  	[sflag:s14] =	ssyncadd.s32 $0xFFFFD780  }
0x14: {  	[tilespmem:s15], [sflag:$0x3] =	stream.linear.gather [hbm4b:s7+s3], $0x2880, $0x38;
	[tilespmem:$0x1D800] =	vst v63  }
0x15: {  	_ =	swait.ge [sflag:s14], $0x2880  }
0x16: {  	[sflag:s14] =	ssyncset.done $0x0  }
0x17: {  	s23 =	simm.s32 $0x0;
	s24 =	simm.s32 $0x200;
	[sflag:s14] =	ssyncadd.s32 $0xFFFFD780  }
.LBB2_2:
0x18: {  	p0 =	sne.s32 s24, $0xFE00;
	[tilespmem:s23+$0x5870] =	vst v0  }
0x19: {  	[tilespmem:s23+$0x5800] =	vst v0  }
0x1a: {  	[tilespmem:s23+$0x5810] =	vst v0  }
.Ltmp0:
0x1b: {  	[tilespmem:s23+$0x5820] =	vst v0;
	(pc) =	sbr.rel @p0 .LBB2_2-.Ltmp0, $4  }
0x1c: {  	[tilespmem:s23+$0x5830] =	vst v0  }
0x1d: {  	[tilespmem:s23+$0x5840] =	vst v0  }
0x1e: {  	[tilespmem:s23+$0x5850] =	vst v0  }
0x1f: {  	[tilespmem:s23+$0x5860] =	vst v0;
	s23 =	sshra.s32 s24, $0x2;
	s24 =	sadd.s32 $0x200, s24  }
0x20: {  	[tilespmem:s23+$0x5870] =	vst v0  }
0x21: {  	[tilespmem:s23+$0x5800] =	vst v0  }
0x22: {  	[tilespmem:s23+$0x5810] =	vst v0  }
0x23: {  	[tilespmem:s23+$0x5820] =	vst v0  }
0x24: {  	[tilespmem:s23+$0x5830] =	vst v0  }
0x25: {  	[tilespmem:s23+$0x5840] =	vst v0  }
0x26: {  	[tilespmem:s23+$0x5850] =	vst v0  }
0x27: {  	[tilespmem:s23+$0x5860] =	vst v0  }
0x28: {  	[spmem:s5] =	stream.linear.scatter [tilespmem:s16], [sflag:$0x3], $0x4000, $0x38;
	[tilespmem:$0x1D800] =	vst v63  }
0x29: {  	_ =	swait.ge [sflag:s14], $0x4000  }
0x2a: {  	[sflag:s14] =	ssyncset.done $0x0  }
0x2b: {  	[sflag:s14] =	ssyncadd.s32 $0xFFFFC000  }
0x2c: {  	[spmem:s8] =	stream.linear.scatter [tilespmem:s16], [sflag:$0x3], $0x4000, $0x38;
	[tilespmem:$0x1D800] =	vst v63  }
0x2d: {  	_ =	swait.ge [sflag:s14], $0x4000  }
0x2e: {  	[sflag:s14] =	ssyncset.done $0x0  }
0x2f: {  	[sflag:s14] =	ssyncadd.s32 $0xFFFFC000  }
0x30: {  	[spmem:s9] =	stream.linear.scatter [tilespmem:s16], [sflag:$0x3], $0x4000, $0x38;
	[tilespmem:$0x1D800] =	vst v63  }
0x31: {  	_ =	swait.ge [sflag:s14], $0x4000  }
0x32: {  	[sflag:s14] =	ssyncset.done $0x0  }
0x33: {  	[sflag:s14] =	ssyncadd.s32 $0xFFFFC000  }
0x34: {  	[spmem:s10] =	stream.linear.scatter [tilespmem:s16], [sflag:$0x3], $0x4000, $0x38;
	[tilespmem:$0x1D800] =	vst v63  }
0x35: {  	_ =	swait.ge [sflag:s14], $0x4000  }
0x36: {  	[sflag:s14] =	ssyncset.done $0x0  }
0x37: {  	[sflag:s14] =	ssyncadd.s32 $0xFFFFC000  }
0x38: {  	[spmem:s11] =	stream.linear.scatter [tilespmem:s16], [sflag:$0x3], $0x4000, $0x38;
	[tilespmem:$0x1D800] =	vst v63  }
0x39: {  	_ =	swait.ge [sflag:s14], $0x4000  }
0x3a: {  	[sflag:s14] =	ssyncset.done $0x0  }
0x3b: {  	[sflag:s14] =	ssyncadd.s32 $0xFFFFC000  }
0x3c: {  	s30 =	simm.s32 $0x0;
	[bflag:$0x0] =	sbarrier.arrive $0xFFFF  }
0x3d: {  	[tilespmem:s16], [sflag:$0x1] =	stream.indirect.gather [hbm4b:s4+s17], $0x80, s30, s17, $0xb8;
	[tilespmem:$0x1D800] =	vst v63  }
0x3e: {  	_ =	swait.ge [sflag:s18], $0x4000  }
0x3f: {  	[sflag:s18] =	ssyncset.done $0x0  }
0x40: {  	s31 =	simm.s32 $0x2C00;
	[sflag:s18] =	ssyncadd.s32 $0xFFFFC000  }
0x41: {  	[spmem:s2] =	stream.indirect.scatter.add.f32 [tilespmem:s16], [sflag:$0x2], $0x80, s31, s17, $0xb8;
	[tilespmem:$0x1D800] =	vst v63  }
0x42: {  	_ =	swait.ge [sflag:s19], $0x4000  }
0x43: {  	s23 =	simm.s32 $0x200;
	s24 =	simm.s32 $0x400;
	[sflag:s19] =	ssyncset.done $0x0  }
.LBB2_4:
0x44: {  	s25 =	sshra.s32 s23, $0x2  }
0x45: {  	[sflag:s19] =	ssyncadd.s32 $0xFFFFC000;
	s23 =	smov.u32 s24;
	s26 =	sadd.s32 $0x200, s24  }
0x46: {  	[tilespmem:s16], [sflag:$0x1] =	stream.indirect.gather [hbm4b:s4+s17], $0x80, s25, s17, $0xb8;
	[tilespmem:$0x1D800] =	vst v63  }
0x47: {  	p0 =	sne.s32 s24, $0xA000;
	_ =	swait.ge [sflag:s18], $0x4000  }
.Ltmp1:
0x48: {  	[sflag:s18] =	ssyncset.done $0x0;
	(pc) =	sbr.rel @p0 .LBB2_4-.Ltmp1, $4  }
0x49: {  	s24 =	sadd.s32 $0x2C00, s25;
	[sflag:s18] =	ssyncadd.s32 $0xFFFFC000  }
0x4a: {  	[spmem:s2] =	stream.indirect.scatter.add.f32 [tilespmem:s16], [sflag:$0x2], $0x80, s24, s17, $0xb8;
	[tilespmem:$0x1D800] =	vst v63  }
0x4b: {  	_ =	swait.ge [sflag:s19], $0x4000  }
0x4c: {  	s24 =	smov.u32 s26;
	[sflag:s19] =	ssyncset.done $0x0  }
0x4d: {  	s23 =	sshra.s32 s23, $0x2;
	[sflag:s19] =	ssyncadd.s32 $0xFFFFC000  }
0x4e: {  	[tilespmem:s16], [sflag:$0x1] =	stream.indirect.gather [hbm4b:s4+s17], $0x80, s23, s17, $0xb8;
	[tilespmem:$0x1D800] =	vst v63  }
0x4f: {  	_ =	swait.ge [sflag:s18], $0x4000  }
0x50: {  	[sflag:s18] =	ssyncset.done $0x0  }
0x51: {  	s23 =	sadd.s32 $0x2C00, s23;
	[sflag:s18] =	ssyncadd.s32 $0xFFFFC000  }
0x52: {  	[spmem:s2] =	stream.indirect.scatter.add.f32 [tilespmem:s16], [sflag:$0x2], $0x80, s23, s17, $0xb8;
	[tilespmem:$0x1D800] =	vst v63  }
0x53: {  	_ =	swait.ge [sflag:s19], $0x4000  }
0x54: {  	s22 =	sadd.s32 $0x1, s22;
	[sflag:s19] =	ssyncset.done $0x0  }
0x55: {  	p0 =	sne.s32 s22, s13;
	[sflag:s19] =	ssyncadd.s32 $0xFFFFC000  }
.Ltmp2:
0x56: {  	[bflag:$0x0] =	sbarrier.arrive $0xFFFF;
	(pc) =	sbr.rel @p0 .LBB2_1-.Ltmp2, $4  }
0x57: {  	[hbm:s12], [sflag:s20] =	dma.local [spmem:s21], $0x2800  }
0x58: {  	_ =	swait.ge [sflag:s14], $0x2800  }
0x59: {  	[sflag:s14] =	ssyncset.done $0x0  }
0x5a: {  	[sflag:s14] =	ssyncadd.s32 $0xFFFFD800  }
0x5b: {  	_ =	sfence.sel $0x180000  }
0x5c: {  	[bflag:$0x0] =	sbarrier.arrive $0xFFFF  }
0x5d: {  	p0 =	sne.s32 s0, $0x0;
	_ =	strace $0x9000004D  }
0x5e: {  	s0 =	sadd.s32 @!p0 $0x100000, s1;
	[bflag:$0x2] =	sbarrier.arrive $0xFFFF  }
0x5f: {  	[sflag:s0] =	ssyncadd.tile.s32 @!p0 $0x1;
	_ =	shalt  }
.Lfunc_end2:
_tile_overlayer_lowered:
.L_overlay_start_2:
0x60: {  	(tag) =	ssettag $0x2  }
0x61: {  	s0 =	rddreg [dreg:$0x0];
	s2 =	stileid.u32  }
0x62: {  	s1 =	rddreg [dreg:$0x1];
	p0 =	sne.s32 s2, $0x0  }
0x63: {  	s3 =	rddreg [dreg:$0x2];
	[bflag:$0x3] =	sbarrier.arrive $0xFFFF;
	s2 =	simm.s32 @!p0 $0x1C03  }
0x64: {  	[timem:s3], [sflag:s2] =	dma.local @!p0 [hbm:s0], s1  }
0x65: {  	s0 =	simm.s32 @!p0 $0x3  }
0x66: {  	_ =	swait.ge @!p0 [sflag:s0], s1  }
0x67: {  	s1 =	ssub.s32 @!p0 $0x0, s1;
	[sflag:s0] =	ssyncset.done @!p0 $0x0  }
0x68: {  	[sflag:s0] =	ssyncadd.s32 @!p0 s1  }
0x69: {  	[bflag:$0x3] =	sbarrier.arrive $0xFFFF  }
0x6a: {  	_ =	shalt  }

// kernel: kernel.26.cloned.1.call-start
scs
__scs_entry_jumppad:
0x0: {  	(pc) =	sbr.rel $0x88, $3  }
0x1: {  	(tag) =	ssettag $0x0;
	lr =	simm.s32 $0x1  }
0x2: {  	[smem:$0x3F7F] =	sst lr;
	_ =	strace $0xD0000000  }
0x3: {  	_ = 	snop  }
0x4: {  	_ = 	snop  }
0x5: {  	_ = 	snop  }
0x6: {  	_ = 	snop  }
0x7: {  	_ = 	snop  }
__scs_overlays_trampoline_lowered:
0x8: {  	[smem:$0x3F8E] =	sst s0  }
0x9: {  	[smem:$0x3F8F] =	sst s1  }
0xa: {  	[smem:$0x3F90] =	sst s2  }
0xb: {  	[smem:$0x3F91] =	sst s3  }
0xc: {  	[smem:$0x3F92] =	sst s4  }
0xd: {  	[smem:$0x3F93] =	sst s5  }
0xe: {  	[smem:$0x3F94] =	sst s6  }
0xf: {  	[smem:$0x3F95] =	sst s7  }
0x10: {  	[smem:$0x3F96] =	sst s8  }
0x11: {  	[smem:$0x3F97] =	sst s9;
	s0 =	simm.s32 @!p0 $0x0  }
0x12: {  	s1 =	sld [smem:$0x3F7D];
	s0 =	simm.s32 @p0 $0x1  }
0x13: {  	[smem:$0x3F98] =	sst s0;
	s0 =	simm.s32 @!p1 $0x0  }
0x14: {  	s2 =	sld [smem:$0x3F7C];
	s0 =	simm.s32 @p1 $0x1  }
0x15: {  	[smem:$0x3F99] =	sst s0;
	s0 =	simm.s32 @!p2 $0x0  }
0x16: {  	s3 =	sld [smem:$0x3FDB];
	s0 =	simm.s32 @p2 $0x1  }
0x17: {  	s4 =	simm.s32 $0x1BF5;
	[smem:$0x3F9B] =	sst s0  }
0x18: {  	s0 =	sld [smem:$0x3F7E];
	_ =	swait.ge [sflag:s4], $0x0  }
0x19: {  	s7 =	sld [smem:$0x3F7F]  }
0x1a: {  	s8 =	sadd.s32 $0xFFFFE003, lr  }
0x1b: {  	s9 =	sadd.s32 $0xFFFFFEF7, lr;
	s5 =	simm.s32 $0xFFFFFFFF;
	p2 =	slt.u32 s8, $0xFFFFF086  }
0x1c: {  	p1 =	slt.u32 s9, $0xF7A;
	s5 =	simm.s32 @!p2 $0x0  }
0x1d: {  	s5 =	simm.s32 @p1 $0x1;
	p0 =	seq.s32 s7, s2  }
0x1e: {  	s7 =	smul.u32 @!p0 $0xF7A, s2;
	p2 =	seq.s32 @!p0 s5, $0x0  }
0x1f: {  	s9 =	smul.u32 $0xF7A, s1;
	s8 =	simm.s32 @!p0 $0x1BF5;
	p2 =	por !p2, p0  }
0x20: {  	[sflag:s8] =	ssyncset.s32 @!p0 $0xFFFFF086;
	s6 =	sadd.s32 @!p0 s3, s7;
	s7 =	simm.s32 @!p0 $0x108  }
0x21: {  	s3 =	sadd.s32 s3, s9;
	s6 =	sadd.s32 @!p0 $0x88, s6;
	s7 =	simm.s32 @p2 $0x1082  }
0x22: {  	[simem:s7], [sflag:s8] =	dma.local @!p0 [hbm:s6], $0xF7A  }
0x23: {  	s9 =	sor.u32 $0xD0000000, s2;
	s6 =	simm.s32 $0x108;
	_ =	swait.ge @!p0 [sflag:s8], $0x0  }
0x24: {  	s3 =	sadd.s32 $0x88, s3;
	s6 =	simm.s32 @!p1 $0x1082;
	[sflag:s4] =	ssyncset.s32 $0xFFFFF086  }
0x25: {  	[simem:s6], [sflag:s4] =	dma.local [hbm:s3], $0xF7A  }
0x26: {  	[smem:$0x3F7F] =	sst s1;
	(tag) =	ssettag s2;
	_ =	strace s9  }
0x27: {  	s1 =	sld [smem:$0x3F8F]  }
0x28: {  	s2 =	sld [smem:$0x3F90]  }
0x29: {  	s4 =	sld [smem:$0x3F92]  }
0x2a: {  	p0 =	seq.s32 s5, $0x0;
	s5 =	sld [smem:$0x3F93]  }
0x2b: {  	s6 =	sld [smem:$0x3F94]  }
0x2c: {  	s7 =	sld [smem:$0x3F95]  }
0x2d: {  	s3 =	simm.s32 $0x108;
	s8 =	sld [smem:$0x3F96]  }
0x2e: {  	s3 =	simm.s32 @!p0 $0x1082;
	s9 =	sld [smem:$0x3F97]  }
0x2f: {  	lr =	sadd.s32 s0, s3;
	s0 =	sld [smem:$0x3F8E]  }
0x30: {  	s3 =	sld [smem:$0x3F91]  }
0x31: {  	[smem:$0x3F9A] =	sst s10  }
0x32: {  	s10 =	sld [smem:$0x3F98];
	_ =	sdelay $0x3  }
0x33: {  	p0 =	seq.s32 s10, $0x1;
	s10 =	sld [smem:$0x3F9A];
	_ =	sdelay $0x3  }
0x34: {  	[smem:$0x3F9A] =	sst s10  }
0x35: {  	s10 =	sld [smem:$0x3F99];
	_ =	sdelay $0x3  }
0x36: {  	p1 =	seq.s32 s10, $0x1;
	s10 =	sld [smem:$0x3F9A];
	_ =	sdelay $0x3  }
0x37: {  	[smem:$0x3F9A] =	sst s10  }
0x38: {  	s10 =	sld [smem:$0x3F9B]  }
0x39: {  	_ = 	snop;
	(pc) =	sbr.ind lr, $3  }
0x3a: {  	_ = 	snop  }
0x3b: {  	_ = 	snop  }
0x3c: {  	p2 =	seq.s32 s10, $0x1;
	s10 =	sld [smem:$0x3F9A]  }
0x3d: {  	_ =	shalt  }
0x3e: {  	_ =	shalt  }
0x3f: {  	_ =	shalt  }
0x40: {  	_ =	shalt  }
0x41: {  	_ =	shalt  }
0x42: {  	_ =	shalt  }
0x43: {  	_ =	shalt  }
0x44: {  	_ =	shalt  }
0x45: {  	_ =	shalt  }
0x46: {  	_ =	shalt  }
0x47: {  	_ =	shalt  }
0x48: {  	_ =	shalt  }
0x49: {  	_ =	shalt  }
0x4a: {  	_ =	shalt  }
0x4b: {  	_ =	shalt  }
0x4c: {  	_ =	shalt  }
0x4d: {  	_ =	shalt  }
0x4e: {  	_ =	shalt  }
0x4f: {  	_ =	shalt  }
0x50: {  	_ =	shalt  }
0x51: {  	_ =	shalt  }
0x52: {  	_ =	shalt  }
0x53: {  	_ =	shalt  }
0x54: {  	_ =	shalt  }
0x55: {  	_ =	shalt  }
0x56: {  	_ =	shalt  }
0x57: {  	_ =	shalt  }
0x58: {  	_ =	shalt  }
0x59: {  	_ =	shalt  }
0x5a: {  	_ =	shalt  }
0x5b: {  	_ =	shalt  }
0x5c: {  	_ =	shalt  }
0x5d: {  	_ =	shalt  }
0x5e: {  	_ =	shalt  }
0x5f: {  	_ =	shalt  }
0x60: {  	_ =	shalt  }
0x61: {  	_ =	shalt  }
0x62: {  	_ =	shalt  }
0x63: {  	_ =	shalt  }
0x64: {  	_ =	shalt  }
0x65: {  	_ =	shalt  }
0x66: {  	_ =	shalt  }
0x67: {  	_ =	shalt  }
0x68: {  	_ =	shalt  }
0x69: {  	_ =	shalt  }
0x6a: {  	_ =	shalt  }
0x6b: {  	_ =	shalt  }
0x6c: {  	_ =	shalt  }
0x6d: {  	_ =	shalt  }
0x6e: {  	_ =	shalt  }
0x6f: {  	_ =	shalt  }
0x70: {  	_ =	shalt  }
0x71: {  	_ =	shalt  }
0x72: {  	_ =	shalt  }
0x73: {  	_ =	shalt  }
0x74: {  	_ =	shalt  }
0x75: {  	_ =	shalt  }
0x76: {  	_ =	shalt  }
0x77: {  	_ =	shalt  }
0x78: {  	_ =	shalt  }
0x79: {  	_ =	shalt  }
0x7a: {  	_ =	shalt  }
0x7b: {  	_ =	shalt  }
0x7c: {  	_ =	shalt  }
0x7d: {  	_ =	shalt  }
0x7e: {  	_ =	shalt  }
0x7f: {  	_ =	shalt  }
0x80: {  	_ =	shalt  }
0x81: {  	_ =	shalt  }
0x82: {  	_ =	shalt  }
0x83: {  	_ =	shalt  }
0x84: {  	_ =	shalt  }
0x85: {  	_ =	shalt  }
0x86: {  	_ =	shalt  }
0x87: {  	_ =	shalt  }
.Lfunc_end0:
.L_simem_size_0:
called_computation.3_lowered:
.L_overlay_start_0:
0x88: {  	s2 =	sld [smem:$0x3FD9]  }
0x89: {  	s3 =	sld [smem:$0x3FFE];
	_ =	sdelay $0x1  }
0x8a: {  	s1 =	srdreg.scid  }
0x8b: {  	s0 =	sand.u32 $0x1, s1  }
0x8c: {  	s16 =	sshll.u32 s0, $0xA;
	s2 =	sadd.s32 s3, s2  }
0x8d: {  	s2 =	sadd.s32 s2, s16  }
0x8e: {  	[smem:$0x3FA6] =	sst s2  }
0x8f: {  	_ = 	snop  }
0x90: {  	(tm) =	ssettm $0x1  }
0x91: {  	s17 =	sld [smem:$0x3FFB];
	_ =	sdelay $0x3  }
0x92: {  	_ =	strace s17  }
0x93: {  	s2 =	sld [smem:$0x3FFC];
	_ =	sdelay $0x3  }
0x94: {  	_ =	strace s2  }
0x95: {  	s2 =	sld [smem:$0x3FFD];
	_ =	sdelay $0x3  }
0x96: {  	_ =	strace s2  }
0x97: {  	_ =	strace $0x8FFFFFFF  }
0x98: {  	s18 =	sld [smem:$0x3FDB];
	_ =	sdelay $0x1  }
0x99: {  	s19 =	simm.s32 $_scs_section_size  }
0x9a: {  	s4 =	simm.s32 $_size__tile_overlayer_lowered;
	s5 =	simm.s32 $_tile_overlayer_lowered  }
0x9b: {  	s22 =	simm.s32 $0x1BFF;
	s21 =	sshll.u32 s5, $0x1;
	s2 =	sadd.s32 s19, s18  }
0x9c: {  	s6 =	simm.s32 $0x0;
	s20 =	sshll.u32 s4, $0x1;
	s4 =	sadd.s32 s21, s2  }
0x9d: {  	[timem:s6], [sflag:s22] =	dma.local [hbm:s4], s20  }
0x9e: {  	_ =	swait.ge [sflag:s22], s20  }
0x9f: {  	s3 =	ssub.s32 $0x0, s20;
	[sflag:s22] =	ssyncset.done $0x0  }
0xa0: {  	[sflag:s22] =	ssyncadd.s32 s3;
	_ =	sdelay $0x1  }
0xa1: {  	s23 =	simm.s32 $0x1B8B  }
0xa2: {  	_ =	swait.ge [sflag:s23], $0x1  }
0xa3: {  	[sflag:s23] =	ssyncset.done $0x0  }
0xa4: {  	s25 =	simm.s32 $0x1B8E;
	s24 =	sld [smem:$0x3FFE];
	[sflag:s23] =	ssyncadd.s32 $0xFFFFFFFF  }
0xa5: {  	s26 =	simm.s32 $execute0_lowered;
	[smem:$0x3FD2] =	sst s25  }
0xa6: {  	s4 =	sshll.u32 s26, $0x1;
	_ =	strace $0x8000004F;
	[dreg:$0x1] =	wrdreg $0xFFFFFFFF  }
0xa7: {  	s28 =	simm.s32 $_size_execute0_lowered;
	s2 =	sadd.s32 s2, s4;
	[dreg:$0x0] =	wrdreg $0x0  }
0xa8: {  	s4 =	sshll.u32 s28, $0x1;
	[dreg:$0x2] =	wrdreg s2  }
0xa9: {  	[dreg:$0x3] =	wrdreg s4  }
0xaa: {  	[dreg:$0x4] =	wrdreg $0xC0  }
0xab: {  	_ =	task [dreg:s6], $0x5FFFF  }
0xac: {  	[dreg:$0x1] =	wrdreg $0xFFFFFFFF  }
0xad: {  	[dreg:$0x0] =	wrdreg $0x60  }
0xae: {  	[dreg:$0x2] =	wrdreg s24  }
0xaf: {  	[dreg:$0x3] =	wrdreg $0x98000  }
0xb0: {  	[dreg:$0x4] =	wrdreg $0x9  }
0xb1: {  	_ =	task.clear_ibuf [dreg:s6], $0x5FFFF;
	_ =	strace $0x9000004F  }
0xb2: {  	s29 =	simm.s32 $0x9;
	_ =	strace $0x80000051  }
0xb3: {  	_ =	swait.ge [sflag:s29], $0x1  }
0xb4: {  	[sflag:s29] =	ssyncadd.s32 $0xFFFFFFFF  }
0xb5: {  	_ =	strace $0x90000051  }
0xb6: {  	_ =	sfence  }
0xb7: {  	s30 =	sld [smem:$0x0];
	_ =	sdelay $0x2  }
0xb8: {  	s31 =	sshll.u32 s1, $0xD;
	s1 =	sshrl.u32 s1, $0x2  }
0xb9: {  	s3 =	sand.u32 $0x4000, s31;
	s1 =	sadd.s32 s1, s30  }
0xba: {  	s0 =	sor.u32 s3, s0;
	s1 =	sshll.u32 s1, $0x11  }
0xbb: {  	s0 =	sor.u32 s1, s0  }
0xbc: {  	s0 =	sadd.s32 $0x8F2B, s0  }
0xbd: {  	[sflag:s0] =	ssyncadd.remote.s32 $0x1  }
0xbe: {  	_ =	sfence.sel $0xFFFF  }
0xbf: {  	[dreg:$0x0] =	wrdreg $0xFFFFFFFF;
	(pc) =	sbr.abs _section_cstart, $3  }
0xc0: {  	[dreg:$0x1] =	wrdreg $0xFFFFFFFF  }
0xc1: {  	_ =	task.clear_ibuf [dreg:s6], $0x2FFFF;
	_ =	strace $0x9FFFFFFF  }
0xc2: {  	(tm) =	ssettm $0x7FFFFFFF  }
0xc3: {  	_ =	shalt  }
tec
execute0_lowered:
.L_overlay_start_1:
0x0: {  	(tag) =	ssettag $0x1  }
0x1: {  	s6 =	rddreg [dreg:$0x0]  }
0x2: {  	s0 =	srdreg.scid;
	s2 =	rddreg [dreg:$0x1];
	s3 =	simm.s32 $0x0  }
0x3: {  	s14 =	simm.s32 $0x3;
	s15 =	simm.s32 $0x2C00;
	s16 =	simm.s32 $0x5800  }
0x4: {  	s17 =	simm.s32 $0x80;
	s18 =	simm.s32 $0x1;
	s5 =	sand.u32 $0x1, s0  }
0x5: {  	s19 =	simm.s32 $0x2;
	s0 =	stileid.u32;
	s8 =	smul.u32 $0x140000, s5  }
0x6: {  	s22 =	simm.s32 $0x0;
	[smem:$0x7FF] =	sst s3;
	s9 =	smul.u32 $0x14000, s0  }
0x7: {  	s4 =	sadd.s32 $0x39E00, s6;
	s1 =	sshll.u32 s5, $0x4;
	s10 =	smul.u32 $0x50000, s0  }
0x8: {  	s5 =	ssub.s32 $0x2, s5;
	s20 =	sshll.u32 s0, $0x6;
	s1 =	sor.u32 s0, s1  }
0x9: {  	s31 =	sshrl.u32 s5, $0x1;
	s20 =	sor.u32 $0x1C03, s20;
	s7 =	smul.u32 $0x580, s1  }
0xa: {  	s1 =	rddreg [dreg:$0x2];
	_ =	strace $0x80000050;
	s8 =	sadd.s32 s9, s8  }
0xb: {  	s10 =	sshrl.u32 s10, $0x2;
	s13 =	ssub.s32 s5, s31;
	s8 =	sshrl.u32 s8, $0x3  }
0xc: {  	s5 =	sadd.s32 s10, s2;
	s13 =	smax.u32 s13, $0x1;
	s7 =	sadd.s32 s7, s6  }
0xd: {  	s12 =	sadd.s32 s8, s6;
	s8 =	sadd.s32 $0x4000, s5;
	s9 =	sadd.s32 $0x8000, s5  }
0xe: {  	s10 =	sadd.s32 $0xC000, s5;
	s11 =	sadd.s32 $0x10000, s5;
	s21 =	sshrl.u32 s5, $0x3  }
0xf: {  	v0 =	vimm.f32 $0.0e+00;
	s6 =	sadd.s32 $0x81E00, s7;
	s7 =	sadd.s32 $0x76E00, s7;
	s12 =	sadd.s32 $0x8CE00, s12  }
.LBB2_1:
0x10: {  	[tilespmem:s3], [sflag:$0x3] =	stream.linear.gather [hbm4b:s6+s3], $0x2880, $0x38;
	[tilespmem:$0x1D800] =	vst v63  }
0x11: {  	_ =	swait.ge [sflag:s14], $0x2880  }
0x12: {  	[sflag:s14] =	ssyncset.done $0x0  }
0x13: {  	[sflag:s14] =	ssyncadd.s32 $0xFFFFD780  }
0x14: {  	[tilespmem:s15], [sflag:$0x3] =	stream.linear.gather [hbm4b:s7+s3], $0x2880, $0x38;
	[tilespmem:$0x1D800] =	vst v63  }
0x15: {  	_ =	swait.ge [sflag:s14], $0x2880  }
0x16: {  	[sflag:s14] =	ssyncset.done $0x0  }
0x17: {  	s23 =	simm.s32 $0x0;
	s24 =	simm.s32 $0x200;
	[sflag:s14] =	ssyncadd.s32 $0xFFFFD780  }
.LBB2_2:
0x18: {  	p0 =	sne.s32 s24, $0xFE00;
	[tilespmem:s23+$0x5870] =	vst v0  }
0x19: {  	[tilespmem:s23+$0x5800] =	vst v0  }
0x1a: {  	[tilespmem:s23+$0x5810] =	vst v0  }
.Ltmp0:
0x1b: {  	[tilespmem:s23+$0x5820] =	vst v0;
	(pc) =	sbr.rel @p0 .LBB2_2-.Ltmp0, $4  }
0x1c: {  	[tilespmem:s23+$0x5830] =	vst v0  }
0x1d: {  	[tilespmem:s23+$0x5840] =	vst v0  }
0x1e: {  	[tilespmem:s23+$0x5850] =	vst v0  }
0x1f: {  	[tilespmem:s23+$0x5860] =	vst v0;
	s23 =	sshra.s32 s24, $0x2;
	s24 =	sadd.s32 $0x200, s24  }
0x20: {  	[tilespmem:s23+$0x5870] =	vst v0  }
0x21: {  	[tilespmem:s23+$0x5800] =	vst v0  }
0x22: {  	[tilespmem:s23+$0x5810] =	vst v0  }
0x23: {  	[tilespmem:s23+$0x5820] =	vst v0  }
0x24: {  	[tilespmem:s23+$0x5830] =	vst v0  }
0x25: {  	[tilespmem:s23+$0x5840] =	vst v0  }
0x26: {  	[tilespmem:s23+$0x5850] =	vst v0  }
0x27: {  	[tilespmem:s23+$0x5860] =	vst v0  }
0x28: {  	[spmem:s5] =	stream.linear.scatter [tilespmem:s16], [sflag:$0x3], $0x4000, $0x38;
	[tilespmem:$0x1D800] =	vst v63  }
0x29: {  	_ =	swait.ge [sflag:s14], $0x4000  }
0x2a: {  	[sflag:s14] =	ssyncset.done $0x0  }
0x2b: {  	[sflag:s14] =	ssyncadd.s32 $0xFFFFC000  }
0x2c: {  	[spmem:s8] =	stream.linear.scatter [tilespmem:s16], [sflag:$0x3], $0x4000, $0x38;
	[tilespmem:$0x1D800] =	vst v63  }
0x2d: {  	_ =	swait.ge [sflag:s14], $0x4000  }
0x2e: {  	[sflag:s14] =	ssyncset.done $0x0  }
0x2f: {  	[sflag:s14] =	ssyncadd.s32 $0xFFFFC000  }
0x30: {  	[spmem:s9] =	stream.linear.scatter [tilespmem:s16], [sflag:$0x3], $0x4000, $0x38;
	[tilespmem:$0x1D800] =	vst v63  }
0x31: {  	_ =	swait.ge [sflag:s14], $0x4000  }
0x32: {  	[sflag:s14] =	ssyncset.done $0x0  }
0x33: {  	[sflag:s14] =	ssyncadd.s32 $0xFFFFC000  }
0x34: {  	[spmem:s10] =	stream.linear.scatter [tilespmem:s16], [sflag:$0x3], $0x4000, $0x38;
	[tilespmem:$0x1D800] =	vst v63  }
0x35: {  	_ =	swait.ge [sflag:s14], $0x4000  }
0x36: {  	[sflag:s14] =	ssyncset.done $0x0  }
0x37: {  	[sflag:s14] =	ssyncadd.s32 $0xFFFFC000  }
0x38: {  	[spmem:s11] =	stream.linear.scatter [tilespmem:s16], [sflag:$0x3], $0x4000, $0x38;
	[tilespmem:$0x1D800] =	vst v63  }
0x39: {  	_ =	swait.ge [sflag:s14], $0x4000  }
0x3a: {  	[sflag:s14] =	ssyncset.done $0x0  }
0x3b: {  	[sflag:s14] =	ssyncadd.s32 $0xFFFFC000  }
0x3c: {  	s30 =	simm.s32 $0x0;
	[bflag:$0x0] =	sbarrier.arrive $0xFFFF  }
0x3d: {  	[tilespmem:s16], [sflag:$0x1] =	stream.indirect.gather [hbm4b:s4+s17], $0x80, s30, s17, $0xb8;
	[tilespmem:$0x1D800] =	vst v63  }
0x3e: {  	_ =	swait.ge [sflag:s18], $0x4000  }
0x3f: {  	[sflag:s18] =	ssyncset.done $0x0  }
0x40: {  	s31 =	simm.s32 $0x2C00;
	[sflag:s18] =	ssyncadd.s32 $0xFFFFC000  }
0x41: {  	[spmem:s2] =	stream.indirect.scatter.add.f32 [tilespmem:s16], [sflag:$0x2], $0x80, s31, s17, $0xb8;
	[tilespmem:$0x1D800] =	vst v63  }
0x42: {  	_ =	swait.ge [sflag:s19], $0x4000  }
0x43: {  	s23 =	simm.s32 $0x200;
	s24 =	simm.s32 $0x400;
	[sflag:s19] =	ssyncset.done $0x0  }
.LBB2_4:
0x44: {  	s25 =	sshra.s32 s23, $0x2  }
0x45: {  	[sflag:s19] =	ssyncadd.s32 $0xFFFFC000;
	s23 =	smov.u32 s24;
	s26 =	sadd.s32 $0x200, s24  }
0x46: {  	[tilespmem:s16], [sflag:$0x1] =	stream.indirect.gather [hbm4b:s4+s17], $0x80, s25, s17, $0xb8;
	[tilespmem:$0x1D800] =	vst v63  }
0x47: {  	p0 =	sne.s32 s24, $0xA000;
	_ =	swait.ge [sflag:s18], $0x4000  }
.Ltmp1:
0x48: {  	[sflag:s18] =	ssyncset.done $0x0;
	(pc) =	sbr.rel @p0 .LBB2_4-.Ltmp1, $4  }
0x49: {  	s24 =	sadd.s32 $0x2C00, s25;
	[sflag:s18] =	ssyncadd.s32 $0xFFFFC000  }
0x4a: {  	[spmem:s2] =	stream.indirect.scatter.add.f32 [tilespmem:s16], [sflag:$0x2], $0x80, s24, s17, $0xb8;
	[tilespmem:$0x1D800] =	vst v63  }
0x4b: {  	_ =	swait.ge [sflag:s19], $0x4000  }
0x4c: {  	s24 =	smov.u32 s26;
	[sflag:s19] =	ssyncset.done $0x0  }
0x4d: {  	s23 =	sshra.s32 s23, $0x2;
	[sflag:s19] =	ssyncadd.s32 $0xFFFFC000  }
0x4e: {  	[tilespmem:s16], [sflag:$0x1] =	stream.indirect.gather [hbm4b:s4+s17], $0x80, s23, s17, $0xb8;
	[tilespmem:$0x1D800] =	vst v63  }
0x4f: {  	_ =	swait.ge [sflag:s18], $0x4000  }
0x50: {  	[sflag:s18] =	ssyncset.done $0x0  }
0x51: {  	s23 =	sadd.s32 $0x2C00, s23;
	[sflag:s18] =	ssyncadd.s32 $0xFFFFC000  }
0x52: {  	[spmem:s2] =	stream.indirect.scatter.add.f32 [tilespmem:s16], [sflag:$0x2], $0x80, s23, s17, $0xb8;
	[tilespmem:$0x1D800] =	vst v63  }
0x53: {  	_ =	swait.ge [sflag:s19], $0x4000  }
0x54: {  	s22 =	sadd.s32 $0x1, s22;
	[sflag:s19] =	ssyncset.done $0x0  }
0x55: {  	p0 =	sne.s32 s22, s13;
	[sflag:s19] =	ssyncadd.s32 $0xFFFFC000  }
.Ltmp2:
0x56: {  	[bflag:$0x0] =	sbarrier.arrive $0xFFFF;
	(pc) =	sbr.rel @p0 .LBB2_1-.Ltmp2, $4  }
0x57: {  	[hbm:s12], [sflag:s20] =	dma.local [spmem:s21], $0x2800  }
0x58: {  	_ =	swait.ge [sflag:s14], $0x2800  }
0x59: {  	[sflag:s14] =	ssyncset.done $0x0  }
0x5a: {  	[sflag:s14] =	ssyncadd.s32 $0xFFFFD800  }
0x5b: {  	_ =	sfence.sel $0x180000  }
0x5c: {  	[bflag:$0x0] =	sbarrier.arrive $0xFFFF  }
0x5d: {  	p0 =	sne.s32 s0, $0x0;
	_ =	strace $0x90000050  }
0x5e: {  	s0 =	sadd.s32 @!p0 $0x100000, s1;
	[bflag:$0x2] =	sbarrier.arrive $0xFFFF  }
0x5f: {  	[sflag:s0] =	ssyncadd.tile.s32 @!p0 $0x1;
	_ =	shalt  }
.Lfunc_end2:
_tile_overlayer_lowered:
.L_overlay_start_2:
0x60: {  	(tag) =	ssettag $0x2  }
0x61: {  	s0 =	rddreg [dreg:$0x0];
	s2 =	stileid.u32  }
0x62: {  	s1 =	rddreg [dreg:$0x1];
	p0 =	sne.s32 s2, $0x0  }
0x63: {  	s3 =	rddreg [dreg:$0x2];
	[bflag:$0x3] =	sbarrier.arrive $0xFFFF;
	s2 =	simm.s32 @!p0 $0x1C03  }
0x64: {  	[timem:s3], [sflag:s2] =	dma.local @!p0 [hbm:s0], s1  }
0x65: {  	s0 =	simm.s32 @!p0 $0x3  }
0x66: {  	_ =	swait.ge @!p0 [sflag:s0], s1  }
0x67: {  	s1 =	ssub.s32 @!p0 $0x0, s1;
	[sflag:s0] =	ssyncset.done @!p0 $0x0  }
0x68: {  	[sflag:s0] =	ssyncadd.s32 @!p0 s1  }
0x69: {  	[bflag:$0x3] =	sbarrier.arrive $0xFFFF  }
0x6a: {  	_ =	shalt  }

// kernel: kernel.29.cloned.1.call-start
scs
__scs_entry_jumppad:
0x0: {  	(pc) =	sbr.rel $0x88, $3  }
0x1: {  	(tag) =	ssettag $0x0;
	lr =	simm.s32 $0x1  }
0x2: {  	[smem:$0x3F7F] =	sst lr;
	_ =	strace $0xD0000000  }
0x3: {  	_ = 	snop  }
0x4: {  	_ = 	snop  }
0x5: {  	_ = 	snop  }
0x6: {  	_ = 	snop  }
0x7: {  	_ = 	snop  }
__scs_overlays_trampoline_lowered:
0x8: {  	[smem:$0x3F8E] =	sst s0  }
0x9: {  	[smem:$0x3F8F] =	sst s1  }
0xa: {  	[smem:$0x3F90] =	sst s2  }
0xb: {  	[smem:$0x3F91] =	sst s3  }
0xc: {  	[smem:$0x3F92] =	sst s4  }
0xd: {  	[smem:$0x3F93] =	sst s5  }
0xe: {  	[smem:$0x3F94] =	sst s6  }
0xf: {  	[smem:$0x3F95] =	sst s7  }
0x10: {  	[smem:$0x3F96] =	sst s8  }
0x11: {  	[smem:$0x3F97] =	sst s9;
	s0 =	simm.s32 @!p0 $0x0  }
0x12: {  	s1 =	sld [smem:$0x3F7D];
	s0 =	simm.s32 @p0 $0x1  }
0x13: {  	[smem:$0x3F98] =	sst s0;
	s0 =	simm.s32 @!p1 $0x0  }
0x14: {  	s2 =	sld [smem:$0x3F7C];
	s0 =	simm.s32 @p1 $0x1  }
0x15: {  	[smem:$0x3F99] =	sst s0;
	s0 =	simm.s32 @!p2 $0x0  }
0x16: {  	s3 =	sld [smem:$0x3FDB];
	s0 =	simm.s32 @p2 $0x1  }
0x17: {  	s4 =	simm.s32 $0x1BF5;
	[smem:$0x3F9B] =	sst s0  }
0x18: {  	s0 =	sld [smem:$0x3F7E];
	_ =	swait.ge [sflag:s4], $0x0  }
0x19: {  	s7 =	sld [smem:$0x3F7F]  }
0x1a: {  	s8 =	sadd.s32 $0xFFFFE003, lr  }
0x1b: {  	s9 =	sadd.s32 $0xFFFFFEF7, lr;
	s5 =	simm.s32 $0xFFFFFFFF;
	p2 =	slt.u32 s8, $0xFFFFF086  }
0x1c: {  	p1 =	slt.u32 s9, $0xF7A;
	s5 =	simm.s32 @!p2 $0x0  }
0x1d: {  	s5 =	simm.s32 @p1 $0x1;
	p0 =	seq.s32 s7, s2  }
0x1e: {  	s7 =	smul.u32 @!p0 $0xF7A, s2;
	p2 =	seq.s32 @!p0 s5, $0x0  }
0x1f: {  	s9 =	smul.u32 $0xF7A, s1;
	s8 =	simm.s32 @!p0 $0x1BF5;
	p2 =	por !p2, p0  }
0x20: {  	[sflag:s8] =	ssyncset.s32 @!p0 $0xFFFFF086;
	s6 =	sadd.s32 @!p0 s3, s7;
	s7 =	simm.s32 @!p0 $0x108  }
0x21: {  	s3 =	sadd.s32 s3, s9;
	s6 =	sadd.s32 @!p0 $0x88, s6;
	s7 =	simm.s32 @p2 $0x1082  }
0x22: {  	[simem:s7], [sflag:s8] =	dma.local @!p0 [hbm:s6], $0xF7A  }
0x23: {  	s9 =	sor.u32 $0xD0000000, s2;
	s6 =	simm.s32 $0x108;
	_ =	swait.ge @!p0 [sflag:s8], $0x0  }
0x24: {  	s3 =	sadd.s32 $0x88, s3;
	s6 =	simm.s32 @!p1 $0x1082;
	[sflag:s4] =	ssyncset.s32 $0xFFFFF086  }
0x25: {  	[simem:s6], [sflag:s4] =	dma.local [hbm:s3], $0xF7A  }
0x26: {  	[smem:$0x3F7F] =	sst s1;
	(tag) =	ssettag s2;
	_ =	strace s9  }
0x27: {  	s1 =	sld [smem:$0x3F8F]  }
0x28: {  	s2 =	sld [smem:$0x3F90]  }
0x29: {  	s4 =	sld [smem:$0x3F92]  }
0x2a: {  	p0 =	seq.s32 s5, $0x0;
	s5 =	sld [smem:$0x3F93]  }
0x2b: {  	s6 =	sld [smem:$0x3F94]  }
0x2c: {  	s7 =	sld [smem:$0x3F95]  }
0x2d: {  	s3 =	simm.s32 $0x108;
	s8 =	sld [smem:$0x3F96]  }
0x2e: {  	s3 =	simm.s32 @!p0 $0x1082;
	s9 =	sld [smem:$0x3F97]  }
0x2f: {  	lr =	sadd.s32 s0, s3;
	s0 =	sld [smem:$0x3F8E]  }
0x30: {  	s3 =	sld [smem:$0x3F91]  }
0x31: {  	[smem:$0x3F9A] =	sst s10  }
0x32: {  	s10 =	sld [smem:$0x3F98];
	_ =	sdelay $0x3  }
0x33: {  	p0 =	seq.s32 s10, $0x1;
	s10 =	sld [smem:$0x3F9A];
	_ =	sdelay $0x3  }
0x34: {  	[smem:$0x3F9A] =	sst s10  }
0x35: {  	s10 =	sld [smem:$0x3F99];
	_ =	sdelay $0x3  }
0x36: {  	p1 =	seq.s32 s10, $0x1;
	s10 =	sld [smem:$0x3F9A];
	_ =	sdelay $0x3  }
0x37: {  	[smem:$0x3F9A] =	sst s10  }
0x38: {  	s10 =	sld [smem:$0x3F9B]  }
0x39: {  	_ = 	snop;
	(pc) =	sbr.ind lr, $3  }
0x3a: {  	_ = 	snop  }
0x3b: {  	_ = 	snop  }
0x3c: {  	p2 =	seq.s32 s10, $0x1;
	s10 =	sld [smem:$0x3F9A]  }
0x3d: {  	_ =	shalt  }
0x3e: {  	_ =	shalt  }
0x3f: {  	_ =	shalt  }
0x40: {  	_ =	shalt  }
0x41: {  	_ =	shalt  }
0x42: {  	_ =	shalt  }
0x43: {  	_ =	shalt  }
0x44: {  	_ =	shalt  }
0x45: {  	_ =	shalt  }
0x46: {  	_ =	shalt  }
0x47: {  	_ =	shalt  }
0x48: {  	_ =	shalt  }
0x49: {  	_ =	shalt  }
0x4a: {  	_ =	shalt  }
0x4b: {  	_ =	shalt  }
0x4c: {  	_ =	shalt  }
0x4d: {  	_ =	shalt  }
0x4e: {  	_ =	shalt  }
0x4f: {  	_ =	shalt  }
0x50: {  	_ =	shalt  }
0x51: {  	_ =	shalt  }
0x52: {  	_ =	shalt  }
0x53: {  	_ =	shalt  }
0x54: {  	_ =	shalt  }
0x55: {  	_ =	shalt  }
0x56: {  	_ =	shalt  }
0x57: {  	_ =	shalt  }
0x58: {  	_ =	shalt  }
0x59: {  	_ =	shalt  }
0x5a: {  	_ =	shalt  }
0x5b: {  	_ =	shalt  }
0x5c: {  	_ =	shalt  }
0x5d: {  	_ =	shalt  }
0x5e: {  	_ =	shalt  }
0x5f: {  	_ =	shalt  }
0x60: {  	_ =	shalt  }
0x61: {  	_ =	shalt  }
0x62: {  	_ =	shalt  }
0x63: {  	_ =	shalt  }
0x64: {  	_ =	shalt  }
0x65: {  	_ =	shalt  }
0x66: {  	_ =	shalt  }
0x67: {  	_ =	shalt  }
0x68: {  	_ =	shalt  }
0x69: {  	_ =	shalt  }
0x6a: {  	_ =	shalt  }
0x6b: {  	_ =	shalt  }
0x6c: {  	_ =	shalt  }
0x6d: {  	_ =	shalt  }
0x6e: {  	_ =	shalt  }
0x6f: {  	_ =	shalt  }
0x70: {  	_ =	shalt  }
0x71: {  	_ =	shalt  }
0x72: {  	_ =	shalt  }
0x73: {  	_ =	shalt  }
0x74: {  	_ =	shalt  }
0x75: {  	_ =	shalt  }
0x76: {  	_ =	shalt  }
0x77: {  	_ =	shalt  }
0x78: {  	_ =	shalt  }
0x79: {  	_ =	shalt  }
0x7a: {  	_ =	shalt  }
0x7b: {  	_ =	shalt  }
0x7c: {  	_ =	shalt  }
0x7d: {  	_ =	shalt  }
0x7e: {  	_ =	shalt  }
0x7f: {  	_ =	shalt  }
0x80: {  	_ =	shalt  }
0x81: {  	_ =	shalt  }
0x82: {  	_ =	shalt  }
0x83: {  	_ =	shalt  }
0x84: {  	_ =	shalt  }
0x85: {  	_ =	shalt  }
0x86: {  	_ =	shalt  }
0x87: {  	_ =	shalt  }
.Lfunc_end0:
.L_simem_size_0:
called_computation.4_lowered:
.L_overlay_start_0:
0x88: {  	s2 =	sld [smem:$0x3FD9]  }
0x89: {  	s3 =	sld [smem:$0x3FFE];
	_ =	sdelay $0x1  }
0x8a: {  	s1 =	srdreg.scid  }
0x8b: {  	s0 =	sand.u32 $0x1, s1  }
0x8c: {  	s16 =	sshll.u32 s0, $0xA;
	s2 =	sadd.s32 s3, s2  }
0x8d: {  	s2 =	sadd.s32 s2, s16  }
0x8e: {  	[smem:$0x3FA6] =	sst s2  }
0x8f: {  	_ = 	snop  }
0x90: {  	(tm) =	ssettm $0x1  }
0x91: {  	s17 =	sld [smem:$0x3FFB];
	_ =	sdelay $0x3  }
0x92: {  	_ =	strace s17  }
0x93: {  	s2 =	sld [smem:$0x3FFC];
	_ =	sdelay $0x3  }
0x94: {  	_ =	strace s2  }
0x95: {  	s2 =	sld [smem:$0x3FFD];
	_ =	sdelay $0x3  }
0x96: {  	_ =	strace s2  }
0x97: {  	_ =	strace $0x8FFFFFFF  }
0x98: {  	s18 =	sld [smem:$0x3FDB];
	_ =	sdelay $0x1  }
0x99: {  	s19 =	simm.s32 $_scs_section_size  }
0x9a: {  	s4 =	simm.s32 $_size__tile_overlayer_lowered;
	s5 =	simm.s32 $_tile_overlayer_lowered  }
0x9b: {  	s22 =	simm.s32 $0x1BFF;
	s21 =	sshll.u32 s5, $0x1;
	s2 =	sadd.s32 s19, s18  }
0x9c: {  	s6 =	simm.s32 $0x0;
	s20 =	sshll.u32 s4, $0x1;
	s4 =	sadd.s32 s21, s2  }
0x9d: {  	[timem:s6], [sflag:s22] =	dma.local [hbm:s4], s20  }
0x9e: {  	_ =	swait.ge [sflag:s22], s20  }
0x9f: {  	s3 =	ssub.s32 $0x0, s20;
	[sflag:s22] =	ssyncset.done $0x0  }
0xa0: {  	[sflag:s22] =	ssyncadd.s32 s3;
	_ =	sdelay $0x1  }
0xa1: {  	s23 =	simm.s32 $0x1B8B  }
0xa2: {  	_ =	swait.ge [sflag:s23], $0x1  }
0xa3: {  	[sflag:s23] =	ssyncset.done $0x0  }
0xa4: {  	s25 =	simm.s32 $0x1B8E;
	s24 =	sld [smem:$0x3FFE];
	[sflag:s23] =	ssyncadd.s32 $0xFFFFFFFF  }
0xa5: {  	s26 =	simm.s32 $execute0_lowered;
	[smem:$0x3FD2] =	sst s25  }
0xa6: {  	s4 =	sshll.u32 s26, $0x1;
	_ =	strace $0x80000052;
	[dreg:$0x1] =	wrdreg $0xFFFFFFFF  }
0xa7: {  	s28 =	simm.s32 $_size_execute0_lowered;
	s2 =	sadd.s32 s2, s4;
	[dreg:$0x0] =	wrdreg $0x0  }
0xa8: {  	s4 =	sshll.u32 s28, $0x1;
	[dreg:$0x2] =	wrdreg s2  }
0xa9: {  	[dreg:$0x3] =	wrdreg s4  }
0xaa: {  	[dreg:$0x4] =	wrdreg $0xC0  }
0xab: {  	_ =	task [dreg:s6], $0x5FFFF  }
0xac: {  	[dreg:$0x1] =	wrdreg $0xFFFFFFFF  }
0xad: {  	[dreg:$0x0] =	wrdreg $0x60  }
0xae: {  	[dreg:$0x2] =	wrdreg s24  }
0xaf: {  	[dreg:$0x3] =	wrdreg $0x98000  }
0xb0: {  	[dreg:$0x4] =	wrdreg $0x9  }
0xb1: {  	_ =	task.clear_ibuf [dreg:s6], $0x5FFFF;
	_ =	strace $0x90000052  }
0xb2: {  	s29 =	simm.s32 $0x9;
	_ =	strace $0x80000054  }
0xb3: {  	_ =	swait.ge [sflag:s29], $0x1  }
0xb4: {  	[sflag:s29] =	ssyncadd.s32 $0xFFFFFFFF  }
0xb5: {  	_ =	strace $0x90000054  }
0xb6: {  	_ =	sfence  }
0xb7: {  	s30 =	sld [smem:$0x0];
	_ =	sdelay $0x2  }
0xb8: {  	s31 =	sshll.u32 s1, $0xD;
	s1 =	sshrl.u32 s1, $0x2  }
0xb9: {  	s3 =	sand.u32 $0x4000, s31;
	s1 =	sadd.s32 s1, s30  }
0xba: {  	s0 =	sor.u32 s3, s0;
	s1 =	sshll.u32 s1, $0x11  }
0xbb: {  	s0 =	sor.u32 s1, s0  }
0xbc: {  	s0 =	sadd.s32 $0x8F2B, s0  }
0xbd: {  	[sflag:s0] =	ssyncadd.remote.s32 $0x1  }
0xbe: {  	_ =	sfence.sel $0xFFFF  }
0xbf: {  	[dreg:$0x0] =	wrdreg $0xFFFFFFFF;
	(pc) =	sbr.abs _section_cstart, $3  }
0xc0: {  	[dreg:$0x1] =	wrdreg $0xFFFFFFFF  }
0xc1: {  	_ =	task.clear_ibuf [dreg:s6], $0x2FFFF;
	_ =	strace $0x9FFFFFFF  }
0xc2: {  	(tm) =	ssettm $0x7FFFFFFF  }
0xc3: {  	_ =	shalt  }
tec
execute0_lowered:
.L_overlay_start_1:
0x0: {  	(tag) =	ssettag $0x1  }
0x1: {  	s6 =	rddreg [dreg:$0x0]  }
0x2: {  	s0 =	srdreg.scid;
	s2 =	rddreg [dreg:$0x1];
	s3 =	simm.s32 $0x0  }
0x3: {  	s14 =	simm.s32 $0x3;
	s15 =	simm.s32 $0x2C00;
	s16 =	simm.s32 $0x5800  }
0x4: {  	s17 =	simm.s32 $0x80;
	s18 =	simm.s32 $0x1;
	s5 =	sand.u32 $0x1, s0  }
0x5: {  	s19 =	simm.s32 $0x2;
	s0 =	stileid.u32;
	s8 =	smul.u32 $0x140000, s5  }
0x6: {  	s22 =	simm.s32 $0x0;
	[smem:$0x7FF] =	sst s3;
	s9 =	smul.u32 $0x14000, s0  }
0x7: {  	s4 =	sadd.s32 $0x2F200, s6;
	s1 =	sshll.u32 s5, $0x4;
	s10 =	smul.u32 $0x50000, s0  }
0x8: {  	s5 =	ssub.s32 $0x2, s5;
	s20 =	sshll.u32 s0, $0x6;
	s1 =	sor.u32 s0, s1  }
0x9: {  	s31 =	sshrl.u32 s5, $0x1;
	s20 =	sor.u32 $0x1C03, s20;
	s7 =	smul.u32 $0x580, s1  }
0xa: {  	s1 =	rddreg [dreg:$0x2];
	_ =	strace $0x80000053;
	s8 =	sadd.s32 s9, s8  }
0xb: {  	s10 =	sshrl.u32 s10, $0x2;
	s13 =	ssub.s32 s5, s31;
	s8 =	sshrl.u32 s8, $0x3  }
0xc: {  	s5 =	sadd.s32 s10, s2;
	s13 =	smax.u32 s13, $0x1;
	s7 =	sadd.s32 s7, s6  }
0xd: {  	s12 =	sadd.s32 s8, s6;
	s8 =	sadd.s32 $0x4000, s5;
	s9 =	sadd.s32 $0x8000, s5  }
0xe: {  	s10 =	sadd.s32 $0xC000, s5;
	s11 =	sadd.s32 $0x10000, s5;
	s21 =	sshrl.u32 s5, $0x3  }
0xf: {  	v0 =	vimm.f32 $0.0e+00;
	s6 =	sadd.s32 $0xDCE00, s7;
	s7 =	sadd.s32 $0x61000, s7;
	s12 =	sadd.s32 $0x6C000, s12  }
.LBB2_1:
0x10: {  	[tilespmem:s3], [sflag:$0x3] =	stream.linear.gather [hbm4b:s6+s3], $0x2880, $0x38;
	[tilespmem:$0x1D800] =	vst v63  }
0x11: {  	_ =	swait.ge [sflag:s14], $0x2880  }
0x12: {  	[sflag:s14] =	ssyncset.done $0x0  }
0x13: {  	[sflag:s14] =	ssyncadd.s32 $0xFFFFD780  }
0x14: {  	[tilespmem:s15], [sflag:$0x3] =	stream.linear.gather [hbm4b:s7+s3], $0x2880, $0x38;
	[tilespmem:$0x1D800] =	vst v63  }
0x15: {  	_ =	swait.ge [sflag:s14], $0x2880  }
0x16: {  	[sflag:s14] =	ssyncset.done $0x0  }
0x17: {  	s23 =	simm.s32 $0x0;
	s24 =	simm.s32 $0x200;
	[sflag:s14] =	ssyncadd.s32 $0xFFFFD780  }
.LBB2_2:
0x18: {  	p0 =	sne.s32 s24, $0xFE00;
	[tilespmem:s23+$0x5870] =	vst v0  }
0x19: {  	[tilespmem:s23+$0x5800] =	vst v0  }
0x1a: {  	[tilespmem:s23+$0x5810] =	vst v0  }
.Ltmp0:
0x1b: {  	[tilespmem:s23+$0x5820] =	vst v0;
	(pc) =	sbr.rel @p0 .LBB2_2-.Ltmp0, $4  }
0x1c: {  	[tilespmem:s23+$0x5830] =	vst v0  }
0x1d: {  	[tilespmem:s23+$0x5840] =	vst v0  }
0x1e: {  	[tilespmem:s23+$0x5850] =	vst v0  }
0x1f: {  	[tilespmem:s23+$0x5860] =	vst v0;
	s23 =	sshra.s32 s24, $0x2;
	s24 =	sadd.s32 $0x200, s24  }
0x20: {  	[tilespmem:s23+$0x5870] =	vst v0  }
0x21: {  	[tilespmem:s23+$0x5800] =	vst v0  }
0x22: {  	[tilespmem:s23+$0x5810] =	vst v0  }
0x23: {  	[tilespmem:s23+$0x5820] =	vst v0  }
0x24: {  	[tilespmem:s23+$0x5830] =	vst v0  }
0x25: {  	[tilespmem:s23+$0x5840] =	vst v0  }
0x26: {  	[tilespmem:s23+$0x5850] =	vst v0  }
0x27: {  	[tilespmem:s23+$0x5860] =	vst v0  }
0x28: {  	[spmem:s5] =	stream.linear.scatter [tilespmem:s16], [sflag:$0x3], $0x4000, $0x38;
	[tilespmem:$0x1D800] =	vst v63  }
0x29: {  	_ =	swait.ge [sflag:s14], $0x4000  }
0x2a: {  	[sflag:s14] =	ssyncset.done $0x0  }
0x2b: {  	[sflag:s14] =	ssyncadd.s32 $0xFFFFC000  }
0x2c: {  	[spmem:s8] =	stream.linear.scatter [tilespmem:s16], [sflag:$0x3], $0x4000, $0x38;
	[tilespmem:$0x1D800] =	vst v63  }
0x2d: {  	_ =	swait.ge [sflag:s14], $0x4000  }
0x2e: {  	[sflag:s14] =	ssyncset.done $0x0  }
0x2f: {  	[sflag:s14] =	ssyncadd.s32 $0xFFFFC000  }
0x30: {  	[spmem:s9] =	stream.linear.scatter [tilespmem:s16], [sflag:$0x3], $0x4000, $0x38;
	[tilespmem:$0x1D800] =	vst v63  }
0x31: {  	_ =	swait.ge [sflag:s14], $0x4000  }
0x32: {  	[sflag:s14] =	ssyncset.done $0x0  }
0x33: {  	[sflag:s14] =	ssyncadd.s32 $0xFFFFC000  }
0x34: {  	[spmem:s10] =	stream.linear.scatter [tilespmem:s16], [sflag:$0x3], $0x4000, $0x38;
	[tilespmem:$0x1D800] =	vst v63  }
0x35: {  	_ =	swait.ge [sflag:s14], $0x4000  }
0x36: {  	[sflag:s14] =	ssyncset.done $0x0  }
0x37: {  	[sflag:s14] =	ssyncadd.s32 $0xFFFFC000  }
0x38: {  	[spmem:s11] =	stream.linear.scatter [tilespmem:s16], [sflag:$0x3], $0x4000, $0x38;
	[tilespmem:$0x1D800] =	vst v63  }
0x39: {  	_ =	swait.ge [sflag:s14], $0x4000  }
0x3a: {  	[sflag:s14] =	ssyncset.done $0x0  }
0x3b: {  	[sflag:s14] =	ssyncadd.s32 $0xFFFFC000  }
0x3c: {  	s30 =	simm.s32 $0x0;
	[bflag:$0x0] =	sbarrier.arrive $0xFFFF  }
0x3d: {  	[tilespmem:s16], [sflag:$0x1] =	stream.indirect.gather [hbm4b:s4+s17], $0x80, s30, s17, $0xb8;
	[tilespmem:$0x1D800] =	vst v63  }
0x3e: {  	_ =	swait.ge [sflag:s18], $0x4000  }
0x3f: {  	[sflag:s18] =	ssyncset.done $0x0  }
0x40: {  	s31 =	simm.s32 $0x2C00;
	[sflag:s18] =	ssyncadd.s32 $0xFFFFC000  }
0x41: {  	[spmem:s2] =	stream.indirect.scatter.add.f32 [tilespmem:s16], [sflag:$0x2], $0x80, s31, s17, $0xb8;
	[tilespmem:$0x1D800] =	vst v63  }
0x42: {  	_ =	swait.ge [sflag:s19], $0x4000  }
0x43: {  	s23 =	simm.s32 $0x200;
	s24 =	simm.s32 $0x400;
	[sflag:s19] =	ssyncset.done $0x0  }
.LBB2_4:
0x44: {  	s25 =	sshra.s32 s23, $0x2  }
0x45: {  	[sflag:s19] =	ssyncadd.s32 $0xFFFFC000;
	s23 =	smov.u32 s24;
	s26 =	sadd.s32 $0x200, s24  }
0x46: {  	[tilespmem:s16], [sflag:$0x1] =	stream.indirect.gather [hbm4b:s4+s17], $0x80, s25, s17, $0xb8;
	[tilespmem:$0x1D800] =	vst v63  }
0x47: {  	p0 =	sne.s32 s24, $0xA000;
	_ =	swait.ge [sflag:s18], $0x4000  }
.Ltmp1:
0x48: {  	[sflag:s18] =	ssyncset.done $0x0;
	(pc) =	sbr.rel @p0 .LBB2_4-.Ltmp1, $4  }
0x49: {  	s24 =	sadd.s32 $0x2C00, s25;
	[sflag:s18] =	ssyncadd.s32 $0xFFFFC000  }
0x4a: {  	[spmem:s2] =	stream.indirect.scatter.add.f32 [tilespmem:s16], [sflag:$0x2], $0x80, s24, s17, $0xb8;
	[tilespmem:$0x1D800] =	vst v63  }
0x4b: {  	_ =	swait.ge [sflag:s19], $0x4000  }
0x4c: {  	s24 =	smov.u32 s26;
	[sflag:s19] =	ssyncset.done $0x0  }
0x4d: {  	s23 =	sshra.s32 s23, $0x2;
	[sflag:s19] =	ssyncadd.s32 $0xFFFFC000  }
0x4e: {  	[tilespmem:s16], [sflag:$0x1] =	stream.indirect.gather [hbm4b:s4+s17], $0x80, s23, s17, $0xb8;
	[tilespmem:$0x1D800] =	vst v63  }
0x4f: {  	_ =	swait.ge [sflag:s18], $0x4000  }
0x50: {  	[sflag:s18] =	ssyncset.done $0x0  }
0x51: {  	s23 =	sadd.s32 $0x2C00, s23;
	[sflag:s18] =	ssyncadd.s32 $0xFFFFC000  }
0x52: {  	[spmem:s2] =	stream.indirect.scatter.add.f32 [tilespmem:s16], [sflag:$0x2], $0x80, s23, s17, $0xb8;
	[tilespmem:$0x1D800] =	vst v63  }
0x53: {  	_ =	swait.ge [sflag:s19], $0x4000  }
0x54: {  	s22 =	sadd.s32 $0x1, s22;
	[sflag:s19] =	ssyncset.done $0x0  }
0x55: {  	p0 =	sne.s32 s22, s13;
	[sflag:s19] =	ssyncadd.s32 $0xFFFFC000  }
.Ltmp2:
0x56: {  	[bflag:$0x0] =	sbarrier.arrive $0xFFFF;
	(pc) =	sbr.rel @p0 .LBB2_1-.Ltmp2, $4  }
0x57: {  	[hbm:s12], [sflag:s20] =	dma.local [spmem:s21], $0x2800  }
0x58: {  	_ =	swait.ge [sflag:s14], $0x2800  }
0x59: {  	[sflag:s14] =	ssyncset.done $0x0  }
0x5a: {  	[sflag:s14] =	ssyncadd.s32 $0xFFFFD800  }
0x5b: {  	_ =	sfence.sel $0x180000  }
0x5c: {  	[bflag:$0x0] =	sbarrier.arrive $0xFFFF  }
0x5d: {  	p0 =	sne.s32 s0, $0x0;
	_ =	strace $0x90000053  }
0x5e: {  	s0 =	sadd.s32 @!p0 $0x100000, s1;
	[bflag:$0x2] =	sbarrier.arrive $0xFFFF  }
0x5f: {  	[sflag:s0] =	ssyncadd.tile.s32 @!p0 $0x1;
	_ =	shalt  }
.Lfunc_end2:
_tile_overlayer_lowered:
.L_overlay_start_2:
0x60: {  	(tag) =	ssettag $0x2  }
0x61: {  	s0 =	rddreg [dreg:$0x0];
	s2 =	stileid.u32  }
0x62: {  	s1 =	rddreg [dreg:$0x1];
	p0 =	sne.s32 s2, $0x0  }
0x63: {  	s3 =	rddreg [dreg:$0x2];
	[bflag:$0x3] =	sbarrier.arrive $0xFFFF;
	s2 =	simm.s32 @!p0 $0x1C03  }
0x64: {  	[timem:s3], [sflag:s2] =	dma.local @!p0 [hbm:s0], s1  }
0x65: {  	s0 =	simm.s32 @!p0 $0x3  }
0x66: {  	_ =	swait.ge @!p0 [sflag:s0], s1  }
0x67: {  	s1 =	ssub.s32 @!p0 $0x0, s1;
	[sflag:s0] =	ssyncset.done @!p0 $0x0  }
0x68: {  	[sflag:s0] =	ssyncadd.s32 @!p0 s1  }
0x69: {  	[bflag:$0x3] =	sbarrier.arrive $0xFFFF  }
0x6a: {  	_ =	shalt  }

// kernel: kernel.32.cloned.1.call-start
scs
__scs_entry_jumppad:
0x0: {  	(pc) =	sbr.rel $0x88, $3  }
0x1: {  	(tag) =	ssettag $0x0;
	lr =	simm.s32 $0x1  }
0x2: {  	[smem:$0x3F7F] =	sst lr;
	_ =	strace $0xD0000000  }
0x3: {  	_ = 	snop  }
0x4: {  	_ = 	snop  }
0x5: {  	_ = 	snop  }
0x6: {  	_ = 	snop  }
0x7: {  	_ = 	snop  }
__scs_overlays_trampoline_lowered:
0x8: {  	[smem:$0x3F8E] =	sst s0  }
0x9: {  	[smem:$0x3F8F] =	sst s1  }
0xa: {  	[smem:$0x3F90] =	sst s2  }
0xb: {  	[smem:$0x3F91] =	sst s3  }
0xc: {  	[smem:$0x3F92] =	sst s4  }
0xd: {  	[smem:$0x3F93] =	sst s5  }
0xe: {  	[smem:$0x3F94] =	sst s6  }
0xf: {  	[smem:$0x3F95] =	sst s7  }
0x10: {  	[smem:$0x3F96] =	sst s8  }
0x11: {  	[smem:$0x3F97] =	sst s9;
	s0 =	simm.s32 @!p0 $0x0  }
0x12: {  	s1 =	sld [smem:$0x3F7D];
	s0 =	simm.s32 @p0 $0x1  }
0x13: {  	[smem:$0x3F98] =	sst s0;
	s0 =	simm.s32 @!p1 $0x0  }
0x14: {  	s2 =	sld [smem:$0x3F7C];
	s0 =	simm.s32 @p1 $0x1  }
0x15: {  	[smem:$0x3F99] =	sst s0;
	s0 =	simm.s32 @!p2 $0x0  }
0x16: {  	s3 =	sld [smem:$0x3FDB];
	s0 =	simm.s32 @p2 $0x1  }
0x17: {  	s4 =	simm.s32 $0x1BF5;
	[smem:$0x3F9B] =	sst s0  }
0x18: {  	s0 =	sld [smem:$0x3F7E];
	_ =	swait.ge [sflag:s4], $0x0  }
0x19: {  	s7 =	sld [smem:$0x3F7F]  }
0x1a: {  	s8 =	sadd.s32 $0xFFFFE003, lr  }
0x1b: {  	s9 =	sadd.s32 $0xFFFFFEF7, lr;
	s5 =	simm.s32 $0xFFFFFFFF;
	p2 =	slt.u32 s8, $0xFFFFF086  }
0x1c: {  	p1 =	slt.u32 s9, $0xF7A;
	s5 =	simm.s32 @!p2 $0x0  }
0x1d: {  	s5 =	simm.s32 @p1 $0x1;
	p0 =	seq.s32 s7, s2  }
0x1e: {  	s7 =	smul.u32 @!p0 $0xF7A, s2;
	p2 =	seq.s32 @!p0 s5, $0x0  }
0x1f: {  	s9 =	smul.u32 $0xF7A, s1;
	s8 =	simm.s32 @!p0 $0x1BF5;
	p2 =	por !p2, p0  }
0x20: {  	[sflag:s8] =	ssyncset.s32 @!p0 $0xFFFFF086;
	s6 =	sadd.s32 @!p0 s3, s7;
	s7 =	simm.s32 @!p0 $0x108  }
0x21: {  	s3 =	sadd.s32 s3, s9;
	s6 =	sadd.s32 @!p0 $0x88, s6;
	s7 =	simm.s32 @p2 $0x1082  }
0x22: {  	[simem:s7], [sflag:s8] =	dma.local @!p0 [hbm:s6], $0xF7A  }
0x23: {  	s9 =	sor.u32 $0xD0000000, s2;
	s6 =	simm.s32 $0x108;
	_ =	swait.ge @!p0 [sflag:s8], $0x0  }
0x24: {  	s3 =	sadd.s32 $0x88, s3;
	s6 =	simm.s32 @!p1 $0x1082;
	[sflag:s4] =	ssyncset.s32 $0xFFFFF086  }
0x25: {  	[simem:s6], [sflag:s4] =	dma.local [hbm:s3], $0xF7A  }
0x26: {  	[smem:$0x3F7F] =	sst s1;
	(tag) =	ssettag s2;
	_ =	strace s9  }
0x27: {  	s1 =	sld [smem:$0x3F8F]  }
0x28: {  	s2 =	sld [smem:$0x3F90]  }
0x29: {  	s4 =	sld [smem:$0x3F92]  }
0x2a: {  	p0 =	seq.s32 s5, $0x0;
	s5 =	sld [smem:$0x3F93]  }
0x2b: {  	s6 =	sld [smem:$0x3F94]  }
0x2c: {  	s7 =	sld [smem:$0x3F95]  }
0x2d: {  	s3 =	simm.s32 $0x108;
	s8 =	sld [smem:$0x3F96]  }
0x2e: {  	s3 =	simm.s32 @!p0 $0x1082;
	s9 =	sld [smem:$0x3F97]  }
0x2f: {  	lr =	sadd.s32 s0, s3;
	s0 =	sld [smem:$0x3F8E]  }
0x30: {  	s3 =	sld [smem:$0x3F91]  }
0x31: {  	[smem:$0x3F9A] =	sst s10  }
0x32: {  	s10 =	sld [smem:$0x3F98];
	_ =	sdelay $0x3  }
0x33: {  	p0 =	seq.s32 s10, $0x1;
	s10 =	sld [smem:$0x3F9A];
	_ =	sdelay $0x3  }
0x34: {  	[smem:$0x3F9A] =	sst s10  }
0x35: {  	s10 =	sld [smem:$0x3F99];
	_ =	sdelay $0x3  }
0x36: {  	p1 =	seq.s32 s10, $0x1;
	s10 =	sld [smem:$0x3F9A];
	_ =	sdelay $0x3  }
0x37: {  	[smem:$0x3F9A] =	sst s10  }
0x38: {  	s10 =	sld [smem:$0x3F9B]  }
0x39: {  	_ = 	snop;
	(pc) =	sbr.ind lr, $3  }
0x3a: {  	_ = 	snop  }
0x3b: {  	_ = 	snop  }
0x3c: {  	p2 =	seq.s32 s10, $0x1;
	s10 =	sld [smem:$0x3F9A]  }
0x3d: {  	_ =	shalt  }
0x3e: {  	_ =	shalt  }
0x3f: {  	_ =	shalt  }
0x40: {  	_ =	shalt  }
0x41: {  	_ =	shalt  }
0x42: {  	_ =	shalt  }
0x43: {  	_ =	shalt  }
0x44: {  	_ =	shalt  }
0x45: {  	_ =	shalt  }
0x46: {  	_ =	shalt  }
0x47: {  	_ =	shalt  }
0x48: {  	_ =	shalt  }
0x49: {  	_ =	shalt  }
0x4a: {  	_ =	shalt  }
0x4b: {  	_ =	shalt  }
0x4c: {  	_ =	shalt  }
0x4d: {  	_ =	shalt  }
0x4e: {  	_ =	shalt  }
0x4f: {  	_ =	shalt  }
0x50: {  	_ =	shalt  }
0x51: {  	_ =	shalt  }
0x52: {  	_ =	shalt  }
0x53: {  	_ =	shalt  }
0x54: {  	_ =	shalt  }
0x55: {  	_ =	shalt  }
0x56: {  	_ =	shalt  }
0x57: {  	_ =	shalt  }
0x58: {  	_ =	shalt  }
0x59: {  	_ =	shalt  }
0x5a: {  	_ =	shalt  }
0x5b: {  	_ =	shalt  }
0x5c: {  	_ =	shalt  }
0x5d: {  	_ =	shalt  }
0x5e: {  	_ =	shalt  }
0x5f: {  	_ =	shalt  }
0x60: {  	_ =	shalt  }
0x61: {  	_ =	shalt  }
0x62: {  	_ =	shalt  }
0x63: {  	_ =	shalt  }
0x64: {  	_ =	shalt  }
0x65: {  	_ =	shalt  }
0x66: {  	_ =	shalt  }
0x67: {  	_ =	shalt  }
0x68: {  	_ =	shalt  }
0x69: {  	_ =	shalt  }
0x6a: {  	_ =	shalt  }
0x6b: {  	_ =	shalt  }
0x6c: {  	_ =	shalt  }
0x6d: {  	_ =	shalt  }
0x6e: {  	_ =	shalt  }
0x6f: {  	_ =	shalt  }
0x70: {  	_ =	shalt  }
0x71: {  	_ =	shalt  }
0x72: {  	_ =	shalt  }
0x73: {  	_ =	shalt  }
0x74: {  	_ =	shalt  }
0x75: {  	_ =	shalt  }
0x76: {  	_ =	shalt  }
0x77: {  	_ =	shalt  }
0x78: {  	_ =	shalt  }
0x79: {  	_ =	shalt  }
0x7a: {  	_ =	shalt  }
0x7b: {  	_ =	shalt  }
0x7c: {  	_ =	shalt  }
0x7d: {  	_ =	shalt  }
0x7e: {  	_ =	shalt  }
0x7f: {  	_ =	shalt  }
0x80: {  	_ =	shalt  }
0x81: {  	_ =	shalt  }
0x82: {  	_ =	shalt  }
0x83: {  	_ =	shalt  }
0x84: {  	_ =	shalt  }
0x85: {  	_ =	shalt  }
0x86: {  	_ =	shalt  }
0x87: {  	_ =	shalt  }
.Lfunc_end0:
.L_simem_size_0:
called_computation.5_lowered:
.L_overlay_start_0:
0x88: {  	s2 =	sld [smem:$0x3FD9]  }
0x89: {  	s3 =	sld [smem:$0x3FFE];
	_ =	sdelay $0x1  }
0x8a: {  	s1 =	srdreg.scid  }
0x8b: {  	s0 =	sand.u32 $0x1, s1  }
0x8c: {  	s16 =	sshll.u32 s0, $0xA;
	s2 =	sadd.s32 s3, s2  }
0x8d: {  	s2 =	sadd.s32 s2, s16  }
0x8e: {  	[smem:$0x3FA6] =	sst s2  }
0x8f: {  	_ = 	snop  }
0x90: {  	(tm) =	ssettm $0x1  }
0x91: {  	s17 =	sld [smem:$0x3FFB];
	_ =	sdelay $0x3  }
0x92: {  	_ =	strace s17  }
0x93: {  	s2 =	sld [smem:$0x3FFC];
	_ =	sdelay $0x3  }
0x94: {  	_ =	strace s2  }
0x95: {  	s2 =	sld [smem:$0x3FFD];
	_ =	sdelay $0x3  }
0x96: {  	_ =	strace s2  }
0x97: {  	_ =	strace $0x8FFFFFFF  }
0x98: {  	s18 =	sld [smem:$0x3FDB];
	_ =	sdelay $0x1  }
0x99: {  	s19 =	simm.s32 $_scs_section_size  }
0x9a: {  	s4 =	simm.s32 $_size__tile_overlayer_lowered;
	s5 =	simm.s32 $_tile_overlayer_lowered  }
0x9b: {  	s22 =	simm.s32 $0x1BFF;
	s21 =	sshll.u32 s5, $0x1;
	s2 =	sadd.s32 s19, s18  }
0x9c: {  	s6 =	simm.s32 $0x0;
	s20 =	sshll.u32 s4, $0x1;
	s4 =	sadd.s32 s21, s2  }
0x9d: {  	[timem:s6], [sflag:s22] =	dma.local [hbm:s4], s20  }
0x9e: {  	_ =	swait.ge [sflag:s22], s20  }
0x9f: {  	s3 =	ssub.s32 $0x0, s20;
	[sflag:s22] =	ssyncset.done $0x0  }
0xa0: {  	[sflag:s22] =	ssyncadd.s32 s3;
	_ =	sdelay $0x1  }
0xa1: {  	s23 =	simm.s32 $0x1B8B  }
0xa2: {  	_ =	swait.ge [sflag:s23], $0x1  }
0xa3: {  	[sflag:s23] =	ssyncset.done $0x0  }
0xa4: {  	s25 =	simm.s32 $0x1B8E;
	s24 =	sld [smem:$0x3FFE];
	[sflag:s23] =	ssyncadd.s32 $0xFFFFFFFF  }
0xa5: {  	s26 =	simm.s32 $execute0_lowered;
	[smem:$0x3FD2] =	sst s25  }
0xa6: {  	s4 =	sshll.u32 s26, $0x1;
	_ =	strace $0x80000055;
	[dreg:$0x1] =	wrdreg $0xFFFFFFFF  }
0xa7: {  	s28 =	simm.s32 $_size_execute0_lowered;
	s2 =	sadd.s32 s2, s4;
	[dreg:$0x0] =	wrdreg $0x0  }
0xa8: {  	s4 =	sshll.u32 s28, $0x1;
	[dreg:$0x2] =	wrdreg s2  }
0xa9: {  	[dreg:$0x3] =	wrdreg s4  }
0xaa: {  	[dreg:$0x4] =	wrdreg $0xC0  }
0xab: {  	_ =	task [dreg:s6], $0x5FFFF  }
0xac: {  	[dreg:$0x1] =	wrdreg $0xFFFFFFFF  }
0xad: {  	[dreg:$0x0] =	wrdreg $0x60  }
0xae: {  	[dreg:$0x2] =	wrdreg s24  }
0xaf: {  	[dreg:$0x3] =	wrdreg $0x98000  }
0xb0: {  	[dreg:$0x4] =	wrdreg $0x9  }
0xb1: {  	_ =	task.clear_ibuf [dreg:s6], $0x5FFFF;
	_ =	strace $0x90000055  }
0xb2: {  	s29 =	simm.s32 $0x9;
	_ =	strace $0x80000057  }
0xb3: {  	_ =	swait.ge [sflag:s29], $0x1  }
0xb4: {  	[sflag:s29] =	ssyncadd.s32 $0xFFFFFFFF  }
0xb5: {  	_ =	strace $0x90000057  }
0xb6: {  	_ =	sfence  }
0xb7: {  	s30 =	sld [smem:$0x0];
	_ =	sdelay $0x2  }
0xb8: {  	s31 =	sshll.u32 s1, $0xD;
	s1 =	sshrl.u32 s1, $0x2  }
0xb9: {  	s3 =	sand.u32 $0x4000, s31;
	s1 =	sadd.s32 s1, s30  }
0xba: {  	s0 =	sor.u32 s3, s0;
	s1 =	sshll.u32 s1, $0x11  }
0xbb: {  	s0 =	sor.u32 s1, s0  }
0xbc: {  	s0 =	sadd.s32 $0x8F2B, s0  }
0xbd: {  	[sflag:s0] =	ssyncadd.remote.s32 $0x1  }
0xbe: {  	_ =	sfence.sel $0xFFFF  }
0xbf: {  	[dreg:$0x0] =	wrdreg $0xFFFFFFFF;
	(pc) =	sbr.abs _section_cstart, $3  }
0xc0: {  	[dreg:$0x1] =	wrdreg $0xFFFFFFFF  }
0xc1: {  	_ =	task.clear_ibuf [dreg:s6], $0x2FFFF;
	_ =	strace $0x9FFFFFFF  }
0xc2: {  	(tm) =	ssettm $0x7FFFFFFF  }
0xc3: {  	_ =	shalt  }
tec
execute0_lowered:
.L_overlay_start_1:
0x0: {  	(tag) =	ssettag $0x1  }
0x1: {  	s6 =	rddreg [dreg:$0x0]  }
0x2: {  	s0 =	srdreg.scid;
	s2 =	rddreg [dreg:$0x1];
	s3 =	simm.s32 $0x0  }
0x3: {  	s14 =	simm.s32 $0x3;
	s15 =	simm.s32 $0x2C00;
	s16 =	simm.s32 $0x5800  }
0x4: {  	s17 =	simm.s32 $0x80;
	s18 =	simm.s32 $0x1;
	s5 =	sand.u32 $0x1, s0  }
0x5: {  	s19 =	simm.s32 $0x2;
	s0 =	stileid.u32;
	s8 =	smul.u32 $0x140000, s5  }
0x6: {  	s22 =	simm.s32 $0x0;
	[smem:$0x7FF] =	sst s3;
	s9 =	smul.u32 $0x14000, s0  }
0x7: {  	s4 =	sadd.s32 $0x8000, s6;
	s1 =	sshll.u32 s5, $0x4;
	s10 =	smul.u32 $0x50000, s0  }
0x8: {  	s5 =	ssub.s32 $0x2, s5;
	s20 =	sshll.u32 s0, $0x6;
	s1 =	sor.u32 s0, s1  }
0x9: {  	s31 =	sshrl.u32 s5, $0x1;
	s20 =	sor.u32 $0x1C03, s20;
	s7 =	smul.u32 $0x580, s1  }
0xa: {  	s1 =	rddreg [dreg:$0x2];
	_ =	strace $0x80000056;
	s8 =	sadd.s32 s9, s8  }
0xb: {  	s10 =	sshrl.u32 s10, $0x2;
	s13 =	ssub.s32 s5, s31;
	s8 =	sshrl.u32 s8, $0x3  }
0xc: {  	s5 =	sadd.s32 s10, s2;
	s13 =	smax.u32 s13, $0x1;
	s7 =	sadd.s32 s7, s6  }
0xd: {  	s12 =	sadd.s32 s8, s6;
	s8 =	sadd.s32 $0x4000, s5;
	s9 =	sadd.s32 $0x8000, s5  }
0xe: {  	s10 =	sadd.s32 $0xC000, s5;
	s11 =	sadd.s32 $0x10000, s5;
	s21 =	sshrl.u32 s5, $0x3  }
0xf: {  	v0 =	vimm.f32 $0.0e+00;
	s6 =	sadd.s32 $0xDCE00, s7;
	s7 =	sadd.s32 $0x61000, s7;
	s12 =	sadd.s32 $0x6C000, s12  }
.LBB2_1:
0x10: {  	[tilespmem:s3], [sflag:$0x3] =	stream.linear.gather [hbm4b:s6+s3], $0x2880, $0x38;
	[tilespmem:$0x1D800] =	vst v63  }
0x11: {  	_ =	swait.ge [sflag:s14], $0x2880  }
0x12: {  	[sflag:s14] =	ssyncset.done $0x0  }
0x13: {  	[sflag:s14] =	ssyncadd.s32 $0xFFFFD780  }
0x14: {  	[tilespmem:s15], [sflag:$0x3] =	stream.linear.gather [hbm4b:s7+s3], $0x2880, $0x38;
	[tilespmem:$0x1D800] =	vst v63  }
0x15: {  	_ =	swait.ge [sflag:s14], $0x2880  }
0x16: {  	[sflag:s14] =	ssyncset.done $0x0  }
0x17: {  	s23 =	simm.s32 $0x0;
	s24 =	simm.s32 $0x200;
	[sflag:s14] =	ssyncadd.s32 $0xFFFFD780  }
.LBB2_2:
0x18: {  	p0 =	sne.s32 s24, $0xFE00;
	[tilespmem:s23+$0x5870] =	vst v0  }
0x19: {  	[tilespmem:s23+$0x5800] =	vst v0  }
0x1a: {  	[tilespmem:s23+$0x5810] =	vst v0  }
.Ltmp0:
0x1b: {  	[tilespmem:s23+$0x5820] =	vst v0;
	(pc) =	sbr.rel @p0 .LBB2_2-.Ltmp0, $4  }
0x1c: {  	[tilespmem:s23+$0x5830] =	vst v0  }
0x1d: {  	[tilespmem:s23+$0x5840] =	vst v0  }
0x1e: {  	[tilespmem:s23+$0x5850] =	vst v0  }
0x1f: {  	[tilespmem:s23+$0x5860] =	vst v0;
	s23 =	sshra.s32 s24, $0x2;
	s24 =	sadd.s32 $0x200, s24  }
0x20: {  	[tilespmem:s23+$0x5870] =	vst v0  }
0x21: {  	[tilespmem:s23+$0x5800] =	vst v0  }
0x22: {  	[tilespmem:s23+$0x5810] =	vst v0  }
0x23: {  	[tilespmem:s23+$0x5820] =	vst v0  }
0x24: {  	[tilespmem:s23+$0x5830] =	vst v0  }
0x25: {  	[tilespmem:s23+$0x5840] =	vst v0  }
0x26: {  	[tilespmem:s23+$0x5850] =	vst v0  }
0x27: {  	[tilespmem:s23+$0x5860] =	vst v0  }
0x28: {  	[spmem:s5] =	stream.linear.scatter [tilespmem:s16], [sflag:$0x3], $0x4000, $0x38;
	[tilespmem:$0x1D800] =	vst v63  }
0x29: {  	_ =	swait.ge [sflag:s14], $0x4000  }
0x2a: {  	[sflag:s14] =	ssyncset.done $0x0  }
0x2b: {  	[sflag:s14] =	ssyncadd.s32 $0xFFFFC000  }
0x2c: {  	[spmem:s8] =	stream.linear.scatter [tilespmem:s16], [sflag:$0x3], $0x4000, $0x38;
	[tilespmem:$0x1D800] =	vst v63  }
0x2d: {  	_ =	swait.ge [sflag:s14], $0x4000  }
0x2e: {  	[sflag:s14] =	ssyncset.done $0x0  }
0x2f: {  	[sflag:s14] =	ssyncadd.s32 $0xFFFFC000  }
0x30: {  	[spmem:s9] =	stream.linear.scatter [tilespmem:s16], [sflag:$0x3], $0x4000, $0x38;
	[tilespmem:$0x1D800] =	vst v63  }
0x31: {  	_ =	swait.ge [sflag:s14], $0x4000  }
0x32: {  	[sflag:s14] =	ssyncset.done $0x0  }
0x33: {  	[sflag:s14] =	ssyncadd.s32 $0xFFFFC000  }
0x34: {  	[spmem:s10] =	stream.linear.scatter [tilespmem:s16], [sflag:$0x3], $0x4000, $0x38;
	[tilespmem:$0x1D800] =	vst v63  }
0x35: {  	_ =	swait.ge [sflag:s14], $0x4000  }
0x36: {  	[sflag:s14] =	ssyncset.done $0x0  }
0x37: {  	[sflag:s14] =	ssyncadd.s32 $0xFFFFC000  }
0x38: {  	[spmem:s11] =	stream.linear.scatter [tilespmem:s16], [sflag:$0x3], $0x4000, $0x38;
	[tilespmem:$0x1D800] =	vst v63  }
0x39: {  	_ =	swait.ge [sflag:s14], $0x4000  }
0x3a: {  	[sflag:s14] =	ssyncset.done $0x0  }
0x3b: {  	[sflag:s14] =	ssyncadd.s32 $0xFFFFC000  }
0x3c: {  	s30 =	simm.s32 $0x0;
	[bflag:$0x0] =	sbarrier.arrive $0xFFFF  }
0x3d: {  	[tilespmem:s16], [sflag:$0x1] =	stream.indirect.gather [hbm4b:s4+s17], $0x80, s30, s17, $0xb8;
	[tilespmem:$0x1D800] =	vst v63  }
0x3e: {  	_ =	swait.ge [sflag:s18], $0x4000  }
0x3f: {  	[sflag:s18] =	ssyncset.done $0x0  }
0x40: {  	s31 =	simm.s32 $0x2C00;
	[sflag:s18] =	ssyncadd.s32 $0xFFFFC000  }
0x41: {  	[spmem:s2] =	stream.indirect.scatter.add.f32 [tilespmem:s16], [sflag:$0x2], $0x80, s31, s17, $0xb8;
	[tilespmem:$0x1D800] =	vst v63  }
0x42: {  	_ =	swait.ge [sflag:s19], $0x4000  }
0x43: {  	s23 =	simm.s32 $0x200;
	s24 =	simm.s32 $0x400;
	[sflag:s19] =	ssyncset.done $0x0  }
.LBB2_4:
0x44: {  	s25 =	sshra.s32 s23, $0x2  }
0x45: {  	[sflag:s19] =	ssyncadd.s32 $0xFFFFC000;
	s23 =	smov.u32 s24;
	s26 =	sadd.s32 $0x200, s24  }
0x46: {  	[tilespmem:s16], [sflag:$0x1] =	stream.indirect.gather [hbm4b:s4+s17], $0x80, s25, s17, $0xb8;
	[tilespmem:$0x1D800] =	vst v63  }
0x47: {  	p0 =	sne.s32 s24, $0xA000;
	_ =	swait.ge [sflag:s18], $0x4000  }
.Ltmp1:
0x48: {  	[sflag:s18] =	ssyncset.done $0x0;
	(pc) =	sbr.rel @p0 .LBB2_4-.Ltmp1, $4  }
0x49: {  	s24 =	sadd.s32 $0x2C00, s25;
	[sflag:s18] =	ssyncadd.s32 $0xFFFFC000  }
0x4a: {  	[spmem:s2] =	stream.indirect.scatter.add.f32 [tilespmem:s16], [sflag:$0x2], $0x80, s24, s17, $0xb8;
	[tilespmem:$0x1D800] =	vst v63  }
0x4b: {  	_ =	swait.ge [sflag:s19], $0x4000  }
0x4c: {  	s24 =	smov.u32 s26;
	[sflag:s19] =	ssyncset.done $0x0  }
0x4d: {  	s23 =	sshra.s32 s23, $0x2;
	[sflag:s19] =	ssyncadd.s32 $0xFFFFC000  }
0x4e: {  	[tilespmem:s16], [sflag:$0x1] =	stream.indirect.gather [hbm4b:s4+s17], $0x80, s23, s17, $0xb8;
	[tilespmem:$0x1D800] =	vst v63  }
0x4f: {  	_ =	swait.ge [sflag:s18], $0x4000  }
0x50: {  	[sflag:s18] =	ssyncset.done $0x0  }
0x51: {  	s23 =	sadd.s32 $0x2C00, s23;
	[sflag:s18] =	ssyncadd.s32 $0xFFFFC000  }
0x52: {  	[spmem:s2] =	stream.indirect.scatter.add.f32 [tilespmem:s16], [sflag:$0x2], $0x80, s23, s17, $0xb8;
	[tilespmem:$0x1D800] =	vst v63  }
0x53: {  	_ =	swait.ge [sflag:s19], $0x4000  }
0x54: {  	s22 =	sadd.s32 $0x1, s22;
	[sflag:s19] =	ssyncset.done $0x0  }
0x55: {  	p0 =	sne.s32 s22, s13;
	[sflag:s19] =	ssyncadd.s32 $0xFFFFC000  }
.Ltmp2:
0x56: {  	[bflag:$0x0] =	sbarrier.arrive $0xFFFF;
	(pc) =	sbr.rel @p0 .LBB2_1-.Ltmp2, $4  }
0x57: {  	[hbm:s12], [sflag:s20] =	dma.local [spmem:s21], $0x2800  }
0x58: {  	_ =	swait.ge [sflag:s14], $0x2800  }
0x59: {  	[sflag:s14] =	ssyncset.done $0x0  }
0x5a: {  	[sflag:s14] =	ssyncadd.s32 $0xFFFFD800  }
0x5b: {  	_ =	sfence.sel $0x180000  }
0x5c: {  	[bflag:$0x0] =	sbarrier.arrive $0xFFFF  }
0x5d: {  	p0 =	sne.s32 s0, $0x0;
	_ =	strace $0x90000056  }
0x5e: {  	s0 =	sadd.s32 @!p0 $0x100000, s1;
	[bflag:$0x2] =	sbarrier.arrive $0xFFFF  }
0x5f: {  	[sflag:s0] =	ssyncadd.tile.s32 @!p0 $0x1;
	_ =	shalt  }
.Lfunc_end2:
_tile_overlayer_lowered:
.L_overlay_start_2:
0x60: {  	(tag) =	ssettag $0x2  }
0x61: {  	s0 =	rddreg [dreg:$0x0];
	s2 =	stileid.u32  }
0x62: {  	s1 =	rddreg [dreg:$0x1];
	p0 =	sne.s32 s2, $0x0  }
0x63: {  	s3 =	rddreg [dreg:$0x2];
	[bflag:$0x3] =	sbarrier.arrive $0xFFFF;
	s2 =	simm.s32 @!p0 $0x1C03  }
0x64: {  	[timem:s3], [sflag:s2] =	dma.local @!p0 [hbm:s0], s1  }
0x65: {  	s0 =	simm.s32 @!p0 $0x3  }
0x66: {  	_ =	swait.ge @!p0 [sflag:s0], s1  }
0x67: {  	s1 =	ssub.s32 @!p0 $0x0, s1;
	[sflag:s0] =	ssyncset.done @!p0 $0x0  }
0x68: {  	[sflag:s0] =	ssyncadd.s32 @!p0 s1  }
0x69: {  	[bflag:$0x3] =	sbarrier.arrive $0xFFFF  }
0x6a: {  	_ =	shalt  }

// kernel: kernel.35.cloned.1.call-start
scs
__scs_entry_jumppad:
0x0: {  	(pc) =	sbr.rel $0x88, $3  }
0x1: {  	(tag) =	ssettag $0x0;
	lr =	simm.s32 $0x1  }
0x2: {  	[smem:$0x3F7F] =	sst lr;
	_ =	strace $0xD0000000  }
0x3: {  	_ = 	snop  }
0x4: {  	_ = 	snop  }
0x5: {  	_ = 	snop  }
0x6: {  	_ = 	snop  }
0x7: {  	_ = 	snop  }
__scs_overlays_trampoline_lowered:
0x8: {  	[smem:$0x3F8E] =	sst s0  }
0x9: {  	[smem:$0x3F8F] =	sst s1  }
0xa: {  	[smem:$0x3F90] =	sst s2  }
0xb: {  	[smem:$0x3F91] =	sst s3  }
0xc: {  	[smem:$0x3F92] =	sst s4  }
0xd: {  	[smem:$0x3F93] =	sst s5  }
0xe: {  	[smem:$0x3F94] =	sst s6  }
0xf: {  	[smem:$0x3F95] =	sst s7  }
0x10: {  	[smem:$0x3F96] =	sst s8  }
0x11: {  	[smem:$0x3F97] =	sst s9;
	s0 =	simm.s32 @!p0 $0x0  }
0x12: {  	s1 =	sld [smem:$0x3F7D];
	s0 =	simm.s32 @p0 $0x1  }
0x13: {  	[smem:$0x3F98] =	sst s0;
	s0 =	simm.s32 @!p1 $0x0  }
0x14: {  	s2 =	sld [smem:$0x3F7C];
	s0 =	simm.s32 @p1 $0x1  }
0x15: {  	[smem:$0x3F99] =	sst s0;
	s0 =	simm.s32 @!p2 $0x0  }
0x16: {  	s3 =	sld [smem:$0x3FDB];
	s0 =	simm.s32 @p2 $0x1  }
0x17: {  	s4 =	simm.s32 $0x1BF5;
	[smem:$0x3F9B] =	sst s0  }
0x18: {  	s0 =	sld [smem:$0x3F7E];
	_ =	swait.ge [sflag:s4], $0x0  }
0x19: {  	s7 =	sld [smem:$0x3F7F]  }
0x1a: {  	s8 =	sadd.s32 $0xFFFFE003, lr  }
0x1b: {  	s9 =	sadd.s32 $0xFFFFFEF7, lr;
	s5 =	simm.s32 $0xFFFFFFFF;
	p2 =	slt.u32 s8, $0xFFFFF086  }
0x1c: {  	p1 =	slt.u32 s9, $0xF7A;
	s5 =	simm.s32 @!p2 $0x0  }
0x1d: {  	s5 =	simm.s32 @p1 $0x1;
	p0 =	seq.s32 s7, s2  }
0x1e: {  	s7 =	smul.u32 @!p0 $0xF7A, s2;
	p2 =	seq.s32 @!p0 s5, $0x0  }
0x1f: {  	s9 =	smul.u32 $0xF7A, s1;
	s8 =	simm.s32 @!p0 $0x1BF5;
	p2 =	por !p2, p0  }
0x20: {  	[sflag:s8] =	ssyncset.s32 @!p0 $0xFFFFF086;
	s6 =	sadd.s32 @!p0 s3, s7;
	s7 =	simm.s32 @!p0 $0x108  }
0x21: {  	s3 =	sadd.s32 s3, s9;
	s6 =	sadd.s32 @!p0 $0x88, s6;
	s7 =	simm.s32 @p2 $0x1082  }
0x22: {  	[simem:s7], [sflag:s8] =	dma.local @!p0 [hbm:s6], $0xF7A  }
0x23: {  	s9 =	sor.u32 $0xD0000000, s2;
	s6 =	simm.s32 $0x108;
	_ =	swait.ge @!p0 [sflag:s8], $0x0  }
0x24: {  	s3 =	sadd.s32 $0x88, s3;
	s6 =	simm.s32 @!p1 $0x1082;
	[sflag:s4] =	ssyncset.s32 $0xFFFFF086  }
0x25: {  	[simem:s6], [sflag:s4] =	dma.local [hbm:s3], $0xF7A  }
0x26: {  	[smem:$0x3F7F] =	sst s1;
	(tag) =	ssettag s2;
	_ =	strace s9  }
0x27: {  	s1 =	sld [smem:$0x3F8F]  }
0x28: {  	s2 =	sld [smem:$0x3F90]  }
0x29: {  	s4 =	sld [smem:$0x3F92]  }
0x2a: {  	p0 =	seq.s32 s5, $0x0;
	s5 =	sld [smem:$0x3F93]  }
0x2b: {  	s6 =	sld [smem:$0x3F94]  }
0x2c: {  	s7 =	sld [smem:$0x3F95]  }
0x2d: {  	s3 =	simm.s32 $0x108;
	s8 =	sld [smem:$0x3F96]  }
0x2e: {  	s3 =	simm.s32 @!p0 $0x1082;
	s9 =	sld [smem:$0x3F97]  }
0x2f: {  	lr =	sadd.s32 s0, s3;
	s0 =	sld [smem:$0x3F8E]  }
0x30: {  	s3 =	sld [smem:$0x3F91]  }
0x31: {  	[smem:$0x3F9A] =	sst s10  }
0x32: {  	s10 =	sld [smem:$0x3F98];
	_ =	sdelay $0x3  }
0x33: {  	p0 =	seq.s32 s10, $0x1;
	s10 =	sld [smem:$0x3F9A];
	_ =	sdelay $0x3  }
0x34: {  	[smem:$0x3F9A] =	sst s10  }
0x35: {  	s10 =	sld [smem:$0x3F99];
	_ =	sdelay $0x3  }
0x36: {  	p1 =	seq.s32 s10, $0x1;
	s10 =	sld [smem:$0x3F9A];
	_ =	sdelay $0x3  }
0x37: {  	[smem:$0x3F9A] =	sst s10  }
0x38: {  	s10 =	sld [smem:$0x3F9B]  }
0x39: {  	_ = 	snop;
	(pc) =	sbr.ind lr, $3  }
0x3a: {  	_ = 	snop  }
0x3b: {  	_ = 	snop  }
0x3c: {  	p2 =	seq.s32 s10, $0x1;
	s10 =	sld [smem:$0x3F9A]  }
0x3d: {  	_ =	shalt  }
0x3e: {  	_ =	shalt  }
0x3f: {  	_ =	shalt  }
0x40: {  	_ =	shalt  }
0x41: {  	_ =	shalt  }
0x42: {  	_ =	shalt  }
0x43: {  	_ =	shalt  }
0x44: {  	_ =	shalt  }
0x45: {  	_ =	shalt  }
0x46: {  	_ =	shalt  }
0x47: {  	_ =	shalt  }
0x48: {  	_ =	shalt  }
0x49: {  	_ =	shalt  }
0x4a: {  	_ =	shalt  }
0x4b: {  	_ =	shalt  }
0x4c: {  	_ =	shalt  }
0x4d: {  	_ =	shalt  }
0x4e: {  	_ =	shalt  }
0x4f: {  	_ =	shalt  }
0x50: {  	_ =	shalt  }
0x51: {  	_ =	shalt  }
0x52: {  	_ =	shalt  }
0x53: {  	_ =	shalt  }
0x54: {  	_ =	shalt  }
0x55: {  	_ =	shalt  }
0x56: {  	_ =	shalt  }
0x57: {  	_ =	shalt  }
0x58: {  	_ =	shalt  }
0x59: {  	_ =	shalt  }
0x5a: {  	_ =	shalt  }
0x5b: {  	_ =	shalt  }
0x5c: {  	_ =	shalt  }
0x5d: {  	_ =	shalt  }
0x5e: {  	_ =	shalt  }
0x5f: {  	_ =	shalt  }
0x60: {  	_ =	shalt  }
0x61: {  	_ =	shalt  }
0x62: {  	_ =	shalt  }
0x63: {  	_ =	shalt  }
0x64: {  	_ =	shalt  }
0x65: {  	_ =	shalt  }
0x66: {  	_ =	shalt  }
0x67: {  	_ =	shalt  }
0x68: {  	_ =	shalt  }
0x69: {  	_ =	shalt  }
0x6a: {  	_ =	shalt  }
0x6b: {  	_ =	shalt  }
0x6c: {  	_ =	shalt  }
0x6d: {  	_ =	shalt  }
0x6e: {  	_ =	shalt  }
0x6f: {  	_ =	shalt  }
0x70: {  	_ =	shalt  }
0x71: {  	_ =	shalt  }
0x72: {  	_ =	shalt  }
0x73: {  	_ =	shalt  }
0x74: {  	_ =	shalt  }
0x75: {  	_ =	shalt  }
0x76: {  	_ =	shalt  }
0x77: {  	_ =	shalt  }
0x78: {  	_ =	shalt  }
0x79: {  	_ =	shalt  }
0x7a: {  	_ =	shalt  }
0x7b: {  	_ =	shalt  }
0x7c: {  	_ =	shalt  }
0x7d: {  	_ =	shalt  }
0x7e: {  	_ =	shalt  }
0x7f: {  	_ =	shalt  }
0x80: {  	_ =	shalt  }
0x81: {  	_ =	shalt  }
0x82: {  	_ =	shalt  }
0x83: {  	_ =	shalt  }
0x84: {  	_ =	shalt  }
0x85: {  	_ =	shalt  }
0x86: {  	_ =	shalt  }
0x87: {  	_ =	shalt  }
.Lfunc_end0:
.L_simem_size_0:
called_computation.6_lowered:
.L_overlay_start_0:
0x88: {  	s2 =	sld [smem:$0x3FD9]  }
0x89: {  	s3 =	sld [smem:$0x3FFE];
	_ =	sdelay $0x1  }
0x8a: {  	s1 =	srdreg.scid  }
0x8b: {  	s0 =	sand.u32 $0x1, s1  }
0x8c: {  	s16 =	sshll.u32 s0, $0xA;
	s2 =	sadd.s32 s3, s2  }
0x8d: {  	s2 =	sadd.s32 s2, s16  }
0x8e: {  	[smem:$0x3FA6] =	sst s2  }
0x8f: {  	_ = 	snop  }
0x90: {  	(tm) =	ssettm $0x1  }
0x91: {  	s17 =	sld [smem:$0x3FFB];
	_ =	sdelay $0x3  }
0x92: {  	_ =	strace s17  }
0x93: {  	s2 =	sld [smem:$0x3FFC];
	_ =	sdelay $0x3  }
0x94: {  	_ =	strace s2  }
0x95: {  	s2 =	sld [smem:$0x3FFD];
	_ =	sdelay $0x3  }
0x96: {  	_ =	strace s2  }
0x97: {  	_ =	strace $0x8FFFFFFF  }
0x98: {  	s18 =	sld [smem:$0x3FDB];
	_ =	sdelay $0x1  }
0x99: {  	s19 =	simm.s32 $_scs_section_size  }
0x9a: {  	s4 =	simm.s32 $_size__tile_overlayer_lowered;
	s5 =	simm.s32 $_tile_overlayer_lowered  }
0x9b: {  	s22 =	simm.s32 $0x1BFF;
	s21 =	sshll.u32 s5, $0x1;
	s2 =	sadd.s32 s19, s18  }
0x9c: {  	s6 =	simm.s32 $0x0;
	s20 =	sshll.u32 s4, $0x1;
	s4 =	sadd.s32 s21, s2  }
0x9d: {  	[timem:s6], [sflag:s22] =	dma.local [hbm:s4], s20  }
0x9e: {  	_ =	swait.ge [sflag:s22], s20  }
0x9f: {  	s3 =	ssub.s32 $0x0, s20;
	[sflag:s22] =	ssyncset.done $0x0  }
0xa0: {  	[sflag:s22] =	ssyncadd.s32 s3;
	_ =	sdelay $0x1  }
0xa1: {  	s23 =	simm.s32 $0x1B8B  }
0xa2: {  	_ =	swait.ge [sflag:s23], $0x1  }
0xa3: {  	[sflag:s23] =	ssyncset.done $0x0  }
0xa4: {  	s25 =	simm.s32 $0x1B8E;
	s24 =	sld [smem:$0x3FFE];
	[sflag:s23] =	ssyncadd.s32 $0xFFFFFFFF  }
0xa5: {  	s26 =	simm.s32 $execute0_lowered;
	[smem:$0x3FD2] =	sst s25  }
0xa6: {  	s4 =	sshll.u32 s26, $0x1;
	_ =	strace $0x80000058;
	[dreg:$0x1] =	wrdreg $0xFFFFFFFF  }
0xa7: {  	s28 =	simm.s32 $_size_execute0_lowered;
	s2 =	sadd.s32 s2, s4;
	[dreg:$0x0] =	wrdreg $0x0  }
0xa8: {  	s4 =	sshll.u32 s28, $0x1;
	[dreg:$0x2] =	wrdreg s2  }
0xa9: {  	[dreg:$0x3] =	wrdreg s4  }
0xaa: {  	[dreg:$0x4] =	wrdreg $0xC0  }
0xab: {  	_ =	task [dreg:s6], $0x5FFFF  }
0xac: {  	[dreg:$0x1] =	wrdreg $0xFFFFFFFF  }
0xad: {  	[dreg:$0x0] =	wrdreg $0x60  }
0xae: {  	[dreg:$0x2] =	wrdreg s24  }
0xaf: {  	[dreg:$0x3] =	wrdreg $0x98000  }
0xb0: {  	[dreg:$0x4] =	wrdreg $0x9  }
0xb1: {  	_ =	task.clear_ibuf [dreg:s6], $0x5FFFF;
	_ =	strace $0x90000058  }
0xb2: {  	s29 =	simm.s32 $0x9;
	_ =	strace $0x8000005A  }
0xb3: {  	_ =	swait.ge [sflag:s29], $0x1  }
0xb4: {  	[sflag:s29] =	ssyncadd.s32 $0xFFFFFFFF  }
0xb5: {  	_ =	strace $0x9000005A  }
0xb6: {  	_ =	sfence  }
0xb7: {  	s30 =	sld [smem:$0x0];
	_ =	sdelay $0x2  }
0xb8: {  	s31 =	sshll.u32 s1, $0xD;
	s1 =	sshrl.u32 s1, $0x2  }
0xb9: {  	s3 =	sand.u32 $0x4000, s31;
	s1 =	sadd.s32 s1, s30  }
0xba: {  	s0 =	sor.u32 s3, s0;
	s1 =	sshll.u32 s1, $0x11  }
0xbb: {  	s0 =	sor.u32 s1, s0  }
0xbc: {  	s0 =	sadd.s32 $0x8F2B, s0  }
0xbd: {  	[sflag:s0] =	ssyncadd.remote.s32 $0x1  }
0xbe: {  	_ =	sfence.sel $0xFFFF  }
0xbf: {  	[dreg:$0x0] =	wrdreg $0xFFFFFFFF;
	(pc) =	sbr.abs _section_cstart, $3  }
0xc0: {  	[dreg:$0x1] =	wrdreg $0xFFFFFFFF  }
0xc1: {  	_ =	task.clear_ibuf [dreg:s6], $0x2FFFF;
	_ =	strace $0x9FFFFFFF  }
0xc2: {  	(tm) =	ssettm $0x7FFFFFFF  }
0xc3: {  	_ =	shalt  }
tec
execute0_lowered:
.L_overlay_start_1:
0x0: {  	(tag) =	ssettag $0x1  }
0x1: {  	s6 =	rddreg [dreg:$0x0]  }
0x2: {  	s0 =	srdreg.scid;
	s2 =	rddreg [dreg:$0x1];
	s3 =	simm.s32 $0x0  }
0x3: {  	s14 =	simm.s32 $0x3;
	s15 =	simm.s32 $0x2C00;
	s16 =	simm.s32 $0x5800  }
0x4: {  	s17 =	simm.s32 $0x80;
	s18 =	simm.s32 $0x1;
	s5 =	sand.u32 $0x1, s0  }
0x5: {  	s19 =	simm.s32 $0x2;
	s0 =	stileid.u32;
	s8 =	smul.u32 $0x140000, s5  }
0x6: {  	s22 =	simm.s32 $0x0;
	[smem:$0x7FF] =	sst s3;
	s9 =	smul.u32 $0x14000, s0  }
0x7: {  	s4 =	sadd.s32 $0x8000, s6;
	s1 =	sshll.u32 s5, $0x4;
	s10 =	smul.u32 $0x50000, s0  }
0x8: {  	s5 =	ssub.s32 $0x2, s5;
	s20 =	sshll.u32 s0, $0x6;
	s1 =	sor.u32 s0, s1  }
0x9: {  	s31 =	sshrl.u32 s5, $0x1;
	s20 =	sor.u32 $0x1C03, s20;
	s7 =	smul.u32 $0x580, s1  }
0xa: {  	s1 =	rddreg [dreg:$0x2];
	_ =	strace $0x80000059;
	s8 =	sadd.s32 s9, s8  }
0xb: {  	s10 =	sshrl.u32 s10, $0x2;
	s13 =	ssub.s32 s5, s31;
	s8 =	sshrl.u32 s8, $0x3  }
0xc: {  	s5 =	sadd.s32 s10, s2;
	s13 =	smax.u32 s13, $0x1;
	s7 =	sadd.s32 s7, s6  }
0xd: {  	s12 =	sadd.s32 s8, s6;
	s8 =	sadd.s32 $0x4000, s5;
	s9 =	sadd.s32 $0x8000, s5  }
0xe: {  	s10 =	sadd.s32 $0xC000, s5;
	s11 =	sadd.s32 $0x10000, s5;
	s21 =	sshrl.u32 s5, $0x3  }
0xf: {  	v0 =	vimm.f32 $0.0e+00;
	s6 =	sadd.s32 $0xDCE00, s7;
	s7 =	sadd.s32 $0x61000, s7;
	s12 =	sadd.s32 $0x6C000, s12  }
.LBB2_1:
0x10: {  	[tilespmem:s3], [sflag:$0x3] =	stream.linear.gather [hbm4b:s6+s3], $0x2880, $0x38;
	[tilespmem:$0x1D800] =	vst v63  }
0x11: {  	_ =	swait.ge [sflag:s14], $0x2880  }
0x12: {  	[sflag:s14] =	ssyncset.done $0x0  }
0x13: {  	[sflag:s14] =	ssyncadd.s32 $0xFFFFD780  }
0x14: {  	[tilespmem:s15], [sflag:$0x3] =	stream.linear.gather [hbm4b:s7+s3], $0x2880, $0x38;
	[tilespmem:$0x1D800] =	vst v63  }
0x15: {  	_ =	swait.ge [sflag:s14], $0x2880  }
0x16: {  	[sflag:s14] =	ssyncset.done $0x0  }
0x17: {  	s23 =	simm.s32 $0x0;
	s24 =	simm.s32 $0x200;
	[sflag:s14] =	ssyncadd.s32 $0xFFFFD780  }
.LBB2_2:
0x18: {  	p0 =	sne.s32 s24, $0xFE00;
	[tilespmem:s23+$0x5870] =	vst v0  }
0x19: {  	[tilespmem:s23+$0x5800] =	vst v0  }
0x1a: {  	[tilespmem:s23+$0x5810] =	vst v0  }
.Ltmp0:
0x1b: {  	[tilespmem:s23+$0x5820] =	vst v0;
	(pc) =	sbr.rel @p0 .LBB2_2-.Ltmp0, $4  }
0x1c: {  	[tilespmem:s23+$0x5830] =	vst v0  }
0x1d: {  	[tilespmem:s23+$0x5840] =	vst v0  }
0x1e: {  	[tilespmem:s23+$0x5850] =	vst v0  }
0x1f: {  	[tilespmem:s23+$0x5860] =	vst v0;
	s23 =	sshra.s32 s24, $0x2;
	s24 =	sadd.s32 $0x200, s24  }
0x20: {  	[tilespmem:s23+$0x5870] =	vst v0  }
0x21: {  	[tilespmem:s23+$0x5800] =	vst v0  }
0x22: {  	[tilespmem:s23+$0x5810] =	vst v0  }
0x23: {  	[tilespmem:s23+$0x5820] =	vst v0  }
0x24: {  	[tilespmem:s23+$0x5830] =	vst v0  }
0x25: {  	[tilespmem:s23+$0x5840] =	vst v0  }
0x26: {  	[tilespmem:s23+$0x5850] =	vst v0  }
0x27: {  	[tilespmem:s23+$0x5860] =	vst v0  }
0x28: {  	[spmem:s5] =	stream.linear.scatter [tilespmem:s16], [sflag:$0x3], $0x4000, $0x38;
	[tilespmem:$0x1D800] =	vst v63  }
0x29: {  	_ =	swait.ge [sflag:s14], $0x4000  }
0x2a: {  	[sflag:s14] =	ssyncset.done $0x0  }
0x2b: {  	[sflag:s14] =	ssyncadd.s32 $0xFFFFC000  }
0x2c: {  	[spmem:s8] =	stream.linear.scatter [tilespmem:s16], [sflag:$0x3], $0x4000, $0x38;
	[tilespmem:$0x1D800] =	vst v63  }
0x2d: {  	_ =	swait.ge [sflag:s14], $0x4000  }
0x2e: {  	[sflag:s14] =	ssyncset.done $0x0  }
0x2f: {  	[sflag:s14] =	ssyncadd.s32 $0xFFFFC000  }
0x30: {  	[spmem:s9] =	stream.linear.scatter [tilespmem:s16], [sflag:$0x3], $0x4000, $0x38;
	[tilespmem:$0x1D800] =	vst v63  }
0x31: {  	_ =	swait.ge [sflag:s14], $0x4000  }
0x32: {  	[sflag:s14] =	ssyncset.done $0x0  }
0x33: {  	[sflag:s14] =	ssyncadd.s32 $0xFFFFC000  }
0x34: {  	[spmem:s10] =	stream.linear.scatter [tilespmem:s16], [sflag:$0x3], $0x4000, $0x38;
	[tilespmem:$0x1D800] =	vst v63  }
0x35: {  	_ =	swait.ge [sflag:s14], $0x4000  }
0x36: {  	[sflag:s14] =	ssyncset.done $0x0  }
0x37: {  	[sflag:s14] =	ssyncadd.s32 $0xFFFFC000  }
0x38: {  	[spmem:s11] =	stream.linear.scatter [tilespmem:s16], [sflag:$0x3], $0x4000, $0x38;
	[tilespmem:$0x1D800] =	vst v63  }
0x39: {  	_ =	swait.ge [sflag:s14], $0x4000  }
0x3a: {  	[sflag:s14] =	ssyncset.done $0x0  }
0x3b: {  	[sflag:s14] =	ssyncadd.s32 $0xFFFFC000  }
0x3c: {  	s30 =	simm.s32 $0x0;
	[bflag:$0x0] =	sbarrier.arrive $0xFFFF  }
0x3d: {  	[tilespmem:s16], [sflag:$0x1] =	stream.indirect.gather [hbm4b:s4+s17], $0x80, s30, s17, $0xb8;
	[tilespmem:$0x1D800] =	vst v63  }
0x3e: {  	_ =	swait.ge [sflag:s18], $0x4000  }
0x3f: {  	[sflag:s18] =	ssyncset.done $0x0  }
0x40: {  	s31 =	simm.s32 $0x2C00;
	[sflag:s18] =	ssyncadd.s32 $0xFFFFC000  }
0x41: {  	[spmem:s2] =	stream.indirect.scatter.add.f32 [tilespmem:s16], [sflag:$0x2], $0x80, s31, s17, $0xb8;
	[tilespmem:$0x1D800] =	vst v63  }
0x42: {  	_ =	swait.ge [sflag:s19], $0x4000  }
0x43: {  	s23 =	simm.s32 $0x200;
	s24 =	simm.s32 $0x400;
	[sflag:s19] =	ssyncset.done $0x0  }
.LBB2_4:
0x44: {  	s25 =	sshra.s32 s23, $0x2  }
0x45: {  	[sflag:s19] =	ssyncadd.s32 $0xFFFFC000;
	s23 =	smov.u32 s24;
	s26 =	sadd.s32 $0x200, s24  }
0x46: {  	[tilespmem:s16], [sflag:$0x1] =	stream.indirect.gather [hbm4b:s4+s17], $0x80, s25, s17, $0xb8;
	[tilespmem:$0x1D800] =	vst v63  }
0x47: {  	p0 =	sne.s32 s24, $0xA000;
	_ =	swait.ge [sflag:s18], $0x4000  }
.Ltmp1:
0x48: {  	[sflag:s18] =	ssyncset.done $0x0;
	(pc) =	sbr.rel @p0 .LBB2_4-.Ltmp1, $4  }
0x49: {  	s24 =	sadd.s32 $0x2C00, s25;
	[sflag:s18] =	ssyncadd.s32 $0xFFFFC000  }
0x4a: {  	[spmem:s2] =	stream.indirect.scatter.add.f32 [tilespmem:s16], [sflag:$0x2], $0x80, s24, s17, $0xb8;
	[tilespmem:$0x1D800] =	vst v63  }
0x4b: {  	_ =	swait.ge [sflag:s19], $0x4000  }
0x4c: {  	s24 =	smov.u32 s26;
	[sflag:s19] =	ssyncset.done $0x0  }
0x4d: {  	s23 =	sshra.s32 s23, $0x2;
	[sflag:s19] =	ssyncadd.s32 $0xFFFFC000  }
0x4e: {  	[tilespmem:s16], [sflag:$0x1] =	stream.indirect.gather [hbm4b:s4+s17], $0x80, s23, s17, $0xb8;
	[tilespmem:$0x1D800] =	vst v63  }
0x4f: {  	_ =	swait.ge [sflag:s18], $0x4000  }
0x50: {  	[sflag:s18] =	ssyncset.done $0x0  }
0x51: {  	s23 =	sadd.s32 $0x2C00, s23;
	[sflag:s18] =	ssyncadd.s32 $0xFFFFC000  }
0x52: {  	[spmem:s2] =	stream.indirect.scatter.add.f32 [tilespmem:s16], [sflag:$0x2], $0x80, s23, s17, $0xb8;
	[tilespmem:$0x1D800] =	vst v63  }
0x53: {  	_ =	swait.ge [sflag:s19], $0x4000  }
0x54: {  	s22 =	sadd.s32 $0x1, s22;
	[sflag:s19] =	ssyncset.done $0x0  }
0x55: {  	p0 =	sne.s32 s22, s13;
	[sflag:s19] =	ssyncadd.s32 $0xFFFFC000  }
.Ltmp2:
0x56: {  	[bflag:$0x0] =	sbarrier.arrive $0xFFFF;
	(pc) =	sbr.rel @p0 .LBB2_1-.Ltmp2, $4  }
0x57: {  	[hbm:s12], [sflag:s20] =	dma.local [spmem:s21], $0x2800  }
0x58: {  	_ =	swait.ge [sflag:s14], $0x2800  }
0x59: {  	[sflag:s14] =	ssyncset.done $0x0  }
0x5a: {  	[sflag:s14] =	ssyncadd.s32 $0xFFFFD800  }
0x5b: {  	_ =	sfence.sel $0x180000  }
0x5c: {  	[bflag:$0x0] =	sbarrier.arrive $0xFFFF  }
0x5d: {  	p0 =	sne.s32 s0, $0x0;
	_ =	strace $0x90000059  }
0x5e: {  	s0 =	sadd.s32 @!p0 $0x100000, s1;
	[bflag:$0x2] =	sbarrier.arrive $0xFFFF  }
0x5f: {  	[sflag:s0] =	ssyncadd.tile.s32 @!p0 $0x1;
	_ =	shalt  }
.Lfunc_end2:
_tile_overlayer_lowered:
.L_overlay_start_2:
0x60: {  	(tag) =	ssettag $0x2  }
0x61: {  	s0 =	rddreg [dreg:$0x0];
	s2 =	stileid.u32  }
0x62: {  	s1 =	rddreg [dreg:$0x1];
	p0 =	sne.s32 s2, $0x0  }
0x63: {  	s3 =	rddreg [dreg:$0x2];
	[bflag:$0x3] =	sbarrier.arrive $0xFFFF;
	s2 =	simm.s32 @!p0 $0x1C03  }
0x64: {  	[timem:s3], [sflag:s2] =	dma.local @!p0 [hbm:s0], s1  }
0x65: {  	s0 =	simm.s32 @!p0 $0x3  }
0x66: {  	_ =	swait.ge @!p0 [sflag:s0], s1  }
0x67: {  	s1 =	ssub.s32 @!p0 $0x0, s1;
	[sflag:s0] =	ssyncset.done @!p0 $0x0  }
0x68: {  	[sflag:s0] =	ssyncadd.s32 @!p0 s1  }
0x69: {  	[bflag:$0x3] =	sbarrier.arrive $0xFFFF  }
0x6a: {  	_ =	shalt  }

</sc_bundles>
